<compile_context>
chip_gen: v7x
topology: tpu7x:2x2x1
jax: 0.10.2.dev20260603
libtpu: 0.0.44.dev20260713+nightly
codegen_flags: <defaults>
</compile_context>

<pallas_src>
import functools

import jax
import jax.numpy as jnp
from jax import lax
from jax.experimental import pallas as pl
from jax.experimental.pallas import tpu as pltpu
from jax.experimental.pallas import tpu_sc as plsc

N = 100000
D = 128
H = 64
G = 512

NW = 32
ROWS_MAIN = 3136
ROWS_LAST = N - (NW - 1) * ROWS_MAIN
CHUNK = 32
ACC_W = 144
N_PAD = NW * ROWS_MAIN

TILE = 2000
NT = N // TILE


def _sc_segment_partials(scaler, bi_pad):
    mesh = plsc.VectorSubcoreMesh(core_axis_name="c", subcore_axis_name="s")

    @functools.partial(
        pl.kernel,
        mesh=mesh,
        compiler_params=pltpu.CompilerParams(use_tc_tiling_on_sc=False,
                                             needs_layout_passes=False),
        out_type=jax.ShapeDtypeStruct((NW, G, ACC_W), jnp.float32),
        scratch_types=[
            pltpu.VMEM((G, ACC_W), jnp.float32),
            pltpu.VMEM((ROWS_MAIN,), jnp.int32),
            pltpu.VMEM((CHUNK, D), jnp.float32),
            pltpu.SemaphoreType.DMA,
        ],
    )
    def k(scaler_hbm, bi_hbm, out_hbm, acc, idxv, buf, sem):
        wid = lax.axis_index("c") * 16 + lax.axis_index("s")
        base = wid * ROWS_MAIN
        trips = jnp.where(wid == NW - 1, ROWS_LAST // CHUNK, ROWS_MAIN // CHUNK)

        pltpu.sync_copy(bi_hbm.at[pl.ds(base, ROWS_MAIN)], idxv)

        iota16 = lax.iota(jnp.int32, 16)
        zeros16 = jnp.zeros((16,), jnp.float32)
        cnt_vec = jnp.where(iota16 == 0, 1.0, 0.0).astype(jnp.float32)
        col_ids = [c * 16 + iota16 for c in range(ACC_W // 16)]

        def zero_body(r, carry):
            for c in range(ACC_W // 16):
                acc[r, pl.ds(c * 16, 16)] = zeros16
            return carry

        lax.fori_loop(0, G, zero_body, 0)

        def chunk_body(gc, carry):
            row0 = base + gc * CHUNK
            pltpu.async_copy(scaler_hbm.at[pl.ds(row0, CHUNK)], buf, sem).wait()
            for r16 in range(CHUNK // 16):
                gvec = idxv[pl.ds(gc * CHUNK + r16 * 16, 16)]
                for r in range(16):
                    row = r16 * 16 + r
                    gs = lax.gather(
                        gvec, jnp.full((16, 1), r, jnp.int32),
                        lax.GatherDimensionNumbers(
                            offset_dims=(), collapsed_slice_dims=(0,),
                            start_index_map=(0,)),
                        (1,),
                        mode=lax.GatherScatterMode.PROMISE_IN_BOUNDS)
                    for c in range(D // 16):
                        vals = buf[row, pl.ds(c * 16, 16)]
                        plsc.addupdate_scatter(acc, [gs, col_ids[c]], vals)
                    plsc.addupdate_scatter(acc, [gs, col_ids[D // 16]], cnt_vec)
            return carry

        lax.fori_loop(0, trips, chunk_body, 0)
        pltpu.sync_copy(acc, out_hbm.at[wid])

    return k(scaler, bi_pad)


def _tc_node_zseg(scaler, bi3d, W1n, b1n, W2n, b2n, wfn):
    def body(x_ref, bi_ref, w1_ref, b1_ref, w2_ref, b2_ref, wf_ref,
             out_ref, zacc):
        pid = pl.program_id(0)

        @pl.when(pid == 0)
        def _():
            zacc[...] = jnp.zeros_like(zacc)

        x = x_ref[...]
        h = x @ w1_ref[...] + b1_ref[...]
        h = h * jax.nn.sigmoid(h)
        y = h @ w2_ref[...] + b2_ref[...]
        y = y * jax.nn.sigmoid(y)
        z = y @ wf_ref[...]
        idx = bi_ref[0]
        gcol = lax.broadcasted_iota(jnp.int32, (G, TILE), 0)
        oht = (gcol == idx).astype(jnp.float32)
        zacc[...] += oht @ z

        @pl.when(pid == NT - 1)
        def _():
            out_ref[...] = zacc[...]

    return pl.pallas_call(
        body,
        grid=(NT,),
        in_specs=[
            pl.BlockSpec((TILE, D), lambda i: (i, 0)),
            pl.BlockSpec((1, 1, TILE), lambda i: (i, 0, 0)),
            pl.BlockSpec((D, H), lambda i: (0, 0)),
            pl.BlockSpec((1, H), lambda i: (0, 0)),
            pl.BlockSpec((H, H), lambda i: (0, 0)),
            pl.BlockSpec((1, H), lambda i: (0, 0)),
            pl.BlockSpec((H, 1), lambda i: (0, 0)),
        ],
        out_specs=pl.BlockSpec((G, 1), lambda i: (0, 0)),
        out_shape=jax.ShapeDtypeStruct((G, 1), jnp.float32),
        scratch_shapes=[pltpu.VMEM((G, 1), jnp.float32)],
    )(scaler, bi3d, W1n, b1n, W2n, b2n, wfn)


def _tc_epilogue(partials, zseg, W1g, b1g, W2g, b2g, wfg, bf):
    def body(p_ref, z_ref, w1_ref, b1_ref, w2_ref, b2_ref, wf_ref, bf_ref,
             out_ref):
        s = jnp.sum(p_ref[...], axis=0)
        sums = s[:, :D]
        counts = s[:, D:D + 1]
        mean = sums / jnp.maximum(counts, 1.0)
        g1 = mean @ w1_ref[...] + b1_ref[...]
        g1 = g1 * jax.nn.sigmoid(g1)
        g2 = g1 @ w2_ref[...] + b2_ref[...]
        g2 = g2 * jax.nn.sigmoid(g2)
        out_ref[...] = g2 @ wf_ref[...] + z_ref[...] + bf_ref[...]

    return pl.pallas_call(
        body,
        out_shape=jax.ShapeDtypeStruct((G, 1), jnp.float32),
    )(partials, zseg, W1g, b1g, W2g, b2g, wfg, bf)


def kernel(pos, mass_center, scaler, vector, batch_index,
           W1n, b1n, W2n, b2n, W1g, b1g, W2g, b2g, Wf, bf):
    bi32 = batch_index.astype(jnp.int32)
    bi_pad = jnp.concatenate([bi32, jnp.zeros((N_PAD - N,), jnp.int32)])
    partials = _sc_segment_partials(scaler, bi_pad)
    zseg = _tc_node_zseg(scaler, bi32.reshape(NT, 1, TILE),
                         W1n, b1n.reshape(1, H), W2n, b2n.reshape(1, H),
                         Wf[H:, :])
    out = _tc_epilogue(partials, zseg, W1g, b1g.reshape(1, H),
                       W2g, b2g.reshape(1, H), Wf[:H, :], bf.reshape(1, 1))
    return out

# --- scband reference (transcript-rebuilt; emitter-appended) ---
"""Pipeline reference for scband-scaler-decoder-27625229648410 (READ-ONLY COPY).

The authoritative reference and input builder live on the scoring server;
editing this copy changes nothing except your own understanding.
"""

import jax, jax.numpy as jnp
import numpy as np

N = 100000
D = 128
H = 64
G = 512

def setup_inputs(seed: int = 0) -> dict:
    key = jax.random.key(seed)
    ks = jax.random.split(key, 16)
    pos = jax.random.normal(ks[0], (N, 3), dtype=jnp.float32)
    mass_center = jax.random.normal(ks[1], (G, 3), dtype=jnp.float32)
    scaler = jax.random.normal(ks[2], (N, D), dtype=jnp.float32)
    vector = jax.random.normal(ks[3], (N, 3), dtype=jnp.float32)
    batch_index = jnp.sort(jax.random.randint(ks[4], (N,), 0, G)).astype(jnp.int64)
    s1 = 1.0 / np.sqrt(D)
    s2 = 1.0 / np.sqrt(H)
    W1n = jax.random.normal(ks[5], (D, H), dtype=jnp.float32) * s1
    b1n = jnp.zeros((H,), dtype=jnp.float32)
    W2n = jax.random.normal(ks[6], (H, H), dtype=jnp.float32) * s2
    b2n = jnp.zeros((H,), dtype=jnp.float32)
    W1g = jax.random.normal(ks[7], (D, H), dtype=jnp.float32) * s1
    b1g = jnp.zeros((H,), dtype=jnp.float32)
    W2g = jax.random.normal(ks[8], (H, H), dtype=jnp.float32) * s2
    b2g = jnp.zeros((H,), dtype=jnp.float32)
    Wf = jax.random.normal(ks[9], (2 * H, 1), dtype=jnp.float32) * (1.0 / np.sqrt(2 * H))
    bf = jnp.zeros((1,), dtype=jnp.float32)
    return {"pos": pos, "mass_center": mass_center, "scaler": scaler, "vector": vector,
            "batch_index": batch_index,
            "W1n": W1n, "b1n": b1n, "W2n": W2n, "b2n": b2n,
            "W1g": W1g, "b1g": b1g, "W2g": W2g, "b2g": b2g,
            "Wf": Wf, "bf": bf}

def _mlp(x, W1, b1, W2, b2):
    h = jax.nn.silu(x @ W1 + b1)
    return h @ W2 + b2

def reference(pos, mass_center, scaler, vector, batch_index,
              W1n, b1n, W2n, b2n, W1g, b1g, W2g, b2g, Wf, bf):
    # node branch: MLP -> act -> scatter sum over graphs
    node_scaler = jax.nn.silu(_mlp(scaler, W1n, b1n, W2n, b2n))
    node_pooled = jax.ops.segment_sum(node_scaler, batch_index, num_segments=G)
    # graph branch: scatter mean -> MLP -> act
    sums = jax.ops.segment_sum(scaler, batch_index, num_segments=G)
    counts = jax.ops.segment_sum(jnp.ones((scaler.shape[0],), dtype=scaler.dtype), batch_index, num_segments=G)
    graph_scaler = sums / jnp.maximum(counts, 1.0)[:, None]
    graph_scaler = jax.nn.silu(_mlp(graph_scaler, W1g, b1g, W2g, b2g))
    mix = jnp.concatenate([graph_scaler, node_pooled], axis=-1)
    out = mix @ Wf + bf
    return out

if __name__ == "__main__":
    import jax
    _d = setup_inputs()
    print(jax.jit(kernel)(*tuple(_d.values())))

</pallas_src>

<mosaic_0001>
#map = affine_map<(d0, d1) -> (0, 0)>
#map1 = affine_map<(d0, d1) -> (0)>
#map2 = affine_map<(d0, d1) -> (0, 0, 0)>
module attributes {stable_mosaic.version = 14 : i64} {
  func.func @k(%arg0: i32, %arg1: i32, %arg2: memref<100000x128xf32, #tpu.memory_space<hbm>>, %arg3: memref<100352xi32, #tpu.memory_space<hbm>>, %arg4: memref<32x512x144xf32, #tpu.memory_space<hbm>>, %arg5: memref<512x144xf32, #tpu.memory_space<vmem>>, %arg6: memref<3136xi32, #tpu.memory_space<vmem>>, %arg7: memref<32x128xf32, #tpu.memory_space<vmem>>, %arg8: memref<!tpu.dma_semaphore, #tpu.memory_space<semaphore_mem>>) attributes {dimension_semantics = [#tpu.dimension_semantics<core_parallel>, #tpu.dimension_semantics<subcore_parallel>], iteration_bounds = array<i64: 2, 16>, scalar_prefetch = 0 : i64, scratch_operands = 4 : i64, tpu.core_type = #tpu.core_type<sc_vector_subcore>, window_params = [{transform_indices = #map}, {transform_indices = #map1}, {transform_indices = #map2}]} {
    %mul3A = arith.constant 16 : i32
    %mul3A_0 = arith.muli %arg0, %mul3A : i32
    %add3A = arith.addi %mul3A_0, %arg1 : i32
    %mul3A_1 = arith.constant 3136 : i32
    %mul3A_2 = arith.muli %add3A, %mul3A_1 : i32
    %eq3A = arith.constant 31 : i32
    %eq3A_3 = arith.cmpi eq, %add3A, %eq3A : i32
    %jit3A = arith.constant 87 : i32
    %jit3A_4 = arith.constant 98 : i32
    %select_n3A = arith.select %eq3A_3, %jit3A, %jit3A_4 : i32
    "tpu.region"() ({
      %run_scoped3A = tpu.sem_alloc : memref<!tpu.dma_semaphore, #tpu.memory_space<semaphore_mem>>
      %dma_start3A = tpu.memref_slice %arg3[%mul3A_2] : memref<100352xi32, #tpu.memory_space<hbm>> -> memref<3136xi32, #tpu.memory_space<hbm>>
      %dma_start3A_55 = tpu.memref_slice %arg3[%mul3A_2] : memref<100352xi32, #tpu.memory_space<hbm>> -> memref<3136xi32, #tpu.memory_space<hbm>>
      tpu.enqueue_dma source(%dma_start3A_55 : memref<3136xi32, #tpu.memory_space<hbm>>) target(%arg6 : memref<3136xi32, #tpu.memory_space<vmem>>) target_semaphore(%run_scoped3A : memref<!tpu.dma_semaphore, #tpu.memory_space<semaphore_mem>>)
      %dma_wait3A = tpu.memref_slice %arg3[%mul3A_2] : memref<100352xi32, #tpu.memory_space<hbm>> -> memref<3136xi32, #tpu.memory_space<hbm>>
      %dma_wait3A_56 = tpu.memref_slice %arg3[%mul3A_2] : memref<100352xi32, #tpu.memory_space<hbm>> -> memref<3136xi32, #tpu.memory_space<hbm>>
      tpu.wait_dma2 semaphore(%run_scoped3A : memref<!tpu.dma_semaphore, #tpu.memory_space<semaphore_mem>>) src(%dma_wait3A_56 : memref<3136xi32, #tpu.memory_space<hbm>>) dst(%arg6 : memref<3136xi32, #tpu.memory_space<vmem>>)
      tpu.yield
    }) : () -> ()
    %iota3A = tpu.iota {dimensions = array<i32: 0>} : vector<16xi32>
    %broadcast_in_dim3A = arith.constant 0.000000e+00 : f32
    %broadcast_in_dim3A_5 = vector.broadcast %broadcast_in_dim3A : f32 to vector<16xf32>
    %eq3A_6 = arith.constant 0 : i32
    %eq3A_7 = vector.broadcast %eq3A_6 : i32 to vector<16xi32>
    %eq3A_8 = arith.cmpi eq, %iota3A, %eq3A_7 : vector<16xi32>
    %jit3A_9 = arith.constant 1.000000e+00 : f32
    %jit3A_10 = arith.constant 0.000000e+00 : f32
    %broadcast_in_dim3A_11 = vector.broadcast %jit3A_9 : f32 to vector<16xf32>
    %broadcast_in_dim3A_12 = vector.broadcast %jit3A_10 : f32 to vector<16xf32>
    %select_n3A_13 = arith.select %eq3A_8, %broadcast_in_dim3A_11, %broadcast_in_dim3A_12 : vector<16xi1>, vector<16xf32>
    %add3A_14 = arith.constant 0 : i32
    %add3A_15 = vector.broadcast %add3A_14 : i32 to vector<16xi32>
    %add3A_16 = arith.addi %add3A_15, %iota3A : vector<16xi32>
    %add3A_17 = arith.constant 16 : i32
    %add3A_18 = vector.broadcast %add3A_17 : i32 to vector<16xi32>
    %add3A_19 = arith.addi %add3A_18, %iota3A : vector<16xi32>
    %add3A_20 = arith.constant 32 : i32
    %add3A_21 = vector.broadcast %add3A_20 : i32 to vector<16xi32>
    %add3A_22 = arith.addi %add3A_21, %iota3A : vector<16xi32>
    %add3A_23 = arith.constant 48 : i32
    %add3A_24 = vector.broadcast %add3A_23 : i32 to vector<16xi32>
    %add3A_25 = arith.addi %add3A_24, %iota3A : vector<16xi32>
    %add3A_26 = arith.constant 64 : i32
    %add3A_27 = vector.broadcast %add3A_26 : i32 to vector<16xi32>
    %add3A_28 = arith.addi %add3A_27, %iota3A : vector<16xi32>
    %add3A_29 = arith.constant 80 : i32
    %add3A_30 = vector.broadcast %add3A_29 : i32 to vector<16xi32>
    %add3A_31 = arith.addi %add3A_30, %iota3A : vector<16xi32>
    %add3A_32 = arith.constant 96 : i32
    %add3A_33 = vector.broadcast %add3A_32 : i32 to vector<16xi32>
    %add3A_34 = arith.addi %add3A_33, %iota3A : vector<16xi32>
    %add3A_35 = arith.constant 112 : i32
    %add3A_36 = vector.broadcast %add3A_35 : i32 to vector<16xi32>
    %add3A_37 = arith.addi %add3A_36, %iota3A : vector<16xi32>
    %add3A_38 = arith.constant 128 : i32
    %add3A_39 = vector.broadcast %add3A_38 : i32 to vector<16xi32>
    %add3A_40 = arith.addi %add3A_39, %iota3A : vector<16xi32>
    %scan3A = arith.constant 0 : i32
    %scan3A_41 = arith.constant 0 : i32
    %scan3A_42 = arith.constant 512 : i32
    %scan3A_43 = arith.addi %scan3A_41, %scan3A_42 : i32
    %scan3A_44 = arith.constant 1 : i32
    scf.for %scan3A_55 = %scan3A_41 to %scan3A_43 step %scan3A_44  : i32 {
      %swap3A = arith.index_cast %scan3A_55 : i32 to index
      %swap3A_56 = arith.constant 0 : index
      %swap3A_57 = tpu.vector_load %arg5[%swap3A, %swap3A_56] {strides = array<i32>} : memref<512x144xf32, #tpu.memory_space<vmem>>, vector<16xf32>,
      tpu.vector_store %arg5[%swap3A, %swap3A_56], %broadcast_in_dim3A_5 {strides = array<i32>} : memref<512x144xf32, #tpu.memory_space<vmem>>, vector<16xf32>,
      %swap3A_58 = arith.index_cast %scan3A_55 : i32 to index
      %swap3A_59 = arith.constant 16 : index
      %swap3A_60 = tpu.vector_load %arg5[%swap3A_58, %swap3A_59] {strides = array<i32>} : memref<512x144xf32, #tpu.memory_space<vmem>>, vector<16xf32>,
      tpu.vector_store %arg5[%swap3A_58, %swap3A_59], %broadcast_in_dim3A_5 {strides = array<i32>} : memref<512x144xf32, #tpu.memory_space<vmem>>, vector<16xf32>,
      %swap3A_61 = arith.index_cast %scan3A_55 : i32 to index
      %swap3A_62 = arith.constant 32 : index
      %swap3A_63 = tpu.vector_load %arg5[%swap3A_61, %swap3A_62] {strides = array<i32>} : memref<512x144xf32, #tpu.memory_space<vmem>>, vector<16xf32>,
      tpu.vector_store %arg5[%swap3A_61, %swap3A_62], %broadcast_in_dim3A_5 {strides = array<i32>} : memref<512x144xf32, #tpu.memory_space<vmem>>, vector<16xf32>,
      %swap3A_64 = arith.index_cast %scan3A_55 : i32 to index
      %swap3A_65 = arith.constant 48 : index
      %swap3A_66 = tpu.vector_load %arg5[%swap3A_64, %swap3A_65] {strides = array<i32>} : memref<512x144xf32, #tpu.memory_space<vmem>>, vector<16xf32>,
      tpu.vector_store %arg5[%swap3A_64, %swap3A_65], %broadcast_in_dim3A_5 {strides = array<i32>} : memref<512x144xf32, #tpu.memory_space<vmem>>, vector<16xf32>,
      %swap3A_67 = arith.index_cast %scan3A_55 : i32 to index
      %swap3A_68 = arith.constant 64 : index
      %swap3A_69 = tpu.vector_load %arg5[%swap3A_67, %swap3A_68] {strides = array<i32>} : memref<512x144xf32, #tpu.memory_space<vmem>>, vector<16xf32>,
      tpu.vector_store %arg5[%swap3A_67, %swap3A_68], %broadcast_in_dim3A_5 {strides = array<i32>} : memref<512x144xf32, #tpu.memory_space<vmem>>, vector<16xf32>,
      %swap3A_70 = arith.index_cast %scan3A_55 : i32 to index
      %swap3A_71 = arith.constant 80 : index
      %swap3A_72 = tpu.vector_load %arg5[%swap3A_70, %swap3A_71] {strides = array<i32>} : memref<512x144xf32, #tpu.memory_space<vmem>>, vector<16xf32>,
      tpu.vector_store %arg5[%swap3A_70, %swap3A_71], %broadcast_in_dim3A_5 {strides = array<i32>} : memref<512x144xf32, #tpu.memory_space<vmem>>, vector<16xf32>,
      %swap3A_73 = arith.index_cast %scan3A_55 : i32 to index
      %swap3A_74 = arith.constant 96 : index
      %swap3A_75 = tpu.vector_load %arg5[%swap3A_73, %swap3A_74] {strides = array<i32>} : memref<512x144xf32, #tpu.memory_space<vmem>>, vector<16xf32>,
      tpu.vector_store %arg5[%swap3A_73, %swap3A_74], %broadcast_in_dim3A_5 {strides = array<i32>} : memref<512x144xf32, #tpu.memory_space<vmem>>, vector<16xf32>,
      %swap3A_76 = arith.index_cast %scan3A_55 : i32 to index
      %swap3A_77 = arith.constant 112 : index
      %swap3A_78 = tpu.vector_load %arg5[%swap3A_76, %swap3A_77] {strides = array<i32>} : memref<512x144xf32, #tpu.memory_space<vmem>>, vector<16xf32>,
      tpu.vector_store %arg5[%swap3A_76, %swap3A_77], %broadcast_in_dim3A_5 {strides = array<i32>} : memref<512x144xf32, #tpu.memory_space<vmem>>, vector<16xf32>,
      %swap3A_79 = arith.index_cast %scan3A_55 : i32 to index
      %swap3A_80 = arith.constant 128 : index
      %swap3A_81 = tpu.vector_load %arg5[%swap3A_79, %swap3A_80] {strides = array<i32>} : memref<512x144xf32, #tpu.memory_space<vmem>>, vector<16xf32>,
      tpu.vector_store %arg5[%swap3A_79, %swap3A_80], %broadcast_in_dim3A_5 {strides = array<i32>} : memref<512x144xf32, #tpu.memory_space<vmem>>, vector<16xf32>,
    }
    %scan3A_45 = arith.constant 512 : i32
    %while3A = arith.constant 0 : i32
    %while3A_46 = arith.constant 0 : i32
    %while3A_47 = arith.subi %select_n3A, %while3A_46 : i32
    %while3A_48 = arith.addi %while3A_46, %while3A_47 : i32
    %while3A_49 = arith.constant 1 : i32
    %while3A_50 = arith.divsi %while3A_47, %while3A_49 : i32
    %while3A_51 = arith.muli %while3A_50, %while3A_49 : i32
    %while3A_52 = arith.addi %while3A_46, %while3A_51 : i32
    %while3A_53 = arith.constant 1 : i32
    scf.for %while3A_55 = %while3A_46 to %while3A_52 step %while3A_53  : i32 {
      %mul3A_56 = arith.constant 32 : i32
      %mul3A_57 = arith.muli %while3A_55, %mul3A_56 : i32
      %add3A_58 = arith.addi %mul3A_2, %mul3A_57 : i32
      %dma_start3A = arith.constant 0 : i32
      %dma_start3A_59 = tpu.memref_slice %arg2[%add3A_58, %dma_start3A] : memref<100000x128xf32, #tpu.memory_space<hbm>> -> memref<32x128xf32, #tpu.memory_space<hbm>>
      %dma_start3A_60 = arith.constant 0 : i32
      %dma_start3A_61 = tpu.memref_slice %arg2[%add3A_58, %dma_start3A_60] : memref<100000x128xf32, #tpu.memory_space<hbm>> -> memref<32x128xf32, #tpu.memory_space<hbm>>
      tpu.enqueue_dma source(%dma_start3A_61 : memref<32x128xf32, #tpu.memory_space<hbm>>) target(%arg7 : memref<32x128xf32, #tpu.memory_space<vmem>>) target_semaphore(%arg8 : memref<!tpu.dma_semaphore, #tpu.memory_space<semaphore_mem>>)
      %dma_wait3A = arith.constant 0 : i32
      %dma_wait3A_62 = tpu.memref_slice %arg2[%add3A_58, %dma_wait3A] : memref<100000x128xf32, #tpu.memory_space<hbm>> -> memref<32x128xf32, #tpu.memory_space<hbm>>
      %dma_wait3A_63 = arith.constant 0 : i32
      %dma_wait3A_64 = tpu.memref_slice %arg2[%add3A_58, %dma_wait3A_63] : memref<100000x128xf32, #tpu.memory_space<hbm>> -> memref<32x128xf32, #tpu.memory_space<hbm>>
      tpu.wait_dma2 semaphore(%arg8 : memref<!tpu.dma_semaphore, #tpu.memory_space<semaphore_mem>>) src(%dma_wait3A_64 : memref<32x128xf32, #tpu.memory_space<hbm>>) dst(%arg7 : memref<32x128xf32, #tpu.memory_space<vmem>>)
      %mul3A_65 = arith.constant 32 : i32
      %mul3A_66 = arith.muli %while3A_55, %mul3A_65 : i32
      %add3A_67 = arith.constant 0 : i32
      %add3A_68 = arith.addi %mul3A_66, %add3A_67 : i32
      %get3A = arith.index_cast %add3A_68 : i32 to index
      %get3A_69 = tpu.vector_load %arg6[%get3A] {strides = array<i32>} : memref<3136xi32, #tpu.memory_space<vmem>>, vector<16xi32>,
      %broadcast_in_dim3A_70 = arith.constant 0 : i32
      %broadcast_in_dim3A_71 = vector.broadcast %broadcast_in_dim3A_70 : i32 to vector<16x1xi32>
      %gather3A = vector.shape_cast %broadcast_in_dim3A_71 : vector<16x1xi32> to vector<16xi32>
      %gather3A_72 = tpu.dynamic_gather %get3A_69[%gather3A] in [0] : vector<16xi32>, vector<16xi32> -> vector<16xi32>
      %get3A_73 = arith.constant 0 : i32
      %get3A_74 = arith.index_cast %get3A_73 : i32 to index
      %get3A_75 = arith.constant 0 : index
      %get3A_76 = tpu.vector_load %arg7[%get3A_74, %get3A_75] {strides = array<i32>} : memref<32x128xf32, #tpu.memory_space<vmem>>, vector<16xf32>,
      tpu.vector_store_idx %arg5[%gather3A_72, %add3A_16], %get3A_76 {add = true} : memref<512x144xf32, #tpu.memory_space<vmem>>[vector<16xi32>, vector<16xi32>], vector<16xf32>,
      %get3A_77 = arith.constant 0 : i32
      %get3A_78 = arith.index_cast %get3A_77 : i32 to index
      %get3A_79 = arith.constant 16 : index
      %get3A_80 = tpu.vector_load %arg7[%get3A_78, %get3A_79] {strides = array<i32>} : memref<32x128xf32, #tpu.memory_space<vmem>>, vector<16xf32>,
      tpu.vector_store_idx %arg5[%gather3A_72, %add3A_19], %get3A_80 {add = true} : memref<512x144xf32, #tpu.memory_space<vmem>>[vector<16xi32>, vector<16xi32>], vector<16xf32>,
      %get3A_81 = arith.constant 0 : i32
      %get3A_82 = arith.index_cast %get3A_81 : i32 to index
      %get3A_83 = arith.constant 32 : index
      %get3A_84 = tpu.vector_load %arg7[%get3A_82, %get3A_83] {strides = array<i32>} : memref<32x128xf32, #tpu.memory_space<vmem>>, vector<16xf32>,
      tpu.vector_store_idx %arg5[%gather3A_72, %add3A_22], %get3A_84 {add = true} : memref<512x144xf32, #tpu.memory_space<vmem>>[vector<16xi32>, vector<16xi32>], vector<16xf32>,
      %get3A_85 = arith.constant 0 : i32
      %get3A_86 = arith.index_cast %get3A_85 : i32 to index
      %get3A_87 = arith.constant 48 : index
      %get3A_88 = tpu.vector_load %arg7[%get3A_86, %get3A_87] {strides = array<i32>} : memref<32x128xf32, #tpu.memory_space<vmem>>, vector<16xf32>,
      tpu.vector_store_idx %arg5[%gather3A_72, %add3A_25], %get3A_88 {add = true} : memref<512x144xf32, #tpu.memory_space<vmem>>[vector<16xi32>, vector<16xi32>], vector<16xf32>,
      %get3A_89 = arith.constant 0 : i32
      %get3A_90 = arith.index_cast %get3A_89 : i32 to index
      %get3A_91 = arith.constant 64 : index
      %get3A_92 = tpu.vector_load %arg7[%get3A_90, %get3A_91] {strides = array<i32>} : memref<32x128xf32, #tpu.memory_space<vmem>>, vector<16xf32>,
      tpu.vector_store_idx %arg5[%gather3A_72, %add3A_28], %get3A_92 {add = true} : memref<512x144xf32, #tpu.memory_space<vmem>>[vector<16xi32>, vector<16xi32>], vector<16xf32>,
      %get3A_93 = arith.constant 0 : i32
      %get3A_94 = arith.index_cast %get3A_93 : i32 to index
      %get3A_95 = arith.constant 80 : index
      %get3A_96 = tpu.vector_load %arg7[%get3A_94, %get3A_95] {strides = array<i32>} : memref<32x128xf32, #tpu.memory_space<vmem>>, vector<16xf32>,
      tpu.vector_store_idx %arg5[%gather3A_72, %add3A_31], %get3A_96 {add = true} : memref<512x144xf32, #tpu.memory_space<vmem>>[vector<16xi32>, vector<16xi32>], vector<16xf32>,
      %get3A_97 = arith.constant 0 : i32
      %get3A_98 = arith.index_cast %get3A_97 : i32 to index
      %get3A_99 = arith.constant 96 : index
      %get3A_100 = tpu.vector_load %arg7[%get3A_98, %get3A_99] {strides = array<i32>} : memref<32x128xf32, #tpu.memory_space<vmem>>, vector<16xf32>,
      tpu.vector_store_idx %arg5[%gather3A_72, %add3A_34], %get3A_100 {add = true} : memref<512x144xf32, #tpu.memory_space<vmem>>[vector<16xi32>, vector<16xi32>], vector<16xf32>,
      %get3A_101 = arith.constant 0 : i32
      %get3A_102 = arith.index_cast %get3A_101 : i32 to index
      %get3A_103 = arith.constant 112 : index
      %get3A_104 = tpu.vector_load %arg7[%get3A_102, %get3A_103] {strides = array<i32>} : memref<32x128xf32, #tpu.memory_space<vmem>>, vector<16xf32>,
      tpu.vector_store_idx %arg5[%gather3A_72, %add3A_37], %get3A_104 {add = true} : memref<512x144xf32, #tpu.memory_space<vmem>>[vector<16xi32>, vector<16xi32>], vector<16xf32>,
      tpu.vector_store_idx %arg5[%gather3A_72, %add3A_40], %select_n3A_13 {add = true} : memref<512x144xf32, #tpu.memory_space<vmem>>[vector<16xi32>, vector<16xi32>], vector<16xf32>,
      %broadcast_in_dim3A_105 = arith.constant 1 : i32
      %broadcast_in_dim3A_106 = vector.broadcast %broadcast_in_dim3A_105 : i32 to vector<16x1xi32>
      %gather3A_107 = vector.shape_cast %broadcast_in_dim3A_106 : vector<16x1xi32> to vector<16xi32>
      %gather3A_108 = tpu.dynamic_gather %get3A_69[%gather3A_107] in [0] : vector<16xi32>, vector<16xi32> -> vector<16xi32>
      %get3A_109 = arith.constant 1 : i32
      %get3A_110 = arith.index_cast %get3A_109 : i32 to index
      %get3A_111 = arith.constant 0 : index
      %get3A_112 = tpu.vector_load %arg7[%get3A_110, %get3A_111] {strides = array<i32>} : memref<32x128xf32, #tpu.memory_space<vmem>>, vector<16xf32>,
      tpu.vector_store_idx %arg5[%gather3A_108, %add3A_16], %get3A_112 {add = true} : memref<512x144xf32, #tpu.memory_space<vmem>>[vector<16xi32>, vector<16xi32>], vector<16xf32>,
      %get3A_113 = arith.constant 1 : i32
      %get3A_114 = arith.index_cast %get3A_113 : i32 to index
      %get3A_115 = arith.constant 16 : index
      %get3A_116 = tpu.vector_load %arg7[%get3A_114, %get3A_115] {strides = array<i32>} : memref<32x128xf32, #tpu.memory_space<vmem>>, vector<16xf32>,
      tpu.vector_store_idx %arg5[%gather3A_108, %add3A_19], %get3A_116 {add = true} : memref<512x144xf32, #tpu.memory_space<vmem>>[vector<16xi32>, vector<16xi32>], vector<16xf32>,
      %get3A_117 = arith.constant 1 : i32
      %get3A_118 = arith.index_cast %get3A_117 : i32 to index
      %get3A_119 = arith.constant 32 : index
      %get3A_120 = tpu.vector_load %arg7[%get3A_118, %get3A_119] {strides = array<i32>} : memref<32x128xf32, #tpu.memory_space<vmem>>, vector<16xf32>,
      tpu.vector_store_idx %arg5[%gather3A_108, %add3A_22], %get3A_120 {add = true} : memref<512x144xf32, #tpu.memory_space<vmem>>[vector<16xi32>, vector<16xi32>], vector<16xf32>,
      %get3A_121 = arith.constant 1 : i32
      %get3A_122 = arith.index_cast %get3A_121 : i32 to index
      %get3A_123 = arith.constant 48 : index
      %get3A_124 = tpu.vector_load %arg7[%get3A_122, %get3A_123] {strides = array<i32>} : memref<32x128xf32, #tpu.memory_space<vmem>>, vector<16xf32>,
      tpu.vector_store_idx %arg5[%gather3A_108, %add3A_25], %get3A_124 {add = true} : memref<512x144xf32, #tpu.memory_space<vmem>>[vector<16xi32>, vector<16xi32>], vector<16xf32>,
      %get3A_125 = arith.constant 1 : i32
      %get3A_126 = arith.index_cast %get3A_125 : i32 to index
      %get3A_127 = arith.constant 64 : index
      %get3A_128 = tpu.vector_load %arg7[%get3A_126, %get3A_127] {strides = array<i32>} : memref<32x128xf32, #tpu.memory_space<vmem>>, vector<16xf32>,
      tpu.vector_store_idx %arg5[%gather3A_108, %add3A_28], %get3A_128 {add = true} : memref<512x144xf32, #tpu.memory_space<vmem>>[vector<16xi32>, vector<16xi32>], vector<16xf32>,
      %get3A_129 = arith.constant 1 : i32
      %get3A_130 = arith.index_cast %get3A_129 : i32 to index
      %get3A_131 = arith.constant 80 : index
      %get3A_132 = tpu.vector_load %arg7[%get3A_130, %get3A_131] {strides = array<i32>} : memref<32x128xf32, #tpu.memory_space<vmem>>, vector<16xf32>,
      tpu.vector_store_idx %arg5[%gather3A_108, %add3A_31], %get3A_132 {add = true} : memref<512x144xf32, #tpu.memory_space<vmem>>[vector<16xi32>, vector<16xi32>], vector<16xf32>,
      %get3A_133 = arith.constant 1 : i32
      %get3A_134 = arith.index_cast %get3A_133 : i32 to index
      %get3A_135 = arith.constant 96 : index
      %get3A_136 = tpu.vector_load %arg7[%get3A_134, %get3A_135] {strides = array<i32>} : memref<32x128xf32, #tpu.memory_space<vmem>>, vector<16xf32>,
      tpu.vector_store_idx %arg5[%gather3A_108, %add3A_34], %get3A_136 {add = true} : memref<512x144xf32, #tpu.memory_space<vmem>>[vector<16xi32>, vector<16xi32>], vector<16xf32>,
      %get3A_137 = arith.constant 1 : i32
      %get3A_138 = arith.index_cast %get3A_137 : i32 to index
      %get3A_139 = arith.constant 112 : index
      %get3A_140 = tpu.vector_load %arg7[%get3A_138, %get3A_139] {strides = array<i32>} : memref<32x128xf32, #tpu.memory_space<vmem>>, vector<16xf32>,
      tpu.vector_store_idx %arg5[%gather3A_108, %add3A_37], %get3A_140 {add = true} : memref<512x144xf32, #tpu.memory_space<vmem>>[vector<16xi32>, vector<16xi32>], vector<16xf32>,
      tpu.vector_store_idx %arg5[%gather3A_108, %add3A_40], %select_n3A_13 {add = true} : memref<512x144xf32, #tpu.memory_space<vmem>>[vector<16xi32>, vector<16xi32>], vector<16xf32>,
      %broadcast_in_dim3A_141 = arith.constant 2 : i32
      %broadcast_in_dim3A_142 = vector.broadcast %broadcast_in_dim3A_141 : i32 to vector<16x1xi32>
      %gather3A_143 = vector.shape_cast %broadcast_in_dim3A_142 : vector<16x1xi32> to vector<16xi32>
      %gather3A_144 = tpu.dynamic_gather %get3A_69[%gather3A_143] in [0] : vector<16xi32>, vector<16xi32> -> vector<16xi32>
      %get3A_145 = arith.constant 2 : i32
      %get3A_146 = arith.index_cast %get3A_145 : i32 to index
      %get3A_147 = arith.constant 0 : index
      %get3A_148 = tpu.vector_load %arg7[%get3A_146, %get3A_147] {strides = array<i32>} : memref<32x128xf32, #tpu.memory_space<vmem>>, vector<16xf32>,
      tpu.vector_store_idx %arg5[%gather3A_144, %add3A_16], %get3A_148 {add = true} : memref<512x144xf32, #tpu.memory_space<vmem>>[vector<16xi32>, vector<16xi32>], vector<16xf32>,
      %get3A_149 = arith.constant 2 : i32
      %get3A_150 = arith.index_cast %get3A_149 : i32 to index
      %get3A_151 = arith.constant 16 : index
      %get3A_152 = tpu.vector_load %arg7[%get3A_150, %get3A_151] {strides = array<i32>} : memref<32x128xf32, #tpu.memory_space<vmem>>, vector<16xf32>,
      tpu.vector_store_idx %arg5[%gather3A_144, %add3A_19], %get3A_152 {add = true} : memref<512x144xf32, #tpu.memory_space<vmem>>[vector<16xi32>, vector<16xi32>], vector<16xf32>,
      %get3A_153 = arith.constant 2 : i32
      %get3A_154 = arith.index_cast %get3A_153 : i32 to index
      %get3A_155 = arith.constant 32 : index
      %get3A_156 = tpu.vector_load %arg7[%get3A_154, %get3A_155] {strides = array<i32>} : memref<32x128xf32, #tpu.memory_space<vmem>>, vector<16xf32>,
      tpu.vector_store_idx %arg5[%gather3A_144, %add3A_22], %get3A_156 {add = true} : memref<512x144xf32, #tpu.memory_space<vmem>>[vector<16xi32>, vector<16xi32>], vector<16xf32>,
      %get3A_157 = arith.constant 2 : i32
      %get3A_158 = arith.index_cast %get3A_157 : i32 to index
      %get3A_159 = arith.constant 48 : index
      %get3A_160 = tpu.vector_load %arg7[%get3A_158, %get3A_159] {strides = array<i32>} : memref<32x128xf32, #tpu.memory_space<vmem>>, vector<16xf32>,
      tpu.vector_store_idx %arg5[%gather3A_144, %add3A_25], %get3A_160 {add = true} : memref<512x144xf32, #tpu.memory_space<vmem>>[vector<16xi32>, vector<16xi32>], vector<16xf32>,
      %get3A_161 = arith.constant 2 : i32
      %get3A_162 = arith.index_cast %get3A_161 : i32 to index
      %get3A_163 = arith.constant 64 : index
      %get3A_164 = tpu.vector_load %arg7[%get3A_162, %get3A_163] {strides = array<i32>} : memref<32x128xf32, #tpu.memory_space<vmem>>, vector<16xf32>,
      tpu.vector_store_idx %arg5[%gather3A_144, %add3A_28], %get3A_164 {add = true} : memref<512x144xf32, #tpu.memory_space<vmem>>[vector<16xi32>, vector<16xi32>], vector<16xf32>,
      %get3A_165 = arith.constant 2 : i32
      %get3A_166 = arith.index_cast %get3A_165 : i32 to index
      %get3A_167 = arith.constant 80 : index
      %get3A_168 = tpu.vector_load %arg7[%get3A_166, %get3A_167] {strides = array<i32>} : memref<32x128xf32, #tpu.memory_space<vmem>>, vector<16xf32>,
      tpu.vector_store_idx %arg5[%gather3A_144, %add3A_31], %get3A_168 {add = true} : memref<512x144xf32, #tpu.memory_space<vmem>>[vector<16xi32>, vector<16xi32>], vector<16xf32>,
      %get3A_169 = arith.constant 2 : i32
      %get3A_170 = arith.index_cast %get3A_169 : i32 to index
      %get3A_171 = arith.constant 96 : index
      %get3A_172 = tpu.vector_load %arg7[%get3A_170, %get3A_171] {strides = array<i32>} : memref<32x128xf32, #tpu.memory_space<vmem>>, vector<16xf32>,
      tpu.vector_store_idx %arg5[%gather3A_144, %add3A_34], %get3A_172 {add = true} : memref<512x144xf32, #tpu.memory_space<vmem>>[vector<16xi32>, vector<16xi32>], vector<16xf32>,
      %get3A_173 = arith.constant 2 : i32
      %get3A_174 = arith.index_cast %get3A_173 : i32 to index
      %get3A_175 = arith.constant 112 : index
      %get3A_176 = tpu.vector_load %arg7[%get3A_174, %get3A_175] {strides = array<i32>} : memref<32x128xf32, #tpu.memory_space<vmem>>, vector<16xf32>,
      tpu.vector_store_idx %arg5[%gather3A_144, %add3A_37], %get3A_176 {add = true} : memref<512x144xf32, #tpu.memory_space<vmem>>[vector<16xi32>, vector<16xi32>], vector<16xf32>,
      tpu.vector_store_idx %arg5[%gather3A_144, %add3A_40], %select_n3A_13 {add = true} : memref<512x144xf32, #tpu.memory_space<vmem>>[vector<16xi32>, vector<16xi32>], vector<16xf32>,
      %broadcast_in_dim3A_177 = arith.constant 3 : i32
      %broadcast_in_dim3A_178 = vector.broadcast %broadcast_in_dim3A_177 : i32 to vector<16x1xi32>
      %gather3A_179 = vector.shape_cast %broadcast_in_dim3A_178 : vector<16x1xi32> to vector<16xi32>
      %gather3A_180 = tpu.dynamic_gather %get3A_69[%gather3A_179] in [0] : vector<16xi32>, vector<16xi32> -> vector<16xi32>
      %get3A_181 = arith.constant 3 : i32
      %get3A_182 = arith.index_cast %get3A_181 : i32 to index
      %get3A_183 = arith.constant 0 : index
      %get3A_184 = tpu.vector_load %arg7[%get3A_182, %get3A_183] {strides = array<i32>} : memref<32x128xf32, #tpu.memory_space<vmem>>, vector<16xf32>,
      tpu.vector_store_idx %arg5[%gather3A_180, %add3A_16], %get3A_184 {add = true} : memref<512x144xf32, #tpu.memory_space<vmem>>[vector<16xi32>, vector<16xi32>], vector<16xf32>,
      %get3A_185 = arith.constant 3 : i32
      %get3A_186 = arith.index_cast %get3A_185 : i32 to index
      %get3A_187 = arith.constant 16 : index
      %get3A_188 = tpu.vector_load %arg7[%get3A_186, %get3A_187] {strides = array<i32>} : memref<32x128xf32, #tpu.memory_space<vmem>>, vector<16xf32>,
      tpu.vector_store_idx %arg5[%gather3A_180, %add3A_19], %get3A_188 {add = true} : memref<512x144xf32, #tpu.memory_space<vmem>>[vector<16xi32>, vector<16xi32>], vector<16xf32>,
      %get3A_189 = arith.constant 3 : i32
      %get3A_190 = arith.index_cast %get3A_189 : i32 to index
      %get3A_191 = arith.constant 32 : index
      %get3A_192 = tpu.vector_load %arg7[%get3A_190, %get3A_191] {strides = array<i32>} : memref<32x128xf32, #tpu.memory_space<vmem>>, vector<16xf32>,
      tpu.vector_store_idx %arg5[%gather3A_180, %add3A_22], %get3A_192 {add = true} : memref<512x144xf32, #tpu.memory_space<vmem>>[vector<16xi32>, vector<16xi32>], vector<16xf32>,
      %get3A_193 = arith.constant 3 : i32
      %get3A_194 = arith.index_cast %get3A_193 : i32 to index
      %get3A_195 = arith.constant 48 : index
      %get3A_196 = tpu.vector_load %arg7[%get3A_194, %get3A_195] {strides = array<i32>} : memref<32x128xf32, #tpu.memory_space<vmem>>, vector<16xf32>,
      tpu.vector_store_idx %arg5[%gather3A_180, %add3A_25], %get3A_196 {add = true} : memref<512x144xf32, #tpu.memory_space<vmem>>[vector<16xi32>, vector<16xi32>], vector<16xf32>,
      %get3A_197 = arith.constant 3 : i32
      %get3A_198 = arith.index_cast %get3A_197 : i32 to index
      %get3A_199 = arith.constant 64 : index
      %get3A_200 = tpu.vector_load %arg7[%get3A_198, %get3A_199] {strides = array<i32>} : memref<32x128xf32, #tpu.memory_space<vmem>>, vector<16xf32>,
      tpu.vector_store_idx %arg5[%gather3A_180, %add3A_28], %get3A_200 {add = true} : memref<512x144xf32, #tpu.memory_space<vmem>>[vector<16xi32>, vector<16xi32>], vector<16xf32>,
      %get3A_201 = arith.constant 3 : i32
      %get3A_202 = arith.index_cast %get3A_201 : i32 to index
      %get3A_203 = arith.constant 80 : index
      %get3A_204 = tpu.vector_load %arg7[%get3A_202, %get3A_203] {strides = array<i32>} : memref<32x128xf32, #tpu.memory_space<vmem>>, vector<16xf32>,
      tpu.vector_store_idx %arg5[%gather3A_180, %add3A_31], %get3A_204 {add = true} : memref<512x144xf32, #tpu.memory_space<vmem>>[vector<16xi32>, vector<16xi32>], vector<16xf32>,
      %get3A_205 = arith.constant 3 : i32
      %get3A_206 = arith.index_cast %get3A_205 : i32 to index
      %get3A_207 = arith.constant 96 : index
      %get3A_208 = tpu.vector_load %arg7[%get3A_206, %get3A_207] {strides = array<i32>} : memref<32x128xf32, #tpu.memory_space<vmem>>, vector<16xf32>,
      tpu.vector_store_idx %arg5[%gather3A_180, %add3A_34], %get3A_208 {add = true} : memref<512x144xf32, #tpu.memory_space<vmem>>[vector<16xi32>, vector<16xi32>], vector<16xf32>,
      %get3A_209 = arith.constant 3 : i32
      %get3A_210 = arith.index_cast %get3A_209 : i32 to index
      %get3A_211 = arith.constant 112 : index
      %get3A_212 = tpu.vector_load %arg7[%get3A_210, %get3A_211] {strides = array<i32>} : memref<32x128xf32, #tpu.memory_space<vmem>>, vector<16xf32>,
      tpu.vector_store_idx %arg5[%gather3A_180, %add3A_37], %get3A_212 {add = true} : memref<512x144xf32, #tpu.memory_space<vmem>>[vector<16xi32>, vector<16xi32>], vector<16xf32>,
      tpu.vector_store_idx %arg5[%gather3A_180, %add3A_40], %select_n3A_13 {add = true} : memref<512x144xf32, #tpu.memory_space<vmem>>[vector<16xi32>, vector<16xi32>], vector<16xf32>,
      %broadcast_in_dim3A_213 = arith.constant 4 : i32
      %broadcast_in_dim3A_214 = vector.broadcast %broadcast_in_dim3A_213 : i32 to vector<16x1xi32>
      %gather3A_215 = vector.shape_cast %broadcast_in_dim3A_214 : vector<16x1xi32> to vector<16xi32>
      %gather3A_216 = tpu.dynamic_gather %get3A_69[%gather3A_215] in [0] : vector<16xi32>, vector<16xi32> -> vector<16xi32>
      %get3A_217 = arith.constant 4 : i32
      %get3A_218 = arith.index_cast %get3A_217 : i32 to index
      %get3A_219 = arith.constant 0 : index
      %get3A_220 = tpu.vector_load %arg7[%get3A_218, %get3A_219] {strides = array<i32>} : memref<32x128xf32, #tpu.memory_space<vmem>>, vector<16xf32>,
      tpu.vector_store_idx %arg5[%gather3A_216, %add3A_16], %get3A_220 {add = true} : memref<512x144xf32, #tpu.memory_space<vmem>>[vector<16xi32>, vector<16xi32>], vector<16xf32>,
      %get3A_221 = arith.constant 4 : i32
      %get3A_222 = arith.index_cast %get3A_221 : i32 to index
      %get3A_223 = arith.constant 16 : index
      %get3A_224 = tpu.vector_load %arg7[%get3A_222, %get3A_223] {strides = array<i32>} : memref<32x128xf32, #tpu.memory_space<vmem>>, vector<16xf32>,
      tpu.vector_store_idx %arg5[%gather3A_216, %add3A_19], %get3A_224 {add = true} : memref<512x144xf32, #tpu.memory_space<vmem>>[vector<16xi32>, vector<16xi32>], vector<16xf32>,
      %get3A_225 = arith.constant 4 : i32
      %get3A_226 = arith.index_cast %get3A_225 : i32 to index
      %get3A_227 = arith.constant 32 : index
      %get3A_228 = tpu.vector_load %arg7[%get3A_226, %get3A_227] {strides = array<i32>} : memref<32x128xf32, #tpu.memory_space<vmem>>, vector<16xf32>,
      tpu.vector_store_idx %arg5[%gather3A_216, %add3A_22], %get3A_228 {add = true} : memref<512x144xf32, #tpu.memory_space<vmem>>[vector<16xi32>, vector<16xi32>], vector<16xf32>,
      %get3A_229 = arith.constant 4 : i32
      %get3A_230 = arith.index_cast %get3A_229 : i32 to index
      %get3A_231 = arith.constant 48 : index
      %get3A_232 = tpu.vector_load %arg7[%get3A_230, %get3A_231] {strides = array<i32>} : memref<32x128xf32, #tpu.memory_space<vmem>>, vector<16xf32>,
      tpu.vector_store_idx %arg5[%gather3A_216, %add3A_25], %get3A_232 {add = true} : memref<512x144xf32, #tpu.memory_space<vmem>>[vector<16xi32>, vector<16xi32>], vector<16xf32>,
      %get3A_233 = arith.constant 4 : i32
      %get3A_234 = arith.index_cast %get3A_233 : i32 to index
      %get3A_235 = arith.constant 64 : index
      %get3A_236 = tpu.vector_load %arg7[%get3A_234, %get3A_235] {strides = array<i32>} : memref<32x128xf32, #tpu.memory_space<vmem>>, vector<16xf32>,
      tpu.vector_store_idx %arg5[%gather3A_216, %add3A_28], %get3A_236 {add = true} : memref<512x144xf32, #tpu.memory_space<vmem>>[vector<16xi32>, vector<16xi32>], vector<16xf32>,
      %get3A_237 = arith.constant 4 : i32
      %get3A_238 = arith.index_cast %get3A_237 : i32 to index
      %get3A_239 = arith.constant 80 : index
      %get3A_240 = tpu.vector_load %arg7[%get3A_238, %get3A_239] {strides = array<i32>} : memref<32x128xf32, #tpu.memory_space<vmem>>, vector<16xf32>,
      tpu.vector_store_idx %arg5[%gather3A_216, %add3A_31], %get3A_240 {add = true} : memref<512x144xf32, #tpu.memory_space<vmem>>[vector<16xi32>, vector<16xi32>], vector<16xf32>,
      %get3A_241 = arith.constant 4 : i32
      %get3A_242 = arith.index_cast %get3A_241 : i32 to index
      %get3A_243 = arith.constant 96 : index
      %get3A_244 = tpu.vector_load %arg7[%get3A_242, %get3A_243] {strides = array<i32>} : memref<32x128xf32, #tpu.memory_space<vmem>>, vector<16xf32>,
      tpu.vector_store_idx %arg5[%gather3A_216, %add3A_34], %get3A_244 {add = true} : memref<512x144xf32, #tpu.memory_space<vmem>>[vector<16xi32>, vector<16xi32>], vector<16xf32>,
      %get3A_245 = arith.constant 4 : i32
      %get3A_246 = arith.index_cast %get3A_245 : i32 to index
      %get3A_247 = arith.constant 112 : index
      %get3A_248 = tpu.vector_load %arg7[%get3A_246, %get3A_247] {strides = array<i32>} : memref<32x128xf32, #tpu.memory_space<vmem>>, vector<16xf32>,
      tpu.vector_store_idx %arg5[%gather3A_216, %add3A_37], %get3A_248 {add = true} : memref<512x144xf32, #tpu.memory_space<vmem>>[vector<16xi32>, vector<16xi32>], vector<16xf32>,
      tpu.vector_store_idx %arg5[%gather3A_216, %add3A_40], %select_n3A_13 {add = true} : memref<512x144xf32, #tpu.memory_space<vmem>>[vector<16xi32>, vector<16xi32>], vector<16xf32>,
      %broadcast_in_dim3A_249 = arith.constant 5 : i32
      %broadcast_in_dim3A_250 = vector.broadcast %broadcast_in_dim3A_249 : i32 to vector<16x1xi32>
      %gather3A_251 = vector.shape_cast %broadcast_in_dim3A_250 : vector<16x1xi32> to vector<16xi32>
      %gather3A_252 = tpu.dynamic_gather %get3A_69[%gather3A_251] in [0] : vector<16xi32>, vector<16xi32> -> vector<16xi32>
      %get3A_253 = arith.constant 5 : i32
      %get3A_254 = arith.index_cast %get3A_253 : i32 to index
      %get3A_255 = arith.constant 0 : index
      %get3A_256 = tpu.vector_load %arg7[%get3A_254, %get3A_255] {strides = array<i32>} : memref<32x128xf32, #tpu.memory_space<vmem>>, vector<16xf32>,
      tpu.vector_store_idx %arg5[%gather3A_252, %add3A_16], %get3A_256 {add = true} : memref<512x144xf32, #tpu.memory_space<vmem>>[vector<16xi32>, vector<16xi32>], vector<16xf32>,
      %get3A_257 = arith.constant 5 : i32
      %get3A_258 = arith.index_cast %get3A_257 : i32 to index
      %get3A_259 = arith.constant 16 : index
      %get3A_260 = tpu.vector_load %arg7[%get3A_258, %get3A_259] {strides = array<i32>} : memref<32x128xf32, #tpu.memory_space<vmem>>, vector<16xf32>,
      tpu.vector_store_idx %arg5[%gather3A_252, %add3A_19], %get3A_260 {add = true} : memref<512x144xf32, #tpu.memory_space<vmem>>[vector<16xi32>, vector<16xi32>], vector<16xf32>,
      %get3A_261 = arith.constant 5 : i32
      %get3A_262 = arith.index_cast %get3A_261 : i32 to index
      %get3A_263 = arith.constant 32 : index
      %get3A_264 = tpu.vector_load %arg7[%get3A_262, %get3A_263] {strides = array<i32>} : memref<32x128xf32, #tpu.memory_space<vmem>>, vector<16xf32>,
      tpu.vector_store_idx %arg5[%gather3A_252, %add3A_22], %get3A_264 {add = true} : memref<512x144xf32, #tpu.memory_space<vmem>>[vector<16xi32>, vector<16xi32>], vector<16xf32>,
      %get3A_265 = arith.constant 5 : i32
      %get3A_266 = arith.index_cast %get3A_265 : i32 to index
      %get3A_267 = arith.constant 48 : index
      %get3A_268 = tpu.vector_load %arg7[%get3A_266, %get3A_267] {strides = array<i32>} : memref<32x128xf32, #tpu.memory_space<vmem>>, vector<16xf32>,
      tpu.vector_store_idx %arg5[%gather3A_252, %add3A_25], %get3A_268 {add = true} : memref<512x144xf32, #tpu.memory_space<vmem>>[vector<16xi32>, vector<16xi32>], vector<16xf32>,
      %get3A_269 = arith.constant 5 : i32
      %get3A_270 = arith.index_cast %get3A_269 : i32 to index
      %get3A_271 = arith.constant 64 : index
      %get3A_272 = tpu.vector_load %arg7[%get3A_270, %get3A_271] {strides = array<i32>} : memref<32x128xf32, #tpu.memory_space<vmem>>, vector<16xf32>,
      tpu.vector_store_idx %arg5[%gather3A_252, %add3A_28], %get3A_272 {add = true} : memref<512x144xf32, #tpu.memory_space<vmem>>[vector<16xi32>, vector<16xi32>], vector<16xf32>,
      %get3A_273 = arith.constant 5 : i32
      %get3A_274 = arith.index_cast %get3A_273 : i32 to index
      %get3A_275 = arith.constant 80 : index
      %get3A_276 = tpu.vector_load %arg7[%get3A_274, %get3A_275] {strides = array<i32>} : memref<32x128xf32, #tpu.memory_space<vmem>>, vector<16xf32>,
      tpu.vector_store_idx %arg5[%gather3A_252, %add3A_31], %get3A_276 {add = true} : memref<512x144xf32, #tpu.memory_space<vmem>>[vector<16xi32>, vector<16xi32>], vector<16xf32>,
      %get3A_277 = arith.constant 5 : i32
      %get3A_278 = arith.index_cast %get3A_277 : i32 to index
      %get3A_279 = arith.constant 96 : index
      %get3A_280 = tpu.vector_load %arg7[%get3A_278, %get3A_279] {strides = array<i32>} : memref<32x128xf32, #tpu.memory_space<vmem>>, vector<16xf32>,
      tpu.vector_store_idx %arg5[%gather3A_252, %add3A_34], %get3A_280 {add = true} : memref<512x144xf32, #tpu.memory_space<vmem>>[vector<16xi32>, vector<16xi32>], vector<16xf32>,
      %get3A_281 = arith.constant 5 : i32
      %get3A_282 = arith.index_cast %get3A_281 : i32 to index
      %get3A_283 = arith.constant 112 : index
      %get3A_284 = tpu.vector_load %arg7[%get3A_282, %get3A_283] {strides = array<i32>} : memref<32x128xf32, #tpu.memory_space<vmem>>, vector<16xf32>,
      tpu.vector_store_idx %arg5[%gather3A_252, %add3A_37], %get3A_284 {add = true} : memref<512x144xf32, #tpu.memory_space<vmem>>[vector<16xi32>, vector<16xi32>], vector<16xf32>,
      tpu.vector_store_idx %arg5[%gather3A_252, %add3A_40], %select_n3A_13 {add = true} : memref<512x144xf32, #tpu.memory_space<vmem>>[vector<16xi32>, vector<16xi32>], vector<16xf32>,
      %broadcast_in_dim3A_285 = arith.constant 6 : i32
      %broadcast_in_dim3A_286 = vector.broadcast %broadcast_in_dim3A_285 : i32 to vector<16x1xi32>
      %gather3A_287 = vector.shape_cast %broadcast_in_dim3A_286 : vector<16x1xi32> to vector<16xi32>
      %gather3A_288 = tpu.dynamic_gather %get3A_69[%gather3A_287] in [0] : vector<16xi32>, vector<16xi32> -> vector<16xi32>
      %get3A_289 = arith.constant 6 : i32
      %get3A_290 = arith.index_cast %get3A_289 : i32 to index
      %get3A_291 = arith.constant 0 : index
      %get3A_292 = tpu.vector_load %arg7[%get3A_290, %get3A_291] {strides = array<i32>} : memref<32x128xf32, #tpu.memory_space<vmem>>, vector<16xf32>,
      tpu.vector_store_idx %arg5[%gather3A_288, %add3A_16], %get3A_292 {add = true} : memref<512x144xf32, #tpu.memory_space<vmem>>[vector<16xi32>, vector<16xi32>], vector<16xf32>,
      %get3A_293 = arith.constant 6 : i32
      %get3A_294 = arith.index_cast %get3A_293 : i32 to index
      %get3A_295 = arith.constant 16 : index
      %get3A_296 = tpu.vector_load %arg7[%get3A_294, %get3A_295] {strides = array<i32>} : memref<32x128xf32, #tpu.memory_space<vmem>>, vector<16xf32>,
      tpu.vector_store_idx %arg5[%gather3A_288, %add3A_19], %get3A_296 {add = true} : memref<512x144xf32, #tpu.memory_space<vmem>>[vector<16xi32>, vector<16xi32>], vector<16xf32>,
      %get3A_297 = arith.constant 6 : i32
      %get3A_298 = arith.index_cast %get3A_297 : i32 to index
      %get3A_299 = arith.constant 32 : index
      %get3A_300 = tpu.vector_load %arg7[%get3A_298, %get3A_299] {strides = array<i32>} : memref<32x128xf32, #tpu.memory_space<vmem>>, vector<16xf32>,
      tpu.vector_store_idx %arg5[%gather3A_288, %add3A_22], %get3A_300 {add = true} : memref<512x144xf32, #tpu.memory_space<vmem>>[vector<16xi32>, vector<16xi32>], vector<16xf32>,
      %get3A_301 = arith.constant 6 : i32
      %get3A_302 = arith.index_cast %get3A_301 : i32 to index
      %get3A_303 = arith.constant 48 : index
      %get3A_304 = tpu.vector_load %arg7[%get3A_302, %get3A_303] {strides = array<i32>} : memref<32x128xf32, #tpu.memory_space<vmem>>, vector<16xf32>,
      tpu.vector_store_idx %arg5[%gather3A_288, %add3A_25], %get3A_304 {add = true} : memref<512x144xf32, #tpu.memory_space<vmem>>[vector<16xi32>, vector<16xi32>], vector<16xf32>,
      %get3A_305 = arith.constant 6 : i32
      %get3A_306 = arith.index_cast %get3A_305 : i32 to index
      %get3A_307 = arith.constant 64 : index
      %get3A_308 = tpu.vector_load %arg7[%get3A_306, %get3A_307] {strides = array<i32>} : memref<32x128xf32, #tpu.memory_space<vmem>>, vector<16xf32>,
      tpu.vector_store_idx %arg5[%gather3A_288, %add3A_28], %get3A_308 {add = true} : memref<512x144xf32, #tpu.memory_space<vmem>>[vector<16xi32>, vector<16xi32>], vector<16xf32>,
      %get3A_309 = arith.constant 6 : i32
      %get3A_310 = arith.index_cast %get3A_309 : i32 to index
      %get3A_311 = arith.constant 80 : index
      %get3A_312 = tpu.vector_load %arg7[%get3A_310, %get3A_311] {strides = array<i32>} : memref<32x128xf32, #tpu.memory_space<vmem>>, vector<16xf32>,
      tpu.vector_store_idx %arg5[%gather3A_288, %add3A_31], %get3A_312 {add = true} : memref<512x144xf32, #tpu.memory_space<vmem>>[vector<16xi32>, vector<16xi32>], vector<16xf32>,
      %get3A_313 = arith.constant 6 : i32
      %get3A_314 = arith.index_cast %get3A_313 : i32 to index
      %get3A_315 = arith.constant 96 : index
      %get3A_316 = tpu.vector_load %arg7[%get3A_314, %get3A_315] {strides = array<i32>} : memref<32x128xf32, #tpu.memory_space<vmem>>, vector<16xf32>,
      tpu.vector_store_idx %arg5[%gather3A_288, %add3A_34], %get3A_316 {add = true} : memref<512x144xf32, #tpu.memory_space<vmem>>[vector<16xi32>, vector<16xi32>], vector<16xf32>,
      %get3A_317 = arith.constant 6 : i32
      %get3A_318 = arith.index_cast %get3A_317 : i32 to index
      %get3A_319 = arith.constant 112 : index
      %get3A_320 = tpu.vector_load %arg7[%get3A_318, %get3A_319] {strides = array<i32>} : memref<32x128xf32, #tpu.memory_space<vmem>>, vector<16xf32>,
      tpu.vector_store_idx %arg5[%gather3A_288, %add3A_37], %get3A_320 {add = true} : memref<512x144xf32, #tpu.memory_space<vmem>>[vector<16xi32>, vector<16xi32>], vector<16xf32>,
      tpu.vector_store_idx %arg5[%gather3A_288, %add3A_40], %select_n3A_13 {add = true} : memref<512x144xf32, #tpu.memory_space<vmem>>[vector<16xi32>, vector<16xi32>], vector<16xf32>,
      %broadcast_in_dim3A_321 = arith.constant 7 : i32
      %broadcast_in_dim3A_322 = vector.broadcast %broadcast_in_dim3A_321 : i32 to vector<16x1xi32>
      %gather3A_323 = vector.shape_cast %broadcast_in_dim3A_322 : vector<16x1xi32> to vector<16xi32>
      %gather3A_324 = tpu.dynamic_gather %get3A_69[%gather3A_323] in [0] : vector<16xi32>, vector<16xi32> -> vector<16xi32>
      %get3A_325 = arith.constant 7 : i32
      %get3A_326 = arith.index_cast %get3A_325 : i32 to index
      %get3A_327 = arith.constant 0 : index
      %get3A_328 = tpu.vector_load %arg7[%get3A_326, %get3A_327] {strides = array<i32>} : memref<32x128xf32, #tpu.memory_space<vmem>>, vector<16xf32>,
      tpu.vector_store_idx %arg5[%gather3A_324, %add3A_16], %get3A_328 {add = true} : memref<512x144xf32, #tpu.memory_space<vmem>>[vector<16xi32>, vector<16xi32>], vector<16xf32>,
      %get3A_329 = arith.constant 7 : i32
      %get3A_330 = arith.index_cast %get3A_329 : i32 to index
      %get3A_331 = arith.constant 16 : index
      %get3A_332 = tpu.vector_load %arg7[%get3A_330, %get3A_331] {strides = array<i32>} : memref<32x128xf32, #tpu.memory_space<vmem>>, vector<16xf32>,
      tpu.vector_store_idx %arg5[%gather3A_324, %add3A_19], %get3A_332 {add = true} : memref<512x144xf32, #tpu.memory_space<vmem>>[vector<16xi32>, vector<16xi32>], vector<16xf32>,
      %get3A_333 = arith.constant 7 : i32
      %get3A_334 = arith.index_cast %get3A_333 : i32 to index
      %get3A_335 = arith.constant 32 : index
      %get3A_336 = tpu.vector_load %arg7[%get3A_334, %get3A_335] {strides = array<i32>} : memref<32x128xf32, #tpu.memory_space<vmem>>, vector<16xf32>,
      tpu.vector_store_idx %arg5[%gather3A_324, %add3A_22], %get3A_336 {add = true} : memref<512x144xf32, #tpu.memory_space<vmem>>[vector<16xi32>, vector<16xi32>], vector<16xf32>,
      %get3A_337 = arith.constant 7 : i32
      %get3A_338 = arith.index_cast %get3A_337 : i32 to index
      %get3A_339 = arith.constant 48 : index
      %get3A_340 = tpu.vector_load %arg7[%get3A_338, %get3A_339] {strides = array<i32>} : memref<32x128xf32, #tpu.memory_space<vmem>>, vector<16xf32>,
      tpu.vector_store_idx %arg5[%gather3A_324, %add3A_25], %get3A_340 {add = true} : memref<512x144xf32, #tpu.memory_space<vmem>>[vector<16xi32>, vector<16xi32>], vector<16xf32>,
      %get3A_341 = arith.constant 7 : i32
      %get3A_342 = arith.index_cast %get3A_341 : i32 to index
      %get3A_343 = arith.constant 64 : index
      %get3A_344 = tpu.vector_load %arg7[%get3A_342, %get3A_343] {strides = array<i32>} : memref<32x128xf32, #tpu.memory_space<vmem>>, vector<16xf32>,
      tpu.vector_store_idx %arg5[%gather3A_324, %add3A_28], %get3A_344 {add = true} : memref<512x144xf32, #tpu.memory_space<vmem>>[vector<16xi32>, vector<16xi32>], vector<16xf32>,
      %get3A_345 = arith.constant 7 : i32
      %get3A_346 = arith.index_cast %get3A_345 : i32 to index
      %get3A_347 = arith.constant 80 : index
      %get3A_348 = tpu.vector_load %arg7[%get3A_346, %get3A_347] {strides = array<i32>} : memref<32x128xf32, #tpu.memory_space<vmem>>, vector<16xf32>,
      tpu.vector_store_idx %arg5[%gather3A_324, %add3A_31], %get3A_348 {add = true} : memref<512x144xf32, #tpu.memory_space<vmem>>[vector<16xi32>, vector<16xi32>], vector<16xf32>,
      %get3A_349 = arith.constant 7 : i32
      %get3A_350 = arith.index_cast %get3A_349 : i32 to index
      %get3A_351 = arith.constant 96 : index
      %get3A_352 = tpu.vector_load %arg7[%get3A_350, %get3A_351] {strides = array<i32>} : memref<32x128xf32, #tpu.memory_space<vmem>>, vector<16xf32>,
      tpu.vector_store_idx %arg5[%gather3A_324, %add3A_34], %get3A_352 {add = true} : memref<512x144xf32, #tpu.memory_space<vmem>>[vector<16xi32>, vector<16xi32>], vector<16xf32>,
      %get3A_353 = arith.constant 7 : i32
      %get3A_354 = arith.index_cast %get3A_353 : i32 to index
      %get3A_355 = arith.constant 112 : index
      %get3A_356 = tpu.vector_load %arg7[%get3A_354, %get3A_355] {strides = array<i32>} : memref<32x128xf32, #tpu.memory_space<vmem>>, vector<16xf32>,
      tpu.vector_store_idx %arg5[%gather3A_324, %add3A_37], %get3A_356 {add = true} : memref<512x144xf32, #tpu.memory_space<vmem>>[vector<16xi32>, vector<16xi32>], vector<16xf32>,
      tpu.vector_store_idx %arg5[%gather3A_324, %add3A_40], %select_n3A_13 {add = true} : memref<512x144xf32, #tpu.memory_space<vmem>>[vector<16xi32>, vector<16xi32>], vector<16xf32>,
      %broadcast_in_dim3A_357 = arith.constant 8 : i32
      %broadcast_in_dim3A_358 = vector.broadcast %broadcast_in_dim3A_357 : i32 to vector<16x1xi32>
      %gather3A_359 = vector.shape_cast %broadcast_in_dim3A_358 : vector<16x1xi32> to vector<16xi32>
      %gather3A_360 = tpu.dynamic_gather %get3A_69[%gather3A_359] in [0] : vector<16xi32>, vector<16xi32> -> vector<16xi32>
      %get3A_361 = arith.constant 8 : i32
      %get3A_362 = arith.index_cast %get3A_361 : i32 to index
      %get3A_363 = arith.constant 0 : index
      %get3A_364 = tpu.vector_load %arg7[%get3A_362, %get3A_363] {strides = array<i32>} : memref<32x128xf32, #tpu.memory_space<vmem>>, vector<16xf32>,
      tpu.vector_store_idx %arg5[%gather3A_360, %add3A_16], %get3A_364 {add = true} : memref<512x144xf32, #tpu.memory_space<vmem>>[vector<16xi32>, vector<16xi32>], vector<16xf32>,
      %get3A_365 = arith.constant 8 : i32
      %get3A_366 = arith.index_cast %get3A_365 : i32 to index
      %get3A_367 = arith.constant 16 : index
      %get3A_368 = tpu.vector_load %arg7[%get3A_366, %get3A_367] {strides = array<i32>} : memref<32x128xf32, #tpu.memory_space<vmem>>, vector<16xf32>,
      tpu.vector_store_idx %arg5[%gather3A_360, %add3A_19], %get3A_368 {add = true} : memref<512x144xf32, #tpu.memory_space<vmem>>[vector<16xi32>, vector<16xi32>], vector<16xf32>,
      %get3A_369 = arith.constant 8 : i32
      %get3A_370 = arith.index_cast %get3A_369 : i32 to index
      %get3A_371 = arith.constant 32 : index
      %get3A_372 = tpu.vector_load %arg7[%get3A_370, %get3A_371] {strides = array<i32>} : memref<32x128xf32, #tpu.memory_space<vmem>>, vector<16xf32>,
      tpu.vector_store_idx %arg5[%gather3A_360, %add3A_22], %get3A_372 {add = true} : memref<512x144xf32, #tpu.memory_space<vmem>>[vector<16xi32>, vector<16xi32>], vector<16xf32>,
      %get3A_373 = arith.constant 8 : i32
      %get3A_374 = arith.index_cast %get3A_373 : i32 to index
      %get3A_375 = arith.constant 48 : index
      %get3A_376 = tpu.vector_load %arg7[%get3A_374, %get3A_375] {strides = array<i32>} : memref<32x128xf32, #tpu.memory_space<vmem>>, vector<16xf32>,
      tpu.vector_store_idx %arg5[%gather3A_360, %add3A_25], %get3A_376 {add = true} : memref<512x144xf32, #tpu.memory_space<vmem>>[vector<16xi32>, vector<16xi32>], vector<16xf32>,
      %get3A_377 = arith.constant 8 : i32
      %get3A_378 = arith.index_cast %get3A_377 : i32 to index
      %get3A_379 = arith.constant 64 : index
      %get3A_380 = tpu.vector_load %arg7[%get3A_378, %get3A_379] {strides = array<i32>} : memref<32x128xf32, #tpu.memory_space<vmem>>, vector<16xf32>,
      tpu.vector_store_idx %arg5[%gather3A_360, %add3A_28], %get3A_380 {add = true} : memref<512x144xf32, #tpu.memory_space<vmem>>[vector<16xi32>, vector<16xi32>], vector<16xf32>,
      %get3A_381 = arith.constant 8 : i32
      %get3A_382 = arith.index_cast %get3A_381 : i32 to index
      %get3A_383 = arith.constant 80 : index
      %get3A_384 = tpu.vector_load %arg7[%get3A_382, %get3A_383] {strides = array<i32>} : memref<32x128xf32, #tpu.memory_space<vmem>>, vector<16xf32>,
      tpu.vector_store_idx %arg5[%gather3A_360, %add3A_31], %get3A_384 {add = true} : memref<512x144xf32, #tpu.memory_space<vmem>>[vector<16xi32>, vector<16xi32>], vector<16xf32>,
      %get3A_385 = arith.constant 8 : i32
      %get3A_386 = arith.index_cast %get3A_385 : i32 to index
      %get3A_387 = arith.constant 96 : index
      %get3A_388 = tpu.vector_load %arg7[%get3A_386, %get3A_387] {strides = array<i32>} : memref<32x128xf32, #tpu.memory_space<vmem>>, vector<16xf32>,
      tpu.vector_store_idx %arg5[%gather3A_360, %add3A_34], %get3A_388 {add = true} : memref<512x144xf32, #tpu.memory_space<vmem>>[vector<16xi32>, vector<16xi32>], vector<16xf32>,
      %get3A_389 = arith.constant 8 : i32
      %get3A_390 = arith.index_cast %get3A_389 : i32 to index
      %get3A_391 = arith.constant 112 : index
      %get3A_392 = tpu.vector_load %arg7[%get3A_390, %get3A_391] {strides = array<i32>} : memref<32x128xf32, #tpu.memory_space<vmem>>, vector<16xf32>,
      tpu.vector_store_idx %arg5[%gather3A_360, %add3A_37], %get3A_392 {add = true} : memref<512x144xf32, #tpu.memory_space<vmem>>[vector<16xi32>, vector<16xi32>], vector<16xf32>,
      tpu.vector_store_idx %arg5[%gather3A_360, %add3A_40], %select_n3A_13 {add = true} : memref<512x144xf32, #tpu.memory_space<vmem>>[vector<16xi32>, vector<16xi32>], vector<16xf32>,
      %broadcast_in_dim3A_393 = arith.constant 9 : i32
      %broadcast_in_dim3A_394 = vector.broadcast %broadcast_in_dim3A_393 : i32 to vector<16x1xi32>
      %gather3A_395 = vector.shape_cast %broadcast_in_dim3A_394 : vector<16x1xi32> to vector<16xi32>
      %gather3A_396 = tpu.dynamic_gather %get3A_69[%gather3A_395] in [0] : vector<16xi32>, vector<16xi32> -> vector<16xi32>
      %get3A_397 = arith.constant 9 : i32
      %get3A_398 = arith.index_cast %get3A_397 : i32 to index
      %get3A_399 = arith.constant 0 : index
      %get3A_400 = tpu.vector_load %arg7[%get3A_398, %get3A_399] {strides = array<i32>} : memref<32x128xf32, #tpu.memory_space<vmem>>, vector<16xf32>,
      tpu.vector_store_idx %arg5[%gather3A_396, %add3A_16], %get3A_400 {add = true} : memref<512x144xf32, #tpu.memory_space<vmem>>[vector<16xi32>, vector<16xi32>], vector<16xf32>,
      %get3A_401 = arith.constant 9 : i32
      %get3A_402 = arith.index_cast %get3A_401 : i32 to index
      %get3A_403 = arith.constant 16 : index
      %get3A_404 = tpu.vector_load %arg7[%get3A_402, %get3A_403] {strides = array<i32>} : memref<32x128xf32, #tpu.memory_space<vmem>>, vector<16xf32>,
      tpu.vector_store_idx %arg5[%gather3A_396, %add3A_19], %get3A_404 {add = true} : memref<512x144xf32, #tpu.memory_space<vmem>>[vector<16xi32>, vector<16xi32>], vector<16xf32>,
      %get3A_405 = arith.constant 9 : i32
      %get3A_406 = arith.index_cast %get3A_405 : i32 to index
      %get3A_407 = arith.constant 32 : index
      %get3A_408 = tpu.vector_load %arg7[%get3A_406, %get3A_407] {strides = array<i32>} : memref<32x128xf32, #tpu.memory_space<vmem>>, vector<16xf32>,
      tpu.vector_store_idx %arg5[%gather3A_396, %add3A_22], %get3A_408 {add = true} : memref<512x144xf32, #tpu.memory_space<vmem>>[vector<16xi32>, vector<16xi32>], vector<16xf32>,
      %get3A_409 = arith.constant 9 : i32
      %get3A_410 = arith.index_cast %get3A_409 : i32 to index
      %get3A_411 = arith.constant 48 : index
      %get3A_412 = tpu.vector_load %arg7[%get3A_410, %get3A_411] {strides = array<i32>} : memref<32x128xf32, #tpu.memory_space<vmem>>, vector<16xf32>,
      tpu.vector_store_idx %arg5[%gather3A_396, %add3A_25], %get3A_412 {add = true} : memref<512x144xf32, #tpu.memory_space<vmem>>[vector<16xi32>, vector<16xi32>], vector<16xf32>,
      %get3A_413 = arith.constant 9 : i32
      %get3A_414 = arith.index_cast %get3A_413 : i32 to index
      %get3A_415 = arith.constant 64 : index
      %get3A_416 = tpu.vector_load %arg7[%get3A_414, %get3A_415] {strides = array<i32>} : memref<32x128xf32, #tpu.memory_space<vmem>>, vector<16xf32>,
      tpu.vector_store_idx %arg5[%gather3A_396, %add3A_28], %get3A_416 {add = true} : memref<512x144xf32, #tpu.memory_space<vmem>>[vector<16xi32>, vector<16xi32>], vector<16xf32>,
      %get3A_417 = arith.constant 9 : i32
      %get3A_418 = arith.index_cast %get3A_417 : i32 to index
      %get3A_419 = arith.constant 80 : index
      %get3A_420 = tpu.vector_load %arg7[%get3A_418, %get3A_419] {strides = array<i32>} : memref<32x128xf32, #tpu.memory_space<vmem>>, vector<16xf32>,
      tpu.vector_store_idx %arg5[%gather3A_396, %add3A_31], %get3A_420 {add = true} : memref<512x144xf32, #tpu.memory_space<vmem>>[vector<16xi32>, vector<16xi32>], vector<16xf32>,
      %get3A_421 = arith.constant 9 : i32
      %get3A_422 = arith.index_cast %get3A_421 : i32 to index
      %get3A_423 = arith.constant 96 : index
      %get3A_424 = tpu.vector_load %arg7[%get3A_422, %get3A_423] {strides = array<i32>} : memref<32x128xf32, #tpu.memory_space<vmem>>, vector<16xf32>,
      tpu.vector_store_idx %arg5[%gather3A_396, %add3A_34], %get3A_424 {add = true} : memref<512x144xf32, #tpu.memory_space<vmem>>[vector<16xi32>, vector<16xi32>], vector<16xf32>,
      %get3A_425 = arith.constant 9 : i32
      %get3A_426 = arith.index_cast %get3A_425 : i32 to index
      %get3A_427 = arith.constant 112 : index
      %get3A_428 = tpu.vector_load %arg7[%get3A_426, %get3A_427] {strides = array<i32>} : memref<32x128xf32, #tpu.memory_space<vmem>>, vector<16xf32>,
      tpu.vector_store_idx %arg5[%gather3A_396, %add3A_37], %get3A_428 {add = true} : memref<512x144xf32, #tpu.memory_space<vmem>>[vector<16xi32>, vector<16xi32>], vector<16xf32>,
      tpu.vector_store_idx %arg5[%gather3A_396, %add3A_40], %select_n3A_13 {add = true} : memref<512x144xf32, #tpu.memory_space<vmem>>[vector<16xi32>, vector<16xi32>], vector<16xf32>,
      %broadcast_in_dim3A_429 = arith.constant 10 : i32
      %broadcast_in_dim3A_430 = vector.broadcast %broadcast_in_dim3A_429 : i32 to vector<16x1xi32>
      %gather3A_431 = vector.shape_cast %broadcast_in_dim3A_430 : vector<16x1xi32> to vector<16xi32>
      %gather3A_432 = tpu.dynamic_gather %get3A_69[%gather3A_431] in [0] : vector<16xi32>, vector<16xi32> -> vector<16xi32>
      %get3A_433 = arith.constant 10 : i32
      %get3A_434 = arith.index_cast %get3A_433 : i32 to index
      %get3A_435 = arith.constant 0 : index
      %get3A_436 = tpu.vector_load %arg7[%get3A_434, %get3A_435] {strides = array<i32>} : memref<32x128xf32, #tpu.memory_space<vmem>>, vector<16xf32>,
      tpu.vector_store_idx %arg5[%gather3A_432, %add3A_16], %get3A_436 {add = true} : memref<512x144xf32, #tpu.memory_space<vmem>>[vector<16xi32>, vector<16xi32>], vector<16xf32>,
      %get3A_437 = arith.constant 10 : i32
      %get3A_438 = arith.index_cast %get3A_437 : i32 to index
      %get3A_439 = arith.constant 16 : index
      %get3A_440 = tpu.vector_load %arg7[%get3A_438, %get3A_439] {strides = array<i32>} : memref<32x128xf32, #tpu.memory_space<vmem>>, vector<16xf32>,
      tpu.vector_store_idx %arg5[%gather3A_432, %add3A_19], %get3A_440 {add = true} : memref<512x144xf32, #tpu.memory_space<vmem>>[vector<16xi32>, vector<16xi32>], vector<16xf32>,
      %get3A_441 = arith.constant 10 : i32
      %get3A_442 = arith.index_cast %get3A_441 : i32 to index
      %get3A_443 = arith.constant 32 : index
      %get3A_444 = tpu.vector_load %arg7[%get3A_442, %get3A_443] {strides = array<i32>} : memref<32x128xf32, #tpu.memory_space<vmem>>, vector<16xf32>,
      tpu.vector_store_idx %arg5[%gather3A_432, %add3A_22], %get3A_444 {add = true} : memref<512x144xf32, #tpu.memory_space<vmem>>[vector<16xi32>, vector<16xi32>], vector<16xf32>,
      %get3A_445 = arith.constant 10 : i32
      %get3A_446 = arith.index_cast %get3A_445 : i32 to index
      %get3A_447 = arith.constant 48 : index
      %get3A_448 = tpu.vector_load %arg7[%get3A_446, %get3A_447] {strides = array<i32>} : memref<32x128xf32, #tpu.memory_space<vmem>>, vector<16xf32>,
      tpu.vector_store_idx %arg5[%gather3A_432, %add3A_25], %get3A_448 {add = true} : memref<512x144xf32, #tpu.memory_space<vmem>>[vector<16xi32>, vector<16xi32>], vector<16xf32>,
      %get3A_449 = arith.constant 10 : i32
      %get3A_450 = arith.index_cast %get3A_449 : i32 to index
      %get3A_451 = arith.constant 64 : index
      %get3A_452 = tpu.vector_load %arg7[%get3A_450, %get3A_451] {strides = array<i32>} : memref<32x128xf32, #tpu.memory_space<vmem>>, vector<16xf32>,
      tpu.vector_store_idx %arg5[%gather3A_432, %add3A_28], %get3A_452 {add = true} : memref<512x144xf32, #tpu.memory_space<vmem>>[vector<16xi32>, vector<16xi32>], vector<16xf32>,
      %get3A_453 = arith.constant 10 : i32
      %get3A_454 = arith.index_cast %get3A_453 : i32 to index
      %get3A_455 = arith.constant 80 : index
      %get3A_456 = tpu.vector_load %arg7[%get3A_454, %get3A_455] {strides = array<i32>} : memref<32x128xf32, #tpu.memory_space<vmem>>, vector<16xf32>,
      tpu.vector_store_idx %arg5[%gather3A_432, %add3A_31], %get3A_456 {add = true} : memref<512x144xf32, #tpu.memory_space<vmem>>[vector<16xi32>, vector<16xi32>], vector<16xf32>,
      %get3A_457 = arith.constant 10 : i32
      %get3A_458 = arith.index_cast %get3A_457 : i32 to index
      %get3A_459 = arith.constant 96 : index
      %get3A_460 = tpu.vector_load %arg7[%get3A_458, %get3A_459] {strides = array<i32>} : memref<32x128xf32, #tpu.memory_space<vmem>>, vector<16xf32>,
      tpu.vector_store_idx %arg5[%gather3A_432, %add3A_34], %get3A_460 {add = true} : memref<512x144xf32, #tpu.memory_space<vmem>>[vector<16xi32>, vector<16xi32>], vector<16xf32>,
      %get3A_461 = arith.constant 10 : i32
      %get3A_462 = arith.index_cast %get3A_461 : i32 to index
      %get3A_463 = arith.constant 112 : index
      %get3A_464 = tpu.vector_load %arg7[%get3A_462, %get3A_463] {strides = array<i32>} : memref<32x128xf32, #tpu.memory_space<vmem>>, vector<16xf32>,
      tpu.vector_store_idx %arg5[%gather3A_432, %add3A_37], %get3A_464 {add = true} : memref<512x144xf32, #tpu.memory_space<vmem>>[vector<16xi32>, vector<16xi32>], vector<16xf32>,
      tpu.vector_store_idx %arg5[%gather3A_432, %add3A_40], %select_n3A_13 {add = true} : memref<512x144xf32, #tpu.memory_space<vmem>>[vector<16xi32>, vector<16xi32>], vector<16xf32>,
      %broadcast_in_dim3A_465 = arith.constant 11 : i32
      %broadcast_in_dim3A_466 = vector.broadcast %broadcast_in_dim3A_465 : i32 to vector<16x1xi32>
      %gather3A_467 = vector.shape_cast %broadcast_in_dim3A_466 : vector<16x1xi32> to vector<16xi32>
      %gather3A_468 = tpu.dynamic_gather %get3A_69[%gather3A_467] in [0] : vector<16xi32>, vector<16xi32> -> vector<16xi32>
      %get3A_469 = arith.constant 11 : i32
      %get3A_470 = arith.index_cast %get3A_469 : i32 to index
      %get3A_471 = arith.constant 0 : index
      %get3A_472 = tpu.vector_load %arg7[%get3A_470, %get3A_471] {strides = array<i32>} : memref<32x128xf32, #tpu.memory_space<vmem>>, vector<16xf32>,
      tpu.vector_store_idx %arg5[%gather3A_468, %add3A_16], %get3A_472 {add = true} : memref<512x144xf32, #tpu.memory_space<vmem>>[vector<16xi32>, vector<16xi32>], vector<16xf32>,
      %get3A_473 = arith.constant 11 : i32
      %get3A_474 = arith.index_cast %get3A_473 : i32 to index
      %get3A_475 = arith.constant 16 : index
      %get3A_476 = tpu.vector_load %arg7[%get3A_474, %get3A_475] {strides = array<i32>} : memref<32x128xf32, #tpu.memory_space<vmem>>, vector<16xf32>,
      tpu.vector_store_idx %arg5[%gather3A_468, %add3A_19], %get3A_476 {add = true} : memref<512x144xf32, #tpu.memory_space<vmem>>[vector<16xi32>, vector<16xi32>], vector<16xf32>,
      %get3A_477 = arith.constant 11 : i32
      %get3A_478 = arith.index_cast %get3A_477 : i32 to index
      %get3A_479 = arith.constant 32 : index
      %get3A_480 = tpu.vector_load %arg7[%get3A_478, %get3A_479] {strides = array<i32>} : memref<32x128xf32, #tpu.memory_space<vmem>>, vector<16xf32>,
      tpu.vector_store_idx %arg5[%gather3A_468, %add3A_22], %get3A_480 {add = true} : memref<512x144xf32, #tpu.memory_space<vmem>>[vector<16xi32>, vector<16xi32>], vector<16xf32>,
      %get3A_481 = arith.constant 11 : i32
      %get3A_482 = arith.index_cast %get3A_481 : i32 to index
      %get3A_483 = arith.constant 48 : index
      %get3A_484 = tpu.vector_load %arg7[%get3A_482, %get3A_483] {strides = array<i32>} : memref<32x128xf32, #tpu.memory_space<vmem>>, vector<16xf32>,
      tpu.vector_store_idx %arg5[%gather3A_468, %add3A_25], %get3A_484 {add = true} : memref<512x144xf32, #tpu.memory_space<vmem>>[vector<16xi32>, vector<16xi32>], vector<16xf32>,
      %get3A_485 = arith.constant 11 : i32
      %get3A_486 = arith.index_cast %get3A_485 : i32 to index
      %get3A_487 = arith.constant 64 : index
      %get3A_488 = tpu.vector_load %arg7[%get3A_486, %get3A_487] {strides = array<i32>} : memref<32x128xf32, #tpu.memory_space<vmem>>, vector<16xf32>,
      tpu.vector_store_idx %arg5[%gather3A_468, %add3A_28], %get3A_488 {add = true} : memref<512x144xf32, #tpu.memory_space<vmem>>[vector<16xi32>, vector<16xi32>], vector<16xf32>,
      %get3A_489 = arith.constant 11 : i32
      %get3A_490 = arith.index_cast %get3A_489 : i32 to index
      %get3A_491 = arith.constant 80 : index
      %get3A_492 = tpu.vector_load %arg7[%get3A_490, %get3A_491] {strides = array<i32>} : memref<32x128xf32, #tpu.memory_space<vmem>>, vector<16xf32>,
      tpu.vector_store_idx %arg5[%gather3A_468, %add3A_31], %get3A_492 {add = true} : memref<512x144xf32, #tpu.memory_space<vmem>>[vector<16xi32>, vector<16xi32>], vector<16xf32>,
      %get3A_493 = arith.constant 11 : i32
      %get3A_494 = arith.index_cast %get3A_493 : i32 to index
      %get3A_495 = arith.constant 96 : index
      %get3A_496 = tpu.vector_load %arg7[%get3A_494, %get3A_495] {strides = array<i32>} : memref<32x128xf32, #tpu.memory_space<vmem>>, vector<16xf32>,
      tpu.vector_store_idx %arg5[%gather3A_468, %add3A_34], %get3A_496 {add = true} : memref<512x144xf32, #tpu.memory_space<vmem>>[vector<16xi32>, vector<16xi32>], vector<16xf32>,
      %get3A_497 = arith.constant 11 : i32
      %get3A_498 = arith.index_cast %get3A_497 : i32 to index
      %get3A_499 = arith.constant 112 : index
      %get3A_500 = tpu.vector_load %arg7[%get3A_498, %get3A_499] {strides = array<i32>} : memref<32x128xf32, #tpu.memory_space<vmem>>, vector<16xf32>,
      tpu.vector_store_idx %arg5[%gather3A_468, %add3A_37], %get3A_500 {add = true} : memref<512x144xf32, #tpu.memory_space<vmem>>[vector<16xi32>, vector<16xi32>], vector<16xf32>,
      tpu.vector_store_idx %arg5[%gather3A_468, %add3A_40], %select_n3A_13 {add = true} : memref<512x144xf32, #tpu.memory_space<vmem>>[vector<16xi32>, vector<16xi32>], vector<16xf32>,
      %broadcast_in_dim3A_501 = arith.constant 12 : i32
      %broadcast_in_dim3A_502 = vector.broadcast %broadcast_in_dim3A_501 : i32 to vector<16x1xi32>
      %gather3A_503 = vector.shape_cast %broadcast_in_dim3A_502 : vector<16x1xi32> to vector<16xi32>
      %gather3A_504 = tpu.dynamic_gather %get3A_69[%gather3A_503] in [0] : vector<16xi32>, vector<16xi32> -> vector<16xi32>
      %get3A_505 = arith.constant 12 : i32
      %get3A_506 = arith.index_cast %get3A_505 : i32 to index
      %get3A_507 = arith.constant 0 : index
      %get3A_508 = tpu.vector_load %arg7[%get3A_506, %get3A_507] {strides = array<i32>} : memref<32x128xf32, #tpu.memory_space<vmem>>, vector<16xf32>,
      tpu.vector_store_idx %arg5[%gather3A_504, %add3A_16], %get3A_508 {add = true} : memref<512x144xf32, #tpu.memory_space<vmem>>[vector<16xi32>, vector<16xi32>], vector<16xf32>,
      %get3A_509 = arith.constant 12 : i32
      %get3A_510 = arith.index_cast %get3A_509 : i32 to index
      %get3A_511 = arith.constant 16 : index
      %get3A_512 = tpu.vector_load %arg7[%get3A_510, %get3A_511] {strides = array<i32>} : memref<32x128xf32, #tpu.memory_space<vmem>>, vector<16xf32>,
      tpu.vector_store_idx %arg5[%gather3A_504, %add3A_19], %get3A_512 {add = true} : memref<512x144xf32, #tpu.memory_space<vmem>>[vector<16xi32>, vector<16xi32>], vector<16xf32>,
      %get3A_513 = arith.constant 12 : i32
      %get3A_514 = arith.index_cast %get3A_513 : i32 to index
      %get3A_515 = arith.constant 32 : index
      %get3A_516 = tpu.vector_load %arg7[%get3A_514, %get3A_515] {strides = array<i32>} : memref<32x128xf32, #tpu.memory_space<vmem>>, vector<16xf32>,
      tpu.vector_store_idx %arg5[%gather3A_504, %add3A_22], %get3A_516 {add = true} : memref<512x144xf32, #tpu.memory_space<vmem>>[vector<16xi32>, vector<16xi32>], vector<16xf32>,
      %get3A_517 = arith.constant 12 : i32
      %get3A_518 = arith.index_cast %get3A_517 : i32 to index
      %get3A_519 = arith.constant 48 : index
      %get3A_520 = tpu.vector_load %arg7[%get3A_518, %get3A_519] {strides = array<i32>} : memref<32x128xf32, #tpu.memory_space<vmem>>, vector<16xf32>,
      tpu.vector_store_idx %arg5[%gather3A_504, %add3A_25], %get3A_520 {add = true} : memref<512x144xf32, #tpu.memory_space<vmem>>[vector<16xi32>, vector<16xi32>], vector<16xf32>,
      %get3A_521 = arith.constant 12 : i32
      %get3A_522 = arith.index_cast %get3A_521 : i32 to index
      %get3A_523 = arith.constant 64 : index
      %get3A_524 = tpu.vector_load %arg7[%get3A_522, %get3A_523] {strides = array<i32>} : memref<32x128xf32, #tpu.memory_space<vmem>>, vector<16xf32>,
      tpu.vector_store_idx %arg5[%gather3A_504, %add3A_28], %get3A_524 {add = true} : memref<512x144xf32, #tpu.memory_space<vmem>>[vector<16xi32>, vector<16xi32>], vector<16xf32>,
      %get3A_525 = arith.constant 12 : i32
      %get3A_526 = arith.index_cast %get3A_525 : i32 to index
      %get3A_527 = arith.constant 80 : index
      %get3A_528 = tpu.vector_load %arg7[%get3A_526, %get3A_527] {strides = array<i32>} : memref<32x128xf32, #tpu.memory_space<vmem>>, vector<16xf32>,
      tpu.vector_store_idx %arg5[%gather3A_504, %add3A_31], %get3A_528 {add = true} : memref<512x144xf32, #tpu.memory_space<vmem>>[vector<16xi32>, vector<16xi32>], vector<16xf32>,
      %get3A_529 = arith.constant 12 : i32
      %get3A_530 = arith.index_cast %get3A_529 : i32 to index
      %get3A_531 = arith.constant 96 : index
      %get3A_532 = tpu.vector_load %arg7[%get3A_530, %get3A_531] {strides = array<i32>} : memref<32x128xf32, #tpu.memory_space<vmem>>, vector<16xf32>,
      tpu.vector_store_idx %arg5[%gather3A_504, %add3A_34], %get3A_532 {add = true} : memref<512x144xf32, #tpu.memory_space<vmem>>[vector<16xi32>, vector<16xi32>], vector<16xf32>,
      %get3A_533 = arith.constant 12 : i32
      %get3A_534 = arith.index_cast %get3A_533 : i32 to index
      %get3A_535 = arith.constant 112 : index
      %get3A_536 = tpu.vector_load %arg7[%get3A_534, %get3A_535] {strides = array<i32>} : memref<32x128xf32, #tpu.memory_space<vmem>>, vector<16xf32>,
      tpu.vector_store_idx %arg5[%gather3A_504, %add3A_37], %get3A_536 {add = true} : memref<512x144xf32, #tpu.memory_space<vmem>>[vector<16xi32>, vector<16xi32>], vector<16xf32>,
      tpu.vector_store_idx %arg5[%gather3A_504, %add3A_40], %select_n3A_13 {add = true} : memref<512x144xf32, #tpu.memory_space<vmem>>[vector<16xi32>, vector<16xi32>], vector<16xf32>,
      %broadcast_in_dim3A_537 = arith.constant 13 : i32
      %broadcast_in_dim3A_538 = vector.broadcast %broadcast_in_dim3A_537 : i32 to vector<16x1xi32>
      %gather3A_539 = vector.shape_cast %broadcast_in_dim3A_538 : vector<16x1xi32> to vector<16xi32>
      %gather3A_540 = tpu.dynamic_gather %get3A_69[%gather3A_539] in [0] : vector<16xi32>, vector<16xi32> -> vector<16xi32>
      %get3A_541 = arith.constant 13 : i32
      %get3A_542 = arith.index_cast %get3A_541 : i32 to index
      %get3A_543 = arith.constant 0 : index
      %get3A_544 = tpu.vector_load %arg7[%get3A_542, %get3A_543] {strides = array<i32>} : memref<32x128xf32, #tpu.memory_space<vmem>>, vector<16xf32>,
      tpu.vector_store_idx %arg5[%gather3A_540, %add3A_16], %get3A_544 {add = true} : memref<512x144xf32, #tpu.memory_space<vmem>>[vector<16xi32>, vector<16xi32>], vector<16xf32>,
      %get3A_545 = arith.constant 13 : i32
      %get3A_546 = arith.index_cast %get3A_545 : i32 to index
      %get3A_547 = arith.constant 16 : index
      %get3A_548 = tpu.vector_load %arg7[%get3A_546, %get3A_547] {strides = array<i32>} : memref<32x128xf32, #tpu.memory_space<vmem>>, vector<16xf32>,
      tpu.vector_store_idx %arg5[%gather3A_540, %add3A_19], %get3A_548 {add = true} : memref<512x144xf32, #tpu.memory_space<vmem>>[vector<16xi32>, vector<16xi32>], vector<16xf32>,
      %get3A_549 = arith.constant 13 : i32
      %get3A_550 = arith.index_cast %get3A_549 : i32 to index
      %get3A_551 = arith.constant 32 : index
      %get3A_552 = tpu.vector_load %arg7[%get3A_550, %get3A_551] {strides = array<i32>} : memref<32x128xf32, #tpu.memory_space<vmem>>, vector<16xf32>,
      tpu.vector_store_idx %arg5[%gather3A_540, %add3A_22], %get3A_552 {add = true} : memref<512x144xf32, #tpu.memory_space<vmem>>[vector<16xi32>, vector<16xi32>], vector<16xf32>,
      %get3A_553 = arith.constant 13 : i32
      %get3A_554 = arith.index_cast %get3A_553 : i32 to index
      %get3A_555 = arith.constant 48 : index
      %get3A_556 = tpu.vector_load %arg7[%get3A_554, %get3A_555] {strides = array<i32>} : memref<32x128xf32, #tpu.memory_space<vmem>>, vector<16xf32>,
      tpu.vector_store_idx %arg5[%gather3A_540, %add3A_25], %get3A_556 {add = true} : memref<512x144xf32, #tpu.memory_space<vmem>>[vector<16xi32>, vector<16xi32>], vector<16xf32>,
      %get3A_557 = arith.constant 13 : i32
      %get3A_558 = arith.index_cast %get3A_557 : i32 to index
      %get3A_559 = arith.constant 64 : index
      %get3A_560 = tpu.vector_load %arg7[%get3A_558, %get3A_559] {strides = array<i32>} : memref<32x128xf32, #tpu.memory_space<vmem>>, vector<16xf32>,
      tpu.vector_store_idx %arg5[%gather3A_540, %add3A_28], %get3A_560 {add = true} : memref<512x144xf32, #tpu.memory_space<vmem>>[vector<16xi32>, vector<16xi32>], vector<16xf32>,
      %get3A_561 = arith.constant 13 : i32
      %get3A_562 = arith.index_cast %get3A_561 : i32 to index
      %get3A_563 = arith.constant 80 : index
      %get3A_564 = tpu.vector_load %arg7[%get3A_562, %get3A_563] {strides = array<i32>} : memref<32x128xf32, #tpu.memory_space<vmem>>, vector<16xf32>,
      tpu.vector_store_idx %arg5[%gather3A_540, %add3A_31], %get3A_564 {add = true} : memref<512x144xf32, #tpu.memory_space<vmem>>[vector<16xi32>, vector<16xi32>], vector<16xf32>,
      %get3A_565 = arith.constant 13 : i32
      %get3A_566 = arith.index_cast %get3A_565 : i32 to index
      %get3A_567 = arith.constant 96 : index
      %get3A_568 = tpu.vector_load %arg7[%get3A_566, %get3A_567] {strides = array<i32>} : memref<32x128xf32, #tpu.memory_space<vmem>>, vector<16xf32>,
      tpu.vector_store_idx %arg5[%gather3A_540, %add3A_34], %get3A_568 {add = true} : memref<512x144xf32, #tpu.memory_space<vmem>>[vector<16xi32>, vector<16xi32>], vector<16xf32>,
      %get3A_569 = arith.constant 13 : i32
      %get3A_570 = arith.index_cast %get3A_569 : i32 to index
      %get3A_571 = arith.constant 112 : index
      %get3A_572 = tpu.vector_load %arg7[%get3A_570, %get3A_571] {strides = array<i32>} : memref<32x128xf32, #tpu.memory_space<vmem>>, vector<16xf32>,
      tpu.vector_store_idx %arg5[%gather3A_540, %add3A_37], %get3A_572 {add = true} : memref<512x144xf32, #tpu.memory_space<vmem>>[vector<16xi32>, vector<16xi32>], vector<16xf32>,
      tpu.vector_store_idx %arg5[%gather3A_540, %add3A_40], %select_n3A_13 {add = true} : memref<512x144xf32, #tpu.memory_space<vmem>>[vector<16xi32>, vector<16xi32>], vector<16xf32>,
      %broadcast_in_dim3A_573 = arith.constant 14 : i32
      %broadcast_in_dim3A_574 = vector.broadcast %broadcast_in_dim3A_573 : i32 to vector<16x1xi32>
      %gather3A_575 = vector.shape_cast %broadcast_in_dim3A_574 : vector<16x1xi32> to vector<16xi32>
      %gather3A_576 = tpu.dynamic_gather %get3A_69[%gather3A_575] in [0] : vector<16xi32>, vector<16xi32> -> vector<16xi32>
      %get3A_577 = arith.constant 14 : i32
      %get3A_578 = arith.index_cast %get3A_577 : i32 to index
      %get3A_579 = arith.constant 0 : index
      %get3A_580 = tpu.vector_load %arg7[%get3A_578, %get3A_579] {strides = array<i32>} : memref<32x128xf32, #tpu.memory_space<vmem>>, vector<16xf32>,
      tpu.vector_store_idx %arg5[%gather3A_576, %add3A_16], %get3A_580 {add = true} : memref<512x144xf32, #tpu.memory_space<vmem>>[vector<16xi32>, vector<16xi32>], vector<16xf32>,
      %get3A_581 = arith.constant 14 : i32
      %get3A_582 = arith.index_cast %get3A_581 : i32 to index
      %get3A_583 = arith.constant 16 : index
      %get3A_584 = tpu.vector_load %arg7[%get3A_582, %get3A_583] {strides = array<i32>} : memref<32x128xf32, #tpu.memory_space<vmem>>, vector<16xf32>,
      tpu.vector_store_idx %arg5[%gather3A_576, %add3A_19], %get3A_584 {add = true} : memref<512x144xf32, #tpu.memory_space<vmem>>[vector<16xi32>, vector<16xi32>], vector<16xf32>,
      %get3A_585 = arith.constant 14 : i32
      %get3A_586 = arith.index_cast %get3A_585 : i32 to index
      %get3A_587 = arith.constant 32 : index
      %get3A_588 = tpu.vector_load %arg7[%get3A_586, %get3A_587] {strides = array<i32>} : memref<32x128xf32, #tpu.memory_space<vmem>>, vector<16xf32>,
      tpu.vector_store_idx %arg5[%gather3A_576, %add3A_22], %get3A_588 {add = true} : memref<512x144xf32, #tpu.memory_space<vmem>>[vector<16xi32>, vector<16xi32>], vector<16xf32>,
      %get3A_589 = arith.constant 14 : i32
      %get3A_590 = arith.index_cast %get3A_589 : i32 to index
      %get3A_591 = arith.constant 48 : index
      %get3A_592 = tpu.vector_load %arg7[%get3A_590, %get3A_591] {strides = array<i32>} : memref<32x128xf32, #tpu.memory_space<vmem>>, vector<16xf32>,
      tpu.vector_store_idx %arg5[%gather3A_576, %add3A_25], %get3A_592 {add = true} : memref<512x144xf32, #tpu.memory_space<vmem>>[vector<16xi32>, vector<16xi32>], vector<16xf32>,
      %get3A_593 = arith.constant 14 : i32
      %get3A_594 = arith.index_cast %get3A_593 : i32 to index
      %get3A_595 = arith.constant 64 : index
      %get3A_596 = tpu.vector_load %arg7[%get3A_594, %get3A_595] {strides = array<i32>} : memref<32x128xf32, #tpu.memory_space<vmem>>, vector<16xf32>,
      tpu.vector_store_idx %arg5[%gather3A_576, %add3A_28], %get3A_596 {add = true} : memref<512x144xf32, #tpu.memory_space<vmem>>[vector<16xi32>, vector<16xi32>], vector<16xf32>,
      %get3A_597 = arith.constant 14 : i32
      %get3A_598 = arith.index_cast %get3A_597 : i32 to index
      %get3A_599 = arith.constant 80 : index
      %get3A_600 = tpu.vector_load %arg7[%get3A_598, %get3A_599] {strides = array<i32>} : memref<32x128xf32, #tpu.memory_space<vmem>>, vector<16xf32>,
      tpu.vector_store_idx %arg5[%gather3A_576, %add3A_31], %get3A_600 {add = true} : memref<512x144xf32, #tpu.memory_space<vmem>>[vector<16xi32>, vector<16xi32>], vector<16xf32>,
      %get3A_601 = arith.constant 14 : i32
      %get3A_602 = arith.index_cast %get3A_601 : i32 to index
      %get3A_603 = arith.constant 96 : index
      %get3A_604 = tpu.vector_load %arg7[%get3A_602, %get3A_603] {strides = array<i32>} : memref<32x128xf32, #tpu.memory_space<vmem>>, vector<16xf32>,
      tpu.vector_store_idx %arg5[%gather3A_576, %add3A_34], %get3A_604 {add = true} : memref<512x144xf32, #tpu.memory_space<vmem>>[vector<16xi32>, vector<16xi32>], vector<16xf32>,
      %get3A_605 = arith.constant 14 : i32
      %get3A_606 = arith.index_cast %get3A_605 : i32 to index
      %get3A_607 = arith.constant 112 : index
      %get3A_608 = tpu.vector_load %arg7[%get3A_606, %get3A_607] {strides = array<i32>} : memref<32x128xf32, #tpu.memory_space<vmem>>, vector<16xf32>,
      tpu.vector_store_idx %arg5[%gather3A_576, %add3A_37], %get3A_608 {add = true} : memref<512x144xf32, #tpu.memory_space<vmem>>[vector<16xi32>, vector<16xi32>], vector<16xf32>,
      tpu.vector_store_idx %arg5[%gather3A_576, %add3A_40], %select_n3A_13 {add = true} : memref<512x144xf32, #tpu.memory_space<vmem>>[vector<16xi32>, vector<16xi32>], vector<16xf32>,
      %broadcast_in_dim3A_609 = arith.constant 15 : i32
      %broadcast_in_dim3A_610 = vector.broadcast %broadcast_in_dim3A_609 : i32 to vector<16x1xi32>
      %gather3A_611 = vector.shape_cast %broadcast_in_dim3A_610 : vector<16x1xi32> to vector<16xi32>
      %gather3A_612 = tpu.dynamic_gather %get3A_69[%gather3A_611] in [0] : vector<16xi32>, vector<16xi32> -> vector<16xi32>
      %get3A_613 = arith.constant 15 : i32
      %get3A_614 = arith.index_cast %get3A_613 : i32 to index
      %get3A_615 = arith.constant 0 : index
      %get3A_616 = tpu.vector_load %arg7[%get3A_614, %get3A_615] {strides = array<i32>} : memref<32x128xf32, #tpu.memory_space<vmem>>, vector<16xf32>,
      tpu.vector_store_idx %arg5[%gather3A_612, %add3A_16], %get3A_616 {add = true} : memref<512x144xf32, #tpu.memory_space<vmem>>[vector<16xi32>, vector<16xi32>], vector<16xf32>,
      %get3A_617 = arith.constant 15 : i32
      %get3A_618 = arith.index_cast %get3A_617 : i32 to index
      %get3A_619 = arith.constant 16 : index
      %get3A_620 = tpu.vector_load %arg7[%get3A_618, %get3A_619] {strides = array<i32>} : memref<32x128xf32, #tpu.memory_space<vmem>>, vector<16xf32>,
      tpu.vector_store_idx %arg5[%gather3A_612, %add3A_19], %get3A_620 {add = true} : memref<512x144xf32, #tpu.memory_space<vmem>>[vector<16xi32>, vector<16xi32>], vector<16xf32>,
      %get3A_621 = arith.constant 15 : i32
      %get3A_622 = arith.index_cast %get3A_621 : i32 to index
      %get3A_623 = arith.constant 32 : index
      %get3A_624 = tpu.vector_load %arg7[%get3A_622, %get3A_623] {strides = array<i32>} : memref<32x128xf32, #tpu.memory_space<vmem>>, vector<16xf32>,
      tpu.vector_store_idx %arg5[%gather3A_612, %add3A_22], %get3A_624 {add = true} : memref<512x144xf32, #tpu.memory_space<vmem>>[vector<16xi32>, vector<16xi32>], vector<16xf32>,
      %get3A_625 = arith.constant 15 : i32
      %get3A_626 = arith.index_cast %get3A_625 : i32 to index
      %get3A_627 = arith.constant 48 : index
      %get3A_628 = tpu.vector_load %arg7[%get3A_626, %get3A_627] {strides = array<i32>} : memref<32x128xf32, #tpu.memory_space<vmem>>, vector<16xf32>,
      tpu.vector_store_idx %arg5[%gather3A_612, %add3A_25], %get3A_628 {add = true} : memref<512x144xf32, #tpu.memory_space<vmem>>[vector<16xi32>, vector<16xi32>], vector<16xf32>,
      %get3A_629 = arith.constant 15 : i32
      %get3A_630 = arith.index_cast %get3A_629 : i32 to index
      %get3A_631 = arith.constant 64 : index
      %get3A_632 = tpu.vector_load %arg7[%get3A_630, %get3A_631] {strides = array<i32>} : memref<32x128xf32, #tpu.memory_space<vmem>>, vector<16xf32>,
      tpu.vector_store_idx %arg5[%gather3A_612, %add3A_28], %get3A_632 {add = true} : memref<512x144xf32, #tpu.memory_space<vmem>>[vector<16xi32>, vector<16xi32>], vector<16xf32>,
      %get3A_633 = arith.constant 15 : i32
      %get3A_634 = arith.index_cast %get3A_633 : i32 to index
      %get3A_635 = arith.constant 80 : index
      %get3A_636 = tpu.vector_load %arg7[%get3A_634, %get3A_635] {strides = array<i32>} : memref<32x128xf32, #tpu.memory_space<vmem>>, vector<16xf32>,
      tpu.vector_store_idx %arg5[%gather3A_612, %add3A_31], %get3A_636 {add = true} : memref<512x144xf32, #tpu.memory_space<vmem>>[vector<16xi32>, vector<16xi32>], vector<16xf32>,
      %get3A_637 = arith.constant 15 : i32
      %get3A_638 = arith.index_cast %get3A_637 : i32 to index
      %get3A_639 = arith.constant 96 : index
      %get3A_640 = tpu.vector_load %arg7[%get3A_638, %get3A_639] {strides = array<i32>} : memref<32x128xf32, #tpu.memory_space<vmem>>, vector<16xf32>,
      tpu.vector_store_idx %arg5[%gather3A_612, %add3A_34], %get3A_640 {add = true} : memref<512x144xf32, #tpu.memory_space<vmem>>[vector<16xi32>, vector<16xi32>], vector<16xf32>,
      %get3A_641 = arith.constant 15 : i32
      %get3A_642 = arith.index_cast %get3A_641 : i32 to index
      %get3A_643 = arith.constant 112 : index
      %get3A_644 = tpu.vector_load %arg7[%get3A_642, %get3A_643] {strides = array<i32>} : memref<32x128xf32, #tpu.memory_space<vmem>>, vector<16xf32>,
      tpu.vector_store_idx %arg5[%gather3A_612, %add3A_37], %get3A_644 {add = true} : memref<512x144xf32, #tpu.memory_space<vmem>>[vector<16xi32>, vector<16xi32>], vector<16xf32>,
      tpu.vector_store_idx %arg5[%gather3A_612, %add3A_40], %select_n3A_13 {add = true} : memref<512x144xf32, #tpu.memory_space<vmem>>[vector<16xi32>, vector<16xi32>], vector<16xf32>,
      %mul3A_645 = arith.constant 32 : i32
      %mul3A_646 = arith.muli %while3A_55, %mul3A_645 : i32
      %add3A_647 = arith.constant 16 : i32
      %add3A_648 = arith.addi %mul3A_646, %add3A_647 : i32
      %get3A_649 = arith.index_cast %add3A_648 : i32 to index
      %get3A_650 = tpu.vector_load %arg6[%get3A_649] {strides = array<i32>} : memref<3136xi32, #tpu.memory_space<vmem>>, vector<16xi32>,
      %broadcast_in_dim3A_651 = arith.constant 0 : i32
      %broadcast_in_dim3A_652 = vector.broadcast %broadcast_in_dim3A_651 : i32 to vector<16x1xi32>
      %gather3A_653 = vector.shape_cast %broadcast_in_dim3A_652 : vector<16x1xi32> to vector<16xi32>
      %gather3A_654 = tpu.dynamic_gather %get3A_650[%gather3A_653] in [0] : vector<16xi32>, vector<16xi32> -> vector<16xi32>
      %get3A_655 = arith.constant 16 : i32
      %get3A_656 = arith.index_cast %get3A_655 : i32 to index
      %get3A_657 = arith.constant 0 : index
      %get3A_658 = tpu.vector_load %arg7[%get3A_656, %get3A_657] {strides = array<i32>} : memref<32x128xf32, #tpu.memory_space<vmem>>, vector<16xf32>,
      tpu.vector_store_idx %arg5[%gather3A_654, %add3A_16], %get3A_658 {add = true} : memref<512x144xf32, #tpu.memory_space<vmem>>[vector<16xi32>, vector<16xi32>], vector<16xf32>,
      %get3A_659 = arith.constant 16 : i32
      %get3A_660 = arith.index_cast %get3A_659 : i32 to index
      %get3A_661 = arith.constant 16 : index
      %get3A_662 = tpu.vector_load %arg7[%get3A_660, %get3A_661] {strides = array<i32>} : memref<32x128xf32, #tpu.memory_space<vmem>>, vector<16xf32>,
      tpu.vector_store_idx %arg5[%gather3A_654, %add3A_19], %get3A_662 {add = true} : memref<512x144xf32, #tpu.memory_space<vmem>>[vector<16xi32>, vector<16xi32>], vector<16xf32>,
      %get3A_663 = arith.constant 16 : i32
      %get3A_664 = arith.index_cast %get3A_663 : i32 to index
      %get3A_665 = arith.constant 32 : index
      %get3A_666 = tpu.vector_load %arg7[%get3A_664, %get3A_665] {strides = array<i32>} : memref<32x128xf32, #tpu.memory_space<vmem>>, vector<16xf32>,
      tpu.vector_store_idx %arg5[%gather3A_654, %add3A_22], %get3A_666 {add = true} : memref<512x144xf32, #tpu.memory_space<vmem>>[vector<16xi32>, vector<16xi32>], vector<16xf32>,
      %get3A_667 = arith.constant 16 : i32
      %get3A_668 = arith.index_cast %get3A_667 : i32 to index
      %get3A_669 = arith.constant 48 : index
      %get3A_670 = tpu.vector_load %arg7[%get3A_668, %get3A_669] {strides = array<i32>} : memref<32x128xf32, #tpu.memory_space<vmem>>, vector<16xf32>,
      tpu.vector_store_idx %arg5[%gather3A_654, %add3A_25], %get3A_670 {add = true} : memref<512x144xf32, #tpu.memory_space<vmem>>[vector<16xi32>, vector<16xi32>], vector<16xf32>,
      %get3A_671 = arith.constant 16 : i32
      %get3A_672 = arith.index_cast %get3A_671 : i32 to index
      %get3A_673 = arith.constant 64 : index
      %get3A_674 = tpu.vector_load %arg7[%get3A_672, %get3A_673] {strides = array<i32>} : memref<32x128xf32, #tpu.memory_space<vmem>>, vector<16xf32>,
      tpu.vector_store_idx %arg5[%gather3A_654, %add3A_28], %get3A_674 {add = true} : memref<512x144xf32, #tpu.memory_space<vmem>>[vector<16xi32>, vector<16xi32>], vector<16xf32>,
      %get3A_675 = arith.constant 16 : i32
      %get3A_676 = arith.index_cast %get3A_675 : i32 to index
      %get3A_677 = arith.constant 80 : index
      %get3A_678 = tpu.vector_load %arg7[%get3A_676, %get3A_677] {strides = array<i32>} : memref<32x128xf32, #tpu.memory_space<vmem>>, vector<16xf32>,
      tpu.vector_store_idx %arg5[%gather3A_654, %add3A_31], %get3A_678 {add = true} : memref<512x144xf32, #tpu.memory_space<vmem>>[vector<16xi32>, vector<16xi32>], vector<16xf32>,
      %get3A_679 = arith.constant 16 : i32
      %get3A_680 = arith.index_cast %get3A_679 : i32 to index
      %get3A_681 = arith.constant 96 : index
      %get3A_682 = tpu.vector_load %arg7[%get3A_680, %get3A_681] {strides = array<i32>} : memref<32x128xf32, #tpu.memory_space<vmem>>, vector<16xf32>,
      tpu.vector_store_idx %arg5[%gather3A_654, %add3A_34], %get3A_682 {add = true} : memref<512x144xf32, #tpu.memory_space<vmem>>[vector<16xi32>, vector<16xi32>], vector<16xf32>,
      %get3A_683 = arith.constant 16 : i32
      %get3A_684 = arith.index_cast %get3A_683 : i32 to index
      %get3A_685 = arith.constant 112 : index
      %get3A_686 = tpu.vector_load %arg7[%get3A_684, %get3A_685] {strides = array<i32>} : memref<32x128xf32, #tpu.memory_space<vmem>>, vector<16xf32>,
      tpu.vector_store_idx %arg5[%gather3A_654, %add3A_37], %get3A_686 {add = true} : memref<512x144xf32, #tpu.memory_space<vmem>>[vector<16xi32>, vector<16xi32>], vector<16xf32>,
      tpu.vector_store_idx %arg5[%gather3A_654, %add3A_40], %select_n3A_13 {add = true} : memref<512x144xf32, #tpu.memory_space<vmem>>[vector<16xi32>, vector<16xi32>], vector<16xf32>,
      %broadcast_in_dim3A_687 = arith.constant 1 : i32
      %broadcast_in_dim3A_688 = vector.broadcast %broadcast_in_dim3A_687 : i32 to vector<16x1xi32>
      %gather3A_689 = vector.shape_cast %broadcast_in_dim3A_688 : vector<16x1xi32> to vector<16xi32>
      %gather3A_690 = tpu.dynamic_gather %get3A_650[%gather3A_689] in [0] : vector<16xi32>, vector<16xi32> -> vector<16xi32>
      %get3A_691 = arith.constant 17 : i32
      %get3A_692 = arith.index_cast %get3A_691 : i32 to index
      %get3A_693 = arith.constant 0 : index
      %get3A_694 = tpu.vector_load %arg7[%get3A_692, %get3A_693] {strides = array<i32>} : memref<32x128xf32, #tpu.memory_space<vmem>>, vector<16xf32>,
      tpu.vector_store_idx %arg5[%gather3A_690, %add3A_16], %get3A_694 {add = true} : memref<512x144xf32, #tpu.memory_space<vmem>>[vector<16xi32>, vector<16xi32>], vector<16xf32>,
      %get3A_695 = arith.constant 17 : i32
      %get3A_696 = arith.index_cast %get3A_695 : i32 to index
      %get3A_697 = arith.constant 16 : index
      %get3A_698 = tpu.vector_load %arg7[%get3A_696, %get3A_697] {strides = array<i32>} : memref<32x128xf32, #tpu.memory_space<vmem>>, vector<16xf32>,
      tpu.vector_store_idx %arg5[%gather3A_690, %add3A_19], %get3A_698 {add = true} : memref<512x144xf32, #tpu.memory_space<vmem>>[vector<16xi32>, vector<16xi32>], vector<16xf32>,
      %get3A_699 = arith.constant 17 : i32
      %get3A_700 = arith.index_cast %get3A_699 : i32 to index
      %get3A_701 = arith.constant 32 : index
      %get3A_702 = tpu.vector_load %arg7[%get3A_700, %get3A_701] {strides = array<i32>} : memref<32x128xf32, #tpu.memory_space<vmem>>, vector<16xf32>,
      tpu.vector_store_idx %arg5[%gather3A_690, %add3A_22], %get3A_702 {add = true} : memref<512x144xf32, #tpu.memory_space<vmem>>[vector<16xi32>, vector<16xi32>], vector<16xf32>,
      %get3A_703 = arith.constant 17 : i32
      %get3A_704 = arith.index_cast %get3A_703 : i32 to index
      %get3A_705 = arith.constant 48 : index
      %get3A_706 = tpu.vector_load %arg7[%get3A_704, %get3A_705] {strides = array<i32>} : memref<32x128xf32, #tpu.memory_space<vmem>>, vector<16xf32>,
      tpu.vector_store_idx %arg5[%gather3A_690, %add3A_25], %get3A_706 {add = true} : memref<512x144xf32, #tpu.memory_space<vmem>>[vector<16xi32>, vector<16xi32>], vector<16xf32>,
      %get3A_707 = arith.constant 17 : i32
      %get3A_708 = arith.index_cast %get3A_707 : i32 to index
      %get3A_709 = arith.constant 64 : index
      %get3A_710 = tpu.vector_load %arg7[%get3A_708, %get3A_709] {strides = array<i32>} : memref<32x128xf32, #tpu.memory_space<vmem>>, vector<16xf32>,
      tpu.vector_store_idx %arg5[%gather3A_690, %add3A_28], %get3A_710 {add = true} : memref<512x144xf32, #tpu.memory_space<vmem>>[vector<16xi32>, vector<16xi32>], vector<16xf32>,
      %get3A_711 = arith.constant 17 : i32
      %get3A_712 = arith.index_cast %get3A_711 : i32 to index
      %get3A_713 = arith.constant 80 : index
      %get3A_714 = tpu.vector_load %arg7[%get3A_712, %get3A_713] {strides = array<i32>} : memref<32x128xf32, #tpu.memory_space<vmem>>, vector<16xf32>,
      tpu.vector_store_idx %arg5[%gather3A_690, %add3A_31], %get3A_714 {add = true} : memref<512x144xf32, #tpu.memory_space<vmem>>[vector<16xi32>, vector<16xi32>], vector<16xf32>,
      %get3A_715 = arith.constant 17 : i32
      %get3A_716 = arith.index_cast %get3A_715 : i32 to index
      %get3A_717 = arith.constant 96 : index
      %get3A_718 = tpu.vector_load %arg7[%get3A_716, %get3A_717] {strides = array<i32>} : memref<32x128xf32, #tpu.memory_space<vmem>>, vector<16xf32>,
      tpu.vector_store_idx %arg5[%gather3A_690, %add3A_34], %get3A_718 {add = true} : memref<512x144xf32, #tpu.memory_space<vmem>>[vector<16xi32>, vector<16xi32>], vector<16xf32>,
      %get3A_719 = arith.constant 17 : i32
      %get3A_720 = arith.index_cast %get3A_719 : i32 to index
      %get3A_721 = arith.constant 112 : index
      %get3A_722 = tpu.vector_load %arg7[%get3A_720, %get3A_721] {strides = array<i32>} : memref<32x128xf32, #tpu.memory_space<vmem>>, vector<16xf32>,
      tpu.vector_store_idx %arg5[%gather3A_690, %add3A_37], %get3A_722 {add = true} : memref<512x144xf32, #tpu.memory_space<vmem>>[vector<16xi32>, vector<16xi32>], vector<16xf32>,
      tpu.vector_store_idx %arg5[%gather3A_690, %add3A_40], %select_n3A_13 {add = true} : memref<512x144xf32, #tpu.memory_space<vmem>>[vector<16xi32>, vector<16xi32>], vector<16xf32>,
      %broadcast_in_dim3A_723 = arith.constant 2 : i32
      %broadcast_in_dim3A_724 = vector.broadcast %broadcast_in_dim3A_723 : i32 to vector<16x1xi32>
      %gather3A_725 = vector.shape_cast %broadcast_in_dim3A_724 : vector<16x1xi32> to vector<16xi32>
      %gather3A_726 = tpu.dynamic_gather %get3A_650[%gather3A_725] in [0] : vector<16xi32>, vector<16xi32> -> vector<16xi32>
      %get3A_727 = arith.constant 18 : i32
      %get3A_728 = arith.index_cast %get3A_727 : i32 to index
      %get3A_729 = arith.constant 0 : index
      %get3A_730 = tpu.vector_load %arg7[%get3A_728, %get3A_729] {strides = array<i32>} : memref<32x128xf32, #tpu.memory_space<vmem>>, vector<16xf32>,
      tpu.vector_store_idx %arg5[%gather3A_726, %add3A_16], %get3A_730 {add = true} : memref<512x144xf32, #tpu.memory_space<vmem>>[vector<16xi32>, vector<16xi32>], vector<16xf32>,
      %get3A_731 = arith.constant 18 : i32
      %get3A_732 = arith.index_cast %get3A_731 : i32 to index
      %get3A_733 = arith.constant 16 : index
      %get3A_734 = tpu.vector_load %arg7[%get3A_732, %get3A_733] {strides = array<i32>} : memref<32x128xf32, #tpu.memory_space<vmem>>, vector<16xf32>,
      tpu.vector_store_idx %arg5[%gather3A_726, %add3A_19], %get3A_734 {add = true} : memref<512x144xf32, #tpu.memory_space<vmem>>[vector<16xi32>, vector<16xi32>], vector<16xf32>,
      %get3A_735 = arith.constant 18 : i32
      %get3A_736 = arith.index_cast %get3A_735 : i32 to index
      %get3A_737 = arith.constant 32 : index
      %get3A_738 = tpu.vector_load %arg7[%get3A_736, %get3A_737] {strides = array<i32>} : memref<32x128xf32, #tpu.memory_space<vmem>>, vector<16xf32>,
      tpu.vector_store_idx %arg5[%gather3A_726, %add3A_22], %get3A_738 {add = true} : memref<512x144xf32, #tpu.memory_space<vmem>>[vector<16xi32>, vector<16xi32>], vector<16xf32>,
      %get3A_739 = arith.constant 18 : i32
      %get3A_740 = arith.index_cast %get3A_739 : i32 to index
      %get3A_741 = arith.constant 48 : index
      %get3A_742 = tpu.vector_load %arg7[%get3A_740, %get3A_741] {strides = array<i32>} : memref<32x128xf32, #tpu.memory_space<vmem>>, vector<16xf32>,
      tpu.vector_store_idx %arg5[%gather3A_726, %add3A_25], %get3A_742 {add = true} : memref<512x144xf32, #tpu.memory_space<vmem>>[vector<16xi32>, vector<16xi32>], vector<16xf32>,
      %get3A_743 = arith.constant 18 : i32
      %get3A_744 = arith.index_cast %get3A_743 : i32 to index
      %get3A_745 = arith.constant 64 : index
      %get3A_746 = tpu.vector_load %arg7[%get3A_744, %get3A_745] {strides = array<i32>} : memref<32x128xf32, #tpu.memory_space<vmem>>, vector<16xf32>,
      tpu.vector_store_idx %arg5[%gather3A_726, %add3A_28], %get3A_746 {add = true} : memref<512x144xf32, #tpu.memory_space<vmem>>[vector<16xi32>, vector<16xi32>], vector<16xf32>,
      %get3A_747 = arith.constant 18 : i32
      %get3A_748 = arith.index_cast %get3A_747 : i32 to index
      %get3A_749 = arith.constant 80 : index
      %get3A_750 = tpu.vector_load %arg7[%get3A_748, %get3A_749] {strides = array<i32>} : memref<32x128xf32, #tpu.memory_space<vmem>>, vector<16xf32>,
      tpu.vector_store_idx %arg5[%gather3A_726, %add3A_31], %get3A_750 {add = true} : memref<512x144xf32, #tpu.memory_space<vmem>>[vector<16xi32>, vector<16xi32>], vector<16xf32>,
      %get3A_751 = arith.constant 18 : i32
      %get3A_752 = arith.index_cast %get3A_751 : i32 to index
      %get3A_753 = arith.constant 96 : index
      %get3A_754 = tpu.vector_load %arg7[%get3A_752, %get3A_753] {strides = array<i32>} : memref<32x128xf32, #tpu.memory_space<vmem>>, vector<16xf32>,
      tpu.vector_store_idx %arg5[%gather3A_726, %add3A_34], %get3A_754 {add = true} : memref<512x144xf32, #tpu.memory_space<vmem>>[vector<16xi32>, vector<16xi32>], vector<16xf32>,
      %get3A_755 = arith.constant 18 : i32
      %get3A_756 = arith.index_cast %get3A_755 : i32 to index
      %get3A_757 = arith.constant 112 : index
      %get3A_758 = tpu.vector_load %arg7[%get3A_756, %get3A_757] {strides = array<i32>} : memref<32x128xf32, #tpu.memory_space<vmem>>, vector<16xf32>,
      tpu.vector_store_idx %arg5[%gather3A_726, %add3A_37], %get3A_758 {add = true} : memref<512x144xf32, #tpu.memory_space<vmem>>[vector<16xi32>, vector<16xi32>], vector<16xf32>,
      tpu.vector_store_idx %arg5[%gather3A_726, %add3A_40], %select_n3A_13 {add = true} : memref<512x144xf32, #tpu.memory_space<vmem>>[vector<16xi32>, vector<16xi32>], vector<16xf32>,
      %broadcast_in_dim3A_759 = arith.constant 3 : i32
      %broadcast_in_dim3A_760 = vector.broadcast %broadcast_in_dim3A_759 : i32 to vector<16x1xi32>
      %gather3A_761 = vector.shape_cast %broadcast_in_dim3A_760 : vector<16x1xi32> to vector<16xi32>
      %gather3A_762 = tpu.dynamic_gather %get3A_650[%gather3A_761] in [0] : vector<16xi32>, vector<16xi32> -> vector<16xi32>
      %get3A_763 = arith.constant 19 : i32
      %get3A_764 = arith.index_cast %get3A_763 : i32 to index
      %get3A_765 = arith.constant 0 : index
      %get3A_766 = tpu.vector_load %arg7[%get3A_764, %get3A_765] {strides = array<i32>} : memref<32x128xf32, #tpu.memory_space<vmem>>, vector<16xf32>,
      tpu.vector_store_idx %arg5[%gather3A_762, %add3A_16], %get3A_766 {add = true} : memref<512x144xf32, #tpu.memory_space<vmem>>[vector<16xi32>, vector<16xi32>], vector<16xf32>,
      %get3A_767 = arith.constant 19 : i32
      %get3A_768 = arith.index_cast %get3A_767 : i32 to index
      %get3A_769 = arith.constant 16 : index
      %get3A_770 = tpu.vector_load %arg7[%get3A_768, %get3A_769] {strides = array<i32>} : memref<32x128xf32, #tpu.memory_space<vmem>>, vector<16xf32>,
      tpu.vector_store_idx %arg5[%gather3A_762, %add3A_19], %get3A_770 {add = true} : memref<512x144xf32, #tpu.memory_space<vmem>>[vector<16xi32>, vector<16xi32>], vector<16xf32>,
      %get3A_771 = arith.constant 19 : i32
      %get3A_772 = arith.index_cast %get3A_771 : i32 to index
      %get3A_773 = arith.constant 32 : index
      %get3A_774 = tpu.vector_load %arg7[%get3A_772, %get3A_773] {strides = array<i32>} : memref<32x128xf32, #tpu.memory_space<vmem>>, vector<16xf32>,
      tpu.vector_store_idx %arg5[%gather3A_762, %add3A_22], %get3A_774 {add = true} : memref<512x144xf32, #tpu.memory_space<vmem>>[vector<16xi32>, vector<16xi32>], vector<16xf32>,
      %get3A_775 = arith.constant 19 : i32
      %get3A_776 = arith.index_cast %get3A_775 : i32 to index
      %get3A_777 = arith.constant 48 : index
      %get3A_778 = tpu.vector_load %arg7[%get3A_776, %get3A_777] {strides = array<i32>} : memref<32x128xf32, #tpu.memory_space<vmem>>, vector<16xf32>,
      tpu.vector_store_idx %arg5[%gather3A_762, %add3A_25], %get3A_778 {add = true} : memref<512x144xf32, #tpu.memory_space<vmem>>[vector<16xi32>, vector<16xi32>], vector<16xf32>,
      %get3A_779 = arith.constant 19 : i32
      %get3A_780 = arith.index_cast %get3A_779 : i32 to index
      %get3A_781 = arith.constant 64 : index
      %get3A_782 = tpu.vector_load %arg7[%get3A_780, %get3A_781] {strides = array<i32>} : memref<32x128xf32, #tpu.memory_space<vmem>>, vector<16xf32>,
      tpu.vector_store_idx %arg5[%gather3A_762, %add3A_28], %get3A_782 {add = true} : memref<512x144xf32, #tpu.memory_space<vmem>>[vector<16xi32>, vector<16xi32>], vector<16xf32>,
      %get3A_783 = arith.constant 19 : i32
      %get3A_784 = arith.index_cast %get3A_783 : i32 to index
      %get3A_785 = arith.constant 80 : index
      %get3A_786 = tpu.vector_load %arg7[%get3A_784, %get3A_785] {strides = array<i32>} : memref<32x128xf32, #tpu.memory_space<vmem>>, vector<16xf32>,
      tpu.vector_store_idx %arg5[%gather3A_762, %add3A_31], %get3A_786 {add = true} : memref<512x144xf32, #tpu.memory_space<vmem>>[vector<16xi32>, vector<16xi32>], vector<16xf32>,
      %get3A_787 = arith.constant 19 : i32
      %get3A_788 = arith.index_cast %get3A_787 : i32 to index
      %get3A_789 = arith.constant 96 : index
      %get3A_790 = tpu.vector_load %arg7[%get3A_788, %get3A_789] {strides = array<i32>} : memref<32x128xf32, #tpu.memory_space<vmem>>, vector<16xf32>,
      tpu.vector_store_idx %arg5[%gather3A_762, %add3A_34], %get3A_790 {add = true} : memref<512x144xf32, #tpu.memory_space<vmem>>[vector<16xi32>, vector<16xi32>], vector<16xf32>,
      %get3A_791 = arith.constant 19 : i32
      %get3A_792 = arith.index_cast %get3A_791 : i32 to index
      %get3A_793 = arith.constant 112 : index
      %get3A_794 = tpu.vector_load %arg7[%get3A_792, %get3A_793] {strides = array<i32>} : memref<32x128xf32, #tpu.memory_space<vmem>>, vector<16xf32>,
      tpu.vector_store_idx %arg5[%gather3A_762, %add3A_37], %get3A_794 {add = true} : memref<512x144xf32, #tpu.memory_space<vmem>>[vector<16xi32>, vector<16xi32>], vector<16xf32>,
      tpu.vector_store_idx %arg5[%gather3A_762, %add3A_40], %select_n3A_13 {add = true} : memref<512x144xf32, #tpu.memory_space<vmem>>[vector<16xi32>, vector<16xi32>], vector<16xf32>,
      %broadcast_in_dim3A_795 = arith.constant 4 : i32
      %broadcast_in_dim3A_796 = vector.broadcast %broadcast_in_dim3A_795 : i32 to vector<16x1xi32>
      %gather3A_797 = vector.shape_cast %broadcast_in_dim3A_796 : vector<16x1xi32> to vector<16xi32>
      %gather3A_798 = tpu.dynamic_gather %get3A_650[%gather3A_797] in [0] : vector<16xi32>, vector<16xi32> -> vector<16xi32>
      %get3A_799 = arith.constant 20 : i32
      %get3A_800 = arith.index_cast %get3A_799 : i32 to index
      %get3A_801 = arith.constant 0 : index
      %get3A_802 = tpu.vector_load %arg7[%get3A_800, %get3A_801] {strides = array<i32>} : memref<32x128xf32, #tpu.memory_space<vmem>>, vector<16xf32>,
      tpu.vector_store_idx %arg5[%gather3A_798, %add3A_16], %get3A_802 {add = true} : memref<512x144xf32, #tpu.memory_space<vmem>>[vector<16xi32>, vector<16xi32>], vector<16xf32>,
      %get3A_803 = arith.constant 20 : i32
      %get3A_804 = arith.index_cast %get3A_803 : i32 to index
      %get3A_805 = arith.constant 16 : index
      %get3A_806 = tpu.vector_load %arg7[%get3A_804, %get3A_805] {strides = array<i32>} : memref<32x128xf32, #tpu.memory_space<vmem>>, vector<16xf32>,
      tpu.vector_store_idx %arg5[%gather3A_798, %add3A_19], %get3A_806 {add = true} : memref<512x144xf32, #tpu.memory_space<vmem>>[vector<16xi32>, vector<16xi32>], vector<16xf32>,
      %get3A_807 = arith.constant 20 : i32
      %get3A_808 = arith.index_cast %get3A_807 : i32 to index
      %get3A_809 = arith.constant 32 : index
      %get3A_810 = tpu.vector_load %arg7[%get3A_808, %get3A_809] {strides = array<i32>} : memref<32x128xf32, #tpu.memory_space<vmem>>, vector<16xf32>,
      tpu.vector_store_idx %arg5[%gather3A_798, %add3A_22], %get3A_810 {add = true} : memref<512x144xf32, #tpu.memory_space<vmem>>[vector<16xi32>, vector<16xi32>], vector<16xf32>,
      %get3A_811 = arith.constant 20 : i32
      %get3A_812 = arith.index_cast %get3A_811 : i32 to index
      %get3A_813 = arith.constant 48 : index
      %get3A_814 = tpu.vector_load %arg7[%get3A_812, %get3A_813] {strides = array<i32>} : memref<32x128xf32, #tpu.memory_space<vmem>>, vector<16xf32>,
      tpu.vector_store_idx %arg5[%gather3A_798, %add3A_25], %get3A_814 {add = true} : memref<512x144xf32, #tpu.memory_space<vmem>>[vector<16xi32>, vector<16xi32>], vector<16xf32>,
      %get3A_815 = arith.constant 20 : i32
      %get3A_816 = arith.index_cast %get3A_815 : i32 to index
      %get3A_817 = arith.constant 64 : index
      %get3A_818 = tpu.vector_load %arg7[%get3A_816, %get3A_817] {strides = array<i32>} : memref<32x128xf32, #tpu.memory_space<vmem>>, vector<16xf32>,
      tpu.vector_store_idx %arg5[%gather3A_798, %add3A_28], %get3A_818 {add = true} : memref<512x144xf32, #tpu.memory_space<vmem>>[vector<16xi32>, vector<16xi32>], vector<16xf32>,
      %get3A_819 = arith.constant 20 : i32
      %get3A_820 = arith.index_cast %get3A_819 : i32 to index
      %get3A_821 = arith.constant 80 : index
      %get3A_822 = tpu.vector_load %arg7[%get3A_820, %get3A_821] {strides = array<i32>} : memref<32x128xf32, #tpu.memory_space<vmem>>, vector<16xf32>,
      tpu.vector_store_idx %arg5[%gather3A_798, %add3A_31], %get3A_822 {add = true} : memref<512x144xf32, #tpu.memory_space<vmem>>[vector<16xi32>, vector<16xi32>], vector<16xf32>,
      %get3A_823 = arith.constant 20 : i32
      %get3A_824 = arith.index_cast %get3A_823 : i32 to index
      %get3A_825 = arith.constant 96 : index
      %get3A_826 = tpu.vector_load %arg7[%get3A_824, %get3A_825] {strides = array<i32>} : memref<32x128xf32, #tpu.memory_space<vmem>>, vector<16xf32>,
      tpu.vector_store_idx %arg5[%gather3A_798, %add3A_34], %get3A_826 {add = true} : memref<512x144xf32, #tpu.memory_space<vmem>>[vector<16xi32>, vector<16xi32>], vector<16xf32>,
      %get3A_827 = arith.constant 20 : i32
      %get3A_828 = arith.index_cast %get3A_827 : i32 to index
      %get3A_829 = arith.constant 112 : index
      %get3A_830 = tpu.vector_load %arg7[%get3A_828, %get3A_829] {strides = array<i32>} : memref<32x128xf32, #tpu.memory_space<vmem>>, vector<16xf32>,
      tpu.vector_store_idx %arg5[%gather3A_798, %add3A_37], %get3A_830 {add = true} : memref<512x144xf32, #tpu.memory_space<vmem>>[vector<16xi32>, vector<16xi32>], vector<16xf32>,
      tpu.vector_store_idx %arg5[%gather3A_798, %add3A_40], %select_n3A_13 {add = true} : memref<512x144xf32, #tpu.memory_space<vmem>>[vector<16xi32>, vector<16xi32>], vector<16xf32>,
      %broadcast_in_dim3A_831 = arith.constant 5 : i32
      %broadcast_in_dim3A_832 = vector.broadcast %broadcast_in_dim3A_831 : i32 to vector<16x1xi32>
      %gather3A_833 = vector.shape_cast %broadcast_in_dim3A_832 : vector<16x1xi32> to vector<16xi32>
      %gather3A_834 = tpu.dynamic_gather %get3A_650[%gather3A_833] in [0] : vector<16xi32>, vector<16xi32> -> vector<16xi32>
      %get3A_835 = arith.constant 21 : i32
      %get3A_836 = arith.index_cast %get3A_835 : i32 to index
      %get3A_837 = arith.constant 0 : index
      %get3A_838 = tpu.vector_load %arg7[%get3A_836, %get3A_837] {strides = array<i32>} : memref<32x128xf32, #tpu.memory_space<vmem>>, vector<16xf32>,
      tpu.vector_store_idx %arg5[%gather3A_834, %add3A_16], %get3A_838 {add = true} : memref<512x144xf32, #tpu.memory_space<vmem>>[vector<16xi32>, vector<16xi32>], vector<16xf32>,
      %get3A_839 = arith.constant 21 : i32
      %get3A_840 = arith.index_cast %get3A_839 : i32 to index
      %get3A_841 = arith.constant 16 : index
      %get3A_842 = tpu.vector_load %arg7[%get3A_840, %get3A_841] {strides = array<i32>} : memref<32x128xf32, #tpu.memory_space<vmem>>, vector<16xf32>,
      tpu.vector_store_idx %arg5[%gather3A_834, %add3A_19], %get3A_842 {add = true} : memref<512x144xf32, #tpu.memory_space<vmem>>[vector<16xi32>, vector<16xi32>], vector<16xf32>,
      %get3A_843 = arith.constant 21 : i32
      %get3A_844 = arith.index_cast %get3A_843 : i32 to index
      %get3A_845 = arith.constant 32 : index
      %get3A_846 = tpu.vector_load %arg7[%get3A_844, %get3A_845] {strides = array<i32>} : memref<32x128xf32, #tpu.memory_space<vmem>>, vector<16xf32>,
      tpu.vector_store_idx %arg5[%gather3A_834, %add3A_22], %get3A_846 {add = true} : memref<512x144xf32, #tpu.memory_space<vmem>>[vector<16xi32>, vector<16xi32>], vector<16xf32>,
      %get3A_847 = arith.constant 21 : i32
      %get3A_848 = arith.index_cast %get3A_847 : i32 to index
      %get3A_849 = arith.constant 48 : index
      %get3A_850 = tpu.vector_load %arg7[%get3A_848, %get3A_849] {strides = array<i32>} : memref<32x128xf32, #tpu.memory_space<vmem>>, vector<16xf32>,
      tpu.vector_store_idx %arg5[%gather3A_834, %add3A_25], %get3A_850 {add = true} : memref<512x144xf32, #tpu.memory_space<vmem>>[vector<16xi32>, vector<16xi32>], vector<16xf32>,
      %get3A_851 = arith.constant 21 : i32
      %get3A_852 = arith.index_cast %get3A_851 : i32 to index
      %get3A_853 = arith.constant 64 : index
      %get3A_854 = tpu.vector_load %arg7[%get3A_852, %get3A_853] {strides = array<i32>} : memref<32x128xf32, #tpu.memory_space<vmem>>, vector<16xf32>,
      tpu.vector_store_idx %arg5[%gather3A_834, %add3A_28], %get3A_854 {add = true} : memref<512x144xf32, #tpu.memory_space<vmem>>[vector<16xi32>, vector<16xi32>], vector<16xf32>,
      %get3A_855 = arith.constant 21 : i32
      %get3A_856 = arith.index_cast %get3A_855 : i32 to index
      %get3A_857 = arith.constant 80 : index
      %get3A_858 = tpu.vector_load %arg7[%get3A_856, %get3A_857] {strides = array<i32>} : memref<32x128xf32, #tpu.memory_space<vmem>>, vector<16xf32>,
      tpu.vector_store_idx %arg5[%gather3A_834, %add3A_31], %get3A_858 {add = true} : memref<512x144xf32, #tpu.memory_space<vmem>>[vector<16xi32>, vector<16xi32>], vector<16xf32>,
      %get3A_859 = arith.constant 21 : i32
      %get3A_860 = arith.index_cast %get3A_859 : i32 to index
      %get3A_861 = arith.constant 96 : index
      %get3A_862 = tpu.vector_load %arg7[%get3A_860, %get3A_861] {strides = array<i32>} : memref<32x128xf32, #tpu.memory_space<vmem>>, vector<16xf32>,
      tpu.vector_store_idx %arg5[%gather3A_834, %add3A_34], %get3A_862 {add = true} : memref<512x144xf32, #tpu.memory_space<vmem>>[vector<16xi32>, vector<16xi32>], vector<16xf32>,
      %get3A_863 = arith.constant 21 : i32
      %get3A_864 = arith.index_cast %get3A_863 : i32 to index
      %get3A_865 = arith.constant 112 : index
      %get3A_866 = tpu.vector_load %arg7[%get3A_864, %get3A_865] {strides = array<i32>} : memref<32x128xf32, #tpu.memory_space<vmem>>, vector<16xf32>,
      tpu.vector_store_idx %arg5[%gather3A_834, %add3A_37], %get3A_866 {add = true} : memref<512x144xf32, #tpu.memory_space<vmem>>[vector<16xi32>, vector<16xi32>], vector<16xf32>,
      tpu.vector_store_idx %arg5[%gather3A_834, %add3A_40], %select_n3A_13 {add = true} : memref<512x144xf32, #tpu.memory_space<vmem>>[vector<16xi32>, vector<16xi32>], vector<16xf32>,
      %broadcast_in_dim3A_867 = arith.constant 6 : i32
      %broadcast_in_dim3A_868 = vector.broadcast %broadcast_in_dim3A_867 : i32 to vector<16x1xi32>
      %gather3A_869 = vector.shape_cast %broadcast_in_dim3A_868 : vector<16x1xi32> to vector<16xi32>
      %gather3A_870 = tpu.dynamic_gather %get3A_650[%gather3A_869] in [0] : vector<16xi32>, vector<16xi32> -> vector<16xi32>
      %get3A_871 = arith.constant 22 : i32
      %get3A_872 = arith.index_cast %get3A_871 : i32 to index
      %get3A_873 = arith.constant 0 : index
      %get3A_874 = tpu.vector_load %arg7[%get3A_872, %get3A_873] {strides = array<i32>} : memref<32x128xf32, #tpu.memory_space<vmem>>, vector<16xf32>,
      tpu.vector_store_idx %arg5[%gather3A_870, %add3A_16], %get3A_874 {add = true} : memref<512x144xf32, #tpu.memory_space<vmem>>[vector<16xi32>, vector<16xi32>], vector<16xf32>,
      %get3A_875 = arith.constant 22 : i32
      %get3A_876 = arith.index_cast %get3A_875 : i32 to index
      %get3A_877 = arith.constant 16 : index
      %get3A_878 = tpu.vector_load %arg7[%get3A_876, %get3A_877] {strides = array<i32>} : memref<32x128xf32, #tpu.memory_space<vmem>>, vector<16xf32>,
      tpu.vector_store_idx %arg5[%gather3A_870, %add3A_19], %get3A_878 {add = true} : memref<512x144xf32, #tpu.memory_space<vmem>>[vector<16xi32>, vector<16xi32>], vector<16xf32>,
      %get3A_879 = arith.constant 22 : i32
      %get3A_880 = arith.index_cast %get3A_879 : i32 to index
      %get3A_881 = arith.constant 32 : index
      %get3A_882 = tpu.vector_load %arg7[%get3A_880, %get3A_881] {strides = array<i32>} : memref<32x128xf32, #tpu.memory_space<vmem>>, vector<16xf32>,
      tpu.vector_store_idx %arg5[%gather3A_870, %add3A_22], %get3A_882 {add = true} : memref<512x144xf32, #tpu.memory_space<vmem>>[vector<16xi32>, vector<16xi32>], vector<16xf32>,
      %get3A_883 = arith.constant 22 : i32
      %get3A_884 = arith.index_cast %get3A_883 : i32 to index
      %get3A_885 = arith.constant 48 : index
      %get3A_886 = tpu.vector_load %arg7[%get3A_884, %get3A_885] {strides = array<i32>} : memref<32x128xf32, #tpu.memory_space<vmem>>, vector<16xf32>,
      tpu.vector_store_idx %arg5[%gather3A_870, %add3A_25], %get3A_886 {add = true} : memref<512x144xf32, #tpu.memory_space<vmem>>[vector<16xi32>, vector<16xi32>], vector<16xf32>,
      %get3A_887 = arith.constant 22 : i32
      %get3A_888 = arith.index_cast %get3A_887 : i32 to index
      %get3A_889 = arith.constant 64 : index
      %get3A_890 = tpu.vector_load %arg7[%get3A_888, %get3A_889] {strides = array<i32>} : memref<32x128xf32, #tpu.memory_space<vmem>>, vector<16xf32>,
      tpu.vector_store_idx %arg5[%gather3A_870, %add3A_28], %get3A_890 {add = true} : memref<512x144xf32, #tpu.memory_space<vmem>>[vector<16xi32>, vector<16xi32>], vector<16xf32>,
      %get3A_891 = arith.constant 22 : i32
      %get3A_892 = arith.index_cast %get3A_891 : i32 to index
      %get3A_893 = arith.constant 80 : index
      %get3A_894 = tpu.vector_load %arg7[%get3A_892, %get3A_893] {strides = array<i32>} : memref<32x128xf32, #tpu.memory_space<vmem>>, vector<16xf32>,
      tpu.vector_store_idx %arg5[%gather3A_870, %add3A_31], %get3A_894 {add = true} : memref<512x144xf32, #tpu.memory_space<vmem>>[vector<16xi32>, vector<16xi32>], vector<16xf32>,
      %get3A_895 = arith.constant 22 : i32
      %get3A_896 = arith.index_cast %get3A_895 : i32 to index
      %get3A_897 = arith.constant 96 : index
      %get3A_898 = tpu.vector_load %arg7[%get3A_896, %get3A_897] {strides = array<i32>} : memref<32x128xf32, #tpu.memory_space<vmem>>, vector<16xf32>,
      tpu.vector_store_idx %arg5[%gather3A_870, %add3A_34], %get3A_898 {add = true} : memref<512x144xf32, #tpu.memory_space<vmem>>[vector<16xi32>, vector<16xi32>], vector<16xf32>,
      %get3A_899 = arith.constant 22 : i32
      %get3A_900 = arith.index_cast %get3A_899 : i32 to index
      %get3A_901 = arith.constant 112 : index
      %get3A_902 = tpu.vector_load %arg7[%get3A_900, %get3A_901] {strides = array<i32>} : memref<32x128xf32, #tpu.memory_space<vmem>>, vector<16xf32>,
      tpu.vector_store_idx %arg5[%gather3A_870, %add3A_37], %get3A_902 {add = true} : memref<512x144xf32, #tpu.memory_space<vmem>>[vector<16xi32>, vector<16xi32>], vector<16xf32>,
      tpu.vector_store_idx %arg5[%gather3A_870, %add3A_40], %select_n3A_13 {add = true} : memref<512x144xf32, #tpu.memory_space<vmem>>[vector<16xi32>, vector<16xi32>], vector<16xf32>,
      %broadcast_in_dim3A_903 = arith.constant 7 : i32
      %broadcast_in_dim3A_904 = vector.broadcast %broadcast_in_dim3A_903 : i32 to vector<16x1xi32>
      %gather3A_905 = vector.shape_cast %broadcast_in_dim3A_904 : vector<16x1xi32> to vector<16xi32>
      %gather3A_906 = tpu.dynamic_gather %get3A_650[%gather3A_905] in [0] : vector<16xi32>, vector<16xi32> -> vector<16xi32>
      %get3A_907 = arith.constant 23 : i32
      %get3A_908 = arith.index_cast %get3A_907 : i32 to index
      %get3A_909 = arith.constant 0 : index
      %get3A_910 = tpu.vector_load %arg7[%get3A_908, %get3A_909] {strides = array<i32>} : memref<32x128xf32, #tpu.memory_space<vmem>>, vector<16xf32>,
      tpu.vector_store_idx %arg5[%gather3A_906, %add3A_16], %get3A_910 {add = true} : memref<512x144xf32, #tpu.memory_space<vmem>>[vector<16xi32>, vector<16xi32>], vector<16xf32>,
      %get3A_911 = arith.constant 23 : i32
      %get3A_912 = arith.index_cast %get3A_911 : i32 to index
      %get3A_913 = arith.constant 16 : index
      %get3A_914 = tpu.vector_load %arg7[%get3A_912, %get3A_913] {strides = array<i32>} : memref<32x128xf32, #tpu.memory_space<vmem>>, vector<16xf32>,
      tpu.vector_store_idx %arg5[%gather3A_906, %add3A_19], %get3A_914 {add = true} : memref<512x144xf32, #tpu.memory_space<vmem>>[vector<16xi32>, vector<16xi32>], vector<16xf32>,
      %get3A_915 = arith.constant 23 : i32
      %get3A_916 = arith.index_cast %get3A_915 : i32 to index
      %get3A_917 = arith.constant 32 : index
      %get3A_918 = tpu.vector_load %arg7[%get3A_916, %get3A_917] {strides = array<i32>} : memref<32x128xf32, #tpu.memory_space<vmem>>, vector<16xf32>,
      tpu.vector_store_idx %arg5[%gather3A_906, %add3A_22], %get3A_918 {add = true} : memref<512x144xf32, #tpu.memory_space<vmem>>[vector<16xi32>, vector<16xi32>], vector<16xf32>,
      %get3A_919 = arith.constant 23 : i32
      %get3A_920 = arith.index_cast %get3A_919 : i32 to index
      %get3A_921 = arith.constant 48 : index
      %get3A_922 = tpu.vector_load %arg7[%get3A_920, %get3A_921] {strides = array<i32>} : memref<32x128xf32, #tpu.memory_space<vmem>>, vector<16xf32>,
      tpu.vector_store_idx %arg5[%gather3A_906, %add3A_25], %get3A_922 {add = true} : memref<512x144xf32, #tpu.memory_space<vmem>>[vector<16xi32>, vector<16xi32>], vector<16xf32>,
      %get3A_923 = arith.constant 23 : i32
      %get3A_924 = arith.index_cast %get3A_923 : i32 to index
      %get3A_925 = arith.constant 64 : index
      %get3A_926 = tpu.vector_load %arg7[%get3A_924, %get3A_925] {strides = array<i32>} : memref<32x128xf32, #tpu.memory_space<vmem>>, vector<16xf32>,
      tpu.vector_store_idx %arg5[%gather3A_906, %add3A_28], %get3A_926 {add = true} : memref<512x144xf32, #tpu.memory_space<vmem>>[vector<16xi32>, vector<16xi32>], vector<16xf32>,
      %get3A_927 = arith.constant 23 : i32
      %get3A_928 = arith.index_cast %get3A_927 : i32 to index
      %get3A_929 = arith.constant 80 : index
      %get3A_930 = tpu.vector_load %arg7[%get3A_928, %get3A_929] {strides = array<i32>} : memref<32x128xf32, #tpu.memory_space<vmem>>, vector<16xf32>,
      tpu.vector_store_idx %arg5[%gather3A_906, %add3A_31], %get3A_930 {add = true} : memref<512x144xf32, #tpu.memory_space<vmem>>[vector<16xi32>, vector<16xi32>], vector<16xf32>,
      %get3A_931 = arith.constant 23 : i32
      %get3A_932 = arith.index_cast %get3A_931 : i32 to index
      %get3A_933 = arith.constant 96 : index
      %get3A_934 = tpu.vector_load %arg7[%get3A_932, %get3A_933] {strides = array<i32>} : memref<32x128xf32, #tpu.memory_space<vmem>>, vector<16xf32>,
      tpu.vector_store_idx %arg5[%gather3A_906, %add3A_34], %get3A_934 {add = true} : memref<512x144xf32, #tpu.memory_space<vmem>>[vector<16xi32>, vector<16xi32>], vector<16xf32>,
      %get3A_935 = arith.constant 23 : i32
      %get3A_936 = arith.index_cast %get3A_935 : i32 to index
      %get3A_937 = arith.constant 112 : index
      %get3A_938 = tpu.vector_load %arg7[%get3A_936, %get3A_937] {strides = array<i32>} : memref<32x128xf32, #tpu.memory_space<vmem>>, vector<16xf32>,
      tpu.vector_store_idx %arg5[%gather3A_906, %add3A_37], %get3A_938 {add = true} : memref<512x144xf32, #tpu.memory_space<vmem>>[vector<16xi32>, vector<16xi32>], vector<16xf32>,
      tpu.vector_store_idx %arg5[%gather3A_906, %add3A_40], %select_n3A_13 {add = true} : memref<512x144xf32, #tpu.memory_space<vmem>>[vector<16xi32>, vector<16xi32>], vector<16xf32>,
      %broadcast_in_dim3A_939 = arith.constant 8 : i32
      %broadcast_in_dim3A_940 = vector.broadcast %broadcast_in_dim3A_939 : i32 to vector<16x1xi32>
      %gather3A_941 = vector.shape_cast %broadcast_in_dim3A_940 : vector<16x1xi32> to vector<16xi32>
      %gather3A_942 = tpu.dynamic_gather %get3A_650[%gather3A_941] in [0] : vector<16xi32>, vector<16xi32> -> vector<16xi32>
      %get3A_943 = arith.constant 24 : i32
      %get3A_944 = arith.index_cast %get3A_943 : i32 to index
      %get3A_945 = arith.constant 0 : index
      %get3A_946 = tpu.vector_load %arg7[%get3A_944, %get3A_945] {strides = array<i32>} : memref<32x128xf32, #tpu.memory_space<vmem>>, vector<16xf32>,
      tpu.vector_store_idx %arg5[%gather3A_942, %add3A_16], %get3A_946 {add = true} : memref<512x144xf32, #tpu.memory_space<vmem>>[vector<16xi32>, vector<16xi32>], vector<16xf32>,
      %get3A_947 = arith.constant 24 : i32
      %get3A_948 = arith.index_cast %get3A_947 : i32 to index
      %get3A_949 = arith.constant 16 : index
      %get3A_950 = tpu.vector_load %arg7[%get3A_948, %get3A_949] {strides = array<i32>} : memref<32x128xf32, #tpu.memory_space<vmem>>, vector<16xf32>,
      tpu.vector_store_idx %arg5[%gather3A_942, %add3A_19], %get3A_950 {add = true} : memref<512x144xf32, #tpu.memory_space<vmem>>[vector<16xi32>, vector<16xi32>], vector<16xf32>,
      %get3A_951 = arith.constant 24 : i32
      %get3A_952 = arith.index_cast %get3A_951 : i32 to index
      %get3A_953 = arith.constant 32 : index
      %get3A_954 = tpu.vector_load %arg7[%get3A_952, %get3A_953] {strides = array<i32>} : memref<32x128xf32, #tpu.memory_space<vmem>>, vector<16xf32>,
      tpu.vector_store_idx %arg5[%gather3A_942, %add3A_22], %get3A_954 {add = true} : memref<512x144xf32, #tpu.memory_space<vmem>>[vector<16xi32>, vector<16xi32>], vector<16xf32>,
      %get3A_955 = arith.constant 24 : i32
      %get3A_956 = arith.index_cast %get3A_955 : i32 to index
      %get3A_957 = arith.constant 48 : index
      %get3A_958 = tpu.vector_load %arg7[%get3A_956, %get3A_957] {strides = array<i32>} : memref<32x128xf32, #tpu.memory_space<vmem>>, vector<16xf32>,
      tpu.vector_store_idx %arg5[%gather3A_942, %add3A_25], %get3A_958 {add = true} : memref<512x144xf32, #tpu.memory_space<vmem>>[vector<16xi32>, vector<16xi32>], vector<16xf32>,
      %get3A_959 = arith.constant 24 : i32
      %get3A_960 = arith.index_cast %get3A_959 : i32 to index
      %get3A_961 = arith.constant 64 : index
      %get3A_962 = tpu.vector_load %arg7[%get3A_960, %get3A_961] {strides = array<i32>} : memref<32x128xf32, #tpu.memory_space<vmem>>, vector<16xf32>,
      tpu.vector_store_idx %arg5[%gather3A_942, %add3A_28], %get3A_962 {add = true} : memref<512x144xf32, #tpu.memory_space<vmem>>[vector<16xi32>, vector<16xi32>], vector<16xf32>,
      %get3A_963 = arith.constant 24 : i32
      %get3A_964 = arith.index_cast %get3A_963 : i32 to index
      %get3A_965 = arith.constant 80 : index
      %get3A_966 = tpu.vector_load %arg7[%get3A_964, %get3A_965] {strides = array<i32>} : memref<32x128xf32, #tpu.memory_space<vmem>>, vector<16xf32>,
      tpu.vector_store_idx %arg5[%gather3A_942, %add3A_31], %get3A_966 {add = true} : memref<512x144xf32, #tpu.memory_space<vmem>>[vector<16xi32>, vector<16xi32>], vector<16xf32>,
      %get3A_967 = arith.constant 24 : i32
      %get3A_968 = arith.index_cast %get3A_967 : i32 to index
      %get3A_969 = arith.constant 96 : index
      %get3A_970 = tpu.vector_load %arg7[%get3A_968, %get3A_969] {strides = array<i32>} : memref<32x128xf32, #tpu.memory_space<vmem>>, vector<16xf32>,
      tpu.vector_store_idx %arg5[%gather3A_942, %add3A_34], %get3A_970 {add = true} : memref<512x144xf32, #tpu.memory_space<vmem>>[vector<16xi32>, vector<16xi32>], vector<16xf32>,
      %get3A_971 = arith.constant 24 : i32
      %get3A_972 = arith.index_cast %get3A_971 : i32 to index
      %get3A_973 = arith.constant 112 : index
      %get3A_974 = tpu.vector_load %arg7[%get3A_972, %get3A_973] {strides = array<i32>} : memref<32x128xf32, #tpu.memory_space<vmem>>, vector<16xf32>,
      tpu.vector_store_idx %arg5[%gather3A_942, %add3A_37], %get3A_974 {add = true} : memref<512x144xf32, #tpu.memory_space<vmem>>[vector<16xi32>, vector<16xi32>], vector<16xf32>,
      tpu.vector_store_idx %arg5[%gather3A_942, %add3A_40], %select_n3A_13 {add = true} : memref<512x144xf32, #tpu.memory_space<vmem>>[vector<16xi32>, vector<16xi32>], vector<16xf32>,
      %broadcast_in_dim3A_975 = arith.constant 9 : i32
      %broadcast_in_dim3A_976 = vector.broadcast %broadcast_in_dim3A_975 : i32 to vector<16x1xi32>
      %gather3A_977 = vector.shape_cast %broadcast_in_dim3A_976 : vector<16x1xi32> to vector<16xi32>
      %gather3A_978 = tpu.dynamic_gather %get3A_650[%gather3A_977] in [0] : vector<16xi32>, vector<16xi32> -> vector<16xi32>
      %get3A_979 = arith.constant 25 : i32
      %get3A_980 = arith.index_cast %get3A_979 : i32 to index
      %get3A_981 = arith.constant 0 : index
      %get3A_982 = tpu.vector_load %arg7[%get3A_980, %get3A_981] {strides = array<i32>} : memref<32x128xf32, #tpu.memory_space<vmem>>, vector<16xf32>,
      tpu.vector_store_idx %arg5[%gather3A_978, %add3A_16], %get3A_982 {add = true} : memref<512x144xf32, #tpu.memory_space<vmem>>[vector<16xi32>, vector<16xi32>], vector<16xf32>,
      %get3A_983 = arith.constant 25 : i32
      %get3A_984 = arith.index_cast %get3A_983 : i32 to index
      %get3A_985 = arith.constant 16 : index
      %get3A_986 = tpu.vector_load %arg7[%get3A_984, %get3A_985] {strides = array<i32>} : memref<32x128xf32, #tpu.memory_space<vmem>>, vector<16xf32>,
      tpu.vector_store_idx %arg5[%gather3A_978, %add3A_19], %get3A_986 {add = true} : memref<512x144xf32, #tpu.memory_space<vmem>>[vector<16xi32>, vector<16xi32>], vector<16xf32>,
      %get3A_987 = arith.constant 25 : i32
      %get3A_988 = arith.index_cast %get3A_987 : i32 to index
      %get3A_989 = arith.constant 32 : index
      %get3A_990 = tpu.vector_load %arg7[%get3A_988, %get3A_989] {strides = array<i32>} : memref<32x128xf32, #tpu.memory_space<vmem>>, vector<16xf32>,
      tpu.vector_store_idx %arg5[%gather3A_978, %add3A_22], %get3A_990 {add = true} : memref<512x144xf32, #tpu.memory_space<vmem>>[vector<16xi32>, vector<16xi32>], vector<16xf32>,
      %get3A_991 = arith.constant 25 : i32
      %get3A_992 = arith.index_cast %get3A_991 : i32 to index
      %get3A_993 = arith.constant 48 : index
      %get3A_994 = tpu.vector_load %arg7[%get3A_992, %get3A_993] {strides = array<i32>} : memref<32x128xf32, #tpu.memory_space<vmem>>, vector<16xf32>,
      tpu.vector_store_idx %arg5[%gather3A_978, %add3A_25], %get3A_994 {add = true} : memref<512x144xf32, #tpu.memory_space<vmem>>[vector<16xi32>, vector<16xi32>], vector<16xf32>,
      %get3A_995 = arith.constant 25 : i32
      %get3A_996 = arith.index_cast %get3A_995 : i32 to index
      %get3A_997 = arith.constant 64 : index
      %get3A_998 = tpu.vector_load %arg7[%get3A_996, %get3A_997] {strides = array<i32>} : memref<32x128xf32, #tpu.memory_space<vmem>>, vector<16xf32>,
      tpu.vector_store_idx %arg5[%gather3A_978, %add3A_28], %get3A_998 {add = true} : memref<512x144xf32, #tpu.memory_space<vmem>>[vector<16xi32>, vector<16xi32>], vector<16xf32>,
      %get3A_999 = arith.constant 25 : i32
      %get3A_1000 = arith.index_cast %get3A_999 : i32 to index
      %get3A_1001 = arith.constant 80 : index
      %get3A_1002 = tpu.vector_load %arg7[%get3A_1000, %get3A_1001] {strides = array<i32>} : memref<32x128xf32, #tpu.memory_space<vmem>>, vector<16xf32>,
      tpu.vector_store_idx %arg5[%gather3A_978, %add3A_31], %get3A_1002 {add = true} : memref<512x144xf32, #tpu.memory_space<vmem>>[vector<16xi32>, vector<16xi32>], vector<16xf32>,
      %get3A_1003 = arith.constant 25 : i32
      %get3A_1004 = arith.index_cast %get3A_1003 : i32 to index
      %get3A_1005 = arith.constant 96 : index
      %get3A_1006 = tpu.vector_load %arg7[%get3A_1004, %get3A_1005] {strides = array<i32>} : memref<32x128xf32, #tpu.memory_space<vmem>>, vector<16xf32>,
      tpu.vector_store_idx %arg5[%gather3A_978, %add3A_34], %get3A_1006 {add = true} : memref<512x144xf32, #tpu.memory_space<vmem>>[vector<16xi32>, vector<16xi32>], vector<16xf32>,
      %get3A_1007 = arith.constant 25 : i32
      %get3A_1008 = arith.index_cast %get3A_1007 : i32 to index
      %get3A_1009 = arith.constant 112 : index
      %get3A_1010 = tpu.vector_load %arg7[%get3A_1008, %get3A_1009] {strides = array<i32>} : memref<32x128xf32, #tpu.memory_space<vmem>>, vector<16xf32>,
      tpu.vector_store_idx %arg5[%gather3A_978, %add3A_37], %get3A_1010 {add = true} : memref<512x144xf32, #tpu.memory_space<vmem>>[vector<16xi32>, vector<16xi32>], vector<16xf32>,
      tpu.vector_store_idx %arg5[%gather3A_978, %add3A_40], %select_n3A_13 {add = true} : memref<512x144xf32, #tpu.memory_space<vmem>>[vector<16xi32>, vector<16xi32>], vector<16xf32>,
      %broadcast_in_dim3A_1011 = arith.constant 10 : i32
      %broadcast_in_dim3A_1012 = vector.broadcast %broadcast_in_dim3A_1011 : i32 to vector<16x1xi32>
      %gather3A_1013 = vector.shape_cast %broadcast_in_dim3A_1012 : vector<16x1xi32> to vector<16xi32>
      %gather3A_1014 = tpu.dynamic_gather %get3A_650[%gather3A_1013] in [0] : vector<16xi32>, vector<16xi32> -> vector<16xi32>
      %get3A_1015 = arith.constant 26 : i32
      %get3A_1016 = arith.index_cast %get3A_1015 : i32 to index
      %get3A_1017 = arith.constant 0 : index
      %get3A_1018 = tpu.vector_load %arg7[%get3A_1016, %get3A_1017] {strides = array<i32>} : memref<32x128xf32, #tpu.memory_space<vmem>>, vector<16xf32>,
      tpu.vector_store_idx %arg5[%gather3A_1014, %add3A_16], %get3A_1018 {add = true} : memref<512x144xf32, #tpu.memory_space<vmem>>[vector<16xi32>, vector<16xi32>], vector<16xf32>,
      %get3A_1019 = arith.constant 26 : i32
      %get3A_1020 = arith.index_cast %get3A_1019 : i32 to index
      %get3A_1021 = arith.constant 16 : index
      %get3A_1022 = tpu.vector_load %arg7[%get3A_1020, %get3A_1021] {strides = array<i32>} : memref<32x128xf32, #tpu.memory_space<vmem>>, vector<16xf32>,
      tpu.vector_store_idx %arg5[%gather3A_1014, %add3A_19], %get3A_1022 {add = true} : memref<512x144xf32, #tpu.memory_space<vmem>>[vector<16xi32>, vector<16xi32>], vector<16xf32>,
      %get3A_1023 = arith.constant 26 : i32
      %get3A_1024 = arith.index_cast %get3A_1023 : i32 to index
      %get3A_1025 = arith.constant 32 : index
      %get3A_1026 = tpu.vector_load %arg7[%get3A_1024, %get3A_1025] {strides = array<i32>} : memref<32x128xf32, #tpu.memory_space<vmem>>, vector<16xf32>,
      tpu.vector_store_idx %arg5[%gather3A_1014, %add3A_22], %get3A_1026 {add = true} : memref<512x144xf32, #tpu.memory_space<vmem>>[vector<16xi32>, vector<16xi32>], vector<16xf32>,
      %get3A_1027 = arith.constant 26 : i32
      %get3A_1028 = arith.index_cast %get3A_1027 : i32 to index
      %get3A_1029 = arith.constant 48 : index
      %get3A_1030 = tpu.vector_load %arg7[%get3A_1028, %get3A_1029] {strides = array<i32>} : memref<32x128xf32, #tpu.memory_space<vmem>>, vector<16xf32>,
      tpu.vector_store_idx %arg5[%gather3A_1014, %add3A_25], %get3A_1030 {add = true} : memref<512x144xf32, #tpu.memory_space<vmem>>[vector<16xi32>, vector<16xi32>], vector<16xf32>,
      %get3A_1031 = arith.constant 26 : i32
      %get3A_1032 = arith.index_cast %get3A_1031 : i32 to index
      %get3A_1033 = arith.constant 64 : index
      %get3A_1034 = tpu.vector_load %arg7[%get3A_1032, %get3A_1033] {strides = array<i32>} : memref<32x128xf32, #tpu.memory_space<vmem>>, vector<16xf32>,
      tpu.vector_store_idx %arg5[%gather3A_1014, %add3A_28], %get3A_1034 {add = true} : memref<512x144xf32, #tpu.memory_space<vmem>>[vector<16xi32>, vector<16xi32>], vector<16xf32>,
      %get3A_1035 = arith.constant 26 : i32
      %get3A_1036 = arith.index_cast %get3A_1035 : i32 to index
      %get3A_1037 = arith.constant 80 : index
      %get3A_1038 = tpu.vector_load %arg7[%get3A_1036, %get3A_1037] {strides = array<i32>} : memref<32x128xf32, #tpu.memory_space<vmem>>, vector<16xf32>,
      tpu.vector_store_idx %arg5[%gather3A_1014, %add3A_31], %get3A_1038 {add = true} : memref<512x144xf32, #tpu.memory_space<vmem>>[vector<16xi32>, vector<16xi32>], vector<16xf32>,
      %get3A_1039 = arith.constant 26 : i32
      %get3A_1040 = arith.index_cast %get3A_1039 : i32 to index
      %get3A_1041 = arith.constant 96 : index
      %get3A_1042 = tpu.vector_load %arg7[%get3A_1040, %get3A_1041] {strides = array<i32>} : memref<32x128xf32, #tpu.memory_space<vmem>>, vector<16xf32>,
      tpu.vector_store_idx %arg5[%gather3A_1014, %add3A_34], %get3A_1042 {add = true} : memref<512x144xf32, #tpu.memory_space<vmem>>[vector<16xi32>, vector<16xi32>], vector<16xf32>,
      %get3A_1043 = arith.constant 26 : i32
      %get3A_1044 = arith.index_cast %get3A_1043 : i32 to index
      %get3A_1045 = arith.constant 112 : index
      %get3A_1046 = tpu.vector_load %arg7[%get3A_1044, %get3A_1045] {strides = array<i32>} : memref<32x128xf32, #tpu.memory_space<vmem>>, vector<16xf32>,
      tpu.vector_store_idx %arg5[%gather3A_1014, %add3A_37], %get3A_1046 {add = true} : memref<512x144xf32, #tpu.memory_space<vmem>>[vector<16xi32>, vector<16xi32>], vector<16xf32>,
      tpu.vector_store_idx %arg5[%gather3A_1014, %add3A_40], %select_n3A_13 {add = true} : memref<512x144xf32, #tpu.memory_space<vmem>>[vector<16xi32>, vector<16xi32>], vector<16xf32>,
      %broadcast_in_dim3A_1047 = arith.constant 11 : i32
      %broadcast_in_dim3A_1048 = vector.broadcast %broadcast_in_dim3A_1047 : i32 to vector<16x1xi32>
      %gather3A_1049 = vector.shape_cast %broadcast_in_dim3A_1048 : vector<16x1xi32> to vector<16xi32>
      %gather3A_1050 = tpu.dynamic_gather %get3A_650[%gather3A_1049] in [0] : vector<16xi32>, vector<16xi32> -> vector<16xi32>
      %get3A_1051 = arith.constant 27 : i32
      %get3A_1052 = arith.index_cast %get3A_1051 : i32 to index
      %get3A_1053 = arith.constant 0 : index
      %get3A_1054 = tpu.vector_load %arg7[%get3A_1052, %get3A_1053] {strides = array<i32>} : memref<32x128xf32, #tpu.memory_space<vmem>>, vector<16xf32>,
      tpu.vector_store_idx %arg5[%gather3A_1050, %add3A_16], %get3A_1054 {add = true} : memref<512x144xf32, #tpu.memory_space<vmem>>[vector<16xi32>, vector<16xi32>], vector<16xf32>,
      %get3A_1055 = arith.constant 27 : i32
      %get3A_1056 = arith.index_cast %get3A_1055 : i32 to index
      %get3A_1057 = arith.constant 16 : index
      %get3A_1058 = tpu.vector_load %arg7[%get3A_1056, %get3A_1057] {strides = array<i32>} : memref<32x128xf32, #tpu.memory_space<vmem>>, vector<16xf32>,
      tpu.vector_store_idx %arg5[%gather3A_1050, %add3A_19], %get3A_1058 {add = true} : memref<512x144xf32, #tpu.memory_space<vmem>>[vector<16xi32>, vector<16xi32>], vector<16xf32>,
      %get3A_1059 = arith.constant 27 : i32
      %get3A_1060 = arith.index_cast %get3A_1059 : i32 to index
      %get3A_1061 = arith.constant 32 : index
      %get3A_1062 = tpu.vector_load %arg7[%get3A_1060, %get3A_1061] {strides = array<i32>} : memref<32x128xf32, #tpu.memory_space<vmem>>, vector<16xf32>,
      tpu.vector_store_idx %arg5[%gather3A_1050, %add3A_22], %get3A_1062 {add = true} : memref<512x144xf32, #tpu.memory_space<vmem>>[vector<16xi32>, vector<16xi32>], vector<16xf32>,
      %get3A_1063 = arith.constant 27 : i32
      %get3A_1064 = arith.index_cast %get3A_1063 : i32 to index
      %get3A_1065 = arith.constant 48 : index
      %get3A_1066 = tpu.vector_load %arg7[%get3A_1064, %get3A_1065] {strides = array<i32>} : memref<32x128xf32, #tpu.memory_space<vmem>>, vector<16xf32>,
      tpu.vector_store_idx %arg5[%gather3A_1050, %add3A_25], %get3A_1066 {add = true} : memref<512x144xf32, #tpu.memory_space<vmem>>[vector<16xi32>, vector<16xi32>], vector<16xf32>,
      %get3A_1067 = arith.constant 27 : i32
      %get3A_1068 = arith.index_cast %get3A_1067 : i32 to index
      %get3A_1069 = arith.constant 64 : index
      %get3A_1070 = tpu.vector_load %arg7[%get3A_1068, %get3A_1069] {strides = array<i32>} : memref<32x128xf32, #tpu.memory_space<vmem>>, vector<16xf32>,
      tpu.vector_store_idx %arg5[%gather3A_1050, %add3A_28], %get3A_1070 {add = true} : memref<512x144xf32, #tpu.memory_space<vmem>>[vector<16xi32>, vector<16xi32>], vector<16xf32>,
      %get3A_1071 = arith.constant 27 : i32
      %get3A_1072 = arith.index_cast %get3A_1071 : i32 to index
      %get3A_1073 = arith.constant 80 : index
      %get3A_1074 = tpu.vector_load %arg7[%get3A_1072, %get3A_1073] {strides = array<i32>} : memref<32x128xf32, #tpu.memory_space<vmem>>, vector<16xf32>,
      tpu.vector_store_idx %arg5[%gather3A_1050, %add3A_31], %get3A_1074 {add = true} : memref<512x144xf32, #tpu.memory_space<vmem>>[vector<16xi32>, vector<16xi32>], vector<16xf32>,
      %get3A_1075 = arith.constant 27 : i32
      %get3A_1076 = arith.index_cast %get3A_1075 : i32 to index
      %get3A_1077 = arith.constant 96 : index
      %get3A_1078 = tpu.vector_load %arg7[%get3A_1076, %get3A_1077] {strides = array<i32>} : memref<32x128xf32, #tpu.memory_space<vmem>>, vector<16xf32>,
      tpu.vector_store_idx %arg5[%gather3A_1050, %add3A_34], %get3A_1078 {add = true} : memref<512x144xf32, #tpu.memory_space<vmem>>[vector<16xi32>, vector<16xi32>], vector<16xf32>,
      %get3A_1079 = arith.constant 27 : i32
      %get3A_1080 = arith.index_cast %get3A_1079 : i32 to index
      %get3A_1081 = arith.constant 112 : index
      %get3A_1082 = tpu.vector_load %arg7[%get3A_1080, %get3A_1081] {strides = array<i32>} : memref<32x128xf32, #tpu.memory_space<vmem>>, vector<16xf32>,
      tpu.vector_store_idx %arg5[%gather3A_1050, %add3A_37], %get3A_1082 {add = true} : memref<512x144xf32, #tpu.memory_space<vmem>>[vector<16xi32>, vector<16xi32>], vector<16xf32>,
      tpu.vector_store_idx %arg5[%gather3A_1050, %add3A_40], %select_n3A_13 {add = true} : memref<512x144xf32, #tpu.memory_space<vmem>>[vector<16xi32>, vector<16xi32>], vector<16xf32>,
      %broadcast_in_dim3A_1083 = arith.constant 12 : i32
      %broadcast_in_dim3A_1084 = vector.broadcast %broadcast_in_dim3A_1083 : i32 to vector<16x1xi32>
      %gather3A_1085 = vector.shape_cast %broadcast_in_dim3A_1084 : vector<16x1xi32> to vector<16xi32>
      %gather3A_1086 = tpu.dynamic_gather %get3A_650[%gather3A_1085] in [0] : vector<16xi32>, vector<16xi32> -> vector<16xi32>
      %get3A_1087 = arith.constant 28 : i32
      %get3A_1088 = arith.index_cast %get3A_1087 : i32 to index
      %get3A_1089 = arith.constant 0 : index
      %get3A_1090 = tpu.vector_load %arg7[%get3A_1088, %get3A_1089] {strides = array<i32>} : memref<32x128xf32, #tpu.memory_space<vmem>>, vector<16xf32>,
      tpu.vector_store_idx %arg5[%gather3A_1086, %add3A_16], %get3A_1090 {add = true} : memref<512x144xf32, #tpu.memory_space<vmem>>[vector<16xi32>, vector<16xi32>], vector<16xf32>,
      %get3A_1091 = arith.constant 28 : i32
      %get3A_1092 = arith.index_cast %get3A_1091 : i32 to index
      %get3A_1093 = arith.constant 16 : index
      %get3A_1094 = tpu.vector_load %arg7[%get3A_1092, %get3A_1093] {strides = array<i32>} : memref<32x128xf32, #tpu.memory_space<vmem>>, vector<16xf32>,
      tpu.vector_store_idx %arg5[%gather3A_1086, %add3A_19], %get3A_1094 {add = true} : memref<512x144xf32, #tpu.memory_space<vmem>>[vector<16xi32>, vector<16xi32>], vector<16xf32>,
      %get3A_1095 = arith.constant 28 : i32
      %get3A_1096 = arith.index_cast %get3A_1095 : i32 to index
      %get3A_1097 = arith.constant 32 : index
      %get3A_1098 = tpu.vector_load %arg7[%get3A_1096, %get3A_1097] {strides = array<i32>} : memref<32x128xf32, #tpu.memory_space<vmem>>, vector<16xf32>,
      tpu.vector_store_idx %arg5[%gather3A_1086, %add3A_22], %get3A_1098 {add = true} : memref<512x144xf32, #tpu.memory_space<vmem>>[vector<16xi32>, vector<16xi32>], vector<16xf32>,
      %get3A_1099 = arith.constant 28 : i32
      %get3A_1100 = arith.index_cast %get3A_1099 : i32 to index
      %get3A_1101 = arith.constant 48 : index
      %get3A_1102 = tpu.vector_load %arg7[%get3A_1100, %get3A_1101] {strides = array<i32>} : memref<32x128xf32, #tpu.memory_space<vmem>>, vector<16xf32>,
      tpu.vector_store_idx %arg5[%gather3A_1086, %add3A_25], %get3A_1102 {add = true} : memref<512x144xf32, #tpu.memory_space<vmem>>[vector<16xi32>, vector<16xi32>], vector<16xf32>,
      %get3A_1103 = arith.constant 28 : i32
      %get3A_1104 = arith.index_cast %get3A_1103 : i32 to index
      %get3A_1105 = arith.constant 64 : index
      %get3A_1106 = tpu.vector_load %arg7[%get3A_1104, %get3A_1105] {strides = array<i32>} : memref<32x128xf32, #tpu.memory_space<vmem>>, vector<16xf32>,
      tpu.vector_store_idx %arg5[%gather3A_1086, %add3A_28], %get3A_1106 {add = true} : memref<512x144xf32, #tpu.memory_space<vmem>>[vector<16xi32>, vector<16xi32>], vector<16xf32>,
      %get3A_1107 = arith.constant 28 : i32
      %get3A_1108 = arith.index_cast %get3A_1107 : i32 to index
      %get3A_1109 = arith.constant 80 : index
      %get3A_1110 = tpu.vector_load %arg7[%get3A_1108, %get3A_1109] {strides = array<i32>} : memref<32x128xf32, #tpu.memory_space<vmem>>, vector<16xf32>,
      tpu.vector_store_idx %arg5[%gather3A_1086, %add3A_31], %get3A_1110 {add = true} : memref<512x144xf32, #tpu.memory_space<vmem>>[vector<16xi32>, vector<16xi32>], vector<16xf32>,
      %get3A_1111 = arith.constant 28 : i32
      %get3A_1112 = arith.index_cast %get3A_1111 : i32 to index
      %get3A_1113 = arith.constant 96 : index
      %get3A_1114 = tpu.vector_load %arg7[%get3A_1112, %get3A_1113] {strides = array<i32>} : memref<32x128xf32, #tpu.memory_space<vmem>>, vector<16xf32>,
      tpu.vector_store_idx %arg5[%gather3A_1086, %add3A_34], %get3A_1114 {add = true} : memref<512x144xf32, #tpu.memory_space<vmem>>[vector<16xi32>, vector<16xi32>], vector<16xf32>,
      %get3A_1115 = arith.constant 28 : i32
      %get3A_1116 = arith.index_cast %get3A_1115 : i32 to index
      %get3A_1117 = arith.constant 112 : index
      %get3A_1118 = tpu.vector_load %arg7[%get3A_1116, %get3A_1117] {strides = array<i32>} : memref<32x128xf32, #tpu.memory_space<vmem>>, vector<16xf32>,
      tpu.vector_store_idx %arg5[%gather3A_1086, %add3A_37], %get3A_1118 {add = true} : memref<512x144xf32, #tpu.memory_space<vmem>>[vector<16xi32>, vector<16xi32>], vector<16xf32>,
      tpu.vector_store_idx %arg5[%gather3A_1086, %add3A_40], %select_n3A_13 {add = true} : memref<512x144xf32, #tpu.memory_space<vmem>>[vector<16xi32>, vector<16xi32>], vector<16xf32>,
      %broadcast_in_dim3A_1119 = arith.constant 13 : i32
      %broadcast_in_dim3A_1120 = vector.broadcast %broadcast_in_dim3A_1119 : i32 to vector<16x1xi32>
      %gather3A_1121 = vector.shape_cast %broadcast_in_dim3A_1120 : vector<16x1xi32> to vector<16xi32>
      %gather3A_1122 = tpu.dynamic_gather %get3A_650[%gather3A_1121] in [0] : vector<16xi32>, vector<16xi32> -> vector<16xi32>
      %get3A_1123 = arith.constant 29 : i32
      %get3A_1124 = arith.index_cast %get3A_1123 : i32 to index
      %get3A_1125 = arith.constant 0 : index
      %get3A_1126 = tpu.vector_load %arg7[%get3A_1124, %get3A_1125] {strides = array<i32>} : memref<32x128xf32, #tpu.memory_space<vmem>>, vector<16xf32>,
      tpu.vector_store_idx %arg5[%gather3A_1122, %add3A_16], %get3A_1126 {add = true} : memref<512x144xf32, #tpu.memory_space<vmem>>[vector<16xi32>, vector<16xi32>], vector<16xf32>,
      %get3A_1127 = arith.constant 29 : i32
      %get3A_1128 = arith.index_cast %get3A_1127 : i32 to index
      %get3A_1129 = arith.constant 16 : index
      %get3A_1130 = tpu.vector_load %arg7[%get3A_1128, %get3A_1129] {strides = array<i32>} : memref<32x128xf32, #tpu.memory_space<vmem>>, vector<16xf32>,
      tpu.vector_store_idx %arg5[%gather3A_1122, %add3A_19], %get3A_1130 {add = true} : memref<512x144xf32, #tpu.memory_space<vmem>>[vector<16xi32>, vector<16xi32>], vector<16xf32>,
      %get3A_1131 = arith.constant 29 : i32
      %get3A_1132 = arith.index_cast %get3A_1131 : i32 to index
      %get3A_1133 = arith.constant 32 : index
      %get3A_1134 = tpu.vector_load %arg7[%get3A_1132, %get3A_1133] {strides = array<i32>} : memref<32x128xf32, #tpu.memory_space<vmem>>, vector<16xf32>,
      tpu.vector_store_idx %arg5[%gather3A_1122, %add3A_22], %get3A_1134 {add = true} : memref<512x144xf32, #tpu.memory_space<vmem>>[vector<16xi32>, vector<16xi32>], vector<16xf32>,
      %get3A_1135 = arith.constant 29 : i32
      %get3A_1136 = arith.index_cast %get3A_1135 : i32 to index
      %get3A_1137 = arith.constant 48 : index
      %get3A_1138 = tpu.vector_load %arg7[%get3A_1136, %get3A_1137] {strides = array<i32>} : memref<32x128xf32, #tpu.memory_space<vmem>>, vector<16xf32>,
      tpu.vector_store_idx %arg5[%gather3A_1122, %add3A_25], %get3A_1138 {add = true} : memref<512x144xf32, #tpu.memory_space<vmem>>[vector<16xi32>, vector<16xi32>], vector<16xf32>,
      %get3A_1139 = arith.constant 29 : i32
      %get3A_1140 = arith.index_cast %get3A_1139 : i32 to index
      %get3A_1141 = arith.constant 64 : index
      %get3A_1142 = tpu.vector_load %arg7[%get3A_1140, %get3A_1141] {strides = array<i32>} : memref<32x128xf32, #tpu.memory_space<vmem>>, vector<16xf32>,
      tpu.vector_store_idx %arg5[%gather3A_1122, %add3A_28], %get3A_1142 {add = true} : memref<512x144xf32, #tpu.memory_space<vmem>>[vector<16xi32>, vector<16xi32>], vector<16xf32>,
      %get3A_1143 = arith.constant 29 : i32
      %get3A_1144 = arith.index_cast %get3A_1143 : i32 to index
      %get3A_1145 = arith.constant 80 : index
      %get3A_1146 = tpu.vector_load %arg7[%get3A_1144, %get3A_1145] {strides = array<i32>} : memref<32x128xf32, #tpu.memory_space<vmem>>, vector<16xf32>,
      tpu.vector_store_idx %arg5[%gather3A_1122, %add3A_31], %get3A_1146 {add = true} : memref<512x144xf32, #tpu.memory_space<vmem>>[vector<16xi32>, vector<16xi32>], vector<16xf32>,
      %get3A_1147 = arith.constant 29 : i32
      %get3A_1148 = arith.index_cast %get3A_1147 : i32 to index
      %get3A_1149 = arith.constant 96 : index
      %get3A_1150 = tpu.vector_load %arg7[%get3A_1148, %get3A_1149] {strides = array<i32>} : memref<32x128xf32, #tpu.memory_space<vmem>>, vector<16xf32>,
      tpu.vector_store_idx %arg5[%gather3A_1122, %add3A_34], %get3A_1150 {add = true} : memref<512x144xf32, #tpu.memory_space<vmem>>[vector<16xi32>, vector<16xi32>], vector<16xf32>,
      %get3A_1151 = arith.constant 29 : i32
      %get3A_1152 = arith.index_cast %get3A_1151 : i32 to index
      %get3A_1153 = arith.constant 112 : index
      %get3A_1154 = tpu.vector_load %arg7[%get3A_1152, %get3A_1153] {strides = array<i32>} : memref<32x128xf32, #tpu.memory_space<vmem>>, vector<16xf32>,
      tpu.vector_store_idx %arg5[%gather3A_1122, %add3A_37], %get3A_1154 {add = true} : memref<512x144xf32, #tpu.memory_space<vmem>>[vector<16xi32>, vector<16xi32>], vector<16xf32>,
      tpu.vector_store_idx %arg5[%gather3A_1122, %add3A_40], %select_n3A_13 {add = true} : memref<512x144xf32, #tpu.memory_space<vmem>>[vector<16xi32>, vector<16xi32>], vector<16xf32>,
      %broadcast_in_dim3A_1155 = arith.constant 14 : i32
      %broadcast_in_dim3A_1156 = vector.broadcast %broadcast_in_dim3A_1155 : i32 to vector<16x1xi32>
      %gather3A_1157 = vector.shape_cast %broadcast_in_dim3A_1156 : vector<16x1xi32> to vector<16xi32>
      %gather3A_1158 = tpu.dynamic_gather %get3A_650[%gather3A_1157] in [0] : vector<16xi32>, vector<16xi32> -> vector<16xi32>
      %get3A_1159 = arith.constant 30 : i32
      %get3A_1160 = arith.index_cast %get3A_1159 : i32 to index
      %get3A_1161 = arith.constant 0 : index
      %get3A_1162 = tpu.vector_load %arg7[%get3A_1160, %get3A_1161] {strides = array<i32>} : memref<32x128xf32, #tpu.memory_space<vmem>>, vector<16xf32>,
      tpu.vector_store_idx %arg5[%gather3A_1158, %add3A_16], %get3A_1162 {add = true} : memref<512x144xf32, #tpu.memory_space<vmem>>[vector<16xi32>, vector<16xi32>], vector<16xf32>,
      %get3A_1163 = arith.constant 30 : i32
      %get3A_1164 = arith.index_cast %get3A_1163 : i32 to index
      %get3A_1165 = arith.constant 16 : index
      %get3A_1166 = tpu.vector_load %arg7[%get3A_1164, %get3A_1165] {strides = array<i32>} : memref<32x128xf32, #tpu.memory_space<vmem>>, vector<16xf32>,
      tpu.vector_store_idx %arg5[%gather3A_1158, %add3A_19], %get3A_1166 {add = true} : memref<512x144xf32, #tpu.memory_space<vmem>>[vector<16xi32>, vector<16xi32>], vector<16xf32>,
      %get3A_1167 = arith.constant 30 : i32
      %get3A_1168 = arith.index_cast %get3A_1167 : i32 to index
      %get3A_1169 = arith.constant 32 : index
      %get3A_1170 = tpu.vector_load %arg7[%get3A_1168, %get3A_1169] {strides = array<i32>} : memref<32x128xf32, #tpu.memory_space<vmem>>, vector<16xf32>,
      tpu.vector_store_idx %arg5[%gather3A_1158, %add3A_22], %get3A_1170 {add = true} : memref<512x144xf32, #tpu.memory_space<vmem>>[vector<16xi32>, vector<16xi32>], vector<16xf32>,
      %get3A_1171 = arith.constant 30 : i32
      %get3A_1172 = arith.index_cast %get3A_1171 : i32 to index
      %get3A_1173 = arith.constant 48 : index
      %get3A_1174 = tpu.vector_load %arg7[%get3A_1172, %get3A_1173] {strides = array<i32>} : memref<32x128xf32, #tpu.memory_space<vmem>>, vector<16xf32>,
      tpu.vector_store_idx %arg5[%gather3A_1158, %add3A_25], %get3A_1174 {add = true} : memref<512x144xf32, #tpu.memory_space<vmem>>[vector<16xi32>, vector<16xi32>], vector<16xf32>,
      %get3A_1175 = arith.constant 30 : i32
      %get3A_1176 = arith.index_cast %get3A_1175 : i32 to index
      %get3A_1177 = arith.constant 64 : index
      %get3A_1178 = tpu.vector_load %arg7[%get3A_1176, %get3A_1177] {strides = array<i32>} : memref<32x128xf32, #tpu.memory_space<vmem>>, vector<16xf32>,
      tpu.vector_store_idx %arg5[%gather3A_1158, %add3A_28], %get3A_1178 {add = true} : memref<512x144xf32, #tpu.memory_space<vmem>>[vector<16xi32>, vector<16xi32>], vector<16xf32>,
      %get3A_1179 = arith.constant 30 : i32
      %get3A_1180 = arith.index_cast %get3A_1179 : i32 to index
      %get3A_1181 = arith.constant 80 : index
      %get3A_1182 = tpu.vector_load %arg7[%get3A_1180, %get3A_1181] {strides = array<i32>} : memref<32x128xf32, #tpu.memory_space<vmem>>, vector<16xf32>,
      tpu.vector_store_idx %arg5[%gather3A_1158, %add3A_31], %get3A_1182 {add = true} : memref<512x144xf32, #tpu.memory_space<vmem>>[vector<16xi32>, vector<16xi32>], vector<16xf32>,
      %get3A_1183 = arith.constant 30 : i32
      %get3A_1184 = arith.index_cast %get3A_1183 : i32 to index
      %get3A_1185 = arith.constant 96 : index
      %get3A_1186 = tpu.vector_load %arg7[%get3A_1184, %get3A_1185] {strides = array<i32>} : memref<32x128xf32, #tpu.memory_space<vmem>>, vector<16xf32>,
      tpu.vector_store_idx %arg5[%gather3A_1158, %add3A_34], %get3A_1186 {add = true} : memref<512x144xf32, #tpu.memory_space<vmem>>[vector<16xi32>, vector<16xi32>], vector<16xf32>,
      %get3A_1187 = arith.constant 30 : i32
      %get3A_1188 = arith.index_cast %get3A_1187 : i32 to index
      %get3A_1189 = arith.constant 112 : index
      %get3A_1190 = tpu.vector_load %arg7[%get3A_1188, %get3A_1189] {strides = array<i32>} : memref<32x128xf32, #tpu.memory_space<vmem>>, vector<16xf32>,
      tpu.vector_store_idx %arg5[%gather3A_1158, %add3A_37], %get3A_1190 {add = true} : memref<512x144xf32, #tpu.memory_space<vmem>>[vector<16xi32>, vector<16xi32>], vector<16xf32>,
      tpu.vector_store_idx %arg5[%gather3A_1158, %add3A_40], %select_n3A_13 {add = true} : memref<512x144xf32, #tpu.memory_space<vmem>>[vector<16xi32>, vector<16xi32>], vector<16xf32>,
      %broadcast_in_dim3A_1191 = arith.constant 15 : i32
      %broadcast_in_dim3A_1192 = vector.broadcast %broadcast_in_dim3A_1191 : i32 to vector<16x1xi32>
      %gather3A_1193 = vector.shape_cast %broadcast_in_dim3A_1192 : vector<16x1xi32> to vector<16xi32>
      %gather3A_1194 = tpu.dynamic_gather %get3A_650[%gather3A_1193] in [0] : vector<16xi32>, vector<16xi32> -> vector<16xi32>
      %get3A_1195 = arith.constant 31 : i32
      %get3A_1196 = arith.index_cast %get3A_1195 : i32 to index
      %get3A_1197 = arith.constant 0 : index
      %get3A_1198 = tpu.vector_load %arg7[%get3A_1196, %get3A_1197] {strides = array<i32>} : memref<32x128xf32, #tpu.memory_space<vmem>>, vector<16xf32>,
      tpu.vector_store_idx %arg5[%gather3A_1194, %add3A_16], %get3A_1198 {add = true} : memref<512x144xf32, #tpu.memory_space<vmem>>[vector<16xi32>, vector<16xi32>], vector<16xf32>,
      %get3A_1199 = arith.constant 31 : i32
      %get3A_1200 = arith.index_cast %get3A_1199 : i32 to index
      %get3A_1201 = arith.constant 16 : index
      %get3A_1202 = tpu.vector_load %arg7[%get3A_1200, %get3A_1201] {strides = array<i32>} : memref<32x128xf32, #tpu.memory_space<vmem>>, vector<16xf32>,
      tpu.vector_store_idx %arg5[%gather3A_1194, %add3A_19], %get3A_1202 {add = true} : memref<512x144xf32, #tpu.memory_space<vmem>>[vector<16xi32>, vector<16xi32>], vector<16xf32>,
      %get3A_1203 = arith.constant 31 : i32
      %get3A_1204 = arith.index_cast %get3A_1203 : i32 to index
      %get3A_1205 = arith.constant 32 : index
      %get3A_1206 = tpu.vector_load %arg7[%get3A_1204, %get3A_1205] {strides = array<i32>} : memref<32x128xf32, #tpu.memory_space<vmem>>, vector<16xf32>,
      tpu.vector_store_idx %arg5[%gather3A_1194, %add3A_22], %get3A_1206 {add = true} : memref<512x144xf32, #tpu.memory_space<vmem>>[vector<16xi32>, vector<16xi32>], vector<16xf32>,
      %get3A_1207 = arith.constant 31 : i32
      %get3A_1208 = arith.index_cast %get3A_1207 : i32 to index
      %get3A_1209 = arith.constant 48 : index
      %get3A_1210 = tpu.vector_load %arg7[%get3A_1208, %get3A_1209] {strides = array<i32>} : memref<32x128xf32, #tpu.memory_space<vmem>>, vector<16xf32>,
      tpu.vector_store_idx %arg5[%gather3A_1194, %add3A_25], %get3A_1210 {add = true} : memref<512x144xf32, #tpu.memory_space<vmem>>[vector<16xi32>, vector<16xi32>], vector<16xf32>,
      %get3A_1211 = arith.constant 31 : i32
      %get3A_1212 = arith.index_cast %get3A_1211 : i32 to index
      %get3A_1213 = arith.constant 64 : index
      %get3A_1214 = tpu.vector_load %arg7[%get3A_1212, %get3A_1213] {strides = array<i32>} : memref<32x128xf32, #tpu.memory_space<vmem>>, vector<16xf32>,
      tpu.vector_store_idx %arg5[%gather3A_1194, %add3A_28], %get3A_1214 {add = true} : memref<512x144xf32, #tpu.memory_space<vmem>>[vector<16xi32>, vector<16xi32>], vector<16xf32>,
      %get3A_1215 = arith.constant 31 : i32
      %get3A_1216 = arith.index_cast %get3A_1215 : i32 to index
      %get3A_1217 = arith.constant 80 : index
      %get3A_1218 = tpu.vector_load %arg7[%get3A_1216, %get3A_1217] {strides = array<i32>} : memref<32x128xf32, #tpu.memory_space<vmem>>, vector<16xf32>,
      tpu.vector_store_idx %arg5[%gather3A_1194, %add3A_31], %get3A_1218 {add = true} : memref<512x144xf32, #tpu.memory_space<vmem>>[vector<16xi32>, vector<16xi32>], vector<16xf32>,
      %get3A_1219 = arith.constant 31 : i32
      %get3A_1220 = arith.index_cast %get3A_1219 : i32 to index
      %get3A_1221 = arith.constant 96 : index
      %get3A_1222 = tpu.vector_load %arg7[%get3A_1220, %get3A_1221] {strides = array<i32>} : memref<32x128xf32, #tpu.memory_space<vmem>>, vector<16xf32>,
      tpu.vector_store_idx %arg5[%gather3A_1194, %add3A_34], %get3A_1222 {add = true} : memref<512x144xf32, #tpu.memory_space<vmem>>[vector<16xi32>, vector<16xi32>], vector<16xf32>,
      %get3A_1223 = arith.constant 31 : i32
      %get3A_1224 = arith.index_cast %get3A_1223 : i32 to index
      %get3A_1225 = arith.constant 112 : index
      %get3A_1226 = tpu.vector_load %arg7[%get3A_1224, %get3A_1225] {strides = array<i32>} : memref<32x128xf32, #tpu.memory_space<vmem>>, vector<16xf32>,
      tpu.vector_store_idx %arg5[%gather3A_1194, %add3A_37], %get3A_1226 {add = true} : memref<512x144xf32, #tpu.memory_space<vmem>>[vector<16xi32>, vector<16xi32>], vector<16xf32>,
      tpu.vector_store_idx %arg5[%gather3A_1194, %add3A_40], %select_n3A_13 {add = true} : memref<512x144xf32, #tpu.memory_space<vmem>>[vector<16xi32>, vector<16xi32>], vector<16xf32>,
    }
    %while3A_54 = arith.constant 1 : i32
    scf.for %while3A_55 = %while3A_52 to %while3A_48 step %while3A_54  : i32 {
      %mul3A_56 = arith.constant 32 : i32
      %mul3A_57 = arith.muli %while3A_55, %mul3A_56 : i32
      %add3A_58 = arith.addi %mul3A_2, %mul3A_57 : i32
      %dma_start3A = arith.constant 0 : i32
      %dma_start3A_59 = tpu.memref_slice %arg2[%add3A_58, %dma_start3A] : memref<100000x128xf32, #tpu.memory_space<hbm>> -> memref<32x128xf32, #tpu.memory_space<hbm>>
      %dma_start3A_60 = arith.constant 0 : i32
      %dma_start3A_61 = tpu.memref_slice %arg2[%add3A_58, %dma_start3A_60] : memref<100000x128xf32, #tpu.memory_space<hbm>> -> memref<32x128xf32, #tpu.memory_space<hbm>>
      tpu.enqueue_dma source(%dma_start3A_61 : memref<32x128xf32, #tpu.memory_space<hbm>>) target(%arg7 : memref<32x128xf32, #tpu.memory_space<vmem>>) target_semaphore(%arg8 : memref<!tpu.dma_semaphore, #tpu.memory_space<semaphore_mem>>)
      %dma_wait3A = arith.constant 0 : i32
      %dma_wait3A_62 = tpu.memref_slice %arg2[%add3A_58, %dma_wait3A] : memref<100000x128xf32, #tpu.memory_space<hbm>> -> memref<32x128xf32, #tpu.memory_space<hbm>>
      %dma_wait3A_63 = arith.constant 0 : i32
      %dma_wait3A_64 = tpu.memref_slice %arg2[%add3A_58, %dma_wait3A_63] : memref<100000x128xf32, #tpu.memory_space<hbm>> -> memref<32x128xf32, #tpu.memory_space<hbm>>
      tpu.wait_dma2 semaphore(%arg8 : memref<!tpu.dma_semaphore, #tpu.memory_space<semaphore_mem>>) src(%dma_wait3A_64 : memref<32x128xf32, #tpu.memory_space<hbm>>) dst(%arg7 : memref<32x128xf32, #tpu.memory_space<vmem>>)
      %mul3A_65 = arith.constant 32 : i32
      %mul3A_66 = arith.muli %while3A_55, %mul3A_65 : i32
      %add3A_67 = arith.constant 0 : i32
      %add3A_68 = arith.addi %mul3A_66, %add3A_67 : i32
      %get3A = arith.index_cast %add3A_68 : i32 to index
      %get3A_69 = tpu.vector_load %arg6[%get3A] {strides = array<i32>} : memref<3136xi32, #tpu.memory_space<vmem>>, vector<16xi32>,
      %broadcast_in_dim3A_70 = arith.constant 0 : i32
      %broadcast_in_dim3A_71 = vector.broadcast %broadcast_in_dim3A_70 : i32 to vector<16x1xi32>
      %gather3A = vector.shape_cast %broadcast_in_dim3A_71 : vector<16x1xi32> to vector<16xi32>
      %gather3A_72 = tpu.dynamic_gather %get3A_69[%gather3A] in [0] : vector<16xi32>, vector<16xi32> -> vector<16xi32>
      %get3A_73 = arith.constant 0 : i32
      %get3A_74 = arith.index_cast %get3A_73 : i32 to index
      %get3A_75 = arith.constant 0 : index
      %get3A_76 = tpu.vector_load %arg7[%get3A_74, %get3A_75] {strides = array<i32>} : memref<32x128xf32, #tpu.memory_space<vmem>>, vector<16xf32>,
      tpu.vector_store_idx %arg5[%gather3A_72, %add3A_16], %get3A_76 {add = true} : memref<512x144xf32, #tpu.memory_space<vmem>>[vector<16xi32>, vector<16xi32>], vector<16xf32>,
      %get3A_77 = arith.constant 0 : i32
      %get3A_78 = arith.index_cast %get3A_77 : i32 to index
      %get3A_79 = arith.constant 16 : index
      %get3A_80 = tpu.vector_load %arg7[%get3A_78, %get3A_79] {strides = array<i32>} : memref<32x128xf32, #tpu.memory_space<vmem>>, vector<16xf32>,
      tpu.vector_store_idx %arg5[%gather3A_72, %add3A_19], %get3A_80 {add = true} : memref<512x144xf32, #tpu.memory_space<vmem>>[vector<16xi32>, vector<16xi32>], vector<16xf32>,
      %get3A_81 = arith.constant 0 : i32
      %get3A_82 = arith.index_cast %get3A_81 : i32 to index
      %get3A_83 = arith.constant 32 : index
      %get3A_84 = tpu.vector_load %arg7[%get3A_82, %get3A_83] {strides = array<i32>} : memref<32x128xf32, #tpu.memory_space<vmem>>, vector<16xf32>,
      tpu.vector_store_idx %arg5[%gather3A_72, %add3A_22], %get3A_84 {add = true} : memref<512x144xf32, #tpu.memory_space<vmem>>[vector<16xi32>, vector<16xi32>], vector<16xf32>,
      %get3A_85 = arith.constant 0 : i32
      %get3A_86 = arith.index_cast %get3A_85 : i32 to index
      %get3A_87 = arith.constant 48 : index
      %get3A_88 = tpu.vector_load %arg7[%get3A_86, %get3A_87] {strides = array<i32>} : memref<32x128xf32, #tpu.memory_space<vmem>>, vector<16xf32>,
      tpu.vector_store_idx %arg5[%gather3A_72, %add3A_25], %get3A_88 {add = true} : memref<512x144xf32, #tpu.memory_space<vmem>>[vector<16xi32>, vector<16xi32>], vector<16xf32>,
      %get3A_89 = arith.constant 0 : i32
      %get3A_90 = arith.index_cast %get3A_89 : i32 to index
      %get3A_91 = arith.constant 64 : index
      %get3A_92 = tpu.vector_load %arg7[%get3A_90, %get3A_91] {strides = array<i32>} : memref<32x128xf32, #tpu.memory_space<vmem>>, vector<16xf32>,
      tpu.vector_store_idx %arg5[%gather3A_72, %add3A_28], %get3A_92 {add = true} : memref<512x144xf32, #tpu.memory_space<vmem>>[vector<16xi32>, vector<16xi32>], vector<16xf32>,
      %get3A_93 = arith.constant 0 : i32
      %get3A_94 = arith.index_cast %get3A_93 : i32 to index
      %get3A_95 = arith.constant 80 : index
      %get3A_96 = tpu.vector_load %arg7[%get3A_94, %get3A_95] {strides = array<i32>} : memref<32x128xf32, #tpu.memory_space<vmem>>, vector<16xf32>,
      tpu.vector_store_idx %arg5[%gather3A_72, %add3A_31], %get3A_96 {add = true} : memref<512x144xf32, #tpu.memory_space<vmem>>[vector<16xi32>, vector<16xi32>], vector<16xf32>,
      %get3A_97 = arith.constant 0 : i32
      %get3A_98 = arith.index_cast %get3A_97 : i32 to index
      %get3A_99 = arith.constant 96 : index
      %get3A_100 = tpu.vector_load %arg7[%get3A_98, %get3A_99] {strides = array<i32>} : memref<32x128xf32, #tpu.memory_space<vmem>>, vector<16xf32>,
      tpu.vector_store_idx %arg5[%gather3A_72, %add3A_34], %get3A_100 {add = true} : memref<512x144xf32, #tpu.memory_space<vmem>>[vector<16xi32>, vector<16xi32>], vector<16xf32>,
      %get3A_101 = arith.constant 0 : i32
      %get3A_102 = arith.index_cast %get3A_101 : i32 to index
      %get3A_103 = arith.constant 112 : index
      %get3A_104 = tpu.vector_load %arg7[%get3A_102, %get3A_103] {strides = array<i32>} : memref<32x128xf32, #tpu.memory_space<vmem>>, vector<16xf32>,
      tpu.vector_store_idx %arg5[%gather3A_72, %add3A_37], %get3A_104 {add = true} : memref<512x144xf32, #tpu.memory_space<vmem>>[vector<16xi32>, vector<16xi32>], vector<16xf32>,
      tpu.vector_store_idx %arg5[%gather3A_72, %add3A_40], %select_n3A_13 {add = true} : memref<512x144xf32, #tpu.memory_space<vmem>>[vector<16xi32>, vector<16xi32>], vector<16xf32>,
      %broadcast_in_dim3A_105 = arith.constant 1 : i32
      %broadcast_in_dim3A_106 = vector.broadcast %broadcast_in_dim3A_105 : i32 to vector<16x1xi32>
      %gather3A_107 = vector.shape_cast %broadcast_in_dim3A_106 : vector<16x1xi32> to vector<16xi32>
      %gather3A_108 = tpu.dynamic_gather %get3A_69[%gather3A_107] in [0] : vector<16xi32>, vector<16xi32> -> vector<16xi32>
      %get3A_109 = arith.constant 1 : i32
      %get3A_110 = arith.index_cast %get3A_109 : i32 to index
      %get3A_111 = arith.constant 0 : index
      %get3A_112 = tpu.vector_load %arg7[%get3A_110, %get3A_111] {strides = array<i32>} : memref<32x128xf32, #tpu.memory_space<vmem>>, vector<16xf32>,
      tpu.vector_store_idx %arg5[%gather3A_108, %add3A_16], %get3A_112 {add = true} : memref<512x144xf32, #tpu.memory_space<vmem>>[vector<16xi32>, vector<16xi32>], vector<16xf32>,
      %get3A_113 = arith.constant 1 : i32
      %get3A_114 = arith.index_cast %get3A_113 : i32 to index
      %get3A_115 = arith.constant 16 : index
      %get3A_116 = tpu.vector_load %arg7[%get3A_114, %get3A_115] {strides = array<i32>} : memref<32x128xf32, #tpu.memory_space<vmem>>, vector<16xf32>,
      tpu.vector_store_idx %arg5[%gather3A_108, %add3A_19], %get3A_116 {add = true} : memref<512x144xf32, #tpu.memory_space<vmem>>[vector<16xi32>, vector<16xi32>], vector<16xf32>,
      %get3A_117 = arith.constant 1 : i32
      %get3A_118 = arith.index_cast %get3A_117 : i32 to index
      %get3A_119 = arith.constant 32 : index
      %get3A_120 = tpu.vector_load %arg7[%get3A_118, %get3A_119] {strides = array<i32>} : memref<32x128xf32, #tpu.memory_space<vmem>>, vector<16xf32>,
      tpu.vector_store_idx %arg5[%gather3A_108, %add3A_22], %get3A_120 {add = true} : memref<512x144xf32, #tpu.memory_space<vmem>>[vector<16xi32>, vector<16xi32>], vector<16xf32>,
      %get3A_121 = arith.constant 1 : i32
      %get3A_122 = arith.index_cast %get3A_121 : i32 to index
      %get3A_123 = arith.constant 48 : index
      %get3A_124 = tpu.vector_load %arg7[%get3A_122, %get3A_123] {strides = array<i32>} : memref<32x128xf32, #tpu.memory_space<vmem>>, vector<16xf32>,
      tpu.vector_store_idx %arg5[%gather3A_108, %add3A_25], %get3A_124 {add = true} : memref<512x144xf32, #tpu.memory_space<vmem>>[vector<16xi32>, vector<16xi32>], vector<16xf32>,
      %get3A_125 = arith.constant 1 : i32
      %get3A_126 = arith.index_cast %get3A_125 : i32 to index
      %get3A_127 = arith.constant 64 : index
      %get3A_128 = tpu.vector_load %arg7[%get3A_126, %get3A_127] {strides = array<i32>} : memref<32x128xf32, #tpu.memory_space<vmem>>, vector<16xf32>,
      tpu.vector_store_idx %arg5[%gather3A_108, %add3A_28], %get3A_128 {add = true} : memref<512x144xf32, #tpu.memory_space<vmem>>[vector<16xi32>, vector<16xi32>], vector<16xf32>,
      %get3A_129 = arith.constant 1 : i32
      %get3A_130 = arith.index_cast %get3A_129 : i32 to index
      %get3A_131 = arith.constant 80 : index
      %get3A_132 = tpu.vector_load %arg7[%get3A_130, %get3A_131] {strides = array<i32>} : memref<32x128xf32, #tpu.memory_space<vmem>>, vector<16xf32>,
      tpu.vector_store_idx %arg5[%gather3A_108, %add3A_31], %get3A_132 {add = true} : memref<512x144xf32, #tpu.memory_space<vmem>>[vector<16xi32>, vector<16xi32>], vector<16xf32>,
      %get3A_133 = arith.constant 1 : i32
      %get3A_134 = arith.index_cast %get3A_133 : i32 to index
      %get3A_135 = arith.constant 96 : index
      %get3A_136 = tpu.vector_load %arg7[%get3A_134, %get3A_135] {strides = array<i32>} : memref<32x128xf32, #tpu.memory_space<vmem>>, vector<16xf32>,
      tpu.vector_store_idx %arg5[%gather3A_108, %add3A_34], %get3A_136 {add = true} : memref<512x144xf32, #tpu.memory_space<vmem>>[vector<16xi32>, vector<16xi32>], vector<16xf32>,
      %get3A_137 = arith.constant 1 : i32
      %get3A_138 = arith.index_cast %get3A_137 : i32 to index
      %get3A_139 = arith.constant 112 : index
      %get3A_140 = tpu.vector_load %arg7[%get3A_138, %get3A_139] {strides = array<i32>} : memref<32x128xf32, #tpu.memory_space<vmem>>, vector<16xf32>,
      tpu.vector_store_idx %arg5[%gather3A_108, %add3A_37], %get3A_140 {add = true} : memref<512x144xf32, #tpu.memory_space<vmem>>[vector<16xi32>, vector<16xi32>], vector<16xf32>,
      tpu.vector_store_idx %arg5[%gather3A_108, %add3A_40], %select_n3A_13 {add = true} : memref<512x144xf32, #tpu.memory_space<vmem>>[vector<16xi32>, vector<16xi32>], vector<16xf32>,
      %broadcast_in_dim3A_141 = arith.constant 2 : i32
      %broadcast_in_dim3A_142 = vector.broadcast %broadcast_in_dim3A_141 : i32 to vector<16x1xi32>
      %gather3A_143 = vector.shape_cast %broadcast_in_dim3A_142 : vector<16x1xi32> to vector<16xi32>
      %gather3A_144 = tpu.dynamic_gather %get3A_69[%gather3A_143] in [0] : vector<16xi32>, vector<16xi32> -> vector<16xi32>
      %get3A_145 = arith.constant 2 : i32
      %get3A_146 = arith.index_cast %get3A_145 : i32 to index
      %get3A_147 = arith.constant 0 : index
      %get3A_148 = tpu.vector_load %arg7[%get3A_146, %get3A_147] {strides = array<i32>} : memref<32x128xf32, #tpu.memory_space<vmem>>, vector<16xf32>,
      tpu.vector_store_idx %arg5[%gather3A_144, %add3A_16], %get3A_148 {add = true} : memref<512x144xf32, #tpu.memory_space<vmem>>[vector<16xi32>, vector<16xi32>], vector<16xf32>,
      %get3A_149 = arith.constant 2 : i32
      %get3A_150 = arith.index_cast %get3A_149 : i32 to index
      %get3A_151 = arith.constant 16 : index
      %get3A_152 = tpu.vector_load %arg7[%get3A_150, %get3A_151] {strides = array<i32>} : memref<32x128xf32, #tpu.memory_space<vmem>>, vector<16xf32>,
      tpu.vector_store_idx %arg5[%gather3A_144, %add3A_19], %get3A_152 {add = true} : memref<512x144xf32, #tpu.memory_space<vmem>>[vector<16xi32>, vector<16xi32>], vector<16xf32>,
      %get3A_153 = arith.constant 2 : i32
      %get3A_154 = arith.index_cast %get3A_153 : i32 to index
      %get3A_155 = arith.constant 32 : index
      %get3A_156 = tpu.vector_load %arg7[%get3A_154, %get3A_155] {strides = array<i32>} : memref<32x128xf32, #tpu.memory_space<vmem>>, vector<16xf32>,
      tpu.vector_store_idx %arg5[%gather3A_144, %add3A_22], %get3A_156 {add = true} : memref<512x144xf32, #tpu.memory_space<vmem>>[vector<16xi32>, vector<16xi32>], vector<16xf32>,
      %get3A_157 = arith.constant 2 : i32
      %get3A_158 = arith.index_cast %get3A_157 : i32 to index
      %get3A_159 = arith.constant 48 : index
      %get3A_160 = tpu.vector_load %arg7[%get3A_158, %get3A_159] {strides = array<i32>} : memref<32x128xf32, #tpu.memory_space<vmem>>, vector<16xf32>,
      tpu.vector_store_idx %arg5[%gather3A_144, %add3A_25], %get3A_160 {add = true} : memref<512x144xf32, #tpu.memory_space<vmem>>[vector<16xi32>, vector<16xi32>], vector<16xf32>,
      %get3A_161 = arith.constant 2 : i32
      %get3A_162 = arith.index_cast %get3A_161 : i32 to index
      %get3A_163 = arith.constant 64 : index
      %get3A_164 = tpu.vector_load %arg7[%get3A_162, %get3A_163] {strides = array<i32>} : memref<32x128xf32, #tpu.memory_space<vmem>>, vector<16xf32>,
      tpu.vector_store_idx %arg5[%gather3A_144, %add3A_28], %get3A_164 {add = true} : memref<512x144xf32, #tpu.memory_space<vmem>>[vector<16xi32>, vector<16xi32>], vector<16xf32>,
      %get3A_165 = arith.constant 2 : i32
      %get3A_166 = arith.index_cast %get3A_165 : i32 to index
      %get3A_167 = arith.constant 80 : index
      %get3A_168 = tpu.vector_load %arg7[%get3A_166, %get3A_167] {strides = array<i32>} : memref<32x128xf32, #tpu.memory_space<vmem>>, vector<16xf32>,
      tpu.vector_store_idx %arg5[%gather3A_144, %add3A_31], %get3A_168 {add = true} : memref<512x144xf32, #tpu.memory_space<vmem>>[vector<16xi32>, vector<16xi32>], vector<16xf32>,
      %get3A_169 = arith.constant 2 : i32
      %get3A_170 = arith.index_cast %get3A_169 : i32 to index
      %get3A_171 = arith.constant 96 : index
      %get3A_172 = tpu.vector_load %arg7[%get3A_170, %get3A_171] {strides = array<i32>} : memref<32x128xf32, #tpu.memory_space<vmem>>, vector<16xf32>,
      tpu.vector_store_idx %arg5[%gather3A_144, %add3A_34], %get3A_172 {add = true} : memref<512x144xf32, #tpu.memory_space<vmem>>[vector<16xi32>, vector<16xi32>], vector<16xf32>,
      %get3A_173 = arith.constant 2 : i32
      %get3A_174 = arith.index_cast %get3A_173 : i32 to index
      %get3A_175 = arith.constant 112 : index
      %get3A_176 = tpu.vector_load %arg7[%get3A_174, %get3A_175] {strides = array<i32>} : memref<32x128xf32, #tpu.memory_space<vmem>>, vector<16xf32>,
      tpu.vector_store_idx %arg5[%gather3A_144, %add3A_37], %get3A_176 {add = true} : memref<512x144xf32, #tpu.memory_space<vmem>>[vector<16xi32>, vector<16xi32>], vector<16xf32>,
      tpu.vector_store_idx %arg5[%gather3A_144, %add3A_40], %select_n3A_13 {add = true} : memref<512x144xf32, #tpu.memory_space<vmem>>[vector<16xi32>, vector<16xi32>], vector<16xf32>,
      %broadcast_in_dim3A_177 = arith.constant 3 : i32
      %broadcast_in_dim3A_178 = vector.broadcast %broadcast_in_dim3A_177 : i32 to vector<16x1xi32>
      %gather3A_179 = vector.shape_cast %broadcast_in_dim3A_178 : vector<16x1xi32> to vector<16xi32>
      %gather3A_180 = tpu.dynamic_gather %get3A_69[%gather3A_179] in [0] : vector<16xi32>, vector<16xi32> -> vector<16xi32>
      %get3A_181 = arith.constant 3 : i32
      %get3A_182 = arith.index_cast %get3A_181 : i32 to index
      %get3A_183 = arith.constant 0 : index
      %get3A_184 = tpu.vector_load %arg7[%get3A_182, %get3A_183] {strides = array<i32>} : memref<32x128xf32, #tpu.memory_space<vmem>>, vector<16xf32>,
      tpu.vector_store_idx %arg5[%gather3A_180, %add3A_16], %get3A_184 {add = true} : memref<512x144xf32, #tpu.memory_space<vmem>>[vector<16xi32>, vector<16xi32>], vector<16xf32>,
      %get3A_185 = arith.constant 3 : i32
      %get3A_186 = arith.index_cast %get3A_185 : i32 to index
      %get3A_187 = arith.constant 16 : index
      %get3A_188 = tpu.vector_load %arg7[%get3A_186, %get3A_187] {strides = array<i32>} : memref<32x128xf32, #tpu.memory_space<vmem>>, vector<16xf32>,
      tpu.vector_store_idx %arg5[%gather3A_180, %add3A_19], %get3A_188 {add = true} : memref<512x144xf32, #tpu.memory_space<vmem>>[vector<16xi32>, vector<16xi32>], vector<16xf32>,
      %get3A_189 = arith.constant 3 : i32
      %get3A_190 = arith.index_cast %get3A_189 : i32 to index
      %get3A_191 = arith.constant 32 : index
      %get3A_192 = tpu.vector_load %arg7[%get3A_190, %get3A_191] {strides = array<i32>} : memref<32x128xf32, #tpu.memory_space<vmem>>, vector<16xf32>,
      tpu.vector_store_idx %arg5[%gather3A_180, %add3A_22], %get3A_192 {add = true} : memref<512x144xf32, #tpu.memory_space<vmem>>[vector<16xi32>, vector<16xi32>], vector<16xf32>,
      %get3A_193 = arith.constant 3 : i32
      %get3A_194 = arith.index_cast %get3A_193 : i32 to index
      %get3A_195 = arith.constant 48 : index
      %get3A_196 = tpu.vector_load %arg7[%get3A_194, %get3A_195] {strides = array<i32>} : memref<32x128xf32, #tpu.memory_space<vmem>>, vector<16xf32>,
      tpu.vector_store_idx %arg5[%gather3A_180, %add3A_25], %get3A_196 {add = true} : memref<512x144xf32, #tpu.memory_space<vmem>>[vector<16xi32>, vector<16xi32>], vector<16xf32>,
      %get3A_197 = arith.constant 3 : i32
      %get3A_198 = arith.index_cast %get3A_197 : i32 to index
      %get3A_199 = arith.constant 64 : index
      %get3A_200 = tpu.vector_load %arg7[%get3A_198, %get3A_199] {strides = array<i32>} : memref<32x128xf32, #tpu.memory_space<vmem>>, vector<16xf32>,
      tpu.vector_store_idx %arg5[%gather3A_180, %add3A_28], %get3A_200 {add = true} : memref<512x144xf32, #tpu.memory_space<vmem>>[vector<16xi32>, vector<16xi32>], vector<16xf32>,
      %get3A_201 = arith.constant 3 : i32
      %get3A_202 = arith.index_cast %get3A_201 : i32 to index
      %get3A_203 = arith.constant 80 : index
      %get3A_204 = tpu.vector_load %arg7[%get3A_202, %get3A_203] {strides = array<i32>} : memref<32x128xf32, #tpu.memory_space<vmem>>, vector<16xf32>,
      tpu.vector_store_idx %arg5[%gather3A_180, %add3A_31], %get3A_204 {add = true} : memref<512x144xf32, #tpu.memory_space<vmem>>[vector<16xi32>, vector<16xi32>], vector<16xf32>,
      %get3A_205 = arith.constant 3 : i32
      %get3A_206 = arith.index_cast %get3A_205 : i32 to index
      %get3A_207 = arith.constant 96 : index
      %get3A_208 = tpu.vector_load %arg7[%get3A_206, %get3A_207] {strides = array<i32>} : memref<32x128xf32, #tpu.memory_space<vmem>>, vector<16xf32>,
      tpu.vector_store_idx %arg5[%gather3A_180, %add3A_34], %get3A_208 {add = true} : memref<512x144xf32, #tpu.memory_space<vmem>>[vector<16xi32>, vector<16xi32>], vector<16xf32>,
      %get3A_209 = arith.constant 3 : i32
      %get3A_210 = arith.index_cast %get3A_209 : i32 to index
      %get3A_211 = arith.constant 112 : index
      %get3A_212 = tpu.vector_load %arg7[%get3A_210, %get3A_211] {strides = array<i32>} : memref<32x128xf32, #tpu.memory_space<vmem>>, vector<16xf32>,
      tpu.vector_store_idx %arg5[%gather3A_180, %add3A_37], %get3A_212 {add = true} : memref<512x144xf32, #tpu.memory_space<vmem>>[vector<16xi32>, vector<16xi32>], vector<16xf32>,
      tpu.vector_store_idx %arg5[%gather3A_180, %add3A_40], %select_n3A_13 {add = true} : memref<512x144xf32, #tpu.memory_space<vmem>>[vector<16xi32>, vector<16xi32>], vector<16xf32>,
      %broadcast_in_dim3A_213 = arith.constant 4 : i32
      %broadcast_in_dim3A_214 = vector.broadcast %broadcast_in_dim3A_213 : i32 to vector<16x1xi32>
      %gather3A_215 = vector.shape_cast %broadcast_in_dim3A_214 : vector<16x1xi32> to vector<16xi32>
      %gather3A_216 = tpu.dynamic_gather %get3A_69[%gather3A_215] in [0] : vector<16xi32>, vector<16xi32> -> vector<16xi32>
      %get3A_217 = arith.constant 4 : i32
      %get3A_218 = arith.index_cast %get3A_217 : i32 to index
      %get3A_219 = arith.constant 0 : index
      %get3A_220 = tpu.vector_load %arg7[%get3A_218, %get3A_219] {strides = array<i32>} : memref<32x128xf32, #tpu.memory_space<vmem>>, vector<16xf32>,
      tpu.vector_store_idx %arg5[%gather3A_216, %add3A_16], %get3A_220 {add = true} : memref<512x144xf32, #tpu.memory_space<vmem>>[vector<16xi32>, vector<16xi32>], vector<16xf32>,
      %get3A_221 = arith.constant 4 : i32
      %get3A_222 = arith.index_cast %get3A_221 : i32 to index
      %get3A_223 = arith.constant 16 : index
      %get3A_224 = tpu.vector_load %arg7[%get3A_222, %get3A_223] {strides = array<i32>} : memref<32x128xf32, #tpu.memory_space<vmem>>, vector<16xf32>,
      tpu.vector_store_idx %arg5[%gather3A_216, %add3A_19], %get3A_224 {add = true} : memref<512x144xf32, #tpu.memory_space<vmem>>[vector<16xi32>, vector<16xi32>], vector<16xf32>,
      %get3A_225 = arith.constant 4 : i32
      %get3A_226 = arith.index_cast %get3A_225 : i32 to index
      %get3A_227 = arith.constant 32 : index
      %get3A_228 = tpu.vector_load %arg7[%get3A_226, %get3A_227] {strides = array<i32>} : memref<32x128xf32, #tpu.memory_space<vmem>>, vector<16xf32>,
      tpu.vector_store_idx %arg5[%gather3A_216, %add3A_22], %get3A_228 {add = true} : memref<512x144xf32, #tpu.memory_space<vmem>>[vector<16xi32>, vector<16xi32>], vector<16xf32>,
      %get3A_229 = arith.constant 4 : i32
      %get3A_230 = arith.index_cast %get3A_229 : i32 to index
      %get3A_231 = arith.constant 48 : index
      %get3A_232 = tpu.vector_load %arg7[%get3A_230, %get3A_231] {strides = array<i32>} : memref<32x128xf32, #tpu.memory_space<vmem>>, vector<16xf32>,
      tpu.vector_store_idx %arg5[%gather3A_216, %add3A_25], %get3A_232 {add = true} : memref<512x144xf32, #tpu.memory_space<vmem>>[vector<16xi32>, vector<16xi32>], vector<16xf32>,
      %get3A_233 = arith.constant 4 : i32
      %get3A_234 = arith.index_cast %get3A_233 : i32 to index
      %get3A_235 = arith.constant 64 : index
      %get3A_236 = tpu.vector_load %arg7[%get3A_234, %get3A_235] {strides = array<i32>} : memref<32x128xf32, #tpu.memory_space<vmem>>, vector<16xf32>,
      tpu.vector_store_idx %arg5[%gather3A_216, %add3A_28], %get3A_236 {add = true} : memref<512x144xf32, #tpu.memory_space<vmem>>[vector<16xi32>, vector<16xi32>], vector<16xf32>,
      %get3A_237 = arith.constant 4 : i32
      %get3A_238 = arith.index_cast %get3A_237 : i32 to index
      %get3A_239 = arith.constant 80 : index
      %get3A_240 = tpu.vector_load %arg7[%get3A_238, %get3A_239] {strides = array<i32>} : memref<32x128xf32, #tpu.memory_space<vmem>>, vector<16xf32>,
      tpu.vector_store_idx %arg5[%gather3A_216, %add3A_31], %get3A_240 {add = true} : memref<512x144xf32, #tpu.memory_space<vmem>>[vector<16xi32>, vector<16xi32>], vector<16xf32>,
      %get3A_241 = arith.constant 4 : i32
      %get3A_242 = arith.index_cast %get3A_241 : i32 to index
      %get3A_243 = arith.constant 96 : index
      %get3A_244 = tpu.vector_load %arg7[%get3A_242, %get3A_243] {strides = array<i32>} : memref<32x128xf32, #tpu.memory_space<vmem>>, vector<16xf32>,
      tpu.vector_store_idx %arg5[%gather3A_216, %add3A_34], %get3A_244 {add = true} : memref<512x144xf32, #tpu.memory_space<vmem>>[vector<16xi32>, vector<16xi32>], vector<16xf32>,
      %get3A_245 = arith.constant 4 : i32
      %get3A_246 = arith.index_cast %get3A_245 : i32 to index
      %get3A_247 = arith.constant 112 : index
      %get3A_248 = tpu.vector_load %arg7[%get3A_246, %get3A_247] {strides = array<i32>} : memref<32x128xf32, #tpu.memory_space<vmem>>, vector<16xf32>,
      tpu.vector_store_idx %arg5[%gather3A_216, %add3A_37], %get3A_248 {add = true} : memref<512x144xf32, #tpu.memory_space<vmem>>[vector<16xi32>, vector<16xi32>], vector<16xf32>,
      tpu.vector_store_idx %arg5[%gather3A_216, %add3A_40], %select_n3A_13 {add = true} : memref<512x144xf32, #tpu.memory_space<vmem>>[vector<16xi32>, vector<16xi32>], vector<16xf32>,
      %broadcast_in_dim3A_249 = arith.constant 5 : i32
      %broadcast_in_dim3A_250 = vector.broadcast %broadcast_in_dim3A_249 : i32 to vector<16x1xi32>
      %gather3A_251 = vector.shape_cast %broadcast_in_dim3A_250 : vector<16x1xi32> to vector<16xi32>
      %gather3A_252 = tpu.dynamic_gather %get3A_69[%gather3A_251] in [0] : vector<16xi32>, vector<16xi32> -> vector<16xi32>
      %get3A_253 = arith.constant 5 : i32
      %get3A_254 = arith.index_cast %get3A_253 : i32 to index
      %get3A_255 = arith.constant 0 : index
      %get3A_256 = tpu.vector_load %arg7[%get3A_254, %get3A_255] {strides = array<i32>} : memref<32x128xf32, #tpu.memory_space<vmem>>, vector<16xf32>,
      tpu.vector_store_idx %arg5[%gather3A_252, %add3A_16], %get3A_256 {add = true} : memref<512x144xf32, #tpu.memory_space<vmem>>[vector<16xi32>, vector<16xi32>], vector<16xf32>,
      %get3A_257 = arith.constant 5 : i32
      %get3A_258 = arith.index_cast %get3A_257 : i32 to index
      %get3A_259 = arith.constant 16 : index
      %get3A_260 = tpu.vector_load %arg7[%get3A_258, %get3A_259] {strides = array<i32>} : memref<32x128xf32, #tpu.memory_space<vmem>>, vector<16xf32>,
      tpu.vector_store_idx %arg5[%gather3A_252, %add3A_19], %get3A_260 {add = true} : memref<512x144xf32, #tpu.memory_space<vmem>>[vector<16xi32>, vector<16xi32>], vector<16xf32>,
      %get3A_261 = arith.constant 5 : i32
      %get3A_262 = arith.index_cast %get3A_261 : i32 to index
      %get3A_263 = arith.constant 32 : index
      %get3A_264 = tpu.vector_load %arg7[%get3A_262, %get3A_263] {strides = array<i32>} : memref<32x128xf32, #tpu.memory_space<vmem>>, vector<16xf32>,
      tpu.vector_store_idx %arg5[%gather3A_252, %add3A_22], %get3A_264 {add = true} : memref<512x144xf32, #tpu.memory_space<vmem>>[vector<16xi32>, vector<16xi32>], vector<16xf32>,
      %get3A_265 = arith.constant 5 : i32
      %get3A_266 = arith.index_cast %get3A_265 : i32 to index
      %get3A_267 = arith.constant 48 : index
      %get3A_268 = tpu.vector_load %arg7[%get3A_266, %get3A_267] {strides = array<i32>} : memref<32x128xf32, #tpu.memory_space<vmem>>, vector<16xf32>,
      tpu.vector_store_idx %arg5[%gather3A_252, %add3A_25], %get3A_268 {add = true} : memref<512x144xf32, #tpu.memory_space<vmem>>[vector<16xi32>, vector<16xi32>], vector<16xf32>,
      %get3A_269 = arith.constant 5 : i32
      %get3A_270 = arith.index_cast %get3A_269 : i32 to index
      %get3A_271 = arith.constant 64 : index
      %get3A_272 = tpu.vector_load %arg7[%get3A_270, %get3A_271] {strides = array<i32>} : memref<32x128xf32, #tpu.memory_space<vmem>>, vector<16xf32>,
      tpu.vector_store_idx %arg5[%gather3A_252, %add3A_28], %get3A_272 {add = true} : memref<512x144xf32, #tpu.memory_space<vmem>>[vector<16xi32>, vector<16xi32>], vector<16xf32>,
      %get3A_273 = arith.constant 5 : i32
      %get3A_274 = arith.index_cast %get3A_273 : i32 to index
      %get3A_275 = arith.constant 80 : index
      %get3A_276 = tpu.vector_load %arg7[%get3A_274, %get3A_275] {strides = array<i32>} : memref<32x128xf32, #tpu.memory_space<vmem>>, vector<16xf32>,
      tpu.vector_store_idx %arg5[%gather3A_252, %add3A_31], %get3A_276 {add = true} : memref<512x144xf32, #tpu.memory_space<vmem>>[vector<16xi32>, vector<16xi32>], vector<16xf32>,
      %get3A_277 = arith.constant 5 : i32
      %get3A_278 = arith.index_cast %get3A_277 : i32 to index
      %get3A_279 = arith.constant 96 : index
      %get3A_280 = tpu.vector_load %arg7[%get3A_278, %get3A_279] {strides = array<i32>} : memref<32x128xf32, #tpu.memory_space<vmem>>, vector<16xf32>,
      tpu.vector_store_idx %arg5[%gather3A_252, %add3A_34], %get3A_280 {add = true} : memref<512x144xf32, #tpu.memory_space<vmem>>[vector<16xi32>, vector<16xi32>], vector<16xf32>,
      %get3A_281 = arith.constant 5 : i32
      %get3A_282 = arith.index_cast %get3A_281 : i32 to index
      %get3A_283 = arith.constant 112 : index
      %get3A_284 = tpu.vector_load %arg7[%get3A_282, %get3A_283] {strides = array<i32>} : memref<32x128xf32, #tpu.memory_space<vmem>>, vector<16xf32>,
      tpu.vector_store_idx %arg5[%gather3A_252, %add3A_37], %get3A_284 {add = true} : memref<512x144xf32, #tpu.memory_space<vmem>>[vector<16xi32>, vector<16xi32>], vector<16xf32>,
      tpu.vector_store_idx %arg5[%gather3A_252, %add3A_40], %select_n3A_13 {add = true} : memref<512x144xf32, #tpu.memory_space<vmem>>[vector<16xi32>, vector<16xi32>], vector<16xf32>,
      %broadcast_in_dim3A_285 = arith.constant 6 : i32
      %broadcast_in_dim3A_286 = vector.broadcast %broadcast_in_dim3A_285 : i32 to vector<16x1xi32>
      %gather3A_287 = vector.shape_cast %broadcast_in_dim3A_286 : vector<16x1xi32> to vector<16xi32>
      %gather3A_288 = tpu.dynamic_gather %get3A_69[%gather3A_287] in [0] : vector<16xi32>, vector<16xi32> -> vector<16xi32>
      %get3A_289 = arith.constant 6 : i32
      %get3A_290 = arith.index_cast %get3A_289 : i32 to index
      %get3A_291 = arith.constant 0 : index
      %get3A_292 = tpu.vector_load %arg7[%get3A_290, %get3A_291] {strides = array<i32>} : memref<32x128xf32, #tpu.memory_space<vmem>>, vector<16xf32>,
      tpu.vector_store_idx %arg5[%gather3A_288, %add3A_16], %get3A_292 {add = true} : memref<512x144xf32, #tpu.memory_space<vmem>>[vector<16xi32>, vector<16xi32>], vector<16xf32>,
      %get3A_293 = arith.constant 6 : i32
      %get3A_294 = arith.index_cast %get3A_293 : i32 to index
      %get3A_295 = arith.constant 16 : index
      %get3A_296 = tpu.vector_load %arg7[%get3A_294, %get3A_295] {strides = array<i32>} : memref<32x128xf32, #tpu.memory_space<vmem>>, vector<16xf32>,
      tpu.vector_store_idx %arg5[%gather3A_288, %add3A_19], %get3A_296 {add = true} : memref<512x144xf32, #tpu.memory_space<vmem>>[vector<16xi32>, vector<16xi32>], vector<16xf32>,
      %get3A_297 = arith.constant 6 : i32
      %get3A_298 = arith.index_cast %get3A_297 : i32 to index
      %get3A_299 = arith.constant 32 : index
      %get3A_300 = tpu.vector_load %arg7[%get3A_298, %get3A_299] {strides = array<i32>} : memref<32x128xf32, #tpu.memory_space<vmem>>, vector<16xf32>,
      tpu.vector_store_idx %arg5[%gather3A_288, %add3A_22], %get3A_300 {add = true} : memref<512x144xf32, #tpu.memory_space<vmem>>[vector<16xi32>, vector<16xi32>], vector<16xf32>,
      %get3A_301 = arith.constant 6 : i32
      %get3A_302 = arith.index_cast %get3A_301 : i32 to index
      %get3A_303 = arith.constant 48 : index
      %get3A_304 = tpu.vector_load %arg7[%get3A_302, %get3A_303] {strides = array<i32>} : memref<32x128xf32, #tpu.memory_space<vmem>>, vector<16xf32>,
      tpu.vector_store_idx %arg5[%gather3A_288, %add3A_25], %get3A_304 {add = true} : memref<512x144xf32, #tpu.memory_space<vmem>>[vector<16xi32>, vector<16xi32>], vector<16xf32>,
      %get3A_305 = arith.constant 6 : i32
      %get3A_306 = arith.index_cast %get3A_305 : i32 to index
      %get3A_307 = arith.constant 64 : index
      %get3A_308 = tpu.vector_load %arg7[%get3A_306, %get3A_307] {strides = array<i32>} : memref<32x128xf32, #tpu.memory_space<vmem>>, vector<16xf32>,
      tpu.vector_store_idx %arg5[%gather3A_288, %add3A_28], %get3A_308 {add = true} : memref<512x144xf32, #tpu.memory_space<vmem>>[vector<16xi32>, vector<16xi32>], vector<16xf32>,
      %get3A_309 = arith.constant 6 : i32
      %get3A_310 = arith.index_cast %get3A_309 : i32 to index
      %get3A_311 = arith.constant 80 : index
      %get3A_312 = tpu.vector_load %arg7[%get3A_310, %get3A_311] {strides = array<i32>} : memref<32x128xf32, #tpu.memory_space<vmem>>, vector<16xf32>,
      tpu.vector_store_idx %arg5[%gather3A_288, %add3A_31], %get3A_312 {add = true} : memref<512x144xf32, #tpu.memory_space<vmem>>[vector<16xi32>, vector<16xi32>], vector<16xf32>,
      %get3A_313 = arith.constant 6 : i32
      %get3A_314 = arith.index_cast %get3A_313 : i32 to index
      %get3A_315 = arith.constant 96 : index
      %get3A_316 = tpu.vector_load %arg7[%get3A_314, %get3A_315] {strides = array<i32>} : memref<32x128xf32, #tpu.memory_space<vmem>>, vector<16xf32>,
      tpu.vector_store_idx %arg5[%gather3A_288, %add3A_34], %get3A_316 {add = true} : memref<512x144xf32, #tpu.memory_space<vmem>>[vector<16xi32>, vector<16xi32>], vector<16xf32>,
      %get3A_317 = arith.constant 6 : i32
      %get3A_318 = arith.index_cast %get3A_317 : i32 to index
      %get3A_319 = arith.constant 112 : index
      %get3A_320 = tpu.vector_load %arg7[%get3A_318, %get3A_319] {strides = array<i32>} : memref<32x128xf32, #tpu.memory_space<vmem>>, vector<16xf32>,
      tpu.vector_store_idx %arg5[%gather3A_288, %add3A_37], %get3A_320 {add = true} : memref<512x144xf32, #tpu.memory_space<vmem>>[vector<16xi32>, vector<16xi32>], vector<16xf32>,
      tpu.vector_store_idx %arg5[%gather3A_288, %add3A_40], %select_n3A_13 {add = true} : memref<512x144xf32, #tpu.memory_space<vmem>>[vector<16xi32>, vector<16xi32>], vector<16xf32>,
      %broadcast_in_dim3A_321 = arith.constant 7 : i32
      %broadcast_in_dim3A_322 = vector.broadcast %broadcast_in_dim3A_321 : i32 to vector<16x1xi32>
      %gather3A_323 = vector.shape_cast %broadcast_in_dim3A_322 : vector<16x1xi32> to vector<16xi32>
      %gather3A_324 = tpu.dynamic_gather %get3A_69[%gather3A_323] in [0] : vector<16xi32>, vector<16xi32> -> vector<16xi32>
      %get3A_325 = arith.constant 7 : i32
      %get3A_326 = arith.index_cast %get3A_325 : i32 to index
      %get3A_327 = arith.constant 0 : index
      %get3A_328 = tpu.vector_load %arg7[%get3A_326, %get3A_327] {strides = array<i32>} : memref<32x128xf32, #tpu.memory_space<vmem>>, vector<16xf32>,
      tpu.vector_store_idx %arg5[%gather3A_324, %add3A_16], %get3A_328 {add = true} : memref<512x144xf32, #tpu.memory_space<vmem>>[vector<16xi32>, vector<16xi32>], vector<16xf32>,
      %get3A_329 = arith.constant 7 : i32
      %get3A_330 = arith.index_cast %get3A_329 : i32 to index
      %get3A_331 = arith.constant 16 : index
      %get3A_332 = tpu.vector_load %arg7[%get3A_330, %get3A_331] {strides = array<i32>} : memref<32x128xf32, #tpu.memory_space<vmem>>, vector<16xf32>,
      tpu.vector_store_idx %arg5[%gather3A_324, %add3A_19], %get3A_332 {add = true} : memref<512x144xf32, #tpu.memory_space<vmem>>[vector<16xi32>, vector<16xi32>], vector<16xf32>,
      %get3A_333 = arith.constant 7 : i32
      %get3A_334 = arith.index_cast %get3A_333 : i32 to index
      %get3A_335 = arith.constant 32 : index
      %get3A_336 = tpu.vector_load %arg7[%get3A_334, %get3A_335] {strides = array<i32>} : memref<32x128xf32, #tpu.memory_space<vmem>>, vector<16xf32>,
      tpu.vector_store_idx %arg5[%gather3A_324, %add3A_22], %get3A_336 {add = true} : memref<512x144xf32, #tpu.memory_space<vmem>>[vector<16xi32>, vector<16xi32>], vector<16xf32>,
      %get3A_337 = arith.constant 7 : i32
      %get3A_338 = arith.index_cast %get3A_337 : i32 to index
      %get3A_339 = arith.constant 48 : index
      %get3A_340 = tpu.vector_load %arg7[%get3A_338, %get3A_339] {strides = array<i32>} : memref<32x128xf32, #tpu.memory_space<vmem>>, vector<16xf32>,
      tpu.vector_store_idx %arg5[%gather3A_324, %add3A_25], %get3A_340 {add = true} : memref<512x144xf32, #tpu.memory_space<vmem>>[vector<16xi32>, vector<16xi32>], vector<16xf32>,
      %get3A_341 = arith.constant 7 : i32
      %get3A_342 = arith.index_cast %get3A_341 : i32 to index
      %get3A_343 = arith.constant 64 : index
      %get3A_344 = tpu.vector_load %arg7[%get3A_342, %get3A_343] {strides = array<i32>} : memref<32x128xf32, #tpu.memory_space<vmem>>, vector<16xf32>,
      tpu.vector_store_idx %arg5[%gather3A_324, %add3A_28], %get3A_344 {add = true} : memref<512x144xf32, #tpu.memory_space<vmem>>[vector<16xi32>, vector<16xi32>], vector<16xf32>,
      %get3A_345 = arith.constant 7 : i32
      %get3A_346 = arith.index_cast %get3A_345 : i32 to index
      %get3A_347 = arith.constant 80 : index
      %get3A_348 = tpu.vector_load %arg7[%get3A_346, %get3A_347] {strides = array<i32>} : memref<32x128xf32, #tpu.memory_space<vmem>>, vector<16xf32>,
      tpu.vector_store_idx %arg5[%gather3A_324, %add3A_31], %get3A_348 {add = true} : memref<512x144xf32, #tpu.memory_space<vmem>>[vector<16xi32>, vector<16xi32>], vector<16xf32>,
      %get3A_349 = arith.constant 7 : i32
      %get3A_350 = arith.index_cast %get3A_349 : i32 to index
      %get3A_351 = arith.constant 96 : index
      %get3A_352 = tpu.vector_load %arg7[%get3A_350, %get3A_351] {strides = array<i32>} : memref<32x128xf32, #tpu.memory_space<vmem>>, vector<16xf32>,
      tpu.vector_store_idx %arg5[%gather3A_324, %add3A_34], %get3A_352 {add = true} : memref<512x144xf32, #tpu.memory_space<vmem>>[vector<16xi32>, vector<16xi32>], vector<16xf32>,
      %get3A_353 = arith.constant 7 : i32
      %get3A_354 = arith.index_cast %get3A_353 : i32 to index
      %get3A_355 = arith.constant 112 : index
      %get3A_356 = tpu.vector_load %arg7[%get3A_354, %get3A_355] {strides = array<i32>} : memref<32x128xf32, #tpu.memory_space<vmem>>, vector<16xf32>,
      tpu.vector_store_idx %arg5[%gather3A_324, %add3A_37], %get3A_356 {add = true} : memref<512x144xf32, #tpu.memory_space<vmem>>[vector<16xi32>, vector<16xi32>], vector<16xf32>,
      tpu.vector_store_idx %arg5[%gather3A_324, %add3A_40], %select_n3A_13 {add = true} : memref<512x144xf32, #tpu.memory_space<vmem>>[vector<16xi32>, vector<16xi32>], vector<16xf32>,
      %broadcast_in_dim3A_357 = arith.constant 8 : i32
      %broadcast_in_dim3A_358 = vector.broadcast %broadcast_in_dim3A_357 : i32 to vector<16x1xi32>
      %gather3A_359 = vector.shape_cast %broadcast_in_dim3A_358 : vector<16x1xi32> to vector<16xi32>
      %gather3A_360 = tpu.dynamic_gather %get3A_69[%gather3A_359] in [0] : vector<16xi32>, vector<16xi32> -> vector<16xi32>
      %get3A_361 = arith.constant 8 : i32
      %get3A_362 = arith.index_cast %get3A_361 : i32 to index
      %get3A_363 = arith.constant 0 : index
      %get3A_364 = tpu.vector_load %arg7[%get3A_362, %get3A_363] {strides = array<i32>} : memref<32x128xf32, #tpu.memory_space<vmem>>, vector<16xf32>,
      tpu.vector_store_idx %arg5[%gather3A_360, %add3A_16], %get3A_364 {add = true} : memref<512x144xf32, #tpu.memory_space<vmem>>[vector<16xi32>, vector<16xi32>], vector<16xf32>,
      %get3A_365 = arith.constant 8 : i32
      %get3A_366 = arith.index_cast %get3A_365 : i32 to index
      %get3A_367 = arith.constant 16 : index
      %get3A_368 = tpu.vector_load %arg7[%get3A_366, %get3A_367] {strides = array<i32>} : memref<32x128xf32, #tpu.memory_space<vmem>>, vector<16xf32>,
      tpu.vector_store_idx %arg5[%gather3A_360, %add3A_19], %get3A_368 {add = true} : memref<512x144xf32, #tpu.memory_space<vmem>>[vector<16xi32>, vector<16xi32>], vector<16xf32>,
      %get3A_369 = arith.constant 8 : i32
      %get3A_370 = arith.index_cast %get3A_369 : i32 to index
      %get3A_371 = arith.constant 32 : index
      %get3A_372 = tpu.vector_load %arg7[%get3A_370, %get3A_371] {strides = array<i32>} : memref<32x128xf32, #tpu.memory_space<vmem>>, vector<16xf32>,
      tpu.vector_store_idx %arg5[%gather3A_360, %add3A_22], %get3A_372 {add = true} : memref<512x144xf32, #tpu.memory_space<vmem>>[vector<16xi32>, vector<16xi32>], vector<16xf32>,
      %get3A_373 = arith.constant 8 : i32
      %get3A_374 = arith.index_cast %get3A_373 : i32 to index
      %get3A_375 = arith.constant 48 : index
      %get3A_376 = tpu.vector_load %arg7[%get3A_374, %get3A_375] {strides = array<i32>} : memref<32x128xf32, #tpu.memory_space<vmem>>, vector<16xf32>,
      tpu.vector_store_idx %arg5[%gather3A_360, %add3A_25], %get3A_376 {add = true} : memref<512x144xf32, #tpu.memory_space<vmem>>[vector<16xi32>, vector<16xi32>], vector<16xf32>,
      %get3A_377 = arith.constant 8 : i32
      %get3A_378 = arith.index_cast %get3A_377 : i32 to index
      %get3A_379 = arith.constant 64 : index
      %get3A_380 = tpu.vector_load %arg7[%get3A_378, %get3A_379] {strides = array<i32>} : memref<32x128xf32, #tpu.memory_space<vmem>>, vector<16xf32>,
      tpu.vector_store_idx %arg5[%gather3A_360, %add3A_28], %get3A_380 {add = true} : memref<512x144xf32, #tpu.memory_space<vmem>>[vector<16xi32>, vector<16xi32>], vector<16xf32>,
      %get3A_381 = arith.constant 8 : i32
      %get3A_382 = arith.index_cast %get3A_381 : i32 to index
      %get3A_383 = arith.constant 80 : index
      %get3A_384 = tpu.vector_load %arg7[%get3A_382, %get3A_383] {strides = array<i32>} : memref<32x128xf32, #tpu.memory_space<vmem>>, vector<16xf32>,
      tpu.vector_store_idx %arg5[%gather3A_360, %add3A_31], %get3A_384 {add = true} : memref<512x144xf32, #tpu.memory_space<vmem>>[vector<16xi32>, vector<16xi32>], vector<16xf32>,
      %get3A_385 = arith.constant 8 : i32
      %get3A_386 = arith.index_cast %get3A_385 : i32 to index
      %get3A_387 = arith.constant 96 : index
      %get3A_388 = tpu.vector_load %arg7[%get3A_386, %get3A_387] {strides = array<i32>} : memref<32x128xf32, #tpu.memory_space<vmem>>, vector<16xf32>,
      tpu.vector_store_idx %arg5[%gather3A_360, %add3A_34], %get3A_388 {add = true} : memref<512x144xf32, #tpu.memory_space<vmem>>[vector<16xi32>, vector<16xi32>], vector<16xf32>,
      %get3A_389 = arith.constant 8 : i32
      %get3A_390 = arith.index_cast %get3A_389 : i32 to index
      %get3A_391 = arith.constant 112 : index
      %get3A_392 = tpu.vector_load %arg7[%get3A_390, %get3A_391] {strides = array<i32>} : memref<32x128xf32, #tpu.memory_space<vmem>>, vector<16xf32>,
      tpu.vector_store_idx %arg5[%gather3A_360, %add3A_37], %get3A_392 {add = true} : memref<512x144xf32, #tpu.memory_space<vmem>>[vector<16xi32>, vector<16xi32>], vector<16xf32>,
      tpu.vector_store_idx %arg5[%gather3A_360, %add3A_40], %select_n3A_13 {add = true} : memref<512x144xf32, #tpu.memory_space<vmem>>[vector<16xi32>, vector<16xi32>], vector<16xf32>,
      %broadcast_in_dim3A_393 = arith.constant 9 : i32
      %broadcast_in_dim3A_394 = vector.broadcast %broadcast_in_dim3A_393 : i32 to vector<16x1xi32>
      %gather3A_395 = vector.shape_cast %broadcast_in_dim3A_394 : vector<16x1xi32> to vector<16xi32>
      %gather3A_396 = tpu.dynamic_gather %get3A_69[%gather3A_395] in [0] : vector<16xi32>, vector<16xi32> -> vector<16xi32>
      %get3A_397 = arith.constant 9 : i32
      %get3A_398 = arith.index_cast %get3A_397 : i32 to index
      %get3A_399 = arith.constant 0 : index
      %get3A_400 = tpu.vector_load %arg7[%get3A_398, %get3A_399] {strides = array<i32>} : memref<32x128xf32, #tpu.memory_space<vmem>>, vector<16xf32>,
      tpu.vector_store_idx %arg5[%gather3A_396, %add3A_16], %get3A_400 {add = true} : memref<512x144xf32, #tpu.memory_space<vmem>>[vector<16xi32>, vector<16xi32>], vector<16xf32>,
      %get3A_401 = arith.constant 9 : i32
      %get3A_402 = arith.index_cast %get3A_401 : i32 to index
      %get3A_403 = arith.constant 16 : index
      %get3A_404 = tpu.vector_load %arg7[%get3A_402, %get3A_403] {strides = array<i32>} : memref<32x128xf32, #tpu.memory_space<vmem>>, vector<16xf32>,
      tpu.vector_store_idx %arg5[%gather3A_396, %add3A_19], %get3A_404 {add = true} : memref<512x144xf32, #tpu.memory_space<vmem>>[vector<16xi32>, vector<16xi32>], vector<16xf32>,
      %get3A_405 = arith.constant 9 : i32
      %get3A_406 = arith.index_cast %get3A_405 : i32 to index
      %get3A_407 = arith.constant 32 : index
      %get3A_408 = tpu.vector_load %arg7[%get3A_406, %get3A_407] {strides = array<i32>} : memref<32x128xf32, #tpu.memory_space<vmem>>, vector<16xf32>,
      tpu.vector_store_idx %arg5[%gather3A_396, %add3A_22], %get3A_408 {add = true} : memref<512x144xf32, #tpu.memory_space<vmem>>[vector<16xi32>, vector<16xi32>], vector<16xf32>,
      %get3A_409 = arith.constant 9 : i32
      %get3A_410 = arith.index_cast %get3A_409 : i32 to index
      %get3A_411 = arith.constant 48 : index
      %get3A_412 = tpu.vector_load %arg7[%get3A_410, %get3A_411] {strides = array<i32>} : memref<32x128xf32, #tpu.memory_space<vmem>>, vector<16xf32>,
      tpu.vector_store_idx %arg5[%gather3A_396, %add3A_25], %get3A_412 {add = true} : memref<512x144xf32, #tpu.memory_space<vmem>>[vector<16xi32>, vector<16xi32>], vector<16xf32>,
      %get3A_413 = arith.constant 9 : i32
      %get3A_414 = arith.index_cast %get3A_413 : i32 to index
      %get3A_415 = arith.constant 64 : index
      %get3A_416 = tpu.vector_load %arg7[%get3A_414, %get3A_415] {strides = array<i32>} : memref<32x128xf32, #tpu.memory_space<vmem>>, vector<16xf32>,
      tpu.vector_store_idx %arg5[%gather3A_396, %add3A_28], %get3A_416 {add = true} : memref<512x144xf32, #tpu.memory_space<vmem>>[vector<16xi32>, vector<16xi32>], vector<16xf32>,
      %get3A_417 = arith.constant 9 : i32
      %get3A_418 = arith.index_cast %get3A_417 : i32 to index
      %get3A_419 = arith.constant 80 : index
      %get3A_420 = tpu.vector_load %arg7[%get3A_418, %get3A_419] {strides = array<i32>} : memref<32x128xf32, #tpu.memory_space<vmem>>, vector<16xf32>,
      tpu.vector_store_idx %arg5[%gather3A_396, %add3A_31], %get3A_420 {add = true} : memref<512x144xf32, #tpu.memory_space<vmem>>[vector<16xi32>, vector<16xi32>], vector<16xf32>,
      %get3A_421 = arith.constant 9 : i32
      %get3A_422 = arith.index_cast %get3A_421 : i32 to index
      %get3A_423 = arith.constant 96 : index
      %get3A_424 = tpu.vector_load %arg7[%get3A_422, %get3A_423] {strides = array<i32>} : memref<32x128xf32, #tpu.memory_space<vmem>>, vector<16xf32>,
      tpu.vector_store_idx %arg5[%gather3A_396, %add3A_34], %get3A_424 {add = true} : memref<512x144xf32, #tpu.memory_space<vmem>>[vector<16xi32>, vector<16xi32>], vector<16xf32>,
      %get3A_425 = arith.constant 9 : i32
      %get3A_426 = arith.index_cast %get3A_425 : i32 to index
      %get3A_427 = arith.constant 112 : index
      %get3A_428 = tpu.vector_load %arg7[%get3A_426, %get3A_427] {strides = array<i32>} : memref<32x128xf32, #tpu.memory_space<vmem>>, vector<16xf32>,
      tpu.vector_store_idx %arg5[%gather3A_396, %add3A_37], %get3A_428 {add = true} : memref<512x144xf32, #tpu.memory_space<vmem>>[vector<16xi32>, vector<16xi32>], vector<16xf32>,
      tpu.vector_store_idx %arg5[%gather3A_396, %add3A_40], %select_n3A_13 {add = true} : memref<512x144xf32, #tpu.memory_space<vmem>>[vector<16xi32>, vector<16xi32>], vector<16xf32>,
      %broadcast_in_dim3A_429 = arith.constant 10 : i32
      %broadcast_in_dim3A_430 = vector.broadcast %broadcast_in_dim3A_429 : i32 to vector<16x1xi32>
      %gather3A_431 = vector.shape_cast %broadcast_in_dim3A_430 : vector<16x1xi32> to vector<16xi32>
      %gather3A_432 = tpu.dynamic_gather %get3A_69[%gather3A_431] in [0] : vector<16xi32>, vector<16xi32> -> vector<16xi32>
      %get3A_433 = arith.constant 10 : i32
      %get3A_434 = arith.index_cast %get3A_433 : i32 to index
      %get3A_435 = arith.constant 0 : index
      %get3A_436 = tpu.vector_load %arg7[%get3A_434, %get3A_435] {strides = array<i32>} : memref<32x128xf32, #tpu.memory_space<vmem>>, vector<16xf32>,
      tpu.vector_store_idx %arg5[%gather3A_432, %add3A_16], %get3A_436 {add = true} : memref<512x144xf32, #tpu.memory_space<vmem>>[vector<16xi32>, vector<16xi32>], vector<16xf32>,
      %get3A_437 = arith.constant 10 : i32
      %get3A_438 = arith.index_cast %get3A_437 : i32 to index
      %get3A_439 = arith.constant 16 : index
      %get3A_440 = tpu.vector_load %arg7[%get3A_438, %get3A_439] {strides = array<i32>} : memref<32x128xf32, #tpu.memory_space<vmem>>, vector<16xf32>,
      tpu.vector_store_idx %arg5[%gather3A_432, %add3A_19], %get3A_440 {add = true} : memref<512x144xf32, #tpu.memory_space<vmem>>[vector<16xi32>, vector<16xi32>], vector<16xf32>,
      %get3A_441 = arith.constant 10 : i32
      %get3A_442 = arith.index_cast %get3A_441 : i32 to index
      %get3A_443 = arith.constant 32 : index
      %get3A_444 = tpu.vector_load %arg7[%get3A_442, %get3A_443] {strides = array<i32>} : memref<32x128xf32, #tpu.memory_space<vmem>>, vector<16xf32>,
      tpu.vector_store_idx %arg5[%gather3A_432, %add3A_22], %get3A_444 {add = true} : memref<512x144xf32, #tpu.memory_space<vmem>>[vector<16xi32>, vector<16xi32>], vector<16xf32>,
      %get3A_445 = arith.constant 10 : i32
      %get3A_446 = arith.index_cast %get3A_445 : i32 to index
      %get3A_447 = arith.constant 48 : index
      %get3A_448 = tpu.vector_load %arg7[%get3A_446, %get3A_447] {strides = array<i32>} : memref<32x128xf32, #tpu.memory_space<vmem>>, vector<16xf32>,
      tpu.vector_store_idx %arg5[%gather3A_432, %add3A_25], %get3A_448 {add = true} : memref<512x144xf32, #tpu.memory_space<vmem>>[vector<16xi32>, vector<16xi32>], vector<16xf32>,
      %get3A_449 = arith.constant 10 : i32
      %get3A_450 = arith.index_cast %get3A_449 : i32 to index
      %get3A_451 = arith.constant 64 : index
      %get3A_452 = tpu.vector_load %arg7[%get3A_450, %get3A_451] {strides = array<i32>} : memref<32x128xf32, #tpu.memory_space<vmem>>, vector<16xf32>,
      tpu.vector_store_idx %arg5[%gather3A_432, %add3A_28], %get3A_452 {add = true} : memref<512x144xf32, #tpu.memory_space<vmem>>[vector<16xi32>, vector<16xi32>], vector<16xf32>,
      %get3A_453 = arith.constant 10 : i32
      %get3A_454 = arith.index_cast %get3A_453 : i32 to index
      %get3A_455 = arith.constant 80 : index
      %get3A_456 = tpu.vector_load %arg7[%get3A_454, %get3A_455] {strides = array<i32>} : memref<32x128xf32, #tpu.memory_space<vmem>>, vector<16xf32>,
      tpu.vector_store_idx %arg5[%gather3A_432, %add3A_31], %get3A_456 {add = true} : memref<512x144xf32, #tpu.memory_space<vmem>>[vector<16xi32>, vector<16xi32>], vector<16xf32>,
      %get3A_457 = arith.constant 10 : i32
      %get3A_458 = arith.index_cast %get3A_457 : i32 to index
      %get3A_459 = arith.constant 96 : index
      %get3A_460 = tpu.vector_load %arg7[%get3A_458, %get3A_459] {strides = array<i32>} : memref<32x128xf32, #tpu.memory_space<vmem>>, vector<16xf32>,
      tpu.vector_store_idx %arg5[%gather3A_432, %add3A_34], %get3A_460 {add = true} : memref<512x144xf32, #tpu.memory_space<vmem>>[vector<16xi32>, vector<16xi32>], vector<16xf32>,
      %get3A_461 = arith.constant 10 : i32
      %get3A_462 = arith.index_cast %get3A_461 : i32 to index
      %get3A_463 = arith.constant 112 : index
      %get3A_464 = tpu.vector_load %arg7[%get3A_462, %get3A_463] {strides = array<i32>} : memref<32x128xf32, #tpu.memory_space<vmem>>, vector<16xf32>,
      tpu.vector_store_idx %arg5[%gather3A_432, %add3A_37], %get3A_464 {add = true} : memref<512x144xf32, #tpu.memory_space<vmem>>[vector<16xi32>, vector<16xi32>], vector<16xf32>,
      tpu.vector_store_idx %arg5[%gather3A_432, %add3A_40], %select_n3A_13 {add = true} : memref<512x144xf32, #tpu.memory_space<vmem>>[vector<16xi32>, vector<16xi32>], vector<16xf32>,
      %broadcast_in_dim3A_465 = arith.constant 11 : i32
      %broadcast_in_dim3A_466 = vector.broadcast %broadcast_in_dim3A_465 : i32 to vector<16x1xi32>
      %gather3A_467 = vector.shape_cast %broadcast_in_dim3A_466 : vector<16x1xi32> to vector<16xi32>
      %gather3A_468 = tpu.dynamic_gather %get3A_69[%gather3A_467] in [0] : vector<16xi32>, vector<16xi32> -> vector<16xi32>
      %get3A_469 = arith.constant 11 : i32
      %get3A_470 = arith.index_cast %get3A_469 : i32 to index
      %get3A_471 = arith.constant 0 : index
      %get3A_472 = tpu.vector_load %arg7[%get3A_470, %get3A_471] {strides = array<i32>} : memref<32x128xf32, #tpu.memory_space<vmem>>, vector<16xf32>,
      tpu.vector_store_idx %arg5[%gather3A_468, %add3A_16], %get3A_472 {add = true} : memref<512x144xf32, #tpu.memory_space<vmem>>[vector<16xi32>, vector<16xi32>], vector<16xf32>,
      %get3A_473 = arith.constant 11 : i32
      %get3A_474 = arith.index_cast %get3A_473 : i32 to index
      %get3A_475 = arith.constant 16 : index
      %get3A_476 = tpu.vector_load %arg7[%get3A_474, %get3A_475] {strides = array<i32>} : memref<32x128xf32, #tpu.memory_space<vmem>>, vector<16xf32>,
      tpu.vector_store_idx %arg5[%gather3A_468, %add3A_19], %get3A_476 {add = true} : memref<512x144xf32, #tpu.memory_space<vmem>>[vector<16xi32>, vector<16xi32>], vector<16xf32>,
      %get3A_477 = arith.constant 11 : i32
      %get3A_478 = arith.index_cast %get3A_477 : i32 to index
      %get3A_479 = arith.constant 32 : index
      %get3A_480 = tpu.vector_load %arg7[%get3A_478, %get3A_479] {strides = array<i32>} : memref<32x128xf32, #tpu.memory_space<vmem>>, vector<16xf32>,
      tpu.vector_store_idx %arg5[%gather3A_468, %add3A_22], %get3A_480 {add = true} : memref<512x144xf32, #tpu.memory_space<vmem>>[vector<16xi32>, vector<16xi32>], vector<16xf32>,
      %get3A_481 = arith.constant 11 : i32
      %get3A_482 = arith.index_cast %get3A_481 : i32 to index
      %get3A_483 = arith.constant 48 : index
      %get3A_484 = tpu.vector_load %arg7[%get3A_482, %get3A_483] {strides = array<i32>} : memref<32x128xf32, #tpu.memory_space<vmem>>, vector<16xf32>,
      tpu.vector_store_idx %arg5[%gather3A_468, %add3A_25], %get3A_484 {add = true} : memref<512x144xf32, #tpu.memory_space<vmem>>[vector<16xi32>, vector<16xi32>], vector<16xf32>,
      %get3A_485 = arith.constant 11 : i32
      %get3A_486 = arith.index_cast %get3A_485 : i32 to index
      %get3A_487 = arith.constant 64 : index
      %get3A_488 = tpu.vector_load %arg7[%get3A_486, %get3A_487] {strides = array<i32>} : memref<32x128xf32, #tpu.memory_space<vmem>>, vector<16xf32>,
      tpu.vector_store_idx %arg5[%gather3A_468, %add3A_28], %get3A_488 {add = true} : memref<512x144xf32, #tpu.memory_space<vmem>>[vector<16xi32>, vector<16xi32>], vector<16xf32>,
      %get3A_489 = arith.constant 11 : i32
      %get3A_490 = arith.index_cast %get3A_489 : i32 to index
      %get3A_491 = arith.constant 80 : index
      %get3A_492 = tpu.vector_load %arg7[%get3A_490, %get3A_491] {strides = array<i32>} : memref<32x128xf32, #tpu.memory_space<vmem>>, vector<16xf32>,
      tpu.vector_store_idx %arg5[%gather3A_468, %add3A_31], %get3A_492 {add = true} : memref<512x144xf32, #tpu.memory_space<vmem>>[vector<16xi32>, vector<16xi32>], vector<16xf32>,
      %get3A_493 = arith.constant 11 : i32
      %get3A_494 = arith.index_cast %get3A_493 : i32 to index
      %get3A_495 = arith.constant 96 : index
      %get3A_496 = tpu.vector_load %arg7[%get3A_494, %get3A_495] {strides = array<i32>} : memref<32x128xf32, #tpu.memory_space<vmem>>, vector<16xf32>,
      tpu.vector_store_idx %arg5[%gather3A_468, %add3A_34], %get3A_496 {add = true} : memref<512x144xf32, #tpu.memory_space<vmem>>[vector<16xi32>, vector<16xi32>], vector<16xf32>,
      %get3A_497 = arith.constant 11 : i32
      %get3A_498 = arith.index_cast %get3A_497 : i32 to index
      %get3A_499 = arith.constant 112 : index
      %get3A_500 = tpu.vector_load %arg7[%get3A_498, %get3A_499] {strides = array<i32>} : memref<32x128xf32, #tpu.memory_space<vmem>>, vector<16xf32>,
      tpu.vector_store_idx %arg5[%gather3A_468, %add3A_37], %get3A_500 {add = true} : memref<512x144xf32, #tpu.memory_space<vmem>>[vector<16xi32>, vector<16xi32>], vector<16xf32>,
      tpu.vector_store_idx %arg5[%gather3A_468, %add3A_40], %select_n3A_13 {add = true} : memref<512x144xf32, #tpu.memory_space<vmem>>[vector<16xi32>, vector<16xi32>], vector<16xf32>,
      %broadcast_in_dim3A_501 = arith.constant 12 : i32
      %broadcast_in_dim3A_502 = vector.broadcast %broadcast_in_dim3A_501 : i32 to vector<16x1xi32>
      %gather3A_503 = vector.shape_cast %broadcast_in_dim3A_502 : vector<16x1xi32> to vector<16xi32>
      %gather3A_504 = tpu.dynamic_gather %get3A_69[%gather3A_503] in [0] : vector<16xi32>, vector<16xi32> -> vector<16xi32>
      %get3A_505 = arith.constant 12 : i32
      %get3A_506 = arith.index_cast %get3A_505 : i32 to index
      %get3A_507 = arith.constant 0 : index
      %get3A_508 = tpu.vector_load %arg7[%get3A_506, %get3A_507] {strides = array<i32>} : memref<32x128xf32, #tpu.memory_space<vmem>>, vector<16xf32>,
      tpu.vector_store_idx %arg5[%gather3A_504, %add3A_16], %get3A_508 {add = true} : memref<512x144xf32, #tpu.memory_space<vmem>>[vector<16xi32>, vector<16xi32>], vector<16xf32>,
      %get3A_509 = arith.constant 12 : i32
      %get3A_510 = arith.index_cast %get3A_509 : i32 to index
      %get3A_511 = arith.constant 16 : index
      %get3A_512 = tpu.vector_load %arg7[%get3A_510, %get3A_511] {strides = array<i32>} : memref<32x128xf32, #tpu.memory_space<vmem>>, vector<16xf32>,
      tpu.vector_store_idx %arg5[%gather3A_504, %add3A_19], %get3A_512 {add = true} : memref<512x144xf32, #tpu.memory_space<vmem>>[vector<16xi32>, vector<16xi32>], vector<16xf32>,
      %get3A_513 = arith.constant 12 : i32
      %get3A_514 = arith.index_cast %get3A_513 : i32 to index
      %get3A_515 = arith.constant 32 : index
      %get3A_516 = tpu.vector_load %arg7[%get3A_514, %get3A_515] {strides = array<i32>} : memref<32x128xf32, #tpu.memory_space<vmem>>, vector<16xf32>,
      tpu.vector_store_idx %arg5[%gather3A_504, %add3A_22], %get3A_516 {add = true} : memref<512x144xf32, #tpu.memory_space<vmem>>[vector<16xi32>, vector<16xi32>], vector<16xf32>,
      %get3A_517 = arith.constant 12 : i32
      %get3A_518 = arith.index_cast %get3A_517 : i32 to index
      %get3A_519 = arith.constant 48 : index
      %get3A_520 = tpu.vector_load %arg7[%get3A_518, %get3A_519] {strides = array<i32>} : memref<32x128xf32, #tpu.memory_space<vmem>>, vector<16xf32>,
      tpu.vector_store_idx %arg5[%gather3A_504, %add3A_25], %get3A_520 {add = true} : memref<512x144xf32, #tpu.memory_space<vmem>>[vector<16xi32>, vector<16xi32>], vector<16xf32>,
      %get3A_521 = arith.constant 12 : i32
      %get3A_522 = arith.index_cast %get3A_521 : i32 to index
      %get3A_523 = arith.constant 64 : index
      %get3A_524 = tpu.vector_load %arg7[%get3A_522, %get3A_523] {strides = array<i32>} : memref<32x128xf32, #tpu.memory_space<vmem>>, vector<16xf32>,
      tpu.vector_store_idx %arg5[%gather3A_504, %add3A_28], %get3A_524 {add = true} : memref<512x144xf32, #tpu.memory_space<vmem>>[vector<16xi32>, vector<16xi32>], vector<16xf32>,
      %get3A_525 = arith.constant 12 : i32
      %get3A_526 = arith.index_cast %get3A_525 : i32 to index
      %get3A_527 = arith.constant 80 : index
      %get3A_528 = tpu.vector_load %arg7[%get3A_526, %get3A_527] {strides = array<i32>} : memref<32x128xf32, #tpu.memory_space<vmem>>, vector<16xf32>,
      tpu.vector_store_idx %arg5[%gather3A_504, %add3A_31], %get3A_528 {add = true} : memref<512x144xf32, #tpu.memory_space<vmem>>[vector<16xi32>, vector<16xi32>], vector<16xf32>,
      %get3A_529 = arith.constant 12 : i32
      %get3A_530 = arith.index_cast %get3A_529 : i32 to index
      %get3A_531 = arith.constant 96 : index
      %get3A_532 = tpu.vector_load %arg7[%get3A_530, %get3A_531] {strides = array<i32>} : memref<32x128xf32, #tpu.memory_space<vmem>>, vector<16xf32>,
      tpu.vector_store_idx %arg5[%gather3A_504, %add3A_34], %get3A_532 {add = true} : memref<512x144xf32, #tpu.memory_space<vmem>>[vector<16xi32>, vector<16xi32>], vector<16xf32>,
      %get3A_533 = arith.constant 12 : i32
      %get3A_534 = arith.index_cast %get3A_533 : i32 to index
      %get3A_535 = arith.constant 112 : index
      %get3A_536 = tpu.vector_load %arg7[%get3A_534, %get3A_535] {strides = array<i32>} : memref<32x128xf32, #tpu.memory_space<vmem>>, vector<16xf32>,
      tpu.vector_store_idx %arg5[%gather3A_504, %add3A_37], %get3A_536 {add = true} : memref<512x144xf32, #tpu.memory_space<vmem>>[vector<16xi32>, vector<16xi32>], vector<16xf32>,
      tpu.vector_store_idx %arg5[%gather3A_504, %add3A_40], %select_n3A_13 {add = true} : memref<512x144xf32, #tpu.memory_space<vmem>>[vector<16xi32>, vector<16xi32>], vector<16xf32>,
      %broadcast_in_dim3A_537 = arith.constant 13 : i32
      %broadcast_in_dim3A_538 = vector.broadcast %broadcast_in_dim3A_537 : i32 to vector<16x1xi32>
      %gather3A_539 = vector.shape_cast %broadcast_in_dim3A_538 : vector<16x1xi32> to vector<16xi32>
      %gather3A_540 = tpu.dynamic_gather %get3A_69[%gather3A_539] in [0] : vector<16xi32>, vector<16xi32> -> vector<16xi32>
      %get3A_541 = arith.constant 13 : i32
      %get3A_542 = arith.index_cast %get3A_541 : i32 to index
      %get3A_543 = arith.constant 0 : index
      %get3A_544 = tpu.vector_load %arg7[%get3A_542, %get3A_543] {strides = array<i32>} : memref<32x128xf32, #tpu.memory_space<vmem>>, vector<16xf32>,
      tpu.vector_store_idx %arg5[%gather3A_540, %add3A_16], %get3A_544 {add = true} : memref<512x144xf32, #tpu.memory_space<vmem>>[vector<16xi32>, vector<16xi32>], vector<16xf32>,
      %get3A_545 = arith.constant 13 : i32
      %get3A_546 = arith.index_cast %get3A_545 : i32 to index
      %get3A_547 = arith.constant 16 : index
      %get3A_548 = tpu.vector_load %arg7[%get3A_546, %get3A_547] {strides = array<i32>} : memref<32x128xf32, #tpu.memory_space<vmem>>, vector<16xf32>,
      tpu.vector_store_idx %arg5[%gather3A_540, %add3A_19], %get3A_548 {add = true} : memref<512x144xf32, #tpu.memory_space<vmem>>[vector<16xi32>, vector<16xi32>], vector<16xf32>,
      %get3A_549 = arith.constant 13 : i32
      %get3A_550 = arith.index_cast %get3A_549 : i32 to index
      %get3A_551 = arith.constant 32 : index
      %get3A_552 = tpu.vector_load %arg7[%get3A_550, %get3A_551] {strides = array<i32>} : memref<32x128xf32, #tpu.memory_space<vmem>>, vector<16xf32>,
      tpu.vector_store_idx %arg5[%gather3A_540, %add3A_22], %get3A_552 {add = true} : memref<512x144xf32, #tpu.memory_space<vmem>>[vector<16xi32>, vector<16xi32>], vector<16xf32>,
      %get3A_553 = arith.constant 13 : i32
      %get3A_554 = arith.index_cast %get3A_553 : i32 to index
      %get3A_555 = arith.constant 48 : index
      %get3A_556 = tpu.vector_load %arg7[%get3A_554, %get3A_555] {strides = array<i32>} : memref<32x128xf32, #tpu.memory_space<vmem>>, vector<16xf32>,
      tpu.vector_store_idx %arg5[%gather3A_540, %add3A_25], %get3A_556 {add = true} : memref<512x144xf32, #tpu.memory_space<vmem>>[vector<16xi32>, vector<16xi32>], vector<16xf32>,
      %get3A_557 = arith.constant 13 : i32
      %get3A_558 = arith.index_cast %get3A_557 : i32 to index
      %get3A_559 = arith.constant 64 : index
      %get3A_560 = tpu.vector_load %arg7[%get3A_558, %get3A_559] {strides = array<i32>} : memref<32x128xf32, #tpu.memory_space<vmem>>, vector<16xf32>,
      tpu.vector_store_idx %arg5[%gather3A_540, %add3A_28], %get3A_560 {add = true} : memref<512x144xf32, #tpu.memory_space<vmem>>[vector<16xi32>, vector<16xi32>], vector<16xf32>,
      %get3A_561 = arith.constant 13 : i32
      %get3A_562 = arith.index_cast %get3A_561 : i32 to index
      %get3A_563 = arith.constant 80 : index
      %get3A_564 = tpu.vector_load %arg7[%get3A_562, %get3A_563] {strides = array<i32>} : memref<32x128xf32, #tpu.memory_space<vmem>>, vector<16xf32>,
      tpu.vector_store_idx %arg5[%gather3A_540, %add3A_31], %get3A_564 {add = true} : memref<512x144xf32, #tpu.memory_space<vmem>>[vector<16xi32>, vector<16xi32>], vector<16xf32>,
      %get3A_565 = arith.constant 13 : i32
      %get3A_566 = arith.index_cast %get3A_565 : i32 to index
      %get3A_567 = arith.constant 96 : index
      %get3A_568 = tpu.vector_load %arg7[%get3A_566, %get3A_567] {strides = array<i32>} : memref<32x128xf32, #tpu.memory_space<vmem>>, vector<16xf32>,
      tpu.vector_store_idx %arg5[%gather3A_540, %add3A_34], %get3A_568 {add = true} : memref<512x144xf32, #tpu.memory_space<vmem>>[vector<16xi32>, vector<16xi32>], vector<16xf32>,
      %get3A_569 = arith.constant 13 : i32
      %get3A_570 = arith.index_cast %get3A_569 : i32 to index
      %get3A_571 = arith.constant 112 : index
      %get3A_572 = tpu.vector_load %arg7[%get3A_570, %get3A_571] {strides = array<i32>} : memref<32x128xf32, #tpu.memory_space<vmem>>, vector<16xf32>,
      tpu.vector_store_idx %arg5[%gather3A_540, %add3A_37], %get3A_572 {add = true} : memref<512x144xf32, #tpu.memory_space<vmem>>[vector<16xi32>, vector<16xi32>], vector<16xf32>,
      tpu.vector_store_idx %arg5[%gather3A_540, %add3A_40], %select_n3A_13 {add = true} : memref<512x144xf32, #tpu.memory_space<vmem>>[vector<16xi32>, vector<16xi32>], vector<16xf32>,
      %broadcast_in_dim3A_573 = arith.constant 14 : i32
      %broadcast_in_dim3A_574 = vector.broadcast %broadcast_in_dim3A_573 : i32 to vector<16x1xi32>
      %gather3A_575 = vector.shape_cast %broadcast_in_dim3A_574 : vector<16x1xi32> to vector<16xi32>
      %gather3A_576 = tpu.dynamic_gather %get3A_69[%gather3A_575] in [0] : vector<16xi32>, vector<16xi32> -> vector<16xi32>
      %get3A_577 = arith.constant 14 : i32
      %get3A_578 = arith.index_cast %get3A_577 : i32 to index
      %get3A_579 = arith.constant 0 : index
      %get3A_580 = tpu.vector_load %arg7[%get3A_578, %get3A_579] {strides = array<i32>} : memref<32x128xf32, #tpu.memory_space<vmem>>, vector<16xf32>,
      tpu.vector_store_idx %arg5[%gather3A_576, %add3A_16], %get3A_580 {add = true} : memref<512x144xf32, #tpu.memory_space<vmem>>[vector<16xi32>, vector<16xi32>], vector<16xf32>,
      %get3A_581 = arith.constant 14 : i32
      %get3A_582 = arith.index_cast %get3A_581 : i32 to index
      %get3A_583 = arith.constant 16 : index
      %get3A_584 = tpu.vector_load %arg7[%get3A_582, %get3A_583] {strides = array<i32>} : memref<32x128xf32, #tpu.memory_space<vmem>>, vector<16xf32>,
      tpu.vector_store_idx %arg5[%gather3A_576, %add3A_19], %get3A_584 {add = true} : memref<512x144xf32, #tpu.memory_space<vmem>>[vector<16xi32>, vector<16xi32>], vector<16xf32>,
      %get3A_585 = arith.constant 14 : i32
      %get3A_586 = arith.index_cast %get3A_585 : i32 to index
      %get3A_587 = arith.constant 32 : index
      %get3A_588 = tpu.vector_load %arg7[%get3A_586, %get3A_587] {strides = array<i32>} : memref<32x128xf32, #tpu.memory_space<vmem>>, vector<16xf32>,
      tpu.vector_store_idx %arg5[%gather3A_576, %add3A_22], %get3A_588 {add = true} : memref<512x144xf32, #tpu.memory_space<vmem>>[vector<16xi32>, vector<16xi32>], vector<16xf32>,
      %get3A_589 = arith.constant 14 : i32
      %get3A_590 = arith.index_cast %get3A_589 : i32 to index
      %get3A_591 = arith.constant 48 : index
      %get3A_592 = tpu.vector_load %arg7[%get3A_590, %get3A_591] {strides = array<i32>} : memref<32x128xf32, #tpu.memory_space<vmem>>, vector<16xf32>,
      tpu.vector_store_idx %arg5[%gather3A_576, %add3A_25], %get3A_592 {add = true} : memref<512x144xf32, #tpu.memory_space<vmem>>[vector<16xi32>, vector<16xi32>], vector<16xf32>,
      %get3A_593 = arith.constant 14 : i32
      %get3A_594 = arith.index_cast %get3A_593 : i32 to index
      %get3A_595 = arith.constant 64 : index
      %get3A_596 = tpu.vector_load %arg7[%get3A_594, %get3A_595] {strides = array<i32>} : memref<32x128xf32, #tpu.memory_space<vmem>>, vector<16xf32>,
      tpu.vector_store_idx %arg5[%gather3A_576, %add3A_28], %get3A_596 {add = true} : memref<512x144xf32, #tpu.memory_space<vmem>>[vector<16xi32>, vector<16xi32>], vector<16xf32>,
      %get3A_597 = arith.constant 14 : i32
      %get3A_598 = arith.index_cast %get3A_597 : i32 to index
      %get3A_599 = arith.constant 80 : index
      %get3A_600 = tpu.vector_load %arg7[%get3A_598, %get3A_599] {strides = array<i32>} : memref<32x128xf32, #tpu.memory_space<vmem>>, vector<16xf32>,
      tpu.vector_store_idx %arg5[%gather3A_576, %add3A_31], %get3A_600 {add = true} : memref<512x144xf32, #tpu.memory_space<vmem>>[vector<16xi32>, vector<16xi32>], vector<16xf32>,
      %get3A_601 = arith.constant 14 : i32
      %get3A_602 = arith.index_cast %get3A_601 : i32 to index
      %get3A_603 = arith.constant 96 : index
      %get3A_604 = tpu.vector_load %arg7[%get3A_602, %get3A_603] {strides = array<i32>} : memref<32x128xf32, #tpu.memory_space<vmem>>, vector<16xf32>,
      tpu.vector_store_idx %arg5[%gather3A_576, %add3A_34], %get3A_604 {add = true} : memref<512x144xf32, #tpu.memory_space<vmem>>[vector<16xi32>, vector<16xi32>], vector<16xf32>,
      %get3A_605 = arith.constant 14 : i32
      %get3A_606 = arith.index_cast %get3A_605 : i32 to index
      %get3A_607 = arith.constant 112 : index
      %get3A_608 = tpu.vector_load %arg7[%get3A_606, %get3A_607] {strides = array<i32>} : memref<32x128xf32, #tpu.memory_space<vmem>>, vector<16xf32>,
      tpu.vector_store_idx %arg5[%gather3A_576, %add3A_37], %get3A_608 {add = true} : memref<512x144xf32, #tpu.memory_space<vmem>>[vector<16xi32>, vector<16xi32>], vector<16xf32>,
      tpu.vector_store_idx %arg5[%gather3A_576, %add3A_40], %select_n3A_13 {add = true} : memref<512x144xf32, #tpu.memory_space<vmem>>[vector<16xi32>, vector<16xi32>], vector<16xf32>,
      %broadcast_in_dim3A_609 = arith.constant 15 : i32
      %broadcast_in_dim3A_610 = vector.broadcast %broadcast_in_dim3A_609 : i32 to vector<16x1xi32>
      %gather3A_611 = vector.shape_cast %broadcast_in_dim3A_610 : vector<16x1xi32> to vector<16xi32>
      %gather3A_612 = tpu.dynamic_gather %get3A_69[%gather3A_611] in [0] : vector<16xi32>, vector<16xi32> -> vector<16xi32>
      %get3A_613 = arith.constant 15 : i32
      %get3A_614 = arith.index_cast %get3A_613 : i32 to index
      %get3A_615 = arith.constant 0 : index
      %get3A_616 = tpu.vector_load %arg7[%get3A_614, %get3A_615] {strides = array<i32>} : memref<32x128xf32, #tpu.memory_space<vmem>>, vector<16xf32>,
      tpu.vector_store_idx %arg5[%gather3A_612, %add3A_16], %get3A_616 {add = true} : memref<512x144xf32, #tpu.memory_space<vmem>>[vector<16xi32>, vector<16xi32>], vector<16xf32>,
      %get3A_617 = arith.constant 15 : i32
      %get3A_618 = arith.index_cast %get3A_617 : i32 to index
      %get3A_619 = arith.constant 16 : index
      %get3A_620 = tpu.vector_load %arg7[%get3A_618, %get3A_619] {strides = array<i32>} : memref<32x128xf32, #tpu.memory_space<vmem>>, vector<16xf32>,
      tpu.vector_store_idx %arg5[%gather3A_612, %add3A_19], %get3A_620 {add = true} : memref<512x144xf32, #tpu.memory_space<vmem>>[vector<16xi32>, vector<16xi32>], vector<16xf32>,
      %get3A_621 = arith.constant 15 : i32
      %get3A_622 = arith.index_cast %get3A_621 : i32 to index
      %get3A_623 = arith.constant 32 : index
      %get3A_624 = tpu.vector_load %arg7[%get3A_622, %get3A_623] {strides = array<i32>} : memref<32x128xf32, #tpu.memory_space<vmem>>, vector<16xf32>,
      tpu.vector_store_idx %arg5[%gather3A_612, %add3A_22], %get3A_624 {add = true} : memref<512x144xf32, #tpu.memory_space<vmem>>[vector<16xi32>, vector<16xi32>], vector<16xf32>,
      %get3A_625 = arith.constant 15 : i32
      %get3A_626 = arith.index_cast %get3A_625 : i32 to index
      %get3A_627 = arith.constant 48 : index
      %get3A_628 = tpu.vector_load %arg7[%get3A_626, %get3A_627] {strides = array<i32>} : memref<32x128xf32, #tpu.memory_space<vmem>>, vector<16xf32>,
      tpu.vector_store_idx %arg5[%gather3A_612, %add3A_25], %get3A_628 {add = true} : memref<512x144xf32, #tpu.memory_space<vmem>>[vector<16xi32>, vector<16xi32>], vector<16xf32>,
      %get3A_629 = arith.constant 15 : i32
      %get3A_630 = arith.index_cast %get3A_629 : i32 to index
      %get3A_631 = arith.constant 64 : index
      %get3A_632 = tpu.vector_load %arg7[%get3A_630, %get3A_631] {strides = array<i32>} : memref<32x128xf32, #tpu.memory_space<vmem>>, vector<16xf32>,
      tpu.vector_store_idx %arg5[%gather3A_612, %add3A_28], %get3A_632 {add = true} : memref<512x144xf32, #tpu.memory_space<vmem>>[vector<16xi32>, vector<16xi32>], vector<16xf32>,
      %get3A_633 = arith.constant 15 : i32
      %get3A_634 = arith.index_cast %get3A_633 : i32 to index
      %get3A_635 = arith.constant 80 : index
      %get3A_636 = tpu.vector_load %arg7[%get3A_634, %get3A_635] {strides = array<i32>} : memref<32x128xf32, #tpu.memory_space<vmem>>, vector<16xf32>,
      tpu.vector_store_idx %arg5[%gather3A_612, %add3A_31], %get3A_636 {add = true} : memref<512x144xf32, #tpu.memory_space<vmem>>[vector<16xi32>, vector<16xi32>], vector<16xf32>,
      %get3A_637 = arith.constant 15 : i32
      %get3A_638 = arith.index_cast %get3A_637 : i32 to index
      %get3A_639 = arith.constant 96 : index
      %get3A_640 = tpu.vector_load %arg7[%get3A_638, %get3A_639] {strides = array<i32>} : memref<32x128xf32, #tpu.memory_space<vmem>>, vector<16xf32>,
      tpu.vector_store_idx %arg5[%gather3A_612, %add3A_34], %get3A_640 {add = true} : memref<512x144xf32, #tpu.memory_space<vmem>>[vector<16xi32>, vector<16xi32>], vector<16xf32>,
      %get3A_641 = arith.constant 15 : i32
      %get3A_642 = arith.index_cast %get3A_641 : i32 to index
      %get3A_643 = arith.constant 112 : index
      %get3A_644 = tpu.vector_load %arg7[%get3A_642, %get3A_643] {strides = array<i32>} : memref<32x128xf32, #tpu.memory_space<vmem>>, vector<16xf32>,
      tpu.vector_store_idx %arg5[%gather3A_612, %add3A_37], %get3A_644 {add = true} : memref<512x144xf32, #tpu.memory_space<vmem>>[vector<16xi32>, vector<16xi32>], vector<16xf32>,
      tpu.vector_store_idx %arg5[%gather3A_612, %add3A_40], %select_n3A_13 {add = true} : memref<512x144xf32, #tpu.memory_space<vmem>>[vector<16xi32>, vector<16xi32>], vector<16xf32>,
      %mul3A_645 = arith.constant 32 : i32
      %mul3A_646 = arith.muli %while3A_55, %mul3A_645 : i32
      %add3A_647 = arith.constant 16 : i32
      %add3A_648 = arith.addi %mul3A_646, %add3A_647 : i32
      %get3A_649 = arith.index_cast %add3A_648 : i32 to index
      %get3A_650 = tpu.vector_load %arg6[%get3A_649] {strides = array<i32>} : memref<3136xi32, #tpu.memory_space<vmem>>, vector<16xi32>,
      %broadcast_in_dim3A_651 = arith.constant 0 : i32
      %broadcast_in_dim3A_652 = vector.broadcast %broadcast_in_dim3A_651 : i32 to vector<16x1xi32>
      %gather3A_653 = vector.shape_cast %broadcast_in_dim3A_652 : vector<16x1xi32> to vector<16xi32>
      %gather3A_654 = tpu.dynamic_gather %get3A_650[%gather3A_653] in [0] : vector<16xi32>, vector<16xi32> -> vector<16xi32>
      %get3A_655 = arith.constant 16 : i32
      %get3A_656 = arith.index_cast %get3A_655 : i32 to index
      %get3A_657 = arith.constant 0 : index
      %get3A_658 = tpu.vector_load %arg7[%get3A_656, %get3A_657] {strides = array<i32>} : memref<32x128xf32, #tpu.memory_space<vmem>>, vector<16xf32>,
      tpu.vector_store_idx %arg5[%gather3A_654, %add3A_16], %get3A_658 {add = true} : memref<512x144xf32, #tpu.memory_space<vmem>>[vector<16xi32>, vector<16xi32>], vector<16xf32>,
      %get3A_659 = arith.constant 16 : i32
      %get3A_660 = arith.index_cast %get3A_659 : i32 to index
      %get3A_661 = arith.constant 16 : index
      %get3A_662 = tpu.vector_load %arg7[%get3A_660, %get3A_661] {strides = array<i32>} : memref<32x128xf32, #tpu.memory_space<vmem>>, vector<16xf32>,
      tpu.vector_store_idx %arg5[%gather3A_654, %add3A_19], %get3A_662 {add = true} : memref<512x144xf32, #tpu.memory_space<vmem>>[vector<16xi32>, vector<16xi32>], vector<16xf32>,
      %get3A_663 = arith.constant 16 : i32
      %get3A_664 = arith.index_cast %get3A_663 : i32 to index
      %get3A_665 = arith.constant 32 : index
      %get3A_666 = tpu.vector_load %arg7[%get3A_664, %get3A_665] {strides = array<i32>} : memref<32x128xf32, #tpu.memory_space<vmem>>, vector<16xf32>,
      tpu.vector_store_idx %arg5[%gather3A_654, %add3A_22], %get3A_666 {add = true} : memref<512x144xf32, #tpu.memory_space<vmem>>[vector<16xi32>, vector<16xi32>], vector<16xf32>,
      %get3A_667 = arith.constant 16 : i32
      %get3A_668 = arith.index_cast %get3A_667 : i32 to index
      %get3A_669 = arith.constant 48 : index
      %get3A_670 = tpu.vector_load %arg7[%get3A_668, %get3A_669] {strides = array<i32>} : memref<32x128xf32, #tpu.memory_space<vmem>>, vector<16xf32>,
      tpu.vector_store_idx %arg5[%gather3A_654, %add3A_25], %get3A_670 {add = true} : memref<512x144xf32, #tpu.memory_space<vmem>>[vector<16xi32>, vector<16xi32>], vector<16xf32>,
      %get3A_671 = arith.constant 16 : i32
      %get3A_672 = arith.index_cast %get3A_671 : i32 to index
      %get3A_673 = arith.constant 64 : index
      %get3A_674 = tpu.vector_load %arg7[%get3A_672, %get3A_673] {strides = array<i32>} : memref<32x128xf32, #tpu.memory_space<vmem>>, vector<16xf32>,
      tpu.vector_store_idx %arg5[%gather3A_654, %add3A_28], %get3A_674 {add = true} : memref<512x144xf32, #tpu.memory_space<vmem>>[vector<16xi32>, vector<16xi32>], vector<16xf32>,
      %get3A_675 = arith.constant 16 : i32
      %get3A_676 = arith.index_cast %get3A_675 : i32 to index
      %get3A_677 = arith.constant 80 : index
      %get3A_678 = tpu.vector_load %arg7[%get3A_676, %get3A_677] {strides = array<i32>} : memref<32x128xf32, #tpu.memory_space<vmem>>, vector<16xf32>,
      tpu.vector_store_idx %arg5[%gather3A_654, %add3A_31], %get3A_678 {add = true} : memref<512x144xf32, #tpu.memory_space<vmem>>[vector<16xi32>, vector<16xi32>], vector<16xf32>,
      %get3A_679 = arith.constant 16 : i32
      %get3A_680 = arith.index_cast %get3A_679 : i32 to index
      %get3A_681 = arith.constant 96 : index
      %get3A_682 = tpu.vector_load %arg7[%get3A_680, %get3A_681] {strides = array<i32>} : memref<32x128xf32, #tpu.memory_space<vmem>>, vector<16xf32>,
      tpu.vector_store_idx %arg5[%gather3A_654, %add3A_34], %get3A_682 {add = true} : memref<512x144xf32, #tpu.memory_space<vmem>>[vector<16xi32>, vector<16xi32>], vector<16xf32>,
      %get3A_683 = arith.constant 16 : i32
      %get3A_684 = arith.index_cast %get3A_683 : i32 to index
      %get3A_685 = arith.constant 112 : index
      %get3A_686 = tpu.vector_load %arg7[%get3A_684, %get3A_685] {strides = array<i32>} : memref<32x128xf32, #tpu.memory_space<vmem>>, vector<16xf32>,
      tpu.vector_store_idx %arg5[%gather3A_654, %add3A_37], %get3A_686 {add = true} : memref<512x144xf32, #tpu.memory_space<vmem>>[vector<16xi32>, vector<16xi32>], vector<16xf32>,
      tpu.vector_store_idx %arg5[%gather3A_654, %add3A_40], %select_n3A_13 {add = true} : memref<512x144xf32, #tpu.memory_space<vmem>>[vector<16xi32>, vector<16xi32>], vector<16xf32>,
      %broadcast_in_dim3A_687 = arith.constant 1 : i32
      %broadcast_in_dim3A_688 = vector.broadcast %broadcast_in_dim3A_687 : i32 to vector<16x1xi32>
      %gather3A_689 = vector.shape_cast %broadcast_in_dim3A_688 : vector<16x1xi32> to vector<16xi32>
      %gather3A_690 = tpu.dynamic_gather %get3A_650[%gather3A_689] in [0] : vector<16xi32>, vector<16xi32> -> vector<16xi32>
      %get3A_691 = arith.constant 17 : i32
      %get3A_692 = arith.index_cast %get3A_691 : i32 to index
      %get3A_693 = arith.constant 0 : index
      %get3A_694 = tpu.vector_load %arg7[%get3A_692, %get3A_693] {strides = array<i32>} : memref<32x128xf32, #tpu.memory_space<vmem>>, vector<16xf32>,
      tpu.vector_store_idx %arg5[%gather3A_690, %add3A_16], %get3A_694 {add = true} : memref<512x144xf32, #tpu.memory_space<vmem>>[vector<16xi32>, vector<16xi32>], vector<16xf32>,
      %get3A_695 = arith.constant 17 : i32
      %get3A_696 = arith.index_cast %get3A_695 : i32 to index
      %get3A_697 = arith.constant 16 : index
      %get3A_698 = tpu.vector_load %arg7[%get3A_696, %get3A_697] {strides = array<i32>} : memref<32x128xf32, #tpu.memory_space<vmem>>, vector<16xf32>,
      tpu.vector_store_idx %arg5[%gather3A_690, %add3A_19], %get3A_698 {add = true} : memref<512x144xf32, #tpu.memory_space<vmem>>[vector<16xi32>, vector<16xi32>], vector<16xf32>,
      %get3A_699 = arith.constant 17 : i32
      %get3A_700 = arith.index_cast %get3A_699 : i32 to index
      %get3A_701 = arith.constant 32 : index
      %get3A_702 = tpu.vector_load %arg7[%get3A_700, %get3A_701] {strides = array<i32>} : memref<32x128xf32, #tpu.memory_space<vmem>>, vector<16xf32>,
      tpu.vector_store_idx %arg5[%gather3A_690, %add3A_22], %get3A_702 {add = true} : memref<512x144xf32, #tpu.memory_space<vmem>>[vector<16xi32>, vector<16xi32>], vector<16xf32>,
      %get3A_703 = arith.constant 17 : i32
      %get3A_704 = arith.index_cast %get3A_703 : i32 to index
      %get3A_705 = arith.constant 48 : index
      %get3A_706 = tpu.vector_load %arg7[%get3A_704, %get3A_705] {strides = array<i32>} : memref<32x128xf32, #tpu.memory_space<vmem>>, vector<16xf32>,
      tpu.vector_store_idx %arg5[%gather3A_690, %add3A_25], %get3A_706 {add = true} : memref<512x144xf32, #tpu.memory_space<vmem>>[vector<16xi32>, vector<16xi32>], vector<16xf32>,
      %get3A_707 = arith.constant 17 : i32
      %get3A_708 = arith.index_cast %get3A_707 : i32 to index
      %get3A_709 = arith.constant 64 : index
      %get3A_710 = tpu.vector_load %arg7[%get3A_708, %get3A_709] {strides = array<i32>} : memref<32x128xf32, #tpu.memory_space<vmem>>, vector<16xf32>,
      tpu.vector_store_idx %arg5[%gather3A_690, %add3A_28], %get3A_710 {add = true} : memref<512x144xf32, #tpu.memory_space<vmem>>[vector<16xi32>, vector<16xi32>], vector<16xf32>,
      %get3A_711 = arith.constant 17 : i32
      %get3A_712 = arith.index_cast %get3A_711 : i32 to index
      %get3A_713 = arith.constant 80 : index
      %get3A_714 = tpu.vector_load %arg7[%get3A_712, %get3A_713] {strides = array<i32>} : memref<32x128xf32, #tpu.memory_space<vmem>>, vector<16xf32>,
      tpu.vector_store_idx %arg5[%gather3A_690, %add3A_31], %get3A_714 {add = true} : memref<512x144xf32, #tpu.memory_space<vmem>>[vector<16xi32>, vector<16xi32>], vector<16xf32>,
      %get3A_715 = arith.constant 17 : i32
      %get3A_716 = arith.index_cast %get3A_715 : i32 to index
      %get3A_717 = arith.constant 96 : index
      %get3A_718 = tpu.vector_load %arg7[%get3A_716, %get3A_717] {strides = array<i32>} : memref<32x128xf32, #tpu.memory_space<vmem>>, vector<16xf32>,
      tpu.vector_store_idx %arg5[%gather3A_690, %add3A_34], %get3A_718 {add = true} : memref<512x144xf32, #tpu.memory_space<vmem>>[vector<16xi32>, vector<16xi32>], vector<16xf32>,
      %get3A_719 = arith.constant 17 : i32
      %get3A_720 = arith.index_cast %get3A_719 : i32 to index
      %get3A_721 = arith.constant 112 : index
      %get3A_722 = tpu.vector_load %arg7[%get3A_720, %get3A_721] {strides = array<i32>} : memref<32x128xf32, #tpu.memory_space<vmem>>, vector<16xf32>,
      tpu.vector_store_idx %arg5[%gather3A_690, %add3A_37], %get3A_722 {add = true} : memref<512x144xf32, #tpu.memory_space<vmem>>[vector<16xi32>, vector<16xi32>], vector<16xf32>,
      tpu.vector_store_idx %arg5[%gather3A_690, %add3A_40], %select_n3A_13 {add = true} : memref<512x144xf32, #tpu.memory_space<vmem>>[vector<16xi32>, vector<16xi32>], vector<16xf32>,
      %broadcast_in_dim3A_723 = arith.constant 2 : i32
      %broadcast_in_dim3A_724 = vector.broadcast %broadcast_in_dim3A_723 : i32 to vector<16x1xi32>
      %gather3A_725 = vector.shape_cast %broadcast_in_dim3A_724 : vector<16x1xi32> to vector<16xi32>
      %gather3A_726 = tpu.dynamic_gather %get3A_650[%gather3A_725] in [0] : vector<16xi32>, vector<16xi32> -> vector<16xi32>
      %get3A_727 = arith.constant 18 : i32
      %get3A_728 = arith.index_cast %get3A_727 : i32 to index
      %get3A_729 = arith.constant 0 : index
      %get3A_730 = tpu.vector_load %arg7[%get3A_728, %get3A_729] {strides = array<i32>} : memref<32x128xf32, #tpu.memory_space<vmem>>, vector<16xf32>,
      tpu.vector_store_idx %arg5[%gather3A_726, %add3A_16], %get3A_730 {add = true} : memref<512x144xf32, #tpu.memory_space<vmem>>[vector<16xi32>, vector<16xi32>], vector<16xf32>,
      %get3A_731 = arith.constant 18 : i32
      %get3A_732 = arith.index_cast %get3A_731 : i32 to index
      %get3A_733 = arith.constant 16 : index
      %get3A_734 = tpu.vector_load %arg7[%get3A_732, %get3A_733] {strides = array<i32>} : memref<32x128xf32, #tpu.memory_space<vmem>>, vector<16xf32>,
      tpu.vector_store_idx %arg5[%gather3A_726, %add3A_19], %get3A_734 {add = true} : memref<512x144xf32, #tpu.memory_space<vmem>>[vector<16xi32>, vector<16xi32>], vector<16xf32>,
      %get3A_735 = arith.constant 18 : i32
      %get3A_736 = arith.index_cast %get3A_735 : i32 to index
      %get3A_737 = arith.constant 32 : index
      %get3A_738 = tpu.vector_load %arg7[%get3A_736, %get3A_737] {strides = array<i32>} : memref<32x128xf32, #tpu.memory_space<vmem>>, vector<16xf32>,
      tpu.vector_store_idx %arg5[%gather3A_726, %add3A_22], %get3A_738 {add = true} : memref<512x144xf32, #tpu.memory_space<vmem>>[vector<16xi32>, vector<16xi32>], vector<16xf32>,
      %get3A_739 = arith.constant 18 : i32
      %get3A_740 = arith.index_cast %get3A_739 : i32 to index
      %get3A_741 = arith.constant 48 : index
      %get3A_742 = tpu.vector_load %arg7[%get3A_740, %get3A_741] {strides = array<i32>} : memref<32x128xf32, #tpu.memory_space<vmem>>, vector<16xf32>,
      tpu.vector_store_idx %arg5[%gather3A_726, %add3A_25], %get3A_742 {add = true} : memref<512x144xf32, #tpu.memory_space<vmem>>[vector<16xi32>, vector<16xi32>], vector<16xf32>,
      %get3A_743 = arith.constant 18 : i32
      %get3A_744 = arith.index_cast %get3A_743 : i32 to index
      %get3A_745 = arith.constant 64 : index
      %get3A_746 = tpu.vector_load %arg7[%get3A_744, %get3A_745] {strides = array<i32>} : memref<32x128xf32, #tpu.memory_space<vmem>>, vector<16xf32>,
      tpu.vector_store_idx %arg5[%gather3A_726, %add3A_28], %get3A_746 {add = true} : memref<512x144xf32, #tpu.memory_space<vmem>>[vector<16xi32>, vector<16xi32>], vector<16xf32>,
      %get3A_747 = arith.constant 18 : i32
      %get3A_748 = arith.index_cast %get3A_747 : i32 to index
      %get3A_749 = arith.constant 80 : index
      %get3A_750 = tpu.vector_load %arg7[%get3A_748, %get3A_749] {strides = array<i32>} : memref<32x128xf32, #tpu.memory_space<vmem>>, vector<16xf32>,
      tpu.vector_store_idx %arg5[%gather3A_726, %add3A_31], %get3A_750 {add = true} : memref<512x144xf32, #tpu.memory_space<vmem>>[vector<16xi32>, vector<16xi32>], vector<16xf32>,
      %get3A_751 = arith.constant 18 : i32
      %get3A_752 = arith.index_cast %get3A_751 : i32 to index
      %get3A_753 = arith.constant 96 : index
      %get3A_754 = tpu.vector_load %arg7[%get3A_752, %get3A_753] {strides = array<i32>} : memref<32x128xf32, #tpu.memory_space<vmem>>, vector<16xf32>,
      tpu.vector_store_idx %arg5[%gather3A_726, %add3A_34], %get3A_754 {add = true} : memref<512x144xf32, #tpu.memory_space<vmem>>[vector<16xi32>, vector<16xi32>], vector<16xf32>,
      %get3A_755 = arith.constant 18 : i32
      %get3A_756 = arith.index_cast %get3A_755 : i32 to index
      %get3A_757 = arith.constant 112 : index
      %get3A_758 = tpu.vector_load %arg7[%get3A_756, %get3A_757] {strides = array<i32>} : memref<32x128xf32, #tpu.memory_space<vmem>>, vector<16xf32>,
      tpu.vector_store_idx %arg5[%gather3A_726, %add3A_37], %get3A_758 {add = true} : memref<512x144xf32, #tpu.memory_space<vmem>>[vector<16xi32>, vector<16xi32>], vector<16xf32>,
      tpu.vector_store_idx %arg5[%gather3A_726, %add3A_40], %select_n3A_13 {add = true} : memref<512x144xf32, #tpu.memory_space<vmem>>[vector<16xi32>, vector<16xi32>], vector<16xf32>,
      %broadcast_in_dim3A_759 = arith.constant 3 : i32
      %broadcast_in_dim3A_760 = vector.broadcast %broadcast_in_dim3A_759 : i32 to vector<16x1xi32>
      %gather3A_761 = vector.shape_cast %broadcast_in_dim3A_760 : vector<16x1xi32> to vector<16xi32>
      %gather3A_762 = tpu.dynamic_gather %get3A_650[%gather3A_761] in [0] : vector<16xi32>, vector<16xi32> -> vector<16xi32>
      %get3A_763 = arith.constant 19 : i32
      %get3A_764 = arith.index_cast %get3A_763 : i32 to index
      %get3A_765 = arith.constant 0 : index
      %get3A_766 = tpu.vector_load %arg7[%get3A_764, %get3A_765] {strides = array<i32>} : memref<32x128xf32, #tpu.memory_space<vmem>>, vector<16xf32>,
      tpu.vector_store_idx %arg5[%gather3A_762, %add3A_16], %get3A_766 {add = true} : memref<512x144xf32, #tpu.memory_space<vmem>>[vector<16xi32>, vector<16xi32>], vector<16xf32>,
      %get3A_767 = arith.constant 19 : i32
      %get3A_768 = arith.index_cast %get3A_767 : i32 to index
      %get3A_769 = arith.constant 16 : index
      %get3A_770 = tpu.vector_load %arg7[%get3A_768, %get3A_769] {strides = array<i32>} : memref<32x128xf32, #tpu.memory_space<vmem>>, vector<16xf32>,
      tpu.vector_store_idx %arg5[%gather3A_762, %add3A_19], %get3A_770 {add = true} : memref<512x144xf32, #tpu.memory_space<vmem>>[vector<16xi32>, vector<16xi32>], vector<16xf32>,
      %get3A_771 = arith.constant 19 : i32
      %get3A_772 = arith.index_cast %get3A_771 : i32 to index
      %get3A_773 = arith.constant 32 : index
      %get3A_774 = tpu.vector_load %arg7[%get3A_772, %get3A_773] {strides = array<i32>} : memref<32x128xf32, #tpu.memory_space<vmem>>, vector<16xf32>,
      tpu.vector_store_idx %arg5[%gather3A_762, %add3A_22], %get3A_774 {add = true} : memref<512x144xf32, #tpu.memory_space<vmem>>[vector<16xi32>, vector<16xi32>], vector<16xf32>,
      %get3A_775 = arith.constant 19 : i32
      %get3A_776 = arith.index_cast %get3A_775 : i32 to index
      %get3A_777 = arith.constant 48 : index
      %get3A_778 = tpu.vector_load %arg7[%get3A_776, %get3A_777] {strides = array<i32>} : memref<32x128xf32, #tpu.memory_space<vmem>>, vector<16xf32>,
      tpu.vector_store_idx %arg5[%gather3A_762, %add3A_25], %get3A_778 {add = true} : memref<512x144xf32, #tpu.memory_space<vmem>>[vector<16xi32>, vector<16xi32>], vector<16xf32>,
      %get3A_779 = arith.constant 19 : i32
      %get3A_780 = arith.index_cast %get3A_779 : i32 to index
      %get3A_781 = arith.constant 64 : index
      %get3A_782 = tpu.vector_load %arg7[%get3A_780, %get3A_781] {strides = array<i32>} : memref<32x128xf32, #tpu.memory_space<vmem>>, vector<16xf32>,
      tpu.vector_store_idx %arg5[%gather3A_762, %add3A_28], %get3A_782 {add = true} : memref<512x144xf32, #tpu.memory_space<vmem>>[vector<16xi32>, vector<16xi32>], vector<16xf32>,
      %get3A_783 = arith.constant 19 : i32
      %get3A_784 = arith.index_cast %get3A_783 : i32 to index
      %get3A_785 = arith.constant 80 : index
      %get3A_786 = tpu.vector_load %arg7[%get3A_784, %get3A_785] {strides = array<i32>} : memref<32x128xf32, #tpu.memory_space<vmem>>, vector<16xf32>,
      tpu.vector_store_idx %arg5[%gather3A_762, %add3A_31], %get3A_786 {add = true} : memref<512x144xf32, #tpu.memory_space<vmem>>[vector<16xi32>, vector<16xi32>], vector<16xf32>,
      %get3A_787 = arith.constant 19 : i32
      %get3A_788 = arith.index_cast %get3A_787 : i32 to index
      %get3A_789 = arith.constant 96 : index
      %get3A_790 = tpu.vector_load %arg7[%get3A_788, %get3A_789] {strides = array<i32>} : memref<32x128xf32, #tpu.memory_space<vmem>>, vector<16xf32>,
      tpu.vector_store_idx %arg5[%gather3A_762, %add3A_34], %get3A_790 {add = true} : memref<512x144xf32, #tpu.memory_space<vmem>>[vector<16xi32>, vector<16xi32>], vector<16xf32>,
      %get3A_791 = arith.constant 19 : i32
      %get3A_792 = arith.index_cast %get3A_791 : i32 to index
      %get3A_793 = arith.constant 112 : index
      %get3A_794 = tpu.vector_load %arg7[%get3A_792, %get3A_793] {strides = array<i32>} : memref<32x128xf32, #tpu.memory_space<vmem>>, vector<16xf32>,
      tpu.vector_store_idx %arg5[%gather3A_762, %add3A_37], %get3A_794 {add = true} : memref<512x144xf32, #tpu.memory_space<vmem>>[vector<16xi32>, vector<16xi32>], vector<16xf32>,
      tpu.vector_store_idx %arg5[%gather3A_762, %add3A_40], %select_n3A_13 {add = true} : memref<512x144xf32, #tpu.memory_space<vmem>>[vector<16xi32>, vector<16xi32>], vector<16xf32>,
      %broadcast_in_dim3A_795 = arith.constant 4 : i32
      %broadcast_in_dim3A_796 = vector.broadcast %broadcast_in_dim3A_795 : i32 to vector<16x1xi32>
      %gather3A_797 = vector.shape_cast %broadcast_in_dim3A_796 : vector<16x1xi32> to vector<16xi32>
      %gather3A_798 = tpu.dynamic_gather %get3A_650[%gather3A_797] in [0] : vector<16xi32>, vector<16xi32> -> vector<16xi32>
      %get3A_799 = arith.constant 20 : i32
      %get3A_800 = arith.index_cast %get3A_799 : i32 to index
      %get3A_801 = arith.constant 0 : index
      %get3A_802 = tpu.vector_load %arg7[%get3A_800, %get3A_801] {strides = array<i32>} : memref<32x128xf32, #tpu.memory_space<vmem>>, vector<16xf32>,
      tpu.vector_store_idx %arg5[%gather3A_798, %add3A_16], %get3A_802 {add = true} : memref<512x144xf32, #tpu.memory_space<vmem>>[vector<16xi32>, vector<16xi32>], vector<16xf32>,
      %get3A_803 = arith.constant 20 : i32
      %get3A_804 = arith.index_cast %get3A_803 : i32 to index
      %get3A_805 = arith.constant 16 : index
      %get3A_806 = tpu.vector_load %arg7[%get3A_804, %get3A_805] {strides = array<i32>} : memref<32x128xf32, #tpu.memory_space<vmem>>, vector<16xf32>,
      tpu.vector_store_idx %arg5[%gather3A_798, %add3A_19], %get3A_806 {add = true} : memref<512x144xf32, #tpu.memory_space<vmem>>[vector<16xi32>, vector<16xi32>], vector<16xf32>,
      %get3A_807 = arith.constant 20 : i32
      %get3A_808 = arith.index_cast %get3A_807 : i32 to index
      %get3A_809 = arith.constant 32 : index
      %get3A_810 = tpu.vector_load %arg7[%get3A_808, %get3A_809] {strides = array<i32>} : memref<32x128xf32, #tpu.memory_space<vmem>>, vector<16xf32>,
      tpu.vector_store_idx %arg5[%gather3A_798, %add3A_22], %get3A_810 {add = true} : memref<512x144xf32, #tpu.memory_space<vmem>>[vector<16xi32>, vector<16xi32>], vector<16xf32>,
      %get3A_811 = arith.constant 20 : i32
      %get3A_812 = arith.index_cast %get3A_811 : i32 to index
      %get3A_813 = arith.constant 48 : index
      %get3A_814 = tpu.vector_load %arg7[%get3A_812, %get3A_813] {strides = array<i32>} : memref<32x128xf32, #tpu.memory_space<vmem>>, vector<16xf32>,
      tpu.vector_store_idx %arg5[%gather3A_798, %add3A_25], %get3A_814 {add = true} : memref<512x144xf32, #tpu.memory_space<vmem>>[vector<16xi32>, vector<16xi32>], vector<16xf32>,
      %get3A_815 = arith.constant 20 : i32
      %get3A_816 = arith.index_cast %get3A_815 : i32 to index
      %get3A_817 = arith.constant 64 : index
      %get3A_818 = tpu.vector_load %arg7[%get3A_816, %get3A_817] {strides = array<i32>} : memref<32x128xf32, #tpu.memory_space<vmem>>, vector<16xf32>,
      tpu.vector_store_idx %arg5[%gather3A_798, %add3A_28], %get3A_818 {add = true} : memref<512x144xf32, #tpu.memory_space<vmem>>[vector<16xi32>, vector<16xi32>], vector<16xf32>,
      %get3A_819 = arith.constant 20 : i32
      %get3A_820 = arith.index_cast %get3A_819 : i32 to index
      %get3A_821 = arith.constant 80 : index
      %get3A_822 = tpu.vector_load %arg7[%get3A_820, %get3A_821] {strides = array<i32>} : memref<32x128xf32, #tpu.memory_space<vmem>>, vector<16xf32>,
      tpu.vector_store_idx %arg5[%gather3A_798, %add3A_31], %get3A_822 {add = true} : memref<512x144xf32, #tpu.memory_space<vmem>>[vector<16xi32>, vector<16xi32>], vector<16xf32>,
      %get3A_823 = arith.constant 20 : i32
      %get3A_824 = arith.index_cast %get3A_823 : i32 to index
      %get3A_825 = arith.constant 96 : index
      %get3A_826 = tpu.vector_load %arg7[%get3A_824, %get3A_825] {strides = array<i32>} : memref<32x128xf32, #tpu.memory_space<vmem>>, vector<16xf32>,
      tpu.vector_store_idx %arg5[%gather3A_798, %add3A_34], %get3A_826 {add = true} : memref<512x144xf32, #tpu.memory_space<vmem>>[vector<16xi32>, vector<16xi32>], vector<16xf32>,
      %get3A_827 = arith.constant 20 : i32
      %get3A_828 = arith.index_cast %get3A_827 : i32 to index
      %get3A_829 = arith.constant 112 : index
      %get3A_830 = tpu.vector_load %arg7[%get3A_828, %get3A_829] {strides = array<i32>} : memref<32x128xf32, #tpu.memory_space<vmem>>, vector<16xf32>,
      tpu.vector_store_idx %arg5[%gather3A_798, %add3A_37], %get3A_830 {add = true} : memref<512x144xf32, #tpu.memory_space<vmem>>[vector<16xi32>, vector<16xi32>], vector<16xf32>,
      tpu.vector_store_idx %arg5[%gather3A_798, %add3A_40], %select_n3A_13 {add = true} : memref<512x144xf32, #tpu.memory_space<vmem>>[vector<16xi32>, vector<16xi32>], vector<16xf32>,
      %broadcast_in_dim3A_831 = arith.constant 5 : i32
      %broadcast_in_dim3A_832 = vector.broadcast %broadcast_in_dim3A_831 : i32 to vector<16x1xi32>
      %gather3A_833 = vector.shape_cast %broadcast_in_dim3A_832 : vector<16x1xi32> to vector<16xi32>
      %gather3A_834 = tpu.dynamic_gather %get3A_650[%gather3A_833] in [0] : vector<16xi32>, vector<16xi32> -> vector<16xi32>
      %get3A_835 = arith.constant 21 : i32
      %get3A_836 = arith.index_cast %get3A_835 : i32 to index
      %get3A_837 = arith.constant 0 : index
      %get3A_838 = tpu.vector_load %arg7[%get3A_836, %get3A_837] {strides = array<i32>} : memref<32x128xf32, #tpu.memory_space<vmem>>, vector<16xf32>,
      tpu.vector_store_idx %arg5[%gather3A_834, %add3A_16], %get3A_838 {add = true} : memref<512x144xf32, #tpu.memory_space<vmem>>[vector<16xi32>, vector<16xi32>], vector<16xf32>,
      %get3A_839 = arith.constant 21 : i32
      %get3A_840 = arith.index_cast %get3A_839 : i32 to index
      %get3A_841 = arith.constant 16 : index
      %get3A_842 = tpu.vector_load %arg7[%get3A_840, %get3A_841] {strides = array<i32>} : memref<32x128xf32, #tpu.memory_space<vmem>>, vector<16xf32>,
      tpu.vector_store_idx %arg5[%gather3A_834, %add3A_19], %get3A_842 {add = true} : memref<512x144xf32, #tpu.memory_space<vmem>>[vector<16xi32>, vector<16xi32>], vector<16xf32>,
      %get3A_843 = arith.constant 21 : i32
      %get3A_844 = arith.index_cast %get3A_843 : i32 to index
      %get3A_845 = arith.constant 32 : index
      %get3A_846 = tpu.vector_load %arg7[%get3A_844, %get3A_845] {strides = array<i32>} : memref<32x128xf32, #tpu.memory_space<vmem>>, vector<16xf32>,
      tpu.vector_store_idx %arg5[%gather3A_834, %add3A_22], %get3A_846 {add = true} : memref<512x144xf32, #tpu.memory_space<vmem>>[vector<16xi32>, vector<16xi32>], vector<16xf32>,
      %get3A_847 = arith.constant 21 : i32
      %get3A_848 = arith.index_cast %get3A_847 : i32 to index
      %get3A_849 = arith.constant 48 : index
      %get3A_850 = tpu.vector_load %arg7[%get3A_848, %get3A_849] {strides = array<i32>} : memref<32x128xf32, #tpu.memory_space<vmem>>, vector<16xf32>,
      tpu.vector_store_idx %arg5[%gather3A_834, %add3A_25], %get3A_850 {add = true} : memref<512x144xf32, #tpu.memory_space<vmem>>[vector<16xi32>, vector<16xi32>], vector<16xf32>,
      %get3A_851 = arith.constant 21 : i32
      %get3A_852 = arith.index_cast %get3A_851 : i32 to index
      %get3A_853 = arith.constant 64 : index
      %get3A_854 = tpu.vector_load %arg7[%get3A_852, %get3A_853] {strides = array<i32>} : memref<32x128xf32, #tpu.memory_space<vmem>>, vector<16xf32>,
      tpu.vector_store_idx %arg5[%gather3A_834, %add3A_28], %get3A_854 {add = true} : memref<512x144xf32, #tpu.memory_space<vmem>>[vector<16xi32>, vector<16xi32>], vector<16xf32>,
      %get3A_855 = arith.constant 21 : i32
      %get3A_856 = arith.index_cast %get3A_855 : i32 to index
      %get3A_857 = arith.constant 80 : index
      %get3A_858 = tpu.vector_load %arg7[%get3A_856, %get3A_857] {strides = array<i32>} : memref<32x128xf32, #tpu.memory_space<vmem>>, vector<16xf32>,
      tpu.vector_store_idx %arg5[%gather3A_834, %add3A_31], %get3A_858 {add = true} : memref<512x144xf32, #tpu.memory_space<vmem>>[vector<16xi32>, vector<16xi32>], vector<16xf32>,
      %get3A_859 = arith.constant 21 : i32
      %get3A_860 = arith.index_cast %get3A_859 : i32 to index
      %get3A_861 = arith.constant 96 : index
      %get3A_862 = tpu.vector_load %arg7[%get3A_860, %get3A_861] {strides = array<i32>} : memref<32x128xf32, #tpu.memory_space<vmem>>, vector<16xf32>,
      tpu.vector_store_idx %arg5[%gather3A_834, %add3A_34], %get3A_862 {add = true} : memref<512x144xf32, #tpu.memory_space<vmem>>[vector<16xi32>, vector<16xi32>], vector<16xf32>,
      %get3A_863 = arith.constant 21 : i32
      %get3A_864 = arith.index_cast %get3A_863 : i32 to index
      %get3A_865 = arith.constant 112 : index
      %get3A_866 = tpu.vector_load %arg7[%get3A_864, %get3A_865] {strides = array<i32>} : memref<32x128xf32, #tpu.memory_space<vmem>>, vector<16xf32>,
      tpu.vector_store_idx %arg5[%gather3A_834, %add3A_37], %get3A_866 {add = true} : memref<512x144xf32, #tpu.memory_space<vmem>>[vector<16xi32>, vector<16xi32>], vector<16xf32>,
      tpu.vector_store_idx %arg5[%gather3A_834, %add3A_40], %select_n3A_13 {add = true} : memref<512x144xf32, #tpu.memory_space<vmem>>[vector<16xi32>, vector<16xi32>], vector<16xf32>,
      %broadcast_in_dim3A_867 = arith.constant 6 : i32
      %broadcast_in_dim3A_868 = vector.broadcast %broadcast_in_dim3A_867 : i32 to vector<16x1xi32>
      %gather3A_869 = vector.shape_cast %broadcast_in_dim3A_868 : vector<16x1xi32> to vector<16xi32>
      %gather3A_870 = tpu.dynamic_gather %get3A_650[%gather3A_869] in [0] : vector<16xi32>, vector<16xi32> -> vector<16xi32>
      %get3A_871 = arith.constant 22 : i32
      %get3A_872 = arith.index_cast %get3A_871 : i32 to index
      %get3A_873 = arith.constant 0 : index
      %get3A_874 = tpu.vector_load %arg7[%get3A_872, %get3A_873] {strides = array<i32>} : memref<32x128xf32, #tpu.memory_space<vmem>>, vector<16xf32>,
      tpu.vector_store_idx %arg5[%gather3A_870, %add3A_16], %get3A_874 {add = true} : memref<512x144xf32, #tpu.memory_space<vmem>>[vector<16xi32>, vector<16xi32>], vector<16xf32>,
      %get3A_875 = arith.constant 22 : i32
      %get3A_876 = arith.index_cast %get3A_875 : i32 to index
      %get3A_877 = arith.constant 16 : index
      %get3A_878 = tpu.vector_load %arg7[%get3A_876, %get3A_877] {strides = array<i32>} : memref<32x128xf32, #tpu.memory_space<vmem>>, vector<16xf32>,
      tpu.vector_store_idx %arg5[%gather3A_870, %add3A_19], %get3A_878 {add = true} : memref<512x144xf32, #tpu.memory_space<vmem>>[vector<16xi32>, vector<16xi32>], vector<16xf32>,
      %get3A_879 = arith.constant 22 : i32
      %get3A_880 = arith.index_cast %get3A_879 : i32 to index
      %get3A_881 = arith.constant 32 : index
      %get3A_882 = tpu.vector_load %arg7[%get3A_880, %get3A_881] {strides = array<i32>} : memref<32x128xf32, #tpu.memory_space<vmem>>, vector<16xf32>,
      tpu.vector_store_idx %arg5[%gather3A_870, %add3A_22], %get3A_882 {add = true} : memref<512x144xf32, #tpu.memory_space<vmem>>[vector<16xi32>, vector<16xi32>], vector<16xf32>,
      %get3A_883 = arith.constant 22 : i32
      %get3A_884 = arith.index_cast %get3A_883 : i32 to index
      %get3A_885 = arith.constant 48 : index
      %get3A_886 = tpu.vector_load %arg7[%get3A_884, %get3A_885] {strides = array<i32>} : memref<32x128xf32, #tpu.memory_space<vmem>>, vector<16xf32>,
      tpu.vector_store_idx %arg5[%gather3A_870, %add3A_25], %get3A_886 {add = true} : memref<512x144xf32, #tpu.memory_space<vmem>>[vector<16xi32>, vector<16xi32>], vector<16xf32>,
      %get3A_887 = arith.constant 22 : i32
      %get3A_888 = arith.index_cast %get3A_887 : i32 to index
      %get3A_889 = arith.constant 64 : index
      %get3A_890 = tpu.vector_load %arg7[%get3A_888, %get3A_889] {strides = array<i32>} : memref<32x128xf32, #tpu.memory_space<vmem>>, vector<16xf32>,
      tpu.vector_store_idx %arg5[%gather3A_870, %add3A_28], %get3A_890 {add = true} : memref<512x144xf32, #tpu.memory_space<vmem>>[vector<16xi32>, vector<16xi32>], vector<16xf32>,
      %get3A_891 = arith.constant 22 : i32
      %get3A_892 = arith.index_cast %get3A_891 : i32 to index
      %get3A_893 = arith.constant 80 : index
      %get3A_894 = tpu.vector_load %arg7[%get3A_892, %get3A_893] {strides = array<i32>} : memref<32x128xf32, #tpu.memory_space<vmem>>, vector<16xf32>,
      tpu.vector_store_idx %arg5[%gather3A_870, %add3A_31], %get3A_894 {add = true} : memref<512x144xf32, #tpu.memory_space<vmem>>[vector<16xi32>, vector<16xi32>], vector<16xf32>,
      %get3A_895 = arith.constant 22 : i32
      %get3A_896 = arith.index_cast %get3A_895 : i32 to index
      %get3A_897 = arith.constant 96 : index
      %get3A_898 = tpu.vector_load %arg7[%get3A_896, %get3A_897] {strides = array<i32>} : memref<32x128xf32, #tpu.memory_space<vmem>>, vector<16xf32>,
      tpu.vector_store_idx %arg5[%gather3A_870, %add3A_34], %get3A_898 {add = true} : memref<512x144xf32, #tpu.memory_space<vmem>>[vector<16xi32>, vector<16xi32>], vector<16xf32>,
      %get3A_899 = arith.constant 22 : i32
      %get3A_900 = arith.index_cast %get3A_899 : i32 to index
      %get3A_901 = arith.constant 112 : index
      %get3A_902 = tpu.vector_load %arg7[%get3A_900, %get3A_901] {strides = array<i32>} : memref<32x128xf32, #tpu.memory_space<vmem>>, vector<16xf32>,
      tpu.vector_store_idx %arg5[%gather3A_870, %add3A_37], %get3A_902 {add = true} : memref<512x144xf32, #tpu.memory_space<vmem>>[vector<16xi32>, vector<16xi32>], vector<16xf32>,
      tpu.vector_store_idx %arg5[%gather3A_870, %add3A_40], %select_n3A_13 {add = true} : memref<512x144xf32, #tpu.memory_space<vmem>>[vector<16xi32>, vector<16xi32>], vector<16xf32>,
      %broadcast_in_dim3A_903 = arith.constant 7 : i32
      %broadcast_in_dim3A_904 = vector.broadcast %broadcast_in_dim3A_903 : i32 to vector<16x1xi32>
      %gather3A_905 = vector.shape_cast %broadcast_in_dim3A_904 : vector<16x1xi32> to vector<16xi32>
      %gather3A_906 = tpu.dynamic_gather %get3A_650[%gather3A_905] in [0] : vector<16xi32>, vector<16xi32> -> vector<16xi32>
      %get3A_907 = arith.constant 23 : i32
      %get3A_908 = arith.index_cast %get3A_907 : i32 to index
      %get3A_909 = arith.constant 0 : index
      %get3A_910 = tpu.vector_load %arg7[%get3A_908, %get3A_909] {strides = array<i32>} : memref<32x128xf32, #tpu.memory_space<vmem>>, vector<16xf32>,
      tpu.vector_store_idx %arg5[%gather3A_906, %add3A_16], %get3A_910 {add = true} : memref<512x144xf32, #tpu.memory_space<vmem>>[vector<16xi32>, vector<16xi32>], vector<16xf32>,
      %get3A_911 = arith.constant 23 : i32
      %get3A_912 = arith.index_cast %get3A_911 : i32 to index
      %get3A_913 = arith.constant 16 : index
      %get3A_914 = tpu.vector_load %arg7[%get3A_912, %get3A_913] {strides = array<i32>} : memref<32x128xf32, #tpu.memory_space<vmem>>, vector<16xf32>,
      tpu.vector_store_idx %arg5[%gather3A_906, %add3A_19], %get3A_914 {add = true} : memref<512x144xf32, #tpu.memory_space<vmem>>[vector<16xi32>, vector<16xi32>], vector<16xf32>,
      %get3A_915 = arith.constant 23 : i32
      %get3A_916 = arith.index_cast %get3A_915 : i32 to index
      %get3A_917 = arith.constant 32 : index
      %get3A_918 = tpu.vector_load %arg7[%get3A_916, %get3A_917] {strides = array<i32>} : memref<32x128xf32, #tpu.memory_space<vmem>>, vector<16xf32>,
      tpu.vector_store_idx %arg5[%gather3A_906, %add3A_22], %get3A_918 {add = true} : memref<512x144xf32, #tpu.memory_space<vmem>>[vector<16xi32>, vector<16xi32>], vector<16xf32>,
      %get3A_919 = arith.constant 23 : i32
      %get3A_920 = arith.index_cast %get3A_919 : i32 to index
      %get3A_921 = arith.constant 48 : index
      %get3A_922 = tpu.vector_load %arg7[%get3A_920, %get3A_921] {strides = array<i32>} : memref<32x128xf32, #tpu.memory_space<vmem>>, vector<16xf32>,
      tpu.vector_store_idx %arg5[%gather3A_906, %add3A_25], %get3A_922 {add = true} : memref<512x144xf32, #tpu.memory_space<vmem>>[vector<16xi32>, vector<16xi32>], vector<16xf32>,
      %get3A_923 = arith.constant 23 : i32
      %get3A_924 = arith.index_cast %get3A_923 : i32 to index
      %get3A_925 = arith.constant 64 : index
      %get3A_926 = tpu.vector_load %arg7[%get3A_924, %get3A_925] {strides = array<i32>} : memref<32x128xf32, #tpu.memory_space<vmem>>, vector<16xf32>,
      tpu.vector_store_idx %arg5[%gather3A_906, %add3A_28], %get3A_926 {add = true} : memref<512x144xf32, #tpu.memory_space<vmem>>[vector<16xi32>, vector<16xi32>], vector<16xf32>,
      %get3A_927 = arith.constant 23 : i32
      %get3A_928 = arith.index_cast %get3A_927 : i32 to index
      %get3A_929 = arith.constant 80 : index
      %get3A_930 = tpu.vector_load %arg7[%get3A_928, %get3A_929] {strides = array<i32>} : memref<32x128xf32, #tpu.memory_space<vmem>>, vector<16xf32>,
      tpu.vector_store_idx %arg5[%gather3A_906, %add3A_31], %get3A_930 {add = true} : memref<512x144xf32, #tpu.memory_space<vmem>>[vector<16xi32>, vector<16xi32>], vector<16xf32>,
      %get3A_931 = arith.constant 23 : i32
      %get3A_932 = arith.index_cast %get3A_931 : i32 to index
      %get3A_933 = arith.constant 96 : index
      %get3A_934 = tpu.vector_load %arg7[%get3A_932, %get3A_933] {strides = array<i32>} : memref<32x128xf32, #tpu.memory_space<vmem>>, vector<16xf32>,
      tpu.vector_store_idx %arg5[%gather3A_906, %add3A_34], %get3A_934 {add = true} : memref<512x144xf32, #tpu.memory_space<vmem>>[vector<16xi32>, vector<16xi32>], vector<16xf32>,
      %get3A_935 = arith.constant 23 : i32
      %get3A_936 = arith.index_cast %get3A_935 : i32 to index
      %get3A_937 = arith.constant 112 : index
      %get3A_938 = tpu.vector_load %arg7[%get3A_936, %get3A_937] {strides = array<i32>} : memref<32x128xf32, #tpu.memory_space<vmem>>, vector<16xf32>,
      tpu.vector_store_idx %arg5[%gather3A_906, %add3A_37], %get3A_938 {add = true} : memref<512x144xf32, #tpu.memory_space<vmem>>[vector<16xi32>, vector<16xi32>], vector<16xf32>,
      tpu.vector_store_idx %arg5[%gather3A_906, %add3A_40], %select_n3A_13 {add = true} : memref<512x144xf32, #tpu.memory_space<vmem>>[vector<16xi32>, vector<16xi32>], vector<16xf32>,
      %broadcast_in_dim3A_939 = arith.constant 8 : i32
      %broadcast_in_dim3A_940 = vector.broadcast %broadcast_in_dim3A_939 : i32 to vector<16x1xi32>
      %gather3A_941 = vector.shape_cast %broadcast_in_dim3A_940 : vector<16x1xi32> to vector<16xi32>
      %gather3A_942 = tpu.dynamic_gather %get3A_650[%gather3A_941] in [0] : vector<16xi32>, vector<16xi32> -> vector<16xi32>
      %get3A_943 = arith.constant 24 : i32
      %get3A_944 = arith.index_cast %get3A_943 : i32 to index
      %get3A_945 = arith.constant 0 : index
      %get3A_946 = tpu.vector_load %arg7[%get3A_944, %get3A_945] {strides = array<i32>} : memref<32x128xf32, #tpu.memory_space<vmem>>, vector<16xf32>,
      tpu.vector_store_idx %arg5[%gather3A_942, %add3A_16], %get3A_946 {add = true} : memref<512x144xf32, #tpu.memory_space<vmem>>[vector<16xi32>, vector<16xi32>], vector<16xf32>,
      %get3A_947 = arith.constant 24 : i32
      %get3A_948 = arith.index_cast %get3A_947 : i32 to index
      %get3A_949 = arith.constant 16 : index
      %get3A_950 = tpu.vector_load %arg7[%get3A_948, %get3A_949] {strides = array<i32>} : memref<32x128xf32, #tpu.memory_space<vmem>>, vector<16xf32>,
      tpu.vector_store_idx %arg5[%gather3A_942, %add3A_19], %get3A_950 {add = true} : memref<512x144xf32, #tpu.memory_space<vmem>>[vector<16xi32>, vector<16xi32>], vector<16xf32>,
      %get3A_951 = arith.constant 24 : i32
      %get3A_952 = arith.index_cast %get3A_951 : i32 to index
      %get3A_953 = arith.constant 32 : index
      %get3A_954 = tpu.vector_load %arg7[%get3A_952, %get3A_953] {strides = array<i32>} : memref<32x128xf32, #tpu.memory_space<vmem>>, vector<16xf32>,
      tpu.vector_store_idx %arg5[%gather3A_942, %add3A_22], %get3A_954 {add = true} : memref<512x144xf32, #tpu.memory_space<vmem>>[vector<16xi32>, vector<16xi32>], vector<16xf32>,
      %get3A_955 = arith.constant 24 : i32
      %get3A_956 = arith.index_cast %get3A_955 : i32 to index
      %get3A_957 = arith.constant 48 : index
      %get3A_958 = tpu.vector_load %arg7[%get3A_956, %get3A_957] {strides = array<i32>} : memref<32x128xf32, #tpu.memory_space<vmem>>, vector<16xf32>,
      tpu.vector_store_idx %arg5[%gather3A_942, %add3A_25], %get3A_958 {add = true} : memref<512x144xf32, #tpu.memory_space<vmem>>[vector<16xi32>, vector<16xi32>], vector<16xf32>,
      %get3A_959 = arith.constant 24 : i32
      %get3A_960 = arith.index_cast %get3A_959 : i32 to index
      %get3A_961 = arith.constant 64 : index
      %get3A_962 = tpu.vector_load %arg7[%get3A_960, %get3A_961] {strides = array<i32>} : memref<32x128xf32, #tpu.memory_space<vmem>>, vector<16xf32>,
      tpu.vector_store_idx %arg5[%gather3A_942, %add3A_28], %get3A_962 {add = true} : memref<512x144xf32, #tpu.memory_space<vmem>>[vector<16xi32>, vector<16xi32>], vector<16xf32>,
      %get3A_963 = arith.constant 24 : i32
      %get3A_964 = arith.index_cast %get3A_963 : i32 to index
      %get3A_965 = arith.constant 80 : index
      %get3A_966 = tpu.vector_load %arg7[%get3A_964, %get3A_965] {strides = array<i32>} : memref<32x128xf32, #tpu.memory_space<vmem>>, vector<16xf32>,
      tpu.vector_store_idx %arg5[%gather3A_942, %add3A_31], %get3A_966 {add = true} : memref<512x144xf32, #tpu.memory_space<vmem>>[vector<16xi32>, vector<16xi32>], vector<16xf32>,
      %get3A_967 = arith.constant 24 : i32
      %get3A_968 = arith.index_cast %get3A_967 : i32 to index
      %get3A_969 = arith.constant 96 : index
      %get3A_970 = tpu.vector_load %arg7[%get3A_968, %get3A_969] {strides = array<i32>} : memref<32x128xf32, #tpu.memory_space<vmem>>, vector<16xf32>,
      tpu.vector_store_idx %arg5[%gather3A_942, %add3A_34], %get3A_970 {add = true} : memref<512x144xf32, #tpu.memory_space<vmem>>[vector<16xi32>, vector<16xi32>], vector<16xf32>,
      %get3A_971 = arith.constant 24 : i32
      %get3A_972 = arith.index_cast %get3A_971 : i32 to index
      %get3A_973 = arith.constant 112 : index
      %get3A_974 = tpu.vector_load %arg7[%get3A_972, %get3A_973] {strides = array<i32>} : memref<32x128xf32, #tpu.memory_space<vmem>>, vector<16xf32>,
      tpu.vector_store_idx %arg5[%gather3A_942, %add3A_37], %get3A_974 {add = true} : memref<512x144xf32, #tpu.memory_space<vmem>>[vector<16xi32>, vector<16xi32>], vector<16xf32>,
      tpu.vector_store_idx %arg5[%gather3A_942, %add3A_40], %select_n3A_13 {add = true} : memref<512x144xf32, #tpu.memory_space<vmem>>[vector<16xi32>, vector<16xi32>], vector<16xf32>,
      %broadcast_in_dim3A_975 = arith.constant 9 : i32
      %broadcast_in_dim3A_976 = vector.broadcast %broadcast_in_dim3A_975 : i32 to vector<16x1xi32>
      %gather3A_977 = vector.shape_cast %broadcast_in_dim3A_976 : vector<16x1xi32> to vector<16xi32>
      %gather3A_978 = tpu.dynamic_gather %get3A_650[%gather3A_977] in [0] : vector<16xi32>, vector<16xi32> -> vector<16xi32>
      %get3A_979 = arith.constant 25 : i32
      %get3A_980 = arith.index_cast %get3A_979 : i32 to index
      %get3A_981 = arith.constant 0 : index
      %get3A_982 = tpu.vector_load %arg7[%get3A_980, %get3A_981] {strides = array<i32>} : memref<32x128xf32, #tpu.memory_space<vmem>>, vector<16xf32>,
      tpu.vector_store_idx %arg5[%gather3A_978, %add3A_16], %get3A_982 {add = true} : memref<512x144xf32, #tpu.memory_space<vmem>>[vector<16xi32>, vector<16xi32>], vector<16xf32>,
      %get3A_983 = arith.constant 25 : i32
      %get3A_984 = arith.index_cast %get3A_983 : i32 to index
      %get3A_985 = arith.constant 16 : index
      %get3A_986 = tpu.vector_load %arg7[%get3A_984, %get3A_985] {strides = array<i32>} : memref<32x128xf32, #tpu.memory_space<vmem>>, vector<16xf32>,
      tpu.vector_store_idx %arg5[%gather3A_978, %add3A_19], %get3A_986 {add = true} : memref<512x144xf32, #tpu.memory_space<vmem>>[vector<16xi32>, vector<16xi32>], vector<16xf32>,
      %get3A_987 = arith.constant 25 : i32
      %get3A_988 = arith.index_cast %get3A_987 : i32 to index
      %get3A_989 = arith.constant 32 : index
      %get3A_990 = tpu.vector_load %arg7[%get3A_988, %get3A_989] {strides = array<i32>} : memref<32x128xf32, #tpu.memory_space<vmem>>, vector<16xf32>,
      tpu.vector_store_idx %arg5[%gather3A_978, %add3A_22], %get3A_990 {add = true} : memref<512x144xf32, #tpu.memory_space<vmem>>[vector<16xi32>, vector<16xi32>], vector<16xf32>,
      %get3A_991 = arith.constant 25 : i32
      %get3A_992 = arith.index_cast %get3A_991 : i32 to index
      %get3A_993 = arith.constant 48 : index
      %get3A_994 = tpu.vector_load %arg7[%get3A_992, %get3A_993] {strides = array<i32>} : memref<32x128xf32, #tpu.memory_space<vmem>>, vector<16xf32>,
      tpu.vector_store_idx %arg5[%gather3A_978, %add3A_25], %get3A_994 {add = true} : memref<512x144xf32, #tpu.memory_space<vmem>>[vector<16xi32>, vector<16xi32>], vector<16xf32>,
      %get3A_995 = arith.constant 25 : i32
      %get3A_996 = arith.index_cast %get3A_995 : i32 to index
      %get3A_997 = arith.constant 64 : index
      %get3A_998 = tpu.vector_load %arg7[%get3A_996, %get3A_997] {strides = array<i32>} : memref<32x128xf32, #tpu.memory_space<vmem>>, vector<16xf32>,
      tpu.vector_store_idx %arg5[%gather3A_978, %add3A_28], %get3A_998 {add = true} : memref<512x144xf32, #tpu.memory_space<vmem>>[vector<16xi32>, vector<16xi32>], vector<16xf32>,
      %get3A_999 = arith.constant 25 : i32
      %get3A_1000 = arith.index_cast %get3A_999 : i32 to index
      %get3A_1001 = arith.constant 80 : index
      %get3A_1002 = tpu.vector_load %arg7[%get3A_1000, %get3A_1001] {strides = array<i32>} : memref<32x128xf32, #tpu.memory_space<vmem>>, vector<16xf32>,
      tpu.vector_store_idx %arg5[%gather3A_978, %add3A_31], %get3A_1002 {add = true} : memref<512x144xf32, #tpu.memory_space<vmem>>[vector<16xi32>, vector<16xi32>], vector<16xf32>,
      %get3A_1003 = arith.constant 25 : i32
      %get3A_1004 = arith.index_cast %get3A_1003 : i32 to index
      %get3A_1005 = arith.constant 96 : index
      %get3A_1006 = tpu.vector_load %arg7[%get3A_1004, %get3A_1005] {strides = array<i32>} : memref<32x128xf32, #tpu.memory_space<vmem>>, vector<16xf32>,
      tpu.vector_store_idx %arg5[%gather3A_978, %add3A_34], %get3A_1006 {add = true} : memref<512x144xf32, #tpu.memory_space<vmem>>[vector<16xi32>, vector<16xi32>], vector<16xf32>,
      %get3A_1007 = arith.constant 25 : i32
      %get3A_1008 = arith.index_cast %get3A_1007 : i32 to index
      %get3A_1009 = arith.constant 112 : index
      %get3A_1010 = tpu.vector_load %arg7[%get3A_1008, %get3A_1009] {strides = array<i32>} : memref<32x128xf32, #tpu.memory_space<vmem>>, vector<16xf32>,
      tpu.vector_store_idx %arg5[%gather3A_978, %add3A_37], %get3A_1010 {add = true} : memref<512x144xf32, #tpu.memory_space<vmem>>[vector<16xi32>, vector<16xi32>], vector<16xf32>,
      tpu.vector_store_idx %arg5[%gather3A_978, %add3A_40], %select_n3A_13 {add = true} : memref<512x144xf32, #tpu.memory_space<vmem>>[vector<16xi32>, vector<16xi32>], vector<16xf32>,
      %broadcast_in_dim3A_1011 = arith.constant 10 : i32
      %broadcast_in_dim3A_1012 = vector.broadcast %broadcast_in_dim3A_1011 : i32 to vector<16x1xi32>
      %gather3A_1013 = vector.shape_cast %broadcast_in_dim3A_1012 : vector<16x1xi32> to vector<16xi32>
      %gather3A_1014 = tpu.dynamic_gather %get3A_650[%gather3A_1013] in [0] : vector<16xi32>, vector<16xi32> -> vector<16xi32>
      %get3A_1015 = arith.constant 26 : i32
      %get3A_1016 = arith.index_cast %get3A_1015 : i32 to index
      %get3A_1017 = arith.constant 0 : index
      %get3A_1018 = tpu.vector_load %arg7[%get3A_1016, %get3A_1017] {strides = array<i32>} : memref<32x128xf32, #tpu.memory_space<vmem>>, vector<16xf32>,
      tpu.vector_store_idx %arg5[%gather3A_1014, %add3A_16], %get3A_1018 {add = true} : memref<512x144xf32, #tpu.memory_space<vmem>>[vector<16xi32>, vector<16xi32>], vector<16xf32>,
      %get3A_1019 = arith.constant 26 : i32
      %get3A_1020 = arith.index_cast %get3A_1019 : i32 to index
      %get3A_1021 = arith.constant 16 : index
      %get3A_1022 = tpu.vector_load %arg7[%get3A_1020, %get3A_1021] {strides = array<i32>} : memref<32x128xf32, #tpu.memory_space<vmem>>, vector<16xf32>,
      tpu.vector_store_idx %arg5[%gather3A_1014, %add3A_19], %get3A_1022 {add = true} : memref<512x144xf32, #tpu.memory_space<vmem>>[vector<16xi32>, vector<16xi32>], vector<16xf32>,
      %get3A_1023 = arith.constant 26 : i32
      %get3A_1024 = arith.index_cast %get3A_1023 : i32 to index
      %get3A_1025 = arith.constant 32 : index
      %get3A_1026 = tpu.vector_load %arg7[%get3A_1024, %get3A_1025] {strides = array<i32>} : memref<32x128xf32, #tpu.memory_space<vmem>>, vector<16xf32>,
      tpu.vector_store_idx %arg5[%gather3A_1014, %add3A_22], %get3A_1026 {add = true} : memref<512x144xf32, #tpu.memory_space<vmem>>[vector<16xi32>, vector<16xi32>], vector<16xf32>,
      %get3A_1027 = arith.constant 26 : i32
      %get3A_1028 = arith.index_cast %get3A_1027 : i32 to index
      %get3A_1029 = arith.constant 48 : index
      %get3A_1030 = tpu.vector_load %arg7[%get3A_1028, %get3A_1029] {strides = array<i32>} : memref<32x128xf32, #tpu.memory_space<vmem>>, vector<16xf32>,
      tpu.vector_store_idx %arg5[%gather3A_1014, %add3A_25], %get3A_1030 {add = true} : memref<512x144xf32, #tpu.memory_space<vmem>>[vector<16xi32>, vector<16xi32>], vector<16xf32>,
      %get3A_1031 = arith.constant 26 : i32
      %get3A_1032 = arith.index_cast %get3A_1031 : i32 to index
      %get3A_1033 = arith.constant 64 : index
      %get3A_1034 = tpu.vector_load %arg7[%get3A_1032, %get3A_1033] {strides = array<i32>} : memref<32x128xf32, #tpu.memory_space<vmem>>, vector<16xf32>,
      tpu.vector_store_idx %arg5[%gather3A_1014, %add3A_28], %get3A_1034 {add = true} : memref<512x144xf32, #tpu.memory_space<vmem>>[vector<16xi32>, vector<16xi32>], vector<16xf32>,
      %get3A_1035 = arith.constant 26 : i32
      %get3A_1036 = arith.index_cast %get3A_1035 : i32 to index
      %get3A_1037 = arith.constant 80 : index
      %get3A_1038 = tpu.vector_load %arg7[%get3A_1036, %get3A_1037] {strides = array<i32>} : memref<32x128xf32, #tpu.memory_space<vmem>>, vector<16xf32>,
      tpu.vector_store_idx %arg5[%gather3A_1014, %add3A_31], %get3A_1038 {add = true} : memref<512x144xf32, #tpu.memory_space<vmem>>[vector<16xi32>, vector<16xi32>], vector<16xf32>,
      %get3A_1039 = arith.constant 26 : i32
      %get3A_1040 = arith.index_cast %get3A_1039 : i32 to index
      %get3A_1041 = arith.constant 96 : index
      %get3A_1042 = tpu.vector_load %arg7[%get3A_1040, %get3A_1041] {strides = array<i32>} : memref<32x128xf32, #tpu.memory_space<vmem>>, vector<16xf32>,
      tpu.vector_store_idx %arg5[%gather3A_1014, %add3A_34], %get3A_1042 {add = true} : memref<512x144xf32, #tpu.memory_space<vmem>>[vector<16xi32>, vector<16xi32>], vector<16xf32>,
      %get3A_1043 = arith.constant 26 : i32
      %get3A_1044 = arith.index_cast %get3A_1043 : i32 to index
      %get3A_1045 = arith.constant 112 : index
      %get3A_1046 = tpu.vector_load %arg7[%get3A_1044, %get3A_1045] {strides = array<i32>} : memref<32x128xf32, #tpu.memory_space<vmem>>, vector<16xf32>,
      tpu.vector_store_idx %arg5[%gather3A_1014, %add3A_37], %get3A_1046 {add = true} : memref<512x144xf32, #tpu.memory_space<vmem>>[vector<16xi32>, vector<16xi32>], vector<16xf32>,
      tpu.vector_store_idx %arg5[%gather3A_1014, %add3A_40], %select_n3A_13 {add = true} : memref<512x144xf32, #tpu.memory_space<vmem>>[vector<16xi32>, vector<16xi32>], vector<16xf32>,
      %broadcast_in_dim3A_1047 = arith.constant 11 : i32
      %broadcast_in_dim3A_1048 = vector.broadcast %broadcast_in_dim3A_1047 : i32 to vector<16x1xi32>
      %gather3A_1049 = vector.shape_cast %broadcast_in_dim3A_1048 : vector<16x1xi32> to vector<16xi32>
      %gather3A_1050 = tpu.dynamic_gather %get3A_650[%gather3A_1049] in [0] : vector<16xi32>, vector<16xi32> -> vector<16xi32>
      %get3A_1051 = arith.constant 27 : i32
      %get3A_1052 = arith.index_cast %get3A_1051 : i32 to index
      %get3A_1053 = arith.constant 0 : index
      %get3A_1054 = tpu.vector_load %arg7[%get3A_1052, %get3A_1053] {strides = array<i32>} : memref<32x128xf32, #tpu.memory_space<vmem>>, vector<16xf32>,
      tpu.vector_store_idx %arg5[%gather3A_1050, %add3A_16], %get3A_1054 {add = true} : memref<512x144xf32, #tpu.memory_space<vmem>>[vector<16xi32>, vector<16xi32>], vector<16xf32>,
      %get3A_1055 = arith.constant 27 : i32
      %get3A_1056 = arith.index_cast %get3A_1055 : i32 to index
      %get3A_1057 = arith.constant 16 : index
      %get3A_1058 = tpu.vector_load %arg7[%get3A_1056, %get3A_1057] {strides = array<i32>} : memref<32x128xf32, #tpu.memory_space<vmem>>, vector<16xf32>,
      tpu.vector_store_idx %arg5[%gather3A_1050, %add3A_19], %get3A_1058 {add = true} : memref<512x144xf32, #tpu.memory_space<vmem>>[vector<16xi32>, vector<16xi32>], vector<16xf32>,
      %get3A_1059 = arith.constant 27 : i32
      %get3A_1060 = arith.index_cast %get3A_1059 : i32 to index
      %get3A_1061 = arith.constant 32 : index
      %get3A_1062 = tpu.vector_load %arg7[%get3A_1060, %get3A_1061] {strides = array<i32>} : memref<32x128xf32, #tpu.memory_space<vmem>>, vector<16xf32>,
      tpu.vector_store_idx %arg5[%gather3A_1050, %add3A_22], %get3A_1062 {add = true} : memref<512x144xf32, #tpu.memory_space<vmem>>[vector<16xi32>, vector<16xi32>], vector<16xf32>,
      %get3A_1063 = arith.constant 27 : i32
      %get3A_1064 = arith.index_cast %get3A_1063 : i32 to index
      %get3A_1065 = arith.constant 48 : index
      %get3A_1066 = tpu.vector_load %arg7[%get3A_1064, %get3A_1065] {strides = array<i32>} : memref<32x128xf32, #tpu.memory_space<vmem>>, vector<16xf32>,
      tpu.vector_store_idx %arg5[%gather3A_1050, %add3A_25], %get3A_1066 {add = true} : memref<512x144xf32, #tpu.memory_space<vmem>>[vector<16xi32>, vector<16xi32>], vector<16xf32>,
      %get3A_1067 = arith.constant 27 : i32
      %get3A_1068 = arith.index_cast %get3A_1067 : i32 to index
      %get3A_1069 = arith.constant 64 : index
      %get3A_1070 = tpu.vector_load %arg7[%get3A_1068, %get3A_1069] {strides = array<i32>} : memref<32x128xf32, #tpu.memory_space<vmem>>, vector<16xf32>,
      tpu.vector_store_idx %arg5[%gather3A_1050, %add3A_28], %get3A_1070 {add = true} : memref<512x144xf32, #tpu.memory_space<vmem>>[vector<16xi32>, vector<16xi32>], vector<16xf32>,
      %get3A_1071 = arith.constant 27 : i32
      %get3A_1072 = arith.index_cast %get3A_1071 : i32 to index
      %get3A_1073 = arith.constant 80 : index
      %get3A_1074 = tpu.vector_load %arg7[%get3A_1072, %get3A_1073] {strides = array<i32>} : memref<32x128xf32, #tpu.memory_space<vmem>>, vector<16xf32>,
      tpu.vector_store_idx %arg5[%gather3A_1050, %add3A_31], %get3A_1074 {add = true} : memref<512x144xf32, #tpu.memory_space<vmem>>[vector<16xi32>, vector<16xi32>], vector<16xf32>,
      %get3A_1075 = arith.constant 27 : i32
      %get3A_1076 = arith.index_cast %get3A_1075 : i32 to index
      %get3A_1077 = arith.constant 96 : index
      %get3A_1078 = tpu.vector_load %arg7[%get3A_1076, %get3A_1077] {strides = array<i32>} : memref<32x128xf32, #tpu.memory_space<vmem>>, vector<16xf32>,
      tpu.vector_store_idx %arg5[%gather3A_1050, %add3A_34], %get3A_1078 {add = true} : memref<512x144xf32, #tpu.memory_space<vmem>>[vector<16xi32>, vector<16xi32>], vector<16xf32>,
      %get3A_1079 = arith.constant 27 : i32
      %get3A_1080 = arith.index_cast %get3A_1079 : i32 to index
      %get3A_1081 = arith.constant 112 : index
      %get3A_1082 = tpu.vector_load %arg7[%get3A_1080, %get3A_1081] {strides = array<i32>} : memref<32x128xf32, #tpu.memory_space<vmem>>, vector<16xf32>,
      tpu.vector_store_idx %arg5[%gather3A_1050, %add3A_37], %get3A_1082 {add = true} : memref<512x144xf32, #tpu.memory_space<vmem>>[vector<16xi32>, vector<16xi32>], vector<16xf32>,
      tpu.vector_store_idx %arg5[%gather3A_1050, %add3A_40], %select_n3A_13 {add = true} : memref<512x144xf32, #tpu.memory_space<vmem>>[vector<16xi32>, vector<16xi32>], vector<16xf32>,
      %broadcast_in_dim3A_1083 = arith.constant 12 : i32
      %broadcast_in_dim3A_1084 = vector.broadcast %broadcast_in_dim3A_1083 : i32 to vector<16x1xi32>
      %gather3A_1085 = vector.shape_cast %broadcast_in_dim3A_1084 : vector<16x1xi32> to vector<16xi32>
      %gather3A_1086 = tpu.dynamic_gather %get3A_650[%gather3A_1085] in [0] : vector<16xi32>, vector<16xi32> -> vector<16xi32>
      %get3A_1087 = arith.constant 28 : i32
      %get3A_1088 = arith.index_cast %get3A_1087 : i32 to index
      %get3A_1089 = arith.constant 0 : index
      %get3A_1090 = tpu.vector_load %arg7[%get3A_1088, %get3A_1089] {strides = array<i32>} : memref<32x128xf32, #tpu.memory_space<vmem>>, vector<16xf32>,
      tpu.vector_store_idx %arg5[%gather3A_1086, %add3A_16], %get3A_1090 {add = true} : memref<512x144xf32, #tpu.memory_space<vmem>>[vector<16xi32>, vector<16xi32>], vector<16xf32>,
      %get3A_1091 = arith.constant 28 : i32
      %get3A_1092 = arith.index_cast %get3A_1091 : i32 to index
      %get3A_1093 = arith.constant 16 : index
      %get3A_1094 = tpu.vector_load %arg7[%get3A_1092, %get3A_1093] {strides = array<i32>} : memref<32x128xf32, #tpu.memory_space<vmem>>, vector<16xf32>,
      tpu.vector_store_idx %arg5[%gather3A_1086, %add3A_19], %get3A_1094 {add = true} : memref<512x144xf32, #tpu.memory_space<vmem>>[vector<16xi32>, vector<16xi32>], vector<16xf32>,
      %get3A_1095 = arith.constant 28 : i32
      %get3A_1096 = arith.index_cast %get3A_1095 : i32 to index
      %get3A_1097 = arith.constant 32 : index
      %get3A_1098 = tpu.vector_load %arg7[%get3A_1096, %get3A_1097] {strides = array<i32>} : memref<32x128xf32, #tpu.memory_space<vmem>>, vector<16xf32>,
      tpu.vector_store_idx %arg5[%gather3A_1086, %add3A_22], %get3A_1098 {add = true} : memref<512x144xf32, #tpu.memory_space<vmem>>[vector<16xi32>, vector<16xi32>], vector<16xf32>,
      %get3A_1099 = arith.constant 28 : i32
      %get3A_1100 = arith.index_cast %get3A_1099 : i32 to index
      %get3A_1101 = arith.constant 48 : index
      %get3A_1102 = tpu.vector_load %arg7[%get3A_1100, %get3A_1101] {strides = array<i32>} : memref<32x128xf32, #tpu.memory_space<vmem>>, vector<16xf32>,
      tpu.vector_store_idx %arg5[%gather3A_1086, %add3A_25], %get3A_1102 {add = true} : memref<512x144xf32, #tpu.memory_space<vmem>>[vector<16xi32>, vector<16xi32>], vector<16xf32>,
      %get3A_1103 = arith.constant 28 : i32
      %get3A_1104 = arith.index_cast %get3A_1103 : i32 to index
      %get3A_1105 = arith.constant 64 : index
      %get3A_1106 = tpu.vector_load %arg7[%get3A_1104, %get3A_1105] {strides = array<i32>} : memref<32x128xf32, #tpu.memory_space<vmem>>, vector<16xf32>,
      tpu.vector_store_idx %arg5[%gather3A_1086, %add3A_28], %get3A_1106 {add = true} : memref<512x144xf32, #tpu.memory_space<vmem>>[vector<16xi32>, vector<16xi32>], vector<16xf32>,
      %get3A_1107 = arith.constant 28 : i32
      %get3A_1108 = arith.index_cast %get3A_1107 : i32 to index
      %get3A_1109 = arith.constant 80 : index
      %get3A_1110 = tpu.vector_load %arg7[%get3A_1108, %get3A_1109] {strides = array<i32>} : memref<32x128xf32, #tpu.memory_space<vmem>>, vector<16xf32>,
      tpu.vector_store_idx %arg5[%gather3A_1086, %add3A_31], %get3A_1110 {add = true} : memref<512x144xf32, #tpu.memory_space<vmem>>[vector<16xi32>, vector<16xi32>], vector<16xf32>,
      %get3A_1111 = arith.constant 28 : i32
      %get3A_1112 = arith.index_cast %get3A_1111 : i32 to index
      %get3A_1113 = arith.constant 96 : index
      %get3A_1114 = tpu.vector_load %arg7[%get3A_1112, %get3A_1113] {strides = array<i32>} : memref<32x128xf32, #tpu.memory_space<vmem>>, vector<16xf32>,
      tpu.vector_store_idx %arg5[%gather3A_1086, %add3A_34], %get3A_1114 {add = true} : memref<512x144xf32, #tpu.memory_space<vmem>>[vector<16xi32>, vector<16xi32>], vector<16xf32>,
      %get3A_1115 = arith.constant 28 : i32
      %get3A_1116 = arith.index_cast %get3A_1115 : i32 to index
      %get3A_1117 = arith.constant 112 : index
      %get3A_1118 = tpu.vector_load %arg7[%get3A_1116, %get3A_1117] {strides = array<i32>} : memref<32x128xf32, #tpu.memory_space<vmem>>, vector<16xf32>,
      tpu.vector_store_idx %arg5[%gather3A_1086, %add3A_37], %get3A_1118 {add = true} : memref<512x144xf32, #tpu.memory_space<vmem>>[vector<16xi32>, vector<16xi32>], vector<16xf32>,
      tpu.vector_store_idx %arg5[%gather3A_1086, %add3A_40], %select_n3A_13 {add = true} : memref<512x144xf32, #tpu.memory_space<vmem>>[vector<16xi32>, vector<16xi32>], vector<16xf32>,
      %broadcast_in_dim3A_1119 = arith.constant 13 : i32
      %broadcast_in_dim3A_1120 = vector.broadcast %broadcast_in_dim3A_1119 : i32 to vector<16x1xi32>
      %gather3A_1121 = vector.shape_cast %broadcast_in_dim3A_1120 : vector<16x1xi32> to vector<16xi32>
      %gather3A_1122 = tpu.dynamic_gather %get3A_650[%gather3A_1121] in [0] : vector<16xi32>, vector<16xi32> -> vector<16xi32>
      %get3A_1123 = arith.constant 29 : i32
      %get3A_1124 = arith.index_cast %get3A_1123 : i32 to index
      %get3A_1125 = arith.constant 0 : index
      %get3A_1126 = tpu.vector_load %arg7[%get3A_1124, %get3A_1125] {strides = array<i32>} : memref<32x128xf32, #tpu.memory_space<vmem>>, vector<16xf32>,
      tpu.vector_store_idx %arg5[%gather3A_1122, %add3A_16], %get3A_1126 {add = true} : memref<512x144xf32, #tpu.memory_space<vmem>>[vector<16xi32>, vector<16xi32>], vector<16xf32>,
      %get3A_1127 = arith.constant 29 : i32
      %get3A_1128 = arith.index_cast %get3A_1127 : i32 to index
      %get3A_1129 = arith.constant 16 : index
      %get3A_1130 = tpu.vector_load %arg7[%get3A_1128, %get3A_1129] {strides = array<i32>} : memref<32x128xf32, #tpu.memory_space<vmem>>, vector<16xf32>,
      tpu.vector_store_idx %arg5[%gather3A_1122, %add3A_19], %get3A_1130 {add = true} : memref<512x144xf32, #tpu.memory_space<vmem>>[vector<16xi32>, vector<16xi32>], vector<16xf32>,
      %get3A_1131 = arith.constant 29 : i32
      %get3A_1132 = arith.index_cast %get3A_1131 : i32 to index
      %get3A_1133 = arith.constant 32 : index
      %get3A_1134 = tpu.vector_load %arg7[%get3A_1132, %get3A_1133] {strides = array<i32>} : memref<32x128xf32, #tpu.memory_space<vmem>>, vector<16xf32>,
      tpu.vector_store_idx %arg5[%gather3A_1122, %add3A_22], %get3A_1134 {add = true} : memref<512x144xf32, #tpu.memory_space<vmem>>[vector<16xi32>, vector<16xi32>], vector<16xf32>,
      %get3A_1135 = arith.constant 29 : i32
      %get3A_1136 = arith.index_cast %get3A_1135 : i32 to index
      %get3A_1137 = arith.constant 48 : index
      %get3A_1138 = tpu.vector_load %arg7[%get3A_1136, %get3A_1137] {strides = array<i32>} : memref<32x128xf32, #tpu.memory_space<vmem>>, vector<16xf32>,
      tpu.vector_store_idx %arg5[%gather3A_1122, %add3A_25], %get3A_1138 {add = true} : memref<512x144xf32, #tpu.memory_space<vmem>>[vector<16xi32>, vector<16xi32>], vector<16xf32>,
      %get3A_1139 = arith.constant 29 : i32
      %get3A_1140 = arith.index_cast %get3A_1139 : i32 to index
      %get3A_1141 = arith.constant 64 : index
      %get3A_1142 = tpu.vector_load %arg7[%get3A_1140, %get3A_1141] {strides = array<i32>} : memref<32x128xf32, #tpu.memory_space<vmem>>, vector<16xf32>,
      tpu.vector_store_idx %arg5[%gather3A_1122, %add3A_28], %get3A_1142 {add = true} : memref<512x144xf32, #tpu.memory_space<vmem>>[vector<16xi32>, vector<16xi32>], vector<16xf32>,
      %get3A_1143 = arith.constant 29 : i32
      %get3A_1144 = arith.index_cast %get3A_1143 : i32 to index
      %get3A_1145 = arith.constant 80 : index
      %get3A_1146 = tpu.vector_load %arg7[%get3A_1144, %get3A_1145] {strides = array<i32>} : memref<32x128xf32, #tpu.memory_space<vmem>>, vector<16xf32>,
      tpu.vector_store_idx %arg5[%gather3A_1122, %add3A_31], %get3A_1146 {add = true} : memref<512x144xf32, #tpu.memory_space<vmem>>[vector<16xi32>, vector<16xi32>], vector<16xf32>,
      %get3A_1147 = arith.constant 29 : i32
      %get3A_1148 = arith.index_cast %get3A_1147 : i32 to index
      %get3A_1149 = arith.constant 96 : index
      %get3A_1150 = tpu.vector_load %arg7[%get3A_1148, %get3A_1149] {strides = array<i32>} : memref<32x128xf32, #tpu.memory_space<vmem>>, vector<16xf32>,
      tpu.vector_store_idx %arg5[%gather3A_1122, %add3A_34], %get3A_1150 {add = true} : memref<512x144xf32, #tpu.memory_space<vmem>>[vector<16xi32>, vector<16xi32>], vector<16xf32>,
      %get3A_1151 = arith.constant 29 : i32
      %get3A_1152 = arith.index_cast %get3A_1151 : i32 to index
      %get3A_1153 = arith.constant 112 : index
      %get3A_1154 = tpu.vector_load %arg7[%get3A_1152, %get3A_1153] {strides = array<i32>} : memref<32x128xf32, #tpu.memory_space<vmem>>, vector<16xf32>,
      tpu.vector_store_idx %arg5[%gather3A_1122, %add3A_37], %get3A_1154 {add = true} : memref<512x144xf32, #tpu.memory_space<vmem>>[vector<16xi32>, vector<16xi32>], vector<16xf32>,
      tpu.vector_store_idx %arg5[%gather3A_1122, %add3A_40], %select_n3A_13 {add = true} : memref<512x144xf32, #tpu.memory_space<vmem>>[vector<16xi32>, vector<16xi32>], vector<16xf32>,
      %broadcast_in_dim3A_1155 = arith.constant 14 : i32
      %broadcast_in_dim3A_1156 = vector.broadcast %broadcast_in_dim3A_1155 : i32 to vector<16x1xi32>
      %gather3A_1157 = vector.shape_cast %broadcast_in_dim3A_1156 : vector<16x1xi32> to vector<16xi32>
      %gather3A_1158 = tpu.dynamic_gather %get3A_650[%gather3A_1157] in [0] : vector<16xi32>, vector<16xi32> -> vector<16xi32>
      %get3A_1159 = arith.constant 30 : i32
      %get3A_1160 = arith.index_cast %get3A_1159 : i32 to index
      %get3A_1161 = arith.constant 0 : index
      %get3A_1162 = tpu.vector_load %arg7[%get3A_1160, %get3A_1161] {strides = array<i32>} : memref<32x128xf32, #tpu.memory_space<vmem>>, vector<16xf32>,
      tpu.vector_store_idx %arg5[%gather3A_1158, %add3A_16], %get3A_1162 {add = true} : memref<512x144xf32, #tpu.memory_space<vmem>>[vector<16xi32>, vector<16xi32>], vector<16xf32>,
      %get3A_1163 = arith.constant 30 : i32
      %get3A_1164 = arith.index_cast %get3A_1163 : i32 to index
      %get3A_1165 = arith.constant 16 : index
      %get3A_1166 = tpu.vector_load %arg7[%get3A_1164, %get3A_1165] {strides = array<i32>} : memref<32x128xf32, #tpu.memory_space<vmem>>, vector<16xf32>,
      tpu.vector_store_idx %arg5[%gather3A_1158, %add3A_19], %get3A_1166 {add = true} : memref<512x144xf32, #tpu.memory_space<vmem>>[vector<16xi32>, vector<16xi32>], vector<16xf32>,
      %get3A_1167 = arith.constant 30 : i32
      %get3A_1168 = arith.index_cast %get3A_1167 : i32 to index
      %get3A_1169 = arith.constant 32 : index
      %get3A_1170 = tpu.vector_load %arg7[%get3A_1168, %get3A_1169] {strides = array<i32>} : memref<32x128xf32, #tpu.memory_space<vmem>>, vector<16xf32>,
      tpu.vector_store_idx %arg5[%gather3A_1158, %add3A_22], %get3A_1170 {add = true} : memref<512x144xf32, #tpu.memory_space<vmem>>[vector<16xi32>, vector<16xi32>], vector<16xf32>,
      %get3A_1171 = arith.constant 30 : i32
      %get3A_1172 = arith.index_cast %get3A_1171 : i32 to index
      %get3A_1173 = arith.constant 48 : index
      %get3A_1174 = tpu.vector_load %arg7[%get3A_1172, %get3A_1173] {strides = array<i32>} : memref<32x128xf32, #tpu.memory_space<vmem>>, vector<16xf32>,
      tpu.vector_store_idx %arg5[%gather3A_1158, %add3A_25], %get3A_1174 {add = true} : memref<512x144xf32, #tpu.memory_space<vmem>>[vector<16xi32>, vector<16xi32>], vector<16xf32>,
      %get3A_1175 = arith.constant 30 : i32
      %get3A_1176 = arith.index_cast %get3A_1175 : i32 to index
      %get3A_1177 = arith.constant 64 : index
      %get3A_1178 = tpu.vector_load %arg7[%get3A_1176, %get3A_1177] {strides = array<i32>} : memref<32x128xf32, #tpu.memory_space<vmem>>, vector<16xf32>,
      tpu.vector_store_idx %arg5[%gather3A_1158, %add3A_28], %get3A_1178 {add = true} : memref<512x144xf32, #tpu.memory_space<vmem>>[vector<16xi32>, vector<16xi32>], vector<16xf32>,
      %get3A_1179 = arith.constant 30 : i32
      %get3A_1180 = arith.index_cast %get3A_1179 : i32 to index
      %get3A_1181 = arith.constant 80 : index
      %get3A_1182 = tpu.vector_load %arg7[%get3A_1180, %get3A_1181] {strides = array<i32>} : memref<32x128xf32, #tpu.memory_space<vmem>>, vector<16xf32>,
      tpu.vector_store_idx %arg5[%gather3A_1158, %add3A_31], %get3A_1182 {add = true} : memref<512x144xf32, #tpu.memory_space<vmem>>[vector<16xi32>, vector<16xi32>], vector<16xf32>,
      %get3A_1183 = arith.constant 30 : i32
      %get3A_1184 = arith.index_cast %get3A_1183 : i32 to index
      %get3A_1185 = arith.constant 96 : index
      %get3A_1186 = tpu.vector_load %arg7[%get3A_1184, %get3A_1185] {strides = array<i32>} : memref<32x128xf32, #tpu.memory_space<vmem>>, vector<16xf32>,
      tpu.vector_store_idx %arg5[%gather3A_1158, %add3A_34], %get3A_1186 {add = true} : memref<512x144xf32, #tpu.memory_space<vmem>>[vector<16xi32>, vector<16xi32>], vector<16xf32>,
      %get3A_1187 = arith.constant 30 : i32
      %get3A_1188 = arith.index_cast %get3A_1187 : i32 to index
      %get3A_1189 = arith.constant 112 : index
      %get3A_1190 = tpu.vector_load %arg7[%get3A_1188, %get3A_1189] {strides = array<i32>} : memref<32x128xf32, #tpu.memory_space<vmem>>, vector<16xf32>,
      tpu.vector_store_idx %arg5[%gather3A_1158, %add3A_37], %get3A_1190 {add = true} : memref<512x144xf32, #tpu.memory_space<vmem>>[vector<16xi32>, vector<16xi32>], vector<16xf32>,
      tpu.vector_store_idx %arg5[%gather3A_1158, %add3A_40], %select_n3A_13 {add = true} : memref<512x144xf32, #tpu.memory_space<vmem>>[vector<16xi32>, vector<16xi32>], vector<16xf32>,
      %broadcast_in_dim3A_1191 = arith.constant 15 : i32
      %broadcast_in_dim3A_1192 = vector.broadcast %broadcast_in_dim3A_1191 : i32 to vector<16x1xi32>
      %gather3A_1193 = vector.shape_cast %broadcast_in_dim3A_1192 : vector<16x1xi32> to vector<16xi32>
      %gather3A_1194 = tpu.dynamic_gather %get3A_650[%gather3A_1193] in [0] : vector<16xi32>, vector<16xi32> -> vector<16xi32>
      %get3A_1195 = arith.constant 31 : i32
      %get3A_1196 = arith.index_cast %get3A_1195 : i32 to index
      %get3A_1197 = arith.constant 0 : index
      %get3A_1198 = tpu.vector_load %arg7[%get3A_1196, %get3A_1197] {strides = array<i32>} : memref<32x128xf32, #tpu.memory_space<vmem>>, vector<16xf32>,
      tpu.vector_store_idx %arg5[%gather3A_1194, %add3A_16], %get3A_1198 {add = true} : memref<512x144xf32, #tpu.memory_space<vmem>>[vector<16xi32>, vector<16xi32>], vector<16xf32>,
      %get3A_1199 = arith.constant 31 : i32
      %get3A_1200 = arith.index_cast %get3A_1199 : i32 to index
      %get3A_1201 = arith.constant 16 : index
      %get3A_1202 = tpu.vector_load %arg7[%get3A_1200, %get3A_1201] {strides = array<i32>} : memref<32x128xf32, #tpu.memory_space<vmem>>, vector<16xf32>,
      tpu.vector_store_idx %arg5[%gather3A_1194, %add3A_19], %get3A_1202 {add = true} : memref<512x144xf32, #tpu.memory_space<vmem>>[vector<16xi32>, vector<16xi32>], vector<16xf32>,
      %get3A_1203 = arith.constant 31 : i32
      %get3A_1204 = arith.index_cast %get3A_1203 : i32 to index
      %get3A_1205 = arith.constant 32 : index
      %get3A_1206 = tpu.vector_load %arg7[%get3A_1204, %get3A_1205] {strides = array<i32>} : memref<32x128xf32, #tpu.memory_space<vmem>>, vector<16xf32>,
      tpu.vector_store_idx %arg5[%gather3A_1194, %add3A_22], %get3A_1206 {add = true} : memref<512x144xf32, #tpu.memory_space<vmem>>[vector<16xi32>, vector<16xi32>], vector<16xf32>,
      %get3A_1207 = arith.constant 31 : i32
      %get3A_1208 = arith.index_cast %get3A_1207 : i32 to index
      %get3A_1209 = arith.constant 48 : index
      %get3A_1210 = tpu.vector_load %arg7[%get3A_1208, %get3A_1209] {strides = array<i32>} : memref<32x128xf32, #tpu.memory_space<vmem>>, vector<16xf32>,
      tpu.vector_store_idx %arg5[%gather3A_1194, %add3A_25], %get3A_1210 {add = true} : memref<512x144xf32, #tpu.memory_space<vmem>>[vector<16xi32>, vector<16xi32>], vector<16xf32>,
      %get3A_1211 = arith.constant 31 : i32
      %get3A_1212 = arith.index_cast %get3A_1211 : i32 to index
      %get3A_1213 = arith.constant 64 : index
      %get3A_1214 = tpu.vector_load %arg7[%get3A_1212, %get3A_1213] {strides = array<i32>} : memref<32x128xf32, #tpu.memory_space<vmem>>, vector<16xf32>,
      tpu.vector_store_idx %arg5[%gather3A_1194, %add3A_28], %get3A_1214 {add = true} : memref<512x144xf32, #tpu.memory_space<vmem>>[vector<16xi32>, vector<16xi32>], vector<16xf32>,
      %get3A_1215 = arith.constant 31 : i32
      %get3A_1216 = arith.index_cast %get3A_1215 : i32 to index
      %get3A_1217 = arith.constant 80 : index
      %get3A_1218 = tpu.vector_load %arg7[%get3A_1216, %get3A_1217] {strides = array<i32>} : memref<32x128xf32, #tpu.memory_space<vmem>>, vector<16xf32>,
      tpu.vector_store_idx %arg5[%gather3A_1194, %add3A_31], %get3A_1218 {add = true} : memref<512x144xf32, #tpu.memory_space<vmem>>[vector<16xi32>, vector<16xi32>], vector<16xf32>,
      %get3A_1219 = arith.constant 31 : i32
      %get3A_1220 = arith.index_cast %get3A_1219 : i32 to index
      %get3A_1221 = arith.constant 96 : index
      %get3A_1222 = tpu.vector_load %arg7[%get3A_1220, %get3A_1221] {strides = array<i32>} : memref<32x128xf32, #tpu.memory_space<vmem>>, vector<16xf32>,
      tpu.vector_store_idx %arg5[%gather3A_1194, %add3A_34], %get3A_1222 {add = true} : memref<512x144xf32, #tpu.memory_space<vmem>>[vector<16xi32>, vector<16xi32>], vector<16xf32>,
      %get3A_1223 = arith.constant 31 : i32
      %get3A_1224 = arith.index_cast %get3A_1223 : i32 to index
      %get3A_1225 = arith.constant 112 : index
      %get3A_1226 = tpu.vector_load %arg7[%get3A_1224, %get3A_1225] {strides = array<i32>} : memref<32x128xf32, #tpu.memory_space<vmem>>, vector<16xf32>,
      tpu.vector_store_idx %arg5[%gather3A_1194, %add3A_37], %get3A_1226 {add = true} : memref<512x144xf32, #tpu.memory_space<vmem>>[vector<16xi32>, vector<16xi32>], vector<16xf32>,
      tpu.vector_store_idx %arg5[%gather3A_1194, %add3A_40], %select_n3A_13 {add = true} : memref<512x144xf32, #tpu.memory_space<vmem>>[vector<16xi32>, vector<16xi32>], vector<16xf32>,
    }
    "tpu.region"() ({
      %run_scoped3A = tpu.sem_alloc : memref<!tpu.dma_semaphore, #tpu.memory_space<semaphore_mem>>
      %dma_start3A = arith.constant 0 : i32
      %dma_start3A_55 = arith.constant 0 : i32
      %dma_start3A_56 = tpu.memref_slice %arg4[%add3A, %dma_start3A, %dma_start3A_55] : memref<32x512x144xf32, #tpu.memory_space<hbm>> -> memref<1x512x144xf32, #tpu.memory_space<hbm>>
      %dma_start3A_57 = tpu.memref_squeeze %dma_start3A_56 : memref<1x512x144xf32, #tpu.memory_space<hbm>> -> memref<512x144xf32, #tpu.memory_space<hbm>>
      %dma_start3A_58 = arith.constant 0 : i32
      %dma_start3A_59 = arith.constant 0 : i32
      %dma_start3A_60 = tpu.memref_slice %arg4[%add3A, %dma_start3A_58, %dma_start3A_59] : memref<32x512x144xf32, #tpu.memory_space<hbm>> -> memref<1x512x144xf32, #tpu.memory_space<hbm>>
      %dma_start3A_61 = tpu.memref_squeeze %dma_start3A_60 : memref<1x512x144xf32, #tpu.memory_space<hbm>> -> memref<512x144xf32, #tpu.memory_space<hbm>>
      tpu.enqueue_dma source(%arg5 : memref<512x144xf32, #tpu.memory_space<vmem>>) target(%dma_start3A_61 : memref<512x144xf32, #tpu.memory_space<hbm>>) target_semaphore(%run_scoped3A : memref<!tpu.dma_semaphore, #tpu.memory_space<semaphore_mem>>)
      %dma_wait3A = arith.constant 0 : i32
      %dma_wait3A_62 = arith.constant 0 : i32
      %dma_wait3A_63 = tpu.memref_slice %arg4[%add3A, %dma_wait3A, %dma_wait3A_62] : memref<32x512x144xf32, #tpu.memory_space<hbm>> -> memref<1x512x144xf32, #tpu.memory_space<hbm>>
      %dma_wait3A_64 = tpu.memref_squeeze %dma_wait3A_63 : memref<1x512x144xf32, #tpu.memory_space<hbm>> -> memref<512x144xf32, #tpu.memory_space<hbm>>
      %dma_wait3A_65 = arith.constant 0 : i32
      %dma_wait3A_66 = arith.constant 0 : i32
      %dma_wait3A_67 = tpu.memref_slice %arg4[%add3A, %dma_wait3A_65, %dma_wait3A_66] : memref<32x512x144xf32, #tpu.memory_space<hbm>> -> memref<1x512x144xf32, #tpu.memory_space<hbm>>
      %dma_wait3A_68 = tpu.memref_squeeze %dma_wait3A_67 : memref<1x512x144xf32, #tpu.memory_space<hbm>> -> memref<512x144xf32, #tpu.memory_space<hbm>>
      tpu.wait_dma2 semaphore(%run_scoped3A : memref<!tpu.dma_semaphore, #tpu.memory_space<semaphore_mem>>) src(%arg5 : memref<512x144xf32, #tpu.memory_space<vmem>>) dst(%dma_wait3A_68 : memref<512x144xf32, #tpu.memory_space<hbm>>)
      tpu.yield
    }) : () -> ()
    return
  }
}

module attributes {stable_mosaic.version = 14 : i64} {
  func.func @body(%arg0: i32, %arg1: memref<2000x128xf32, #tpu.memory_space<vmem>>, %arg2: memref<1x1x2000xi32, #tpu.memory_space<vmem>>, %arg3: memref<128x64xf32, #tpu.memory_space<vmem>>, %arg4: memref<1x64xf32, #tpu.memory_space<vmem>>, %arg5: memref<64x64xf32, #tpu.memory_space<vmem>>, %arg6: memref<1x64xf32, #tpu.memory_space<vmem>>, %arg7: memref<64x1xf32, #tpu.memory_space<vmem>>, %arg8: memref<512x1xf32, #tpu.memory_space<vmem>>, %arg9: memref<512x1xf32, #tpu.memory_space<vmem>>) attributes {dimension_semantics = [#tpu.dimension_semantics<arbitrary>], iteration_bounds = array<i64: 50>, scalar_prefetch = 0 : i64, scratch_operands = 1 : i64, tpu.core_type = #tpu.core_type<tc>, window_params = [{transform_indices = @transform_0, window_bounds = array<i64: 2000, 128>}, {transform_indices = @transform_1, window_bounds = array<i64: 1, 1, 2000>}, {pipeline_mode = #tpu.pipeline_mode<synchronous>, transform_indices = @transform_2, window_bounds = array<i64: 128, 64>}, {pipeline_mode = #tpu.pipeline_mode<synchronous>, transform_indices = @transform_3, window_bounds = array<i64: 1, 64>}, {pipeline_mode = #tpu.pipeline_mode<synchronous>, transform_indices = @transform_4, window_bounds = array<i64: 64, 64>}, {pipeline_mode = #tpu.pipeline_mode<synchronous>, transform_indices = @transform_5, window_bounds = array<i64: 1, 64>}, {pipeline_mode = #tpu.pipeline_mode<synchronous>, transform_indices = @transform_6, window_bounds = array<i64: 64, 1>}, {pipeline_mode = #tpu.pipeline_mode<synchronous>, transform_indices = @transform_7, window_bounds = array<i64: 512, 1>}]} {
    %eq3A = arith.constant 0 : i32
    %eq3A_0 = arith.cmpi eq, %arg0, %eq3A : i32
    %convert_element_type3A = arith.extui %eq3A_0 : i1 to i32
    %cond3A = arith.constant 0 : i32
    %cond3A_1 = arith.cmpi ne, %convert_element_type3A, %cond3A : i32
    scf.if %cond3A_1 {
      %broadcast_in_dim3A = arith.constant 0.000000e+00 : f32
      %broadcast_in_dim3A_61 = vector.broadcast %broadcast_in_dim3A : f32 to vector<512x1xf32>
      %swap3A_62 = arith.constant 0 : index
      %swap3A_63 = arith.constant 0 : index
      %swap3A_64 = vector.load %arg9[%swap3A_62, %swap3A_63] : memref<512x1xf32, #tpu.memory_space<vmem>>, vector<512x1xf32>
      tpu.vector_store %arg9[%swap3A_62, %swap3A_63], %broadcast_in_dim3A_61 {strides = array<i32>} : memref<512x1xf32, #tpu.memory_space<vmem>>, vector<512x1xf32>,
    } else {
    }
    %get3A = arith.constant 0 : index
    %get3A_2 = arith.constant 0 : index
    %get3A_3 = vector.load %arg1[%get3A, %get3A_2] : memref<2000x128xf32, #tpu.memory_space<vmem>>, vector<2000x128xf32>
    %get3A_4 = arith.constant 0 : index
    %get3A_5 = arith.constant 0 : index
    %get3A_6 = vector.load %arg3[%get3A_4, %get3A_5] : memref<128x64xf32, #tpu.memory_space<vmem>>, vector<128x64xf32>
    %dot_general3A = arith.constant dense<0.000000e+00> : vector<2000x64xf32>
    %dot_general3A_7 = tpu.matmul %get3A_3, %get3A_6, %dot_general3A {dimension_numbers = #tpu.dot_dimension_numbers<[1], [0], [0], [1], [0, 0, 1, 1], [], []>, transpose_lhs_hint = false} : vector<2000x128xf32>, vector<128x64xf32>, vector<2000x64xf32> -> vector<2000x64xf32>
    %get3A_8 = arith.constant 0 : index
    %get3A_9 = arith.constant 0 : index
    %get3A_10 = vector.load %arg4[%get3A_8, %get3A_9] : memref<1x64xf32, #tpu.memory_space<vmem>>, vector<1x64xf32>
    %add3A = vector.broadcast %get3A_10 : vector<1x64xf32> to vector<2000x64xf32>
    %add3A_11 = arith.addf %dot_general3A_7, %add3A : vector<2000x64xf32>
    %logistic3A = arith.negf %add3A_11 : vector<2000x64xf32>
    %logistic3A_12 = math.exp %logistic3A : vector<2000x64xf32>
    %logistic3A_13 = arith.constant 1.000000e+00 : f32
    %logistic3A_14 = vector.broadcast %logistic3A_13 : f32 to vector<2000x64xf32>
    %logistic3A_15 = arith.addf %logistic3A_14, %logistic3A_12 : vector<2000x64xf32>
    %logistic3A_16 = arith.divf %logistic3A_14, %logistic3A_15 : vector<2000x64xf32>
    %mul3A = arith.mulf %add3A_11, %logistic3A_16 : vector<2000x64xf32>
    %get3A_17 = arith.constant 0 : index
    %get3A_18 = arith.constant 0 : index
    %get3A_19 = vector.load %arg5[%get3A_17, %get3A_18] : memref<64x64xf32, #tpu.memory_space<vmem>>, vector<64x64xf32>
    %dot_general3A_20 = arith.constant dense<0.000000e+00> : vector<2000x64xf32>
    %dot_general3A_21 = tpu.matmul %mul3A, %get3A_19, %dot_general3A_20 {dimension_numbers = #tpu.dot_dimension_numbers<[1], [0], [0], [1], [0, 0, 1, 1], [], []>, transpose_lhs_hint = false} : vector<2000x64xf32>, vector<64x64xf32>, vector<2000x64xf32> -> vector<2000x64xf32>
    %get3A_22 = arith.constant 0 : index
    %get3A_23 = arith.constant 0 : index
    %get3A_24 = vector.load %arg6[%get3A_22, %get3A_23] : memref<1x64xf32, #tpu.memory_space<vmem>>, vector<1x64xf32>
    %add3A_25 = vector.broadcast %get3A_24 : vector<1x64xf32> to vector<2000x64xf32>
    %add3A_26 = arith.addf %dot_general3A_21, %add3A_25 : vector<2000x64xf32>
    %logistic3A_27 = arith.negf %add3A_26 : vector<2000x64xf32>
    %logistic3A_28 = math.exp %logistic3A_27 : vector<2000x64xf32>
    %logistic3A_29 = arith.constant 1.000000e+00 : f32
    %logistic3A_30 = vector.broadcast %logistic3A_29 : f32 to vector<2000x64xf32>
    %logistic3A_31 = arith.addf %logistic3A_30, %logistic3A_28 : vector<2000x64xf32>
    %logistic3A_32 = arith.divf %logistic3A_30, %logistic3A_31 : vector<2000x64xf32>
    %mul3A_33 = arith.mulf %add3A_26, %logistic3A_32 : vector<2000x64xf32>
    %get3A_34 = arith.constant 0 : index
    %get3A_35 = arith.constant 0 : index
    %get3A_36 = vector.load %arg7[%get3A_34, %get3A_35] : memref<64x1xf32, #tpu.memory_space<vmem>>, vector<64x1xf32>
    %dot_general3A_37 = arith.constant dense<0.000000e+00> : vector<2000x1xf32>
    %dot_general3A_38 = tpu.matmul %mul3A_33, %get3A_36, %dot_general3A_37 {dimension_numbers = #tpu.dot_dimension_numbers<[1], [0], [0], [1], [0, 0, 1, 1], [], []>, transpose_lhs_hint = false} : vector<2000x64xf32>, vector<64x1xf32>, vector<2000x1xf32> -> vector<2000x1xf32>
    %get3A_39 = arith.constant 0 : index
    %get3A_40 = arith.constant 0 : index
    %get3A_41 = arith.constant 0 : index
    %get3A_42 = vector.load %arg2[%get3A_39, %get3A_40, %get3A_41] : memref<1x1x2000xi32, #tpu.memory_space<vmem>>, vector<1x1x2000xi32>
    %get3A_43 = vector.shape_cast %get3A_42 : vector<1x1x2000xi32> to vector<1x2000xi32>
    %iota3A = tpu.iota {dimensions = array<i32: 0>} : vector<512x2000xi32>
    %eq3A_44 = vector.broadcast %get3A_43 : vector<1x2000xi32> to vector<512x2000xi32>
    %eq3A_45 = arith.cmpi eq, %iota3A, %eq3A_44 : vector<512x2000xi32>
    %convert_element_type3A_46 = arith.extui %eq3A_45 : vector<512x2000xi1> to vector<512x2000xi32>
    %convert_element_type3A_47 = arith.sitofp %convert_element_type3A_46 : vector<512x2000xi32> to vector<512x2000xf32>
    %get3A_48 = arith.constant 0 : index
    %get3A_49 = arith.constant 0 : index
    %get3A_50 = vector.load %arg9[%get3A_48, %get3A_49] : memref<512x1xf32, #tpu.memory_space<vmem>>, vector<512x1xf32>
    %dot_general3A_51 = arith.constant dense<0.000000e+00> : vector<512x1xf32>
    %dot_general3A_52 = tpu.matmul %convert_element_type3A_47, %dot_general3A_38, %dot_general3A_51 {dimension_numbers = #tpu.dot_dimension_numbers<[1], [0], [0], [1], [0, 0, 1, 1], [], []>, transpose_lhs_hint = false} : vector<512x2000xf32>, vector<2000x1xf32>, vector<512x1xf32> -> vector<512x1xf32>
    %add3A_53 = arith.addf %get3A_50, %dot_general3A_52 : vector<512x1xf32>
    %swap3A = arith.constant 0 : index
    %swap3A_54 = arith.constant 0 : index
    %swap3A_55 = vector.load %arg9[%swap3A, %swap3A_54] : memref<512x1xf32, #tpu.memory_space<vmem>>, vector<512x1xf32>
    tpu.vector_store %arg9[%swap3A, %swap3A_54], %add3A_53 {strides = array<i32>} : memref<512x1xf32, #tpu.memory_space<vmem>>, vector<512x1xf32>,
    %eq3A_56 = arith.constant 49 : i32
    %eq3A_57 = arith.cmpi eq, %arg0, %eq3A_56 : i32
    %convert_element_type3A_58 = arith.extui %eq3A_57 : i1 to i32
    %cond3A_59 = arith.constant 0 : i32
    %cond3A_60 = arith.cmpi ne, %convert_element_type3A_58, %cond3A_59 : i32
    scf.if %cond3A_60 {
      %get3A_61 = arith.constant 0 : index
      %get3A_62 = arith.constant 0 : index
      %get3A_63 = vector.load %arg9[%get3A_61, %get3A_62] : memref<512x1xf32, #tpu.memory_space<vmem>>, vector<512x1xf32>
      %swap3A_64 = arith.constant 0 : index
      %swap3A_65 = arith.constant 0 : index
      %swap3A_66 = vector.load %arg8[%swap3A_64, %swap3A_65] : memref<512x1xf32, #tpu.memory_space<vmem>>, vector<512x1xf32>
      tpu.vector_store %arg8[%swap3A_64, %swap3A_65], %get3A_63 {strides = array<i32>} : memref<512x1xf32, #tpu.memory_space<vmem>>, vector<512x1xf32>,
    } else {
    }
    return
  }
  func.func @transform_0(%arg0: i32) -> (i32, i32) {
    %c0_i32 = arith.constant 0 : i32
    %c0_i32_0 = arith.constant 0 : i32
    return %arg0, %c0_i32 : i32, i32
  }
  func.func @transform_1(%arg0: i32) -> (i32, i32, i32) {
    %c0_i32 = arith.constant 0 : i32
    %c0_i32_0 = arith.constant 0 : i32
    %c0_i32_1 = arith.constant 0 : i32
    return %arg0, %c0_i32, %c0_i32_0 : i32, i32, i32
  }
  func.func @transform_2(%arg0: i32) -> (i32, i32) {
    %c0_i32 = arith.constant 0 : i32
    %c0_i32_0 = arith.constant 0 : i32
    %c0_i32_1 = arith.constant 0 : i32
    return %c0_i32, %c0_i32_0 : i32, i32
  }
  func.func @transform_3(%arg0: i32) -> (i32, i32) {
    %c0_i32 = arith.constant 0 : i32
    %c0_i32_0 = arith.constant 0 : i32
    %c0_i32_1 = arith.constant 0 : i32
    return %c0_i32, %c0_i32_0 : i32, i32
  }
  func.func @transform_4(%arg0: i32) -> (i32, i32) {
    %c0_i32 = arith.constant 0 : i32
    %c0_i32_0 = arith.constant 0 : i32
    %c0_i32_1 = arith.constant 0 : i32
    return %c0_i32, %c0_i32_0 : i32, i32
  }
  func.func @transform_5(%arg0: i32) -> (i32, i32) {
    %c0_i32 = arith.constant 0 : i32
    %c0_i32_0 = arith.constant 0 : i32
    %c0_i32_1 = arith.constant 0 : i32
    return %c0_i32, %c0_i32_0 : i32, i32
  }
  func.func @transform_6(%arg0: i32) -> (i32, i32) {
    %c0_i32 = arith.constant 0 : i32
    %c0_i32_0 = arith.constant 0 : i32
    %c0_i32_1 = arith.constant 0 : i32
    return %c0_i32, %c0_i32_0 : i32, i32
  }
  func.func @transform_7(%arg0: i32) -> (i32, i32) {
    %c0_i32 = arith.constant 0 : i32
    %c0_i32_0 = arith.constant 0 : i32
    %c0_i32_1 = arith.constant 0 : i32
    return %c0_i32, %c0_i32_0 : i32, i32
  }
}

module attributes {stable_mosaic.version = 14 : i64} {
  func.func @body(%arg0: memref<32x512x144xf32, #tpu.memory_space<vmem>>, %arg1: memref<512x1xf32, #tpu.memory_space<vmem>>, %arg2: memref<128x64xf32, #tpu.memory_space<vmem>>, %arg3: memref<1x64xf32, #tpu.memory_space<vmem>>, %arg4: memref<64x64xf32, #tpu.memory_space<vmem>>, %arg5: memref<1x64xf32, #tpu.memory_space<vmem>>, %arg6: memref<64x1xf32, #tpu.memory_space<vmem>>, %arg7: memref<1x1xf32, #tpu.memory_space<vmem>>, %arg8: memref<512x1xf32, #tpu.memory_space<vmem>>) attributes {dimension_semantics = [], scalar_prefetch = 0 : i64, scratch_operands = 0 : i64, tpu.core_type = #tpu.core_type<tc>} {
    %get3A = arith.constant 0 : index
    %get3A_0 = arith.constant 0 : index
    %get3A_1 = arith.constant 0 : index
    %get3A_2 = vector.load %arg0[%get3A, %get3A_0, %get3A_1] : memref<32x512x144xf32, #tpu.memory_space<vmem>>, vector<32x512x144xf32>
    %reduce_sum3A = arith.constant dense<0.000000e+00> : vector<512x144xf32>
    %reduce_sum3A_3 = vector.multi_reduction <add>, %get3A_2, %reduce_sum3A [0] : vector<32x512x144xf32> to vector<512x144xf32>
    %slice3A = vector.extract_strided_slice %reduce_sum3A_3 {offsets = [0, 0], sizes = [512, 128], strides = [1, 1]} : vector<512x144xf32> to vector<512x128xf32>
    %slice3A_4 = vector.extract_strided_slice %reduce_sum3A_3 {offsets = [0, 128], sizes = [512, 1], strides = [1, 1]} : vector<512x144xf32> to vector<512x1xf32>
    %max3A = arith.constant 1.000000e+00 : f32
    %max3A_5 = vector.broadcast %max3A : f32 to vector<512x1xf32>
    %max3A_6 = arith.maximumf %slice3A_4, %max3A_5 : vector<512x1xf32>
    %div3A = vector.broadcast %max3A_6 : vector<512x1xf32> to vector<512x128xf32>
    %div3A_7 = arith.divf %slice3A, %div3A : vector<512x128xf32>
    %get3A_8 = arith.constant 0 : index
    %get3A_9 = arith.constant 0 : index
    %get3A_10 = vector.load %arg2[%get3A_8, %get3A_9] : memref<128x64xf32, #tpu.memory_space<vmem>>, vector<128x64xf32>
    %dot_general3A = arith.constant dense<0.000000e+00> : vector<512x64xf32>
    %dot_general3A_11 = tpu.matmul %div3A_7, %get3A_10, %dot_general3A {dimension_numbers = #tpu.dot_dimension_numbers<[1], [0], [0], [1], [0, 0, 1, 1], [], []>, transpose_lhs_hint = false} : vector<512x128xf32>, vector<128x64xf32>, vector<512x64xf32> -> vector<512x64xf32>
    %get3A_12 = arith.constant 0 : index
    %get3A_13 = arith.constant 0 : index
    %get3A_14 = vector.load %arg3[%get3A_12, %get3A_13] : memref<1x64xf32, #tpu.memory_space<vmem>>, vector<1x64xf32>
    %add3A = vector.broadcast %get3A_14 : vector<1x64xf32> to vector<512x64xf32>
    %add3A_15 = arith.addf %dot_general3A_11, %add3A : vector<512x64xf32>
    %logistic3A = arith.negf %add3A_15 : vector<512x64xf32>
    %logistic3A_16 = math.exp %logistic3A : vector<512x64xf32>
    %logistic3A_17 = arith.constant 1.000000e+00 : f32
    %logistic3A_18 = vector.broadcast %logistic3A_17 : f32 to vector<512x64xf32>
    %logistic3A_19 = arith.addf %logistic3A_18, %logistic3A_16 : vector<512x64xf32>
    %logistic3A_20 = arith.divf %logistic3A_18, %logistic3A_19 : vector<512x64xf32>
    %mul3A = arith.mulf %add3A_15, %logistic3A_20 : vector<512x64xf32>
    %get3A_21 = arith.constant 0 : index
    %get3A_22 = arith.constant 0 : index
    %get3A_23 = vector.load %arg4[%get3A_21, %get3A_22] : memref<64x64xf32, #tpu.memory_space<vmem>>, vector<64x64xf32>
    %dot_general3A_24 = arith.constant dense<0.000000e+00> : vector<512x64xf32>
    %dot_general3A_25 = tpu.matmul %mul3A, %get3A_23, %dot_general3A_24 {dimension_numbers = #tpu.dot_dimension_numbers<[1], [0], [0], [1], [0, 0, 1, 1], [], []>, transpose_lhs_hint = false} : vector<512x64xf32>, vector<64x64xf32>, vector<512x64xf32> -> vector<512x64xf32>
    %get3A_26 = arith.constant 0 : index
    %get3A_27 = arith.constant 0 : index
    %get3A_28 = vector.load %arg5[%get3A_26, %get3A_27] : memref<1x64xf32, #tpu.memory_space<vmem>>, vector<1x64xf32>
    %add3A_29 = vector.broadcast %get3A_28 : vector<1x64xf32> to vector<512x64xf32>
    %add3A_30 = arith.addf %dot_general3A_25, %add3A_29 : vector<512x64xf32>
    %logistic3A_31 = arith.negf %add3A_30 : vector<512x64xf32>
    %logistic3A_32 = math.exp %logistic3A_31 : vector<512x64xf32>
    %logistic3A_33 = arith.constant 1.000000e+00 : f32
    %logistic3A_34 = vector.broadcast %logistic3A_33 : f32 to vector<512x64xf32>
    %logistic3A_35 = arith.addf %logistic3A_34, %logistic3A_32 : vector<512x64xf32>
    %logistic3A_36 = arith.divf %logistic3A_34, %logistic3A_35 : vector<512x64xf32>
    %mul3A_37 = arith.mulf %add3A_30, %logistic3A_36 : vector<512x64xf32>
    %get3A_38 = arith.constant 0 : index
    %get3A_39 = arith.constant 0 : index
    %get3A_40 = vector.load %arg6[%get3A_38, %get3A_39] : memref<64x1xf32, #tpu.memory_space<vmem>>, vector<64x1xf32>
    %dot_general3A_41 = arith.constant dense<0.000000e+00> : vector<512x1xf32>
    %dot_general3A_42 = tpu.matmul %mul3A_37, %get3A_40, %dot_general3A_41 {dimension_numbers = #tpu.dot_dimension_numbers<[1], [0], [0], [1], [0, 0, 1, 1], [], []>, transpose_lhs_hint = false} : vector<512x64xf32>, vector<64x1xf32>, vector<512x1xf32> -> vector<512x1xf32>
    %get3A_43 = arith.constant 0 : index
    %get3A_44 = arith.constant 0 : index
    %get3A_45 = vector.load %arg1[%get3A_43, %get3A_44] : memref<512x1xf32, #tpu.memory_space<vmem>>, vector<512x1xf32>
    %add3A_46 = arith.addf %dot_general3A_42, %get3A_45 : vector<512x1xf32>
    %get3A_47 = arith.constant 0 : index
    %get3A_48 = arith.constant 0 : index
    %get3A_49 = vector.load %arg7[%get3A_47, %get3A_48] : memref<1x1xf32, #tpu.memory_space<vmem>>, vector<1x1xf32>
    %add3A_50 = vector.broadcast %get3A_49 : vector<1x1xf32> to vector<512x1xf32>
    %add3A_51 = arith.addf %add3A_46, %add3A_50 : vector<512x1xf32>
    %swap3A = arith.constant 0 : index
    %swap3A_52 = arith.constant 0 : index
    %swap3A_53 = vector.load %arg8[%swap3A, %swap3A_52] : memref<512x1xf32, #tpu.memory_space<vmem>>, vector<512x1xf32>
    tpu.vector_store %arg8[%swap3A, %swap3A_52], %add3A_51 {strides = array<i32>} : memref<512x1xf32, #tpu.memory_space<vmem>>, vector<512x1xf32>,
    return
  }
}

</mosaic_0001>

<sc_bundles>
// kernel: kernel.5.cloned.1.call-start
scs
__scs_entry_jumppad:
0x0: {  	(pc) =	sbr.rel $0x88, $3  }
0x1: {  	(tag) =	ssettag $0x0;
	lr =	simm.s32 $0x1  }
0x2: {  	[smem:$0x3F95] =	sst lr;
	_ =	strace $0xD0000000  }
0x3: {  	_ = 	snop  }
0x4: {  	_ = 	snop  }
0x5: {  	_ = 	snop  }
0x6: {  	_ = 	snop  }
0x7: {  	_ = 	snop  }
__scs_overlays_trampoline_lowered:
0x8: {  	[smem:$0x3FA4] =	sst s0  }
0x9: {  	[smem:$0x3FA5] =	sst s1  }
0xa: {  	[smem:$0x3FA6] =	sst s2  }
0xb: {  	[smem:$0x3FA7] =	sst s3  }
0xc: {  	[smem:$0x3FA8] =	sst s4  }
0xd: {  	[smem:$0x3FA9] =	sst s5  }
0xe: {  	[smem:$0x3FAA] =	sst s6  }
0xf: {  	[smem:$0x3FAB] =	sst s7  }
0x10: {  	[smem:$0x3FAC] =	sst s8  }
0x11: {  	[smem:$0x3FAD] =	sst s9;
	s0 =	simm.s32 @!p0 $0x0  }
0x12: {  	s1 =	sld [smem:$0x3F93];
	s0 =	simm.s32 @p0 $0x1  }
0x13: {  	[smem:$0x3FAE] =	sst s0;
	s0 =	simm.s32 @!p1 $0x0  }
0x14: {  	s2 =	sld [smem:$0x3F92];
	s0 =	simm.s32 @p1 $0x1  }
0x15: {  	[smem:$0x3FAF] =	sst s0;
	s0 =	simm.s32 @!p2 $0x0  }
0x16: {  	s3 =	sld [smem:$0x3FDB];
	s0 =	simm.s32 @p2 $0x1  }
0x17: {  	s4 =	simm.s32 $0x1BF5;
	[smem:$0x3FB1] =	sst s0  }
0x18: {  	s0 =	sld [smem:$0x3F94];
	_ =	swait.ge [sflag:s4], $0x0  }
0x19: {  	s7 =	sld [smem:$0x3F95]  }
0x1a: {  	s8 =	sadd.s32 $0xFFFFE003, lr  }
0x1b: {  	s9 =	sadd.s32 $0xFFFFFEF7, lr;
	s5 =	simm.s32 $0xFFFFFFFF;
	p2 =	slt.u32 s8, $0xFFFFF086  }
0x1c: {  	p1 =	slt.u32 s9, $0xF7A;
	s5 =	simm.s32 @!p2 $0x0  }
0x1d: {  	s5 =	simm.s32 @p1 $0x1;
	p0 =	seq.s32 s7, s2  }
0x1e: {  	s7 =	smul.u32 @!p0 $0xF7A, s2;
	p2 =	seq.s32 @!p0 s5, $0x0  }
0x1f: {  	s9 =	smul.u32 $0xF7A, s1;
	s8 =	simm.s32 @!p0 $0x1BF5;
	p2 =	por !p2, p0  }
0x20: {  	[sflag:s8] =	ssyncset.s32 @!p0 $0xFFFFF086;
	s6 =	sadd.s32 @!p0 s3, s7;
	s7 =	simm.s32 @!p0 $0x108  }
0x21: {  	s3 =	sadd.s32 s3, s9;
	s6 =	sadd.s32 @!p0 $0x88, s6;
	s7 =	simm.s32 @p2 $0x1082  }
0x22: {  	[simem:s7], [sflag:s8] =	dma.local @!p0 [hbm:s6], $0xF7A  }
0x23: {  	s9 =	sor.u32 $0xD0000000, s2;
	s6 =	simm.s32 $0x108;
	_ =	swait.ge @!p0 [sflag:s8], $0x0  }
0x24: {  	s3 =	sadd.s32 $0x88, s3;
	s6 =	simm.s32 @!p1 $0x1082;
	[sflag:s4] =	ssyncset.s32 $0xFFFFF086  }
0x25: {  	[simem:s6], [sflag:s4] =	dma.local [hbm:s3], $0xF7A  }
0x26: {  	[smem:$0x3F95] =	sst s1;
	(tag) =	ssettag s2;
	_ =	strace s9  }
0x27: {  	s1 =	sld [smem:$0x3FA5]  }
0x28: {  	s2 =	sld [smem:$0x3FA6]  }
0x29: {  	s4 =	sld [smem:$0x3FA8]  }
0x2a: {  	p0 =	seq.s32 s5, $0x0;
	s5 =	sld [smem:$0x3FA9]  }
0x2b: {  	s6 =	sld [smem:$0x3FAA]  }
0x2c: {  	s7 =	sld [smem:$0x3FAB]  }
0x2d: {  	s3 =	simm.s32 $0x108;
	s8 =	sld [smem:$0x3FAC]  }
0x2e: {  	s3 =	simm.s32 @!p0 $0x1082;
	s9 =	sld [smem:$0x3FAD]  }
0x2f: {  	lr =	sadd.s32 s0, s3;
	s0 =	sld [smem:$0x3FA4]  }
0x30: {  	s3 =	sld [smem:$0x3FA7]  }
0x31: {  	[smem:$0x3FB0] =	sst s10  }
0x32: {  	s10 =	sld [smem:$0x3FAE];
	_ =	sdelay $0x3  }
0x33: {  	p0 =	seq.s32 s10, $0x1;
	s10 =	sld [smem:$0x3FB0];
	_ =	sdelay $0x3  }
0x34: {  	[smem:$0x3FB0] =	sst s10  }
0x35: {  	s10 =	sld [smem:$0x3FAF];
	_ =	sdelay $0x3  }
0x36: {  	p1 =	seq.s32 s10, $0x1;
	s10 =	sld [smem:$0x3FB0];
	_ =	sdelay $0x3  }
0x37: {  	[smem:$0x3FB0] =	sst s10  }
0x38: {  	s10 =	sld [smem:$0x3FB1]  }
0x39: {  	_ = 	snop;
	(pc) =	sbr.ind lr, $3  }
0x3a: {  	_ = 	snop  }
0x3b: {  	_ = 	snop  }
0x3c: {  	p2 =	seq.s32 s10, $0x1;
	s10 =	sld [smem:$0x3FB0]  }
0x3d: {  	_ =	shalt  }
0x3e: {  	_ =	shalt  }
0x3f: {  	_ =	shalt  }
0x40: {  	_ =	shalt  }
0x41: {  	_ =	shalt  }
0x42: {  	_ =	shalt  }
0x43: {  	_ =	shalt  }
0x44: {  	_ =	shalt  }
0x45: {  	_ =	shalt  }
0x46: {  	_ =	shalt  }
0x47: {  	_ =	shalt  }
0x48: {  	_ =	shalt  }
0x49: {  	_ =	shalt  }
0x4a: {  	_ =	shalt  }
0x4b: {  	_ =	shalt  }
0x4c: {  	_ =	shalt  }
0x4d: {  	_ =	shalt  }
0x4e: {  	_ =	shalt  }
0x4f: {  	_ =	shalt  }
0x50: {  	_ =	shalt  }
0x51: {  	_ =	shalt  }
0x52: {  	_ =	shalt  }
0x53: {  	_ =	shalt  }
0x54: {  	_ =	shalt  }
0x55: {  	_ =	shalt  }
0x56: {  	_ =	shalt  }
0x57: {  	_ =	shalt  }
0x58: {  	_ =	shalt  }
0x59: {  	_ =	shalt  }
0x5a: {  	_ =	shalt  }
0x5b: {  	_ =	shalt  }
0x5c: {  	_ =	shalt  }
0x5d: {  	_ =	shalt  }
0x5e: {  	_ =	shalt  }
0x5f: {  	_ =	shalt  }
0x60: {  	_ =	shalt  }
0x61: {  	_ =	shalt  }
0x62: {  	_ =	shalt  }
0x63: {  	_ =	shalt  }
0x64: {  	_ =	shalt  }
0x65: {  	_ =	shalt  }
0x66: {  	_ =	shalt  }
0x67: {  	_ =	shalt  }
0x68: {  	_ =	shalt  }
0x69: {  	_ =	shalt  }
0x6a: {  	_ =	shalt  }
0x6b: {  	_ =	shalt  }
0x6c: {  	_ =	shalt  }
0x6d: {  	_ =	shalt  }
0x6e: {  	_ =	shalt  }
0x6f: {  	_ =	shalt  }
0x70: {  	_ =	shalt  }
0x71: {  	_ =	shalt  }
0x72: {  	_ =	shalt  }
0x73: {  	_ =	shalt  }
0x74: {  	_ =	shalt  }
0x75: {  	_ =	shalt  }
0x76: {  	_ =	shalt  }
0x77: {  	_ =	shalt  }
0x78: {  	_ =	shalt  }
0x79: {  	_ =	shalt  }
0x7a: {  	_ =	shalt  }
0x7b: {  	_ =	shalt  }
0x7c: {  	_ =	shalt  }
0x7d: {  	_ =	shalt  }
0x7e: {  	_ =	shalt  }
0x7f: {  	_ =	shalt  }
0x80: {  	_ =	shalt  }
0x81: {  	_ =	shalt  }
0x82: {  	_ =	shalt  }
0x83: {  	_ =	shalt  }
0x84: {  	_ =	shalt  }
0x85: {  	_ =	shalt  }
0x86: {  	_ =	shalt  }
0x87: {  	_ =	shalt  }
.Lfunc_end0:
.L_simem_size_0:
called_computation_lowered:
.L_overlay_start_0:
0x88: {  	s2 =	sld [smem:$0x3FD9]  }
0x89: {  	s3 =	sld [smem:$0x3FFE];
	_ =	sdelay $0x1  }
0x8a: {  	s1 =	srdreg.scid  }
0x8b: {  	s0 =	sand.u32 $0x1, s1  }
0x8c: {  	s17 =	sshll.u32 s0, $0xA;
	s2 =	sadd.s32 s3, s2  }
0x8d: {  	s2 =	sadd.s32 s2, s17  }
0x8e: {  	[smem:$0x3FBC] =	sst s2  }
0x8f: {  	_ = 	snop  }
0x90: {  	s2 =	sld [smem:$0x3FC9];
	(tm) =	ssettm $0x1  }
0x91: {  	s18 =	sld [smem:$0x3FFB];
	_ =	sdelay $0x3  }
0x92: {  	_ =	strace s18  }
0x93: {  	s3 =	sld [smem:$0x3FFC];
	_ =	sdelay $0x3  }
0x94: {  	_ =	strace s3  }
0x95: {  	s3 =	sld [smem:$0x3FFD];
	_ =	sdelay $0x3  }
0x96: {  	_ =	strace s3  }
0x97: {  	_ =	strace $0x8FFFFFFF  }
0x98: {  	s19 =	sld [smem:$0x3FDB];
	_ =	sdelay $0x1  }
0x99: {  	s4 =	simm.s32 $_scs_section_size  }
0x9a: {  	s5 =	simm.s32 $_size__tile_overlayer_lowered;
	s6 =	simm.s32 $_tile_overlayer_lowered  }
0x9b: {  	s22 =	simm.s32 $0x1BFF;
	s21 =	sshll.u32 s6, $0x1;
	s3 =	sadd.s32 s4, s19  }
0x9c: {  	s7 =	simm.s32 $0x0;
	s20 =	sshll.u32 s5, $0x1;
	s5 =	sadd.s32 s21, s3  }
0x9d: {  	[timem:s7], [sflag:s22] =	dma.local [hbm:s5], s20  }
0x9e: {  	_ =	swait.ge [sflag:s22], s20  }
0x9f: {  	s4 =	ssub.s32 $0x0, s20;
	[sflag:s22] =	ssyncset.done $0x0  }
0xa0: {  	[sflag:s22] =	ssyncadd.s32 s4;
	_ =	sdelay $0x1  }
0xa1: {  	s23 =	simm.s32 $0x1B8B  }
0xa2: {  	_ =	swait.ge [sflag:s23], $0x1  }
0xa3: {  	[sflag:s23] =	ssyncset.done $0x0  }
0xa4: {  	s25 =	simm.s32 $0x1B8E;
	s24 =	sld [smem:$0x3FFE];
	[sflag:s23] =	ssyncadd.s32 $0xFFFFFFFF  }
0xa5: {  	s26 =	simm.s32 $execute0_lowered;
	[smem:$0x3FD2] =	sst s25  }
0xa6: {  	s5 =	sshll.u32 s26, $0x1;
	_ =	strace $0x80000046;
	[dreg:$0x1] =	wrdreg $0xFFFFFFFF  }
0xa7: {  	s28 =	simm.s32 $_size_execute0_lowered;
	s3 =	sadd.s32 s3, s5;
	[dreg:$0x0] =	wrdreg $0x0  }
0xa8: {  	s5 =	sshll.u32 s28, $0x1;
	[dreg:$0x2] =	wrdreg s3  }
0xa9: {  	[dreg:$0x3] =	wrdreg s5  }
0xaa: {  	[dreg:$0x4] =	wrdreg $0xC0  }
0xab: {  	_ =	task [dreg:s7], $0x5FFFF  }
0xac: {  	[dreg:$0x1] =	wrdreg $0xFFFFFFFF  }
0xad: {  	[dreg:$0x0] =	wrdreg $0x60  }
0xae: {  	[dreg:$0x2] =	wrdreg s2  }
0xaf: {  	[dreg:$0x3] =	wrdreg s24  }
0xb0: {  	[dreg:$0x4] =	wrdreg $0x9  }
0xb1: {  	_ =	task.clear_ibuf [dreg:s7], $0x5FFFF;
	_ =	strace $0x90000046  }
0xb2: {  	s29 =	simm.s32 $0x9;
	_ =	strace $0x80000048  }
0xb3: {  	_ =	swait.ge [sflag:s29], $0x1  }
0xb4: {  	[sflag:s29] =	ssyncadd.s32 $0xFFFFFFFF  }
0xb5: {  	_ =	strace $0x90000048  }
0xb6: {  	_ =	sfence  }
0xb7: {  	s30 =	sld [smem:$0x0];
	_ =	sdelay $0x2  }
0xb8: {  	s31 =	sshll.u32 s1, $0xD;
	s1 =	sshrl.u32 s1, $0x2  }
0xb9: {  	s3 =	sand.u32 $0x4000, s31;
	s1 =	sadd.s32 s1, s30  }
0xba: {  	s0 =	sor.u32 s3, s0;
	s1 =	sshll.u32 s1, $0x11  }
0xbb: {  	s0 =	sor.u32 s1, s0  }
0xbc: {  	s0 =	sadd.s32 $0x8F2B, s0  }
0xbd: {  	[sflag:s0] =	ssyncadd.remote.s32 $0x1  }
0xbe: {  	_ =	sfence.sel $0xFFFF  }
0xbf: {  	[dreg:$0x0] =	wrdreg $0xFFFFFFFF;
	(pc) =	sbr.abs _section_cstart, $3  }
0xc0: {  	[dreg:$0x1] =	wrdreg $0xFFFFFFFF  }
0xc1: {  	_ =	task.clear_ibuf [dreg:s7], $0x2FFFF;
	_ =	strace $0x9FFFFFFF  }
0xc2: {  	(tm) =	ssettm $0x7FFFFFFF  }
0xc3: {  	_ =	shalt  }
tec
execute0_lowered:
.L_overlay_start_1:
0x0: {  	(tag) =	ssettag $0x1  }
0x1: {  	s7 =	rddreg [dreg:$0x0]  }
0x2: {  	s0 =	srdreg.scid;
	s3 =	rddreg [dreg:$0x1];
	s2 =	simm.s32 $0x0  }
0x3: {  	v0 =	vlaneseq.u32;
	s12 =	simm.s32 $0x0;
	s4 =	sand.u32 $0x1, s0;
	s0 =	stileid.u32  }
0x4: {  	v1 =	vimm.f32 $0.0e+00;
	v2 =	vimm.s32 $0x0;
	vm0 =	vcmask $0x300;
	[smem:$0x7FF] =	sst s2;
	s1 =	sshll.u32 s4, $0x4;
	s31 =	smul.u32 $0xC4000, s4  }
0x5: {  	v12 =	vimm.s32 $0x1;
	v13 =	vimm.s32 $0x2;
	v14 =	vimm.s32 $0x3;
	s9 =	ssub.s32 $0x2, s4;
	s11 =	smul.u32 $0xC400, s0;
	s5 =	sor.u32 s0, s1  }
0x6: {  	v15 =	vimm.s32 $0x4;
	v16 =	vimm.s32 $0x5;
	v17 =	vimm.s32 $0x6;
	s1 =	rddreg [dreg:$0x2];
	s10 =	sshrl.u32 s9, $0x1;
	s6 =	smul.u32 $0xC40, s5  }
0x7: {  	v18 =	vimm.s32 $0x7;
	v19 =	vimm.s32 $0x8;
	v20 =	vimm.s32 $0x9;
	_ =	strace $0x80000047;
	s8 =	smul.u32 $0x2400, s5;
	s9 =	ssub.s32 s9, s10  }
0x8: {  	v21 =	vimm.s32 $0xA;
	v22 =	vimm.s32 $0xB;
	v23 =	vimm.s32 $0xC;
	p0 =	seq.s32 s5, $0x1F;
	s7 =	sadd.s32 s31, s7;
	s10 =	simm.s32 $0x12C40  }
0x9: {  	v24 =	vimm.s32 $0xD;
	v25 =	vimm.s32 $0xE;
	v26 =	vimm.s32 $0xF;
	s7 =	sadd.s32 s11, s7;
	s11 =	simm.s32 $0x1;
	s6 =	sshrl.u32 s6, $0x3  }
0xa: {  	v3 =	vor.u32 $0x10, v0;
	v4 =	vor.u32 $0x20, v0;
	v5 =	vor.u32 $0x30, v0;
	s8 =	sadd.s32 s8, s3;
	s6 =	sadd.s32 s6, s3;
	s3 =	simm.s32 $0x57  }
0xb: {  	v6 =	vor.u32 $0x40, v0;
	v7 =	vor.u32 $0x50, v0;
	v8 =	vor.u32 $0x60, v0;
	s5 =	sadd.s32 $0x4C00, s8;
	s8 =	simm.s32 $0x12000;
	s3 =	simm.s32 @!p0 $0x62  }
0xc: {  	v9 =	vor.u32 $0x70, v0;
	v10 =	vor.u32 $0x80, v0;
	v11 =	vsel vm0, $0x3F800000, v1;
	s4 =	sadd.s32 $0x1A00, s6;
	s6 =	smax.u32 s9, $0x1;
	s9 =	simm.s32 $0x2  }
.LBB2_1:
0xd: {  	[tilespmem:s8], [sflag:$0x2] =	stream.linear.gather [hbm4b:s4+s2], $0xC40, $0x38;
	[tilespmem:$0x13C40] =	vst v63  }
0xe: {  	_ =	swait.ge [sflag:s9], $0xC40  }
0xf: {  	[sflag:s9] =	ssyncset.done $0x0  }
0x10: {  	s13 =	simm.s32 $0x0;
	s14 =	simm.s32 $0x240;
	[sflag:s9] =	ssyncadd.s32 $0xFFFFF3C0  }
.LBB2_2:
0x11: {  	p0 =	sne.s32 s14, $0x47DC0;
	[tilespmem:s13+$0x80] =	vst v1  }
0x12: {  	[tilespmem:s13+$0x0] =	vst v1  }
0x13: {  	[tilespmem:s13+$0x10] =	vst v1  }
0x14: {  	[tilespmem:s13+$0x20] =	vst v1  }
.Ltmp0:
0x15: {  	[tilespmem:s13+$0x30] =	vst v1;
	(pc) =	sbr.rel @p0 .LBB2_2-.Ltmp0, $4  }
0x16: {  	[tilespmem:s13+$0x40] =	vst v1  }
0x17: {  	[tilespmem:s13+$0x50] =	vst v1  }
0x18: {  	[tilespmem:s13+$0x60] =	vst v1  }
0x19: {  	[tilespmem:s13+$0x70] =	vst v1;
	s13 =	sshra.s32 s14, $0x2;
	s14 =	sadd.s32 $0x240, s14  }
0x1a: {  	[tilespmem:s13+$0x80] =	vst v1  }
0x1b: {  	[tilespmem:s13+$0x0] =	vst v1  }
0x1c: {  	[tilespmem:s13+$0x10] =	vst v1  }
0x1d: {  	[tilespmem:s13+$0x20] =	vst v1  }
0x1e: {  	[tilespmem:s13+$0x30] =	vst v1  }
0x1f: {  	[tilespmem:s13+$0x40] =	vst v1  }
0x20: {  	[tilespmem:s13+$0x50] =	vst v1  }
0x21: {  	[tilespmem:s13+$0x60] =	vst v1  }
0x22: {  	[tilespmem:s13+$0x70] =	vst v1;
	s13 =	simm.s32 $0x12010;
	s14 =	smov.u32 s7;
	s15 =	smov.u32 s3  }
.LBB2_4:
0x23: {  	[tilespmem:s10], [sflag:$0x1] =	stream.linear.gather [hbm4b:s14+s2], $0x1000, $0x38;
	[tilespmem:$0x13C40] =	vst v63  }
0x24: {  	_ =	swait.ge [sflag:s11], $0x1000  }
0x25: {  	[sflag:s11] =	ssyncset.done $0x0  }
0x26: {  	[sflag:s11] =	ssyncadd.s32 $0xFFFFF000  }
0x27: {  	v27 =	vld [tilespmem:s13+$0xFFFFFFF0];
	_ =	sdelay $0x4  }
0x28: {  	v28 =	vperm.xlane v27, v2;
	_ =	sdelay $0x1  }
0x29: {  	v28 =	vmul.u32 $0x90, v28;
	_ =	sdelay $0x1  }
0x2a: {  	v29 =	vld [tilespmem:$0x12C40];
	v30 =	vor.u32 v0, v28;
	_ =	sdelay $0x4  }
0x2b: {  	[tilespmem:v30+s2+$0x0] =	vst.idx.add.f32.msk $0xffff, v29  }
0x2c: {  	v63 =	vadd.s32 v3, v28;
	v29 =	vld [tilespmem:$0x12C50];
	_ =	sdelay $0x4  }
0x2d: {  	[tilespmem:v63+s2+$0x0] =	vst.idx.add.f32.msk $0xffff, v29  }
0x2e: {  	v33 =	vadd.s32 v4, v28;
	v29 =	vld [tilespmem:$0x12C60];
	_ =	sdelay $0x4  }
0x2f: {  	[tilespmem:v33+s2+$0x0] =	vst.idx.add.f32.msk $0xffff, v29  }
0x30: {  	v34 =	vadd.s32 v5, v28;
	v29 =	vld [tilespmem:$0x12C70];
	_ =	sdelay $0x4  }
0x31: {  	[tilespmem:v34+s2+$0x0] =	vst.idx.add.f32.msk $0xffff, v29  }
0x32: {  	v35 =	vadd.s32 v6, v28;
	v29 =	vld [tilespmem:$0x12C80];
	_ =	sdelay $0x4  }
0x33: {  	[tilespmem:v35+s2+$0x0] =	vst.idx.add.f32.msk $0xffff, v29  }
0x34: {  	v36 =	vadd.s32 v7, v28;
	v29 =	vld [tilespmem:$0x12C90];
	_ =	sdelay $0x4  }
0x35: {  	[tilespmem:v36+s2+$0x0] =	vst.idx.add.f32.msk $0xffff, v29  }
0x36: {  	v37 =	vadd.s32 v8, v28;
	v29 =	vld [tilespmem:$0x12CA0];
	_ =	sdelay $0x4  }
0x37: {  	[tilespmem:v37+s2+$0x0] =	vst.idx.add.f32.msk $0xffff, v29  }
0x38: {  	v38 =	vadd.s32 v9, v28;
	v29 =	vld [tilespmem:$0x12CB0]  }
0x39: {  	v28 =	vadd.s32 v10, v28;
	_ =	sdelay $0x1  }
0x3a: {  	v31 =	vperm.xlane v27, v12;
	_ =	sdelay $0x1  }
0x3b: {  	v39 =	vmul.u32 $0x90, v31;
	[tilespmem:v38+s2+$0x0] =	vst.idx.add.f32.msk $0xffff, v29  }
0x3c: {  	[tilespmem:v28+s2+$0x0] =	vst.idx.add.f32.msk $0xffff, v11  }
0x3d: {  	v40 =	vor.u32 v0, v39;
	v28 =	vld [tilespmem:$0x12CC0];
	_ =	sdelay $0x4  }
0x3e: {  	[tilespmem:v40+s2+$0x0] =	vst.idx.add.f32.msk $0xffff, v28  }
0x3f: {  	v41 =	vadd.s32 v3, v39;
	v28 =	vld [tilespmem:$0x12CD0];
	_ =	sdelay $0x4  }
0x40: {  	[tilespmem:v41+s2+$0x0] =	vst.idx.add.f32.msk $0xffff, v28  }
0x41: {  	v42 =	vadd.s32 v4, v39;
	v28 =	vld [tilespmem:$0x12CE0];
	_ =	sdelay $0x4  }
0x42: {  	[tilespmem:v42+s2+$0x0] =	vst.idx.add.f32.msk $0xffff, v28  }
0x43: {  	v43 =	vadd.s32 v5, v39;
	v28 =	vld [tilespmem:$0x12CF0];
	_ =	sdelay $0x4  }
0x44: {  	[tilespmem:v43+s2+$0x0] =	vst.idx.add.f32.msk $0xffff, v28  }
0x45: {  	v44 =	vadd.s32 v6, v39;
	v28 =	vld [tilespmem:$0x12D00];
	_ =	sdelay $0x4  }
0x46: {  	[tilespmem:v44+s2+$0x0] =	vst.idx.add.f32.msk $0xffff, v28  }
0x47: {  	v45 =	vadd.s32 v7, v39;
	v28 =	vld [tilespmem:$0x12D10];
	_ =	sdelay $0x4  }
0x48: {  	[tilespmem:v45+s2+$0x0] =	vst.idx.add.f32.msk $0xffff, v28  }
0x49: {  	v46 =	vadd.s32 v8, v39;
	v28 =	vld [tilespmem:$0x12D20];
	_ =	sdelay $0x4  }
0x4a: {  	[tilespmem:v46+s2+$0x0] =	vst.idx.add.f32.msk $0xffff, v28  }
0x4b: {  	v47 =	vadd.s32 v9, v39;
	v28 =	vld [tilespmem:$0x12D30]  }
0x4c: {  	v29 =	vadd.s32 v10, v39;
	_ =	sdelay $0x1  }
0x4d: {  	v48 =	vperm.xlane v27, v13;
	_ =	sdelay $0x1  }
0x4e: {  	v49 =	vmul.u32 $0x90, v48;
	[tilespmem:v47+s2+$0x0] =	vst.idx.add.f32.msk $0xffff, v28  }
0x4f: {  	[tilespmem:v29+s2+$0x0] =	vst.idx.add.f32.msk $0xffff, v11  }
0x50: {  	v50 =	vor.u32 v0, v49;
	v29 =	vld [tilespmem:$0x12D40];
	_ =	sdelay $0x4  }
0x51: {  	[tilespmem:v50+s2+$0x0] =	vst.idx.add.f32.msk $0xffff, v29  }
0x52: {  	v51 =	vadd.s32 v3, v49;
	v29 =	vld [tilespmem:$0x12D50];
	_ =	sdelay $0x4  }
0x53: {  	[tilespmem:v51+s2+$0x0] =	vst.idx.add.f32.msk $0xffff, v29  }
0x54: {  	v52 =	vadd.s32 v4, v49;
	v29 =	vld [tilespmem:$0x12D60];
	_ =	sdelay $0x4  }
0x55: {  	[tilespmem:v52+s2+$0x0] =	vst.idx.add.f32.msk $0xffff, v29  }
0x56: {  	v53 =	vadd.s32 v5, v49;
	v29 =	vld [tilespmem:$0x12D70];
	_ =	sdelay $0x4  }
0x57: {  	[tilespmem:v53+s2+$0x0] =	vst.idx.add.f32.msk $0xffff, v29  }
0x58: {  	v54 =	vadd.s32 v6, v49;
	v29 =	vld [tilespmem:$0x12D80];
	_ =	sdelay $0x4  }
0x59: {  	[tilespmem:v54+s2+$0x0] =	vst.idx.add.f32.msk $0xffff, v29  }
0x5a: {  	v55 =	vadd.s32 v7, v49;
	v29 =	vld [tilespmem:$0x12D90];
	_ =	sdelay $0x4  }
0x5b: {  	[tilespmem:v55+s2+$0x0] =	vst.idx.add.f32.msk $0xffff, v29  }
0x5c: {  	v56 =	vadd.s32 v8, v49;
	v29 =	vld [tilespmem:$0x12DA0];
	_ =	sdelay $0x4  }
0x5d: {  	[tilespmem:v56+s2+$0x0] =	vst.idx.add.f32.msk $0xffff, v29  }
0x5e: {  	v57 =	vadd.s32 v9, v49;
	v29 =	vld [tilespmem:$0x12DB0]  }
0x5f: {  	v28 =	vadd.s32 v10, v49;
	_ =	sdelay $0x1  }
0x60: {  	v58 =	vperm.xlane v27, v14;
	_ =	sdelay $0x1  }
0x61: {  	v59 =	vmul.u32 $0x90, v58;
	[tilespmem:v57+s2+$0x0] =	vst.idx.add.f32.msk $0xffff, v29  }
0x62: {  	[tilespmem:v28+s2+$0x0] =	vst.idx.add.f32.msk $0xffff, v11  }
0x63: {  	v60 =	vor.u32 v0, v59;
	v28 =	vld [tilespmem:$0x12DC0];
	_ =	sdelay $0x4  }
0x64: {  	[tilespmem:v60+s2+$0x0] =	vst.idx.add.f32.msk $0xffff, v28  }
0x65: {  	v61 =	vadd.s32 v3, v59;
	v28 =	vld [tilespmem:$0x12DD0];
	_ =	sdelay $0x4  }
0x66: {  	[tilespmem:v61+s2+$0x0] =	vst.idx.add.f32.msk $0xffff, v28  }
0x67: {  	v62 =	vadd.s32 v4, v59;
	v28 =	vld [tilespmem:$0x12DE0];
	_ =	sdelay $0x4  }
0x68: {  	[tilespmem:v62+s2+$0x0] =	vst.idx.add.f32.msk $0xffff, v28  }
0x69: {  	v63 =	vadd.s32 v5, v59;
	v28 =	vld [tilespmem:$0x12DF0];
	_ =	sdelay $0x4  }
0x6a: {  	[tilespmem:v63+s2+$0x0] =	vst.idx.add.f32.msk $0xffff, v28  }
0x6b: {  	v33 =	vadd.s32 v6, v59;
	v28 =	vld [tilespmem:$0x12E00];
	_ =	sdelay $0x4  }
0x6c: {  	[tilespmem:v33+s2+$0x0] =	vst.idx.add.f32.msk $0xffff, v28  }
0x6d: {  	v34 =	vadd.s32 v7, v59;
	v28 =	vld [tilespmem:$0x12E10];
	_ =	sdelay $0x4  }
0x6e: {  	[tilespmem:v34+s2+$0x0] =	vst.idx.add.f32.msk $0xffff, v28  }
0x6f: {  	v35 =	vadd.s32 v8, v59;
	v28 =	vld [tilespmem:$0x12E20];
	_ =	sdelay $0x4  }
0x70: {  	[tilespmem:v35+s2+$0x0] =	vst.idx.add.f32.msk $0xffff, v28  }
0x71: {  	v36 =	vadd.s32 v9, v59;
	v28 =	vld [tilespmem:$0x12E30]  }
0x72: {  	v29 =	vadd.s32 v10, v59;
	_ =	sdelay $0x1  }
0x73: {  	v37 =	vperm.xlane v27, v15;
	_ =	sdelay $0x1  }
0x74: {  	v38 =	vmul.u32 $0x90, v37;
	[tilespmem:v36+s2+$0x0] =	vst.idx.add.f32.msk $0xffff, v28  }
0x75: {  	[tilespmem:v29+s2+$0x0] =	vst.idx.add.f32.msk $0xffff, v11  }
0x76: {  	v39 =	vor.u32 v0, v38;
	v29 =	vld [tilespmem:$0x12E40];
	_ =	sdelay $0x4  }
0x77: {  	[tilespmem:v39+s2+$0x0] =	vst.idx.add.f32.msk $0xffff, v29  }
0x78: {  	v40 =	vadd.s32 v3, v38;
	v29 =	vld [tilespmem:$0x12E50];
	_ =	sdelay $0x4  }
0x79: {  	[tilespmem:v40+s2+$0x0] =	vst.idx.add.f32.msk $0xffff, v29  }
0x7a: {  	v41 =	vadd.s32 v4, v38;
	v29 =	vld [tilespmem:$0x12E60];
	_ =	sdelay $0x4  }
0x7b: {  	[tilespmem:v41+s2+$0x0] =	vst.idx.add.f32.msk $0xffff, v29  }
0x7c: {  	v42 =	vadd.s32 v5, v38;
	v29 =	vld [tilespmem:$0x12E70];
	_ =	sdelay $0x4  }
0x7d: {  	[tilespmem:v42+s2+$0x0] =	vst.idx.add.f32.msk $0xffff, v29  }
0x7e: {  	v43 =	vadd.s32 v6, v38;
	v29 =	vld [tilespmem:$0x12E80];
	_ =	sdelay $0x4  }
0x7f: {  	[tilespmem:v43+s2+$0x0] =	vst.idx.add.f32.msk $0xffff, v29  }
0x80: {  	v44 =	vadd.s32 v7, v38;
	v29 =	vld [tilespmem:$0x12E90];
	_ =	sdelay $0x4  }
0x81: {  	[tilespmem:v44+s2+$0x0] =	vst.idx.add.f32.msk $0xffff, v29  }
0x82: {  	v45 =	vadd.s32 v8, v38;
	v29 =	vld [tilespmem:$0x12EA0];
	_ =	sdelay $0x4  }
0x83: {  	[tilespmem:v45+s2+$0x0] =	vst.idx.add.f32.msk $0xffff, v29  }
0x84: {  	v46 =	vadd.s32 v9, v38;
	v29 =	vld [tilespmem:$0x12EB0]  }
0x85: {  	v28 =	vadd.s32 v10, v38;
	_ =	sdelay $0x1  }
0x86: {  	v47 =	vperm.xlane v27, v16;
	_ =	sdelay $0x1  }
0x87: {  	v48 =	vmul.u32 $0x90, v47;
	[tilespmem:v46+s2+$0x0] =	vst.idx.add.f32.msk $0xffff, v29  }
0x88: {  	[tilespmem:v28+s2+$0x0] =	vst.idx.add.f32.msk $0xffff, v11  }
0x89: {  	v49 =	vor.u32 v0, v48;
	v28 =	vld [tilespmem:$0x12EC0];
	_ =	sdelay $0x4  }
0x8a: {  	[tilespmem:v49+s2+$0x0] =	vst.idx.add.f32.msk $0xffff, v28  }
0x8b: {  	v50 =	vadd.s32 v3, v48;
	v28 =	vld [tilespmem:$0x12ED0];
	_ =	sdelay $0x4  }
0x8c: {  	[tilespmem:v50+s2+$0x0] =	vst.idx.add.f32.msk $0xffff, v28  }
0x8d: {  	v51 =	vadd.s32 v4, v48;
	v28 =	vld [tilespmem:$0x12EE0];
	_ =	sdelay $0x4  }
0x8e: {  	[tilespmem:v51+s2+$0x0] =	vst.idx.add.f32.msk $0xffff, v28  }
0x8f: {  	v52 =	vadd.s32 v5, v48;
	v28 =	vld [tilespmem:$0x12EF0];
	_ =	sdelay $0x4  }
0x90: {  	[tilespmem:v52+s2+$0x0] =	vst.idx.add.f32.msk $0xffff, v28  }
0x91: {  	v53 =	vadd.s32 v6, v48;
	v28 =	vld [tilespmem:$0x12F00];
	_ =	sdelay $0x4  }
0x92: {  	[tilespmem:v53+s2+$0x0] =	vst.idx.add.f32.msk $0xffff, v28  }
0x93: {  	v54 =	vadd.s32 v7, v48;
	v28 =	vld [tilespmem:$0x12F10];
	_ =	sdelay $0x4  }
0x94: {  	[tilespmem:v54+s2+$0x0] =	vst.idx.add.f32.msk $0xffff, v28  }
0x95: {  	v55 =	vadd.s32 v8, v48;
	v28 =	vld [tilespmem:$0x12F20];
	_ =	sdelay $0x4  }
0x96: {  	[tilespmem:v55+s2+$0x0] =	vst.idx.add.f32.msk $0xffff, v28  }
0x97: {  	v56 =	vadd.s32 v9, v48;
	v28 =	vld [tilespmem:$0x12F30]  }
0x98: {  	v29 =	vadd.s32 v10, v48;
	_ =	sdelay $0x1  }
0x99: {  	v57 =	vperm.xlane v27, v17;
	_ =	sdelay $0x1  }
0x9a: {  	v58 =	vmul.u32 $0x90, v57;
	[tilespmem:v56+s2+$0x0] =	vst.idx.add.f32.msk $0xffff, v28  }
0x9b: {  	[tilespmem:v29+s2+$0x0] =	vst.idx.add.f32.msk $0xffff, v11  }
0x9c: {  	v59 =	vor.u32 v0, v58;
	v29 =	vld [tilespmem:$0x12F40];
	_ =	sdelay $0x4  }
0x9d: {  	[tilespmem:v59+s2+$0x0] =	vst.idx.add.f32.msk $0xffff, v29  }
0x9e: {  	v60 =	vadd.s32 v3, v58;
	v29 =	vld [tilespmem:$0x12F50];
	_ =	sdelay $0x4  }
0x9f: {  	[tilespmem:v60+s2+$0x0] =	vst.idx.add.f32.msk $0xffff, v29  }
0xa0: {  	v61 =	vadd.s32 v4, v58;
	v29 =	vld [tilespmem:$0x12F60];
	_ =	sdelay $0x4  }
0xa1: {  	[tilespmem:v61+s2+$0x0] =	vst.idx.add.f32.msk $0xffff, v29  }
0xa2: {  	v62 =	vadd.s32 v5, v58;
	v29 =	vld [tilespmem:$0x12F70];
	_ =	sdelay $0x4  }
0xa3: {  	[tilespmem:v62+s2+$0x0] =	vst.idx.add.f32.msk $0xffff, v29  }
0xa4: {  	v63 =	vadd.s32 v6, v58;
	v29 =	vld [tilespmem:$0x12F80];
	_ =	sdelay $0x4  }
0xa5: {  	[tilespmem:v63+s2+$0x0] =	vst.idx.add.f32.msk $0xffff, v29  }
0xa6: {  	v33 =	vadd.s32 v7, v58;
	v29 =	vld [tilespmem:$0x12F90];
	_ =	sdelay $0x4  }
0xa7: {  	[tilespmem:v33+s2+$0x0] =	vst.idx.add.f32.msk $0xffff, v29  }
0xa8: {  	v34 =	vadd.s32 v8, v58;
	v29 =	vld [tilespmem:$0x12FA0];
	_ =	sdelay $0x4  }
0xa9: {  	[tilespmem:v34+s2+$0x0] =	vst.idx.add.f32.msk $0xffff, v29  }
0xaa: {  	v35 =	vadd.s32 v9, v58;
	v29 =	vld [tilespmem:$0x12FB0]  }
0xab: {  	v28 =	vadd.s32 v10, v58;
	_ =	sdelay $0x1  }
0xac: {  	v36 =	vperm.xlane v27, v18;
	_ =	sdelay $0x1  }
0xad: {  	v37 =	vmul.u32 $0x90, v36;
	[tilespmem:v35+s2+$0x0] =	vst.idx.add.f32.msk $0xffff, v29  }
0xae: {  	[tilespmem:v28+s2+$0x0] =	vst.idx.add.f32.msk $0xffff, v11  }
0xaf: {  	v38 =	vor.u32 v0, v37;
	v28 =	vld [tilespmem:$0x12FC0];
	_ =	sdelay $0x4  }
0xb0: {  	[tilespmem:v38+s2+$0x0] =	vst.idx.add.f32.msk $0xffff, v28  }
0xb1: {  	v39 =	vadd.s32 v3, v37;
	v28 =	vld [tilespmem:$0x12FD0];
	_ =	sdelay $0x4  }
0xb2: {  	[tilespmem:v39+s2+$0x0] =	vst.idx.add.f32.msk $0xffff, v28  }
0xb3: {  	v40 =	vadd.s32 v4, v37;
	v28 =	vld [tilespmem:$0x12FE0];
	_ =	sdelay $0x4  }
0xb4: {  	[tilespmem:v40+s2+$0x0] =	vst.idx.add.f32.msk $0xffff, v28  }
0xb5: {  	v41 =	vadd.s32 v5, v37;
	v28 =	vld [tilespmem:$0x12FF0];
	_ =	sdelay $0x4  }
0xb6: {  	[tilespmem:v41+s2+$0x0] =	vst.idx.add.f32.msk $0xffff, v28  }
0xb7: {  	v42 =	vadd.s32 v6, v37;
	v28 =	vld [tilespmem:$0x13000];
	_ =	sdelay $0x4  }
0xb8: {  	[tilespmem:v42+s2+$0x0] =	vst.idx.add.f32.msk $0xffff, v28  }
0xb9: {  	v43 =	vadd.s32 v7, v37;
	v28 =	vld [tilespmem:$0x13010];
	_ =	sdelay $0x4  }
0xba: {  	[tilespmem:v43+s2+$0x0] =	vst.idx.add.f32.msk $0xffff, v28  }
0xbb: {  	v44 =	vadd.s32 v8, v37;
	v28 =	vld [tilespmem:$0x13020];
	_ =	sdelay $0x4  }
0xbc: {  	[tilespmem:v44+s2+$0x0] =	vst.idx.add.f32.msk $0xffff, v28  }
0xbd: {  	v45 =	vadd.s32 v9, v37;
	v28 =	vld [tilespmem:$0x13030]  }
0xbe: {  	v29 =	vadd.s32 v10, v37;
	_ =	sdelay $0x1  }
0xbf: {  	v46 =	vperm.xlane v27, v19;
	_ =	sdelay $0x1  }
0xc0: {  	v47 =	vmul.u32 $0x90, v46;
	[tilespmem:v45+s2+$0x0] =	vst.idx.add.f32.msk $0xffff, v28  }
0xc1: {  	[tilespmem:v29+s2+$0x0] =	vst.idx.add.f32.msk $0xffff, v11  }
0xc2: {  	v48 =	vor.u32 v0, v47;
	v29 =	vld [tilespmem:$0x13040];
	_ =	sdelay $0x4  }
0xc3: {  	[tilespmem:v48+s2+$0x0] =	vst.idx.add.f32.msk $0xffff, v29  }
0xc4: {  	v49 =	vadd.s32 v3, v47;
	v29 =	vld [tilespmem:$0x13050];
	_ =	sdelay $0x4  }
0xc5: {  	[tilespmem:v49+s2+$0x0] =	vst.idx.add.f32.msk $0xffff, v29  }
0xc6: {  	v50 =	vadd.s32 v4, v47;
	v29 =	vld [tilespmem:$0x13060];
	_ =	sdelay $0x4  }
0xc7: {  	[tilespmem:v50+s2+$0x0] =	vst.idx.add.f32.msk $0xffff, v29  }
0xc8: {  	v51 =	vadd.s32 v5, v47;
	v29 =	vld [tilespmem:$0x13070];
	_ =	sdelay $0x4  }
0xc9: {  	[tilespmem:v51+s2+$0x0] =	vst.idx.add.f32.msk $0xffff, v29  }
0xca: {  	v52 =	vadd.s32 v6, v47;
	v29 =	vld [tilespmem:$0x13080];
	_ =	sdelay $0x4  }
0xcb: {  	[tilespmem:v52+s2+$0x0] =	vst.idx.add.f32.msk $0xffff, v29  }
0xcc: {  	v53 =	vadd.s32 v7, v47;
	v29 =	vld [tilespmem:$0x13090];
	_ =	sdelay $0x4  }
0xcd: {  	[tilespmem:v53+s2+$0x0] =	vst.idx.add.f32.msk $0xffff, v29  }
0xce: {  	v54 =	vadd.s32 v8, v47;
	v29 =	vld [tilespmem:$0x130A0];
	_ =	sdelay $0x4  }
0xcf: {  	[tilespmem:v54+s2+$0x0] =	vst.idx.add.f32.msk $0xffff, v29  }
0xd0: {  	v55 =	vadd.s32 v9, v47;
	v29 =	vld [tilespmem:$0x130B0]  }
0xd1: {  	v28 =	vadd.s32 v10, v47;
	_ =	sdelay $0x1  }
0xd2: {  	v56 =	vperm.xlane v27, v20;
	_ =	sdelay $0x1  }
0xd3: {  	v57 =	vmul.u32 $0x90, v56;
	[tilespmem:v55+s2+$0x0] =	vst.idx.add.f32.msk $0xffff, v29  }
0xd4: {  	[tilespmem:v28+s2+$0x0] =	vst.idx.add.f32.msk $0xffff, v11  }
0xd5: {  	v58 =	vor.u32 v0, v57;
	v28 =	vld [tilespmem:$0x130C0];
	_ =	sdelay $0x4  }
0xd6: {  	[tilespmem:v58+s2+$0x0] =	vst.idx.add.f32.msk $0xffff, v28  }
0xd7: {  	v59 =	vadd.s32 v3, v57;
	v28 =	vld [tilespmem:$0x130D0];
	_ =	sdelay $0x4  }
0xd8: {  	[tilespmem:v59+s2+$0x0] =	vst.idx.add.f32.msk $0xffff, v28  }
0xd9: {  	v60 =	vadd.s32 v4, v57;
	v28 =	vld [tilespmem:$0x130E0];
	_ =	sdelay $0x4  }
0xda: {  	[tilespmem:v60+s2+$0x0] =	vst.idx.add.f32.msk $0xffff, v28  }
0xdb: {  	v61 =	vadd.s32 v5, v57;
	v28 =	vld [tilespmem:$0x130F0];
	_ =	sdelay $0x4  }
0xdc: {  	[tilespmem:v61+s2+$0x0] =	vst.idx.add.f32.msk $0xffff, v28  }
0xdd: {  	v62 =	vadd.s32 v6, v57;
	v28 =	vld [tilespmem:$0x13100];
	_ =	sdelay $0x4  }
0xde: {  	[tilespmem:v62+s2+$0x0] =	vst.idx.add.f32.msk $0xffff, v28  }
0xdf: {  	v63 =	vadd.s32 v7, v57;
	v28 =	vld [tilespmem:$0x13110];
	_ =	sdelay $0x4  }
0xe0: {  	[tilespmem:v63+s2+$0x0] =	vst.idx.add.f32.msk $0xffff, v28  }
0xe1: {  	v33 =	vadd.s32 v8, v57;
	v28 =	vld [tilespmem:$0x13120];
	_ =	sdelay $0x4  }
0xe2: {  	[tilespmem:v33+s2+$0x0] =	vst.idx.add.f32.msk $0xffff, v28  }
0xe3: {  	v34 =	vadd.s32 v9, v57;
	v28 =	vld [tilespmem:$0x13130]  }
0xe4: {  	v29 =	vadd.s32 v10, v57;
	_ =	sdelay $0x1  }
0xe5: {  	v35 =	vperm.xlane v27, v21;
	_ =	sdelay $0x1  }
0xe6: {  	v36 =	vmul.u32 $0x90, v35;
	[tilespmem:v34+s2+$0x0] =	vst.idx.add.f32.msk $0xffff, v28  }
0xe7: {  	[tilespmem:v29+s2+$0x0] =	vst.idx.add.f32.msk $0xffff, v11  }
0xe8: {  	v37 =	vor.u32 v0, v36;
	v29 =	vld [tilespmem:$0x13140];
	_ =	sdelay $0x4  }
0xe9: {  	[tilespmem:v37+s2+$0x0] =	vst.idx.add.f32.msk $0xffff, v29  }
0xea: {  	v38 =	vadd.s32 v3, v36;
	v29 =	vld [tilespmem:$0x13150];
	_ =	sdelay $0x4  }
0xeb: {  	[tilespmem:v38+s2+$0x0] =	vst.idx.add.f32.msk $0xffff, v29  }
0xec: {  	v39 =	vadd.s32 v4, v36;
	v29 =	vld [tilespmem:$0x13160];
	_ =	sdelay $0x4  }
0xed: {  	[tilespmem:v39+s2+$0x0] =	vst.idx.add.f32.msk $0xffff, v29  }
0xee: {  	v40 =	vadd.s32 v5, v36;
	v29 =	vld [tilespmem:$0x13170];
	_ =	sdelay $0x4  }
0xef: {  	[tilespmem:v40+s2+$0x0] =	vst.idx.add.f32.msk $0xffff, v29  }
0xf0: {  	v41 =	vadd.s32 v6, v36;
	v29 =	vld [tilespmem:$0x13180];
	_ =	sdelay $0x4  }
0xf1: {  	[tilespmem:v41+s2+$0x0] =	vst.idx.add.f32.msk $0xffff, v29  }
0xf2: {  	v42 =	vadd.s32 v7, v36;
	v29 =	vld [tilespmem:$0x13190];
	_ =	sdelay $0x4  }
0xf3: {  	[tilespmem:v42+s2+$0x0] =	vst.idx.add.f32.msk $0xffff, v29  }
0xf4: {  	v43 =	vadd.s32 v8, v36;
	v29 =	vld [tilespmem:$0x131A0];
	_ =	sdelay $0x4  }
0xf5: {  	[tilespmem:v43+s2+$0x0] =	vst.idx.add.f32.msk $0xffff, v29  }
0xf6: {  	v44 =	vadd.s32 v9, v36;
	v29 =	vld [tilespmem:$0x131B0]  }
0xf7: {  	v28 =	vadd.s32 v10, v36;
	_ =	sdelay $0x1  }
0xf8: {  	v45 =	vperm.xlane v27, v22;
	_ =	sdelay $0x1  }
0xf9: {  	v46 =	vmul.u32 $0x90, v45;
	[tilespmem:v44+s2+$0x0] =	vst.idx.add.f32.msk $0xffff, v29  }
0xfa: {  	[tilespmem:v28+s2+$0x0] =	vst.idx.add.f32.msk $0xffff, v11  }
0xfb: {  	v47 =	vor.u32 v0, v46;
	v28 =	vld [tilespmem:$0x131C0];
	_ =	sdelay $0x4  }
0xfc: {  	[tilespmem:v47+s2+$0x0] =	vst.idx.add.f32.msk $0xffff, v28  }
0xfd: {  	v48 =	vadd.s32 v3, v46;
	v28 =	vld [tilespmem:$0x131D0];
	_ =	sdelay $0x4  }
0xfe: {  	[tilespmem:v48+s2+$0x0] =	vst.idx.add.f32.msk $0xffff, v28  }
0xff: {  	v49 =	vadd.s32 v4, v46;
	v28 =	vld [tilespmem:$0x131E0];
	_ =	sdelay $0x4  }
0x100: {  	[tilespmem:v49+s2+$0x0] =	vst.idx.add.f32.msk $0xffff, v28  }
0x101: {  	v50 =	vadd.s32 v5, v46;
	v28 =	vld [tilespmem:$0x131F0];
	_ =	sdelay $0x4  }
0x102: {  	[tilespmem:v50+s2+$0x0] =	vst.idx.add.f32.msk $0xffff, v28  }
0x103: {  	v51 =	vadd.s32 v6, v46;
	v28 =	vld [tilespmem:$0x13200];
	_ =	sdelay $0x4  }
0x104: {  	[tilespmem:v51+s2+$0x0] =	vst.idx.add.f32.msk $0xffff, v28  }
0x105: {  	v52 =	vadd.s32 v7, v46;
	v28 =	vld [tilespmem:$0x13210];
	_ =	sdelay $0x4  }
0x106: {  	[tilespmem:v52+s2+$0x0] =	vst.idx.add.f32.msk $0xffff, v28  }
0x107: {  	v53 =	vadd.s32 v8, v46;
	v28 =	vld [tilespmem:$0x13220];
	_ =	sdelay $0x4  }
0x108: {  	[tilespmem:v53+s2+$0x0] =	vst.idx.add.f32.msk $0xffff, v28  }
0x109: {  	v54 =	vadd.s32 v9, v46;
	v28 =	vld [tilespmem:$0x13230]  }
0x10a: {  	v29 =	vadd.s32 v10, v46;
	_ =	sdelay $0x1  }
0x10b: {  	v55 =	vperm.xlane v27, v23;
	_ =	sdelay $0x1  }
0x10c: {  	v56 =	vmul.u32 $0x90, v55;
	[tilespmem:v54+s2+$0x0] =	vst.idx.add.f32.msk $0xffff, v28  }
0x10d: {  	[tilespmem:v29+s2+$0x0] =	vst.idx.add.f32.msk $0xffff, v11  }
0x10e: {  	v57 =	vor.u32 v0, v56;
	v29 =	vld [tilespmem:$0x13240];
	_ =	sdelay $0x4  }
0x10f: {  	[tilespmem:v57+s2+$0x0] =	vst.idx.add.f32.msk $0xffff, v29  }
0x110: {  	v58 =	vadd.s32 v3, v56;
	v29 =	vld [tilespmem:$0x13250];
	_ =	sdelay $0x4  }
0x111: {  	[tilespmem:v58+s2+$0x0] =	vst.idx.add.f32.msk $0xffff, v29  }
0x112: {  	v59 =	vadd.s32 v4, v56;
	v29 =	vld [tilespmem:$0x13260];
	_ =	sdelay $0x4  }
0x113: {  	[tilespmem:v59+s2+$0x0] =	vst.idx.add.f32.msk $0xffff, v29  }
0x114: {  	v60 =	vadd.s32 v5, v56;
	v29 =	vld [tilespmem:$0x13270];
	_ =	sdelay $0x4  }
0x115: {  	[tilespmem:v60+s2+$0x0] =	vst.idx.add.f32.msk $0xffff, v29  }
0x116: {  	v61 =	vadd.s32 v6, v56;
	v29 =	vld [tilespmem:$0x13280];
	_ =	sdelay $0x4  }
0x117: {  	[tilespmem:v61+s2+$0x0] =	vst.idx.add.f32.msk $0xffff, v29  }
0x118: {  	v62 =	vadd.s32 v7, v56;
	v29 =	vld [tilespmem:$0x13290];
	_ =	sdelay $0x4  }
0x119: {  	[tilespmem:v62+s2+$0x0] =	vst.idx.add.f32.msk $0xffff, v29  }
0x11a: {  	v63 =	vadd.s32 v8, v56;
	v29 =	vld [tilespmem:$0x132A0];
	_ =	sdelay $0x4  }
0x11b: {  	[tilespmem:v63+s2+$0x0] =	vst.idx.add.f32.msk $0xffff, v29  }
0x11c: {  	v33 =	vadd.s32 v9, v56;
	v29 =	vld [tilespmem:$0x132B0]  }
0x11d: {  	v28 =	vadd.s32 v10, v56;
	_ =	sdelay $0x1  }
0x11e: {  	v34 =	vperm.xlane v27, v24;
	_ =	sdelay $0x1  }
0x11f: {  	v35 =	vmul.u32 $0x90, v34;
	[tilespmem:v33+s2+$0x0] =	vst.idx.add.f32.msk $0xffff, v29  }
0x120: {  	[tilespmem:v28+s2+$0x0] =	vst.idx.add.f32.msk $0xffff, v11  }
0x121: {  	v36 =	vor.u32 v0, v35;
	v28 =	vld [tilespmem:$0x132C0];
	_ =	sdelay $0x4  }
0x122: {  	[tilespmem:v36+s2+$0x0] =	vst.idx.add.f32.msk $0xffff, v28  }
0x123: {  	v37 =	vadd.s32 v3, v35;
	v28 =	vld [tilespmem:$0x132D0];
	_ =	sdelay $0x4  }
0x124: {  	[tilespmem:v37+s2+$0x0] =	vst.idx.add.f32.msk $0xffff, v28  }
0x125: {  	v38 =	vadd.s32 v4, v35;
	v28 =	vld [tilespmem:$0x132E0];
	_ =	sdelay $0x4  }
0x126: {  	[tilespmem:v38+s2+$0x0] =	vst.idx.add.f32.msk $0xffff, v28  }
0x127: {  	v39 =	vadd.s32 v5, v35;
	v28 =	vld [tilespmem:$0x132F0];
	_ =	sdelay $0x4  }
0x128: {  	[tilespmem:v39+s2+$0x0] =	vst.idx.add.f32.msk $0xffff, v28  }
0x129: {  	v40 =	vadd.s32 v6, v35;
	v28 =	vld [tilespmem:$0x13300];
	_ =	sdelay $0x4  }
0x12a: {  	[tilespmem:v40+s2+$0x0] =	vst.idx.add.f32.msk $0xffff, v28  }
0x12b: {  	v41 =	vadd.s32 v7, v35;
	v28 =	vld [tilespmem:$0x13310];
	_ =	sdelay $0x4  }
0x12c: {  	[tilespmem:v41+s2+$0x0] =	vst.idx.add.f32.msk $0xffff, v28  }
0x12d: {  	v42 =	vadd.s32 v8, v35;
	v28 =	vld [tilespmem:$0x13320];
	_ =	sdelay $0x4  }
0x12e: {  	[tilespmem:v42+s2+$0x0] =	vst.idx.add.f32.msk $0xffff, v28  }
0x12f: {  	v43 =	vadd.s32 v9, v35;
	v28 =	vld [tilespmem:$0x13330]  }
0x130: {  	v29 =	vadd.s32 v10, v35;
	_ =	sdelay $0x1  }
0x131: {  	v44 =	vperm.xlane v27, v25;
	_ =	sdelay $0x1  }
0x132: {  	v45 =	vmul.u32 $0x90, v44;
	[tilespmem:v43+s2+$0x0] =	vst.idx.add.f32.msk $0xffff, v28  }
0x133: {  	[tilespmem:v29+s2+$0x0] =	vst.idx.add.f32.msk $0xffff, v11  }
0x134: {  	v46 =	vor.u32 v0, v45;
	v29 =	vld [tilespmem:$0x13340];
	_ =	sdelay $0x4  }
0x135: {  	[tilespmem:v46+s2+$0x0] =	vst.idx.add.f32.msk $0xffff, v29  }
0x136: {  	v47 =	vadd.s32 v3, v45;
	v29 =	vld [tilespmem:$0x13350];
	_ =	sdelay $0x4  }
0x137: {  	[tilespmem:v47+s2+$0x0] =	vst.idx.add.f32.msk $0xffff, v29  }
0x138: {  	v48 =	vadd.s32 v4, v45;
	v29 =	vld [tilespmem:$0x13360];
	_ =	sdelay $0x4  }
0x139: {  	[tilespmem:v48+s2+$0x0] =	vst.idx.add.f32.msk $0xffff, v29  }
0x13a: {  	v49 =	vadd.s32 v5, v45;
	v29 =	vld [tilespmem:$0x13370];
	_ =	sdelay $0x4  }
0x13b: {  	[tilespmem:v49+s2+$0x0] =	vst.idx.add.f32.msk $0xffff, v29  }
0x13c: {  	v50 =	vadd.s32 v6, v45;
	v29 =	vld [tilespmem:$0x13380];
	_ =	sdelay $0x4  }
0x13d: {  	[tilespmem:v50+s2+$0x0] =	vst.idx.add.f32.msk $0xffff, v29  }
0x13e: {  	v51 =	vadd.s32 v7, v45;
	v29 =	vld [tilespmem:$0x13390];
	_ =	sdelay $0x4  }
0x13f: {  	[tilespmem:v51+s2+$0x0] =	vst.idx.add.f32.msk $0xffff, v29  }
0x140: {  	v52 =	vadd.s32 v8, v45;
	v29 =	vld [tilespmem:$0x133A0];
	_ =	sdelay $0x4  }
0x141: {  	[tilespmem:v52+s2+$0x0] =	vst.idx.add.f32.msk $0xffff, v29  }
0x142: {  	v53 =	vadd.s32 v9, v45;
	v29 =	vld [tilespmem:$0x133B0]  }
0x143: {  	v28 =	vadd.s32 v10, v45;
	_ =	sdelay $0x1  }
0x144: {  	v27 =	vperm.xlane v27, v26;
	_ =	sdelay $0x1  }
0x145: {  	v27 =	vmul.u32 $0x90, v27;
	[tilespmem:v53+s2+$0x0] =	vst.idx.add.f32.msk $0xffff, v29  }
0x146: {  	[tilespmem:v28+s2+$0x0] =	vst.idx.add.f32.msk $0xffff, v11  }
0x147: {  	v54 =	vor.u32 v0, v27;
	v28 =	vld [tilespmem:$0x133C0];
	_ =	sdelay $0x4  }
0x148: {  	[tilespmem:v54+s2+$0x0] =	vst.idx.add.f32.msk $0xffff, v28  }
0x149: {  	v55 =	vadd.s32 v3, v27;
	v28 =	vld [tilespmem:$0x133D0];
	_ =	sdelay $0x4  }
0x14a: {  	[tilespmem:v55+s2+$0x0] =	vst.idx.add.f32.msk $0xffff, v28  }
0x14b: {  	v56 =	vadd.s32 v4, v27;
	v28 =	vld [tilespmem:$0x133E0];
	_ =	sdelay $0x4  }
0x14c: {  	[tilespmem:v56+s2+$0x0] =	vst.idx.add.f32.msk $0xffff, v28  }
0x14d: {  	v57 =	vadd.s32 v5, v27;
	v28 =	vld [tilespmem:$0x133F0];
	_ =	sdelay $0x4  }
0x14e: {  	[tilespmem:v57+s2+$0x0] =	vst.idx.add.f32.msk $0xffff, v28  }
0x14f: {  	v58 =	vadd.s32 v6, v27;
	v28 =	vld [tilespmem:$0x13400];
	_ =	sdelay $0x4  }
0x150: {  	[tilespmem:v58+s2+$0x0] =	vst.idx.add.f32.msk $0xffff, v28  }
0x151: {  	v59 =	vadd.s32 v7, v27;
	v28 =	vld [tilespmem:$0x13410];
	_ =	sdelay $0x4  }
0x152: {  	[tilespmem:v59+s2+$0x0] =	vst.idx.add.f32.msk $0xffff, v28  }
0x153: {  	v60 =	vadd.s32 v8, v27;
	v28 =	vld [tilespmem:$0x13420];
	_ =	sdelay $0x4  }
0x154: {  	[tilespmem:v60+s2+$0x0] =	vst.idx.add.f32.msk $0xffff, v28  }
0x155: {  	v61 =	vadd.s32 v9, v27;
	v28 =	vld [tilespmem:$0x13430]  }
0x156: {  	v27 =	vadd.s32 v10, v27;
	_ =	sdelay $0x3  }
0x157: {  	[tilespmem:v61+s2+$0x0] =	vst.idx.add.f32.msk $0xffff, v28  }
0x158: {  	[tilespmem:v27+s2+$0x0] =	vst.idx.add.f32.msk $0xffff, v11  }
0x159: {  	v27 =	vld [tilespmem:s13+$0x0];
	_ =	sdelay $0x4  }
0x15a: {  	v62 =	vperm.xlane v27, v2;
	_ =	sdelay $0x1  }
0x15b: {  	v28 =	vmul.u32 $0x90, v62;
	_ =	sdelay $0x1  }
0x15c: {  	v29 =	vld [tilespmem:$0x13440];
	v63 =	vor.u32 v0, v28;
	_ =	sdelay $0x4  }
0x15d: {  	[tilespmem:v63+s2+$0x0] =	vst.idx.add.f32.msk $0xffff, v29  }
0x15e: {  	v33 =	vadd.s32 v3, v28;
	v29 =	vld [tilespmem:$0x13450];
	_ =	sdelay $0x4  }
0x15f: {  	[tilespmem:v33+s2+$0x0] =	vst.idx.add.f32.msk $0xffff, v29  }
0x160: {  	v34 =	vadd.s32 v4, v28;
	v29 =	vld [tilespmem:$0x13460];
	_ =	sdelay $0x4  }
0x161: {  	[tilespmem:v34+s2+$0x0] =	vst.idx.add.f32.msk $0xffff, v29  }
0x162: {  	v35 =	vadd.s32 v5, v28;
	v29 =	vld [tilespmem:$0x13470];
	_ =	sdelay $0x4  }
0x163: {  	[tilespmem:v35+s2+$0x0] =	vst.idx.add.f32.msk $0xffff, v29  }
0x164: {  	v36 =	vadd.s32 v6, v28;
	v29 =	vld [tilespmem:$0x13480];
	_ =	sdelay $0x4  }
0x165: {  	[tilespmem:v36+s2+$0x0] =	vst.idx.add.f32.msk $0xffff, v29  }
0x166: {  	v37 =	vadd.s32 v7, v28;
	v29 =	vld [tilespmem:$0x13490];
	_ =	sdelay $0x4  }
0x167: {  	[tilespmem:v37+s2+$0x0] =	vst.idx.add.f32.msk $0xffff, v29  }
0x168: {  	v38 =	vadd.s32 v8, v28;
	v29 =	vld [tilespmem:$0x134A0];
	_ =	sdelay $0x4  }
0x169: {  	[tilespmem:v38+s2+$0x0] =	vst.idx.add.f32.msk $0xffff, v29  }
0x16a: {  	v39 =	vadd.s32 v9, v28;
	v29 =	vld [tilespmem:$0x134B0]  }
0x16b: {  	v28 =	vadd.s32 v10, v28;
	_ =	sdelay $0x1  }
0x16c: {  	v40 =	vperm.xlane v27, v12;
	_ =	sdelay $0x1  }
0x16d: {  	v41 =	vmul.u32 $0x90, v40;
	[tilespmem:v39+s2+$0x0] =	vst.idx.add.f32.msk $0xffff, v29  }
0x16e: {  	[tilespmem:v28+s2+$0x0] =	vst.idx.add.f32.msk $0xffff, v11  }
0x16f: {  	v42 =	vor.u32 v0, v41;
	v28 =	vld [tilespmem:$0x134C0];
	_ =	sdelay $0x4  }
0x170: {  	[tilespmem:v42+s2+$0x0] =	vst.idx.add.f32.msk $0xffff, v28  }
0x171: {  	v43 =	vadd.s32 v3, v41;
	v28 =	vld [tilespmem:$0x134D0];
	_ =	sdelay $0x4  }
0x172: {  	[tilespmem:v43+s2+$0x0] =	vst.idx.add.f32.msk $0xffff, v28  }
0x173: {  	v44 =	vadd.s32 v4, v41;
	v28 =	vld [tilespmem:$0x134E0];
	_ =	sdelay $0x4  }
0x174: {  	[tilespmem:v44+s2+$0x0] =	vst.idx.add.f32.msk $0xffff, v28  }
0x175: {  	v45 =	vadd.s32 v5, v41;
	v28 =	vld [tilespmem:$0x134F0];
	_ =	sdelay $0x4  }
0x176: {  	[tilespmem:v45+s2+$0x0] =	vst.idx.add.f32.msk $0xffff, v28  }
0x177: {  	v46 =	vadd.s32 v6, v41;
	v28 =	vld [tilespmem:$0x13500];
	_ =	sdelay $0x4  }
0x178: {  	[tilespmem:v46+s2+$0x0] =	vst.idx.add.f32.msk $0xffff, v28  }
0x179: {  	v47 =	vadd.s32 v7, v41;
	v28 =	vld [tilespmem:$0x13510];
	_ =	sdelay $0x4  }
0x17a: {  	[tilespmem:v47+s2+$0x0] =	vst.idx.add.f32.msk $0xffff, v28  }
0x17b: {  	v48 =	vadd.s32 v8, v41;
	v28 =	vld [tilespmem:$0x13520];
	_ =	sdelay $0x4  }
0x17c: {  	[tilespmem:v48+s2+$0x0] =	vst.idx.add.f32.msk $0xffff, v28  }
0x17d: {  	v49 =	vadd.s32 v9, v41;
	v28 =	vld [tilespmem:$0x13530]  }
0x17e: {  	v29 =	vadd.s32 v10, v41;
	_ =	sdelay $0x1  }
0x17f: {  	v50 =	vperm.xlane v27, v13;
	_ =	sdelay $0x1  }
0x180: {  	v51 =	vmul.u32 $0x90, v50;
	[tilespmem:v49+s2+$0x0] =	vst.idx.add.f32.msk $0xffff, v28  }
0x181: {  	[tilespmem:v29+s2+$0x0] =	vst.idx.add.f32.msk $0xffff, v11  }
0x182: {  	v52 =	vor.u32 v0, v51;
	v29 =	vld [tilespmem:$0x13540];
	_ =	sdelay $0x4  }
0x183: {  	[tilespmem:v52+s2+$0x0] =	vst.idx.add.f32.msk $0xffff, v29  }
0x184: {  	v53 =	vadd.s32 v3, v51;
	v29 =	vld [tilespmem:$0x13550];
	_ =	sdelay $0x4  }
0x185: {  	[tilespmem:v53+s2+$0x0] =	vst.idx.add.f32.msk $0xffff, v29  }
0x186: {  	v54 =	vadd.s32 v4, v51;
	v29 =	vld [tilespmem:$0x13560];
	_ =	sdelay $0x4  }
0x187: {  	[tilespmem:v54+s2+$0x0] =	vst.idx.add.f32.msk $0xffff, v29  }
0x188: {  	v55 =	vadd.s32 v5, v51;
	v29 =	vld [tilespmem:$0x13570];
	_ =	sdelay $0x4  }
0x189: {  	[tilespmem:v55+s2+$0x0] =	vst.idx.add.f32.msk $0xffff, v29  }
0x18a: {  	v56 =	vadd.s32 v6, v51;
	v29 =	vld [tilespmem:$0x13580];
	_ =	sdelay $0x4  }
0x18b: {  	[tilespmem:v56+s2+$0x0] =	vst.idx.add.f32.msk $0xffff, v29  }
0x18c: {  	v57 =	vadd.s32 v7, v51;
	v29 =	vld [tilespmem:$0x13590];
	_ =	sdelay $0x4  }
0x18d: {  	[tilespmem:v57+s2+$0x0] =	vst.idx.add.f32.msk $0xffff, v29  }
0x18e: {  	v58 =	vadd.s32 v8, v51;
	v29 =	vld [tilespmem:$0x135A0];
	_ =	sdelay $0x4  }
0x18f: {  	[tilespmem:v58+s2+$0x0] =	vst.idx.add.f32.msk $0xffff, v29  }
0x190: {  	v59 =	vadd.s32 v9, v51;
	v29 =	vld [tilespmem:$0x135B0]  }
0x191: {  	v28 =	vadd.s32 v10, v51;
	_ =	sdelay $0x1  }
0x192: {  	v60 =	vperm.xlane v27, v14;
	_ =	sdelay $0x1  }
0x193: {  	v61 =	vmul.u32 $0x90, v60;
	[tilespmem:v59+s2+$0x0] =	vst.idx.add.f32.msk $0xffff, v29  }
0x194: {  	[tilespmem:v28+s2+$0x0] =	vst.idx.add.f32.msk $0xffff, v11  }
0x195: {  	v62 =	vor.u32 v0, v61;
	v28 =	vld [tilespmem:$0x135C0];
	_ =	sdelay $0x4  }
0x196: {  	[tilespmem:v62+s2+$0x0] =	vst.idx.add.f32.msk $0xffff, v28  }
0x197: {  	v63 =	vadd.s32 v3, v61;
	v28 =	vld [tilespmem:$0x135D0];
	_ =	sdelay $0x4  }
0x198: {  	[tilespmem:v63+s2+$0x0] =	vst.idx.add.f32.msk $0xffff, v28  }
0x199: {  	v33 =	vadd.s32 v4, v61;
	v28 =	vld [tilespmem:$0x135E0];
	_ =	sdelay $0x4  }
0x19a: {  	[tilespmem:v33+s2+$0x0] =	vst.idx.add.f32.msk $0xffff, v28  }
0x19b: {  	v34 =	vadd.s32 v5, v61;
	v28 =	vld [tilespmem:$0x135F0];
	_ =	sdelay $0x4  }
0x19c: {  	[tilespmem:v34+s2+$0x0] =	vst.idx.add.f32.msk $0xffff, v28  }
0x19d: {  	v35 =	vadd.s32 v6, v61;
	v28 =	vld [tilespmem:$0x13600];
	_ =	sdelay $0x4  }
0x19e: {  	[tilespmem:v35+s2+$0x0] =	vst.idx.add.f32.msk $0xffff, v28  }
0x19f: {  	v36 =	vadd.s32 v7, v61;
	v28 =	vld [tilespmem:$0x13610];
	_ =	sdelay $0x4  }
0x1a0: {  	[tilespmem:v36+s2+$0x0] =	vst.idx.add.f32.msk $0xffff, v28  }
0x1a1: {  	v37 =	vadd.s32 v8, v61;
	v28 =	vld [tilespmem:$0x13620];
	_ =	sdelay $0x4  }
0x1a2: {  	[tilespmem:v37+s2+$0x0] =	vst.idx.add.f32.msk $0xffff, v28  }
0x1a3: {  	v38 =	vadd.s32 v9, v61;
	v28 =	vld [tilespmem:$0x13630]  }
0x1a4: {  	v29 =	vadd.s32 v10, v61;
	_ =	sdelay $0x1  }
0x1a5: {  	v39 =	vperm.xlane v27, v15;
	_ =	sdelay $0x1  }
0x1a6: {  	v40 =	vmul.u32 $0x90, v39;
	[tilespmem:v38+s2+$0x0] =	vst.idx.add.f32.msk $0xffff, v28  }
0x1a7: {  	[tilespmem:v29+s2+$0x0] =	vst.idx.add.f32.msk $0xffff, v11  }
0x1a8: {  	v41 =	vor.u32 v0, v40;
	v29 =	vld [tilespmem:$0x13640];
	_ =	sdelay $0x4  }
0x1a9: {  	[tilespmem:v41+s2+$0x0] =	vst.idx.add.f32.msk $0xffff, v29  }
0x1aa: {  	v42 =	vadd.s32 v3, v40;
	v29 =	vld [tilespmem:$0x13650];
	_ =	sdelay $0x4  }
0x1ab: {  	[tilespmem:v42+s2+$0x0] =	vst.idx.add.f32.msk $0xffff, v29  }
0x1ac: {  	v43 =	vadd.s32 v4, v40;
	v29 =	vld [tilespmem:$0x13660];
	_ =	sdelay $0x4  }
0x1ad: {  	[tilespmem:v43+s2+$0x0] =	vst.idx.add.f32.msk $0xffff, v29  }
0x1ae: {  	v44 =	vadd.s32 v5, v40;
	v29 =	vld [tilespmem:$0x13670];
	_ =	sdelay $0x4  }
0x1af: {  	[tilespmem:v44+s2+$0x0] =	vst.idx.add.f32.msk $0xffff, v29  }
0x1b0: {  	v45 =	vadd.s32 v6, v40;
	v29 =	vld [tilespmem:$0x13680];
	_ =	sdelay $0x4  }
0x1b1: {  	[tilespmem:v45+s2+$0x0] =	vst.idx.add.f32.msk $0xffff, v29  }
0x1b2: {  	v46 =	vadd.s32 v7, v40;
	v29 =	vld [tilespmem:$0x13690];
	_ =	sdelay $0x4  }
0x1b3: {  	[tilespmem:v46+s2+$0x0] =	vst.idx.add.f32.msk $0xffff, v29  }
0x1b4: {  	v47 =	vadd.s32 v8, v40;
	v29 =	vld [tilespmem:$0x136A0];
	_ =	sdelay $0x4  }
0x1b5: {  	[tilespmem:v47+s2+$0x0] =	vst.idx.add.f32.msk $0xffff, v29  }
0x1b6: {  	v48 =	vadd.s32 v9, v40;
	v29 =	vld [tilespmem:$0x136B0]  }
0x1b7: {  	v28 =	vadd.s32 v10, v40;
	_ =	sdelay $0x1  }
0x1b8: {  	v49 =	vperm.xlane v27, v16;
	_ =	sdelay $0x1  }
0x1b9: {  	v50 =	vmul.u32 $0x90, v49;
	[tilespmem:v48+s2+$0x0] =	vst.idx.add.f32.msk $0xffff, v29  }
0x1ba: {  	[tilespmem:v28+s2+$0x0] =	vst.idx.add.f32.msk $0xffff, v11  }
0x1bb: {  	v51 =	vor.u32 v0, v50;
	v28 =	vld [tilespmem:$0x136C0];
	_ =	sdelay $0x4  }
0x1bc: {  	[tilespmem:v51+s2+$0x0] =	vst.idx.add.f32.msk $0xffff, v28  }
0x1bd: {  	v52 =	vadd.s32 v3, v50;
	v28 =	vld [tilespmem:$0x136D0];
	_ =	sdelay $0x4  }
0x1be: {  	[tilespmem:v52+s2+$0x0] =	vst.idx.add.f32.msk $0xffff, v28  }
0x1bf: {  	v53 =	vadd.s32 v4, v50;
	v28 =	vld [tilespmem:$0x136E0];
	_ =	sdelay $0x4  }
0x1c0: {  	[tilespmem:v53+s2+$0x0] =	vst.idx.add.f32.msk $0xffff, v28  }
0x1c1: {  	v54 =	vadd.s32 v5, v50;
	v28 =	vld [tilespmem:$0x136F0];
	_ =	sdelay $0x4  }
0x1c2: {  	[tilespmem:v54+s2+$0x0] =	vst.idx.add.f32.msk $0xffff, v28  }
0x1c3: {  	v55 =	vadd.s32 v6, v50;
	v28 =	vld [tilespmem:$0x13700];
	_ =	sdelay $0x4  }
0x1c4: {  	[tilespmem:v55+s2+$0x0] =	vst.idx.add.f32.msk $0xffff, v28  }
0x1c5: {  	v56 =	vadd.s32 v7, v50;
	v28 =	vld [tilespmem:$0x13710];
	_ =	sdelay $0x4  }
0x1c6: {  	[tilespmem:v56+s2+$0x0] =	vst.idx.add.f32.msk $0xffff, v28  }
0x1c7: {  	v57 =	vadd.s32 v8, v50;
	v28 =	vld [tilespmem:$0x13720];
	_ =	sdelay $0x4  }
0x1c8: {  	[tilespmem:v57+s2+$0x0] =	vst.idx.add.f32.msk $0xffff, v28  }
0x1c9: {  	v58 =	vadd.s32 v9, v50;
	v28 =	vld [tilespmem:$0x13730]  }
0x1ca: {  	v29 =	vadd.s32 v10, v50;
	_ =	sdelay $0x1  }
0x1cb: {  	v59 =	vperm.xlane v27, v17;
	_ =	sdelay $0x1  }
0x1cc: {  	v60 =	vmul.u32 $0x90, v59;
	[tilespmem:v58+s2+$0x0] =	vst.idx.add.f32.msk $0xffff, v28  }
0x1cd: {  	[tilespmem:v29+s2+$0x0] =	vst.idx.add.f32.msk $0xffff, v11  }
0x1ce: {  	v61 =	vor.u32 v0, v60;
	v29 =	vld [tilespmem:$0x13740];
	_ =	sdelay $0x4  }
0x1cf: {  	[tilespmem:v61+s2+$0x0] =	vst.idx.add.f32.msk $0xffff, v29  }
0x1d0: {  	v62 =	vadd.s32 v3, v60;
	v29 =	vld [tilespmem:$0x13750];
	_ =	sdelay $0x4  }
0x1d1: {  	[tilespmem:v62+s2+$0x0] =	vst.idx.add.f32.msk $0xffff, v29  }
0x1d2: {  	v63 =	vadd.s32 v4, v60;
	v29 =	vld [tilespmem:$0x13760];
	_ =	sdelay $0x4  }
0x1d3: {  	[tilespmem:v63+s2+$0x0] =	vst.idx.add.f32.msk $0xffff, v29  }
0x1d4: {  	v33 =	vadd.s32 v5, v60;
	v29 =	vld [tilespmem:$0x13770];
	_ =	sdelay $0x4  }
0x1d5: {  	[tilespmem:v33+s2+$0x0] =	vst.idx.add.f32.msk $0xffff, v29  }
0x1d6: {  	v34 =	vadd.s32 v6, v60;
	v29 =	vld [tilespmem:$0x13780];
	_ =	sdelay $0x4  }
0x1d7: {  	[tilespmem:v34+s2+$0x0] =	vst.idx.add.f32.msk $0xffff, v29  }
0x1d8: {  	v35 =	vadd.s32 v7, v60;
	v29 =	vld [tilespmem:$0x13790];
	_ =	sdelay $0x4  }
0x1d9: {  	[tilespmem:v35+s2+$0x0] =	vst.idx.add.f32.msk $0xffff, v29  }
0x1da: {  	v36 =	vadd.s32 v8, v60;
	v29 =	vld [tilespmem:$0x137A0];
	_ =	sdelay $0x4  }
0x1db: {  	[tilespmem:v36+s2+$0x0] =	vst.idx.add.f32.msk $0xffff, v29  }
0x1dc: {  	v37 =	vadd.s32 v9, v60;
	v29 =	vld [tilespmem:$0x137B0]  }
0x1dd: {  	v28 =	vadd.s32 v10, v60;
	_ =	sdelay $0x1  }
0x1de: {  	v38 =	vperm.xlane v27, v18;
	_ =	sdelay $0x1  }
0x1df: {  	v39 =	vmul.u32 $0x90, v38;
	[tilespmem:v37+s2+$0x0] =	vst.idx.add.f32.msk $0xffff, v29  }
0x1e0: {  	[tilespmem:v28+s2+$0x0] =	vst.idx.add.f32.msk $0xffff, v11  }
0x1e1: {  	v40 =	vor.u32 v0, v39;
	v28 =	vld [tilespmem:$0x137C0];
	_ =	sdelay $0x4  }
0x1e2: {  	[tilespmem:v40+s2+$0x0] =	vst.idx.add.f32.msk $0xffff, v28  }
0x1e3: {  	v41 =	vadd.s32 v3, v39;
	v28 =	vld [tilespmem:$0x137D0];
	_ =	sdelay $0x4  }
0x1e4: {  	[tilespmem:v41+s2+$0x0] =	vst.idx.add.f32.msk $0xffff, v28  }
0x1e5: {  	v42 =	vadd.s32 v4, v39;
	v28 =	vld [tilespmem:$0x137E0];
	_ =	sdelay $0x4  }
0x1e6: {  	[tilespmem:v42+s2+$0x0] =	vst.idx.add.f32.msk $0xffff, v28  }
0x1e7: {  	v43 =	vadd.s32 v5, v39;
	v28 =	vld [tilespmem:$0x137F0];
	_ =	sdelay $0x4  }
0x1e8: {  	[tilespmem:v43+s2+$0x0] =	vst.idx.add.f32.msk $0xffff, v28  }
0x1e9: {  	v44 =	vadd.s32 v6, v39;
	v28 =	vld [tilespmem:$0x13800];
	_ =	sdelay $0x4  }
0x1ea: {  	[tilespmem:v44+s2+$0x0] =	vst.idx.add.f32.msk $0xffff, v28  }
0x1eb: {  	v45 =	vadd.s32 v7, v39;
	v28 =	vld [tilespmem:$0x13810];
	_ =	sdelay $0x4  }
0x1ec: {  	[tilespmem:v45+s2+$0x0] =	vst.idx.add.f32.msk $0xffff, v28  }
0x1ed: {  	v46 =	vadd.s32 v8, v39;
	v28 =	vld [tilespmem:$0x13820];
	_ =	sdelay $0x4  }
0x1ee: {  	[tilespmem:v46+s2+$0x0] =	vst.idx.add.f32.msk $0xffff, v28  }
0x1ef: {  	v47 =	vadd.s32 v9, v39;
	v28 =	vld [tilespmem:$0x13830]  }
0x1f0: {  	v29 =	vadd.s32 v10, v39;
	_ =	sdelay $0x1  }
0x1f1: {  	v48 =	vperm.xlane v27, v19;
	_ =	sdelay $0x1  }
0x1f2: {  	v49 =	vmul.u32 $0x90, v48;
	[tilespmem:v47+s2+$0x0] =	vst.idx.add.f32.msk $0xffff, v28  }
0x1f3: {  	[tilespmem:v29+s2+$0x0] =	vst.idx.add.f32.msk $0xffff, v11  }
0x1f4: {  	v50 =	vor.u32 v0, v49;
	v29 =	vld [tilespmem:$0x13840];
	_ =	sdelay $0x4  }
0x1f5: {  	[tilespmem:v50+s2+$0x0] =	vst.idx.add.f32.msk $0xffff, v29  }
0x1f6: {  	v51 =	vadd.s32 v3, v49;
	v29 =	vld [tilespmem:$0x13850];
	_ =	sdelay $0x4  }
0x1f7: {  	[tilespmem:v51+s2+$0x0] =	vst.idx.add.f32.msk $0xffff, v29  }
0x1f8: {  	v52 =	vadd.s32 v4, v49;
	v29 =	vld [tilespmem:$0x13860];
	_ =	sdelay $0x4  }
0x1f9: {  	[tilespmem:v52+s2+$0x0] =	vst.idx.add.f32.msk $0xffff, v29  }
0x1fa: {  	v53 =	vadd.s32 v5, v49;
	v29 =	vld [tilespmem:$0x13870];
	_ =	sdelay $0x4  }
0x1fb: {  	[tilespmem:v53+s2+$0x0] =	vst.idx.add.f32.msk $0xffff, v29  }
0x1fc: {  	v54 =	vadd.s32 v6, v49;
	v29 =	vld [tilespmem:$0x13880];
	_ =	sdelay $0x4  }
0x1fd: {  	[tilespmem:v54+s2+$0x0] =	vst.idx.add.f32.msk $0xffff, v29  }
0x1fe: {  	v55 =	vadd.s32 v7, v49;
	v29 =	vld [tilespmem:$0x13890];
	_ =	sdelay $0x4  }
0x1ff: {  	[tilespmem:v55+s2+$0x0] =	vst.idx.add.f32.msk $0xffff, v29  }
0x200: {  	v56 =	vadd.s32 v8, v49;
	v29 =	vld [tilespmem:$0x138A0];
	_ =	sdelay $0x4  }
0x201: {  	[tilespmem:v56+s2+$0x0] =	vst.idx.add.f32.msk $0xffff, v29  }
0x202: {  	v57 =	vadd.s32 v9, v49;
	v29 =	vld [tilespmem:$0x138B0]  }
0x203: {  	v28 =	vadd.s32 v10, v49;
	_ =	sdelay $0x1  }
0x204: {  	v58 =	vperm.xlane v27, v20;
	_ =	sdelay $0x1  }
0x205: {  	v59 =	vmul.u32 $0x90, v58;
	[tilespmem:v57+s2+$0x0] =	vst.idx.add.f32.msk $0xffff, v29  }
0x206: {  	[tilespmem:v28+s2+$0x0] =	vst.idx.add.f32.msk $0xffff, v11  }
0x207: {  	v60 =	vor.u32 v0, v59;
	v28 =	vld [tilespmem:$0x138C0];
	_ =	sdelay $0x4  }
0x208: {  	[tilespmem:v60+s2+$0x0] =	vst.idx.add.f32.msk $0xffff, v28  }
0x209: {  	v61 =	vadd.s32 v3, v59;
	v28 =	vld [tilespmem:$0x138D0];
	_ =	sdelay $0x4  }
0x20a: {  	[tilespmem:v61+s2+$0x0] =	vst.idx.add.f32.msk $0xffff, v28  }
0x20b: {  	v62 =	vadd.s32 v4, v59;
	v28 =	vld [tilespmem:$0x138E0];
	_ =	sdelay $0x4  }
0x20c: {  	[tilespmem:v62+s2+$0x0] =	vst.idx.add.f32.msk $0xffff, v28  }
0x20d: {  	v63 =	vadd.s32 v5, v59;
	v28 =	vld [tilespmem:$0x138F0];
	_ =	sdelay $0x4  }
0x20e: {  	[tilespmem:v63+s2+$0x0] =	vst.idx.add.f32.msk $0xffff, v28  }
0x20f: {  	v33 =	vadd.s32 v6, v59;
	v28 =	vld [tilespmem:$0x13900];
	_ =	sdelay $0x4  }
0x210: {  	[tilespmem:v33+s2+$0x0] =	vst.idx.add.f32.msk $0xffff, v28  }
0x211: {  	v34 =	vadd.s32 v7, v59;
	v28 =	vld [tilespmem:$0x13910];
	_ =	sdelay $0x4  }
0x212: {  	[tilespmem:v34+s2+$0x0] =	vst.idx.add.f32.msk $0xffff, v28  }
0x213: {  	v35 =	vadd.s32 v8, v59;
	v28 =	vld [tilespmem:$0x13920];
	_ =	sdelay $0x4  }
0x214: {  	[tilespmem:v35+s2+$0x0] =	vst.idx.add.f32.msk $0xffff, v28  }
0x215: {  	v36 =	vadd.s32 v9, v59;
	v28 =	vld [tilespmem:$0x13930]  }
0x216: {  	v29 =	vadd.s32 v10, v59;
	_ =	sdelay $0x1  }
0x217: {  	v37 =	vperm.xlane v27, v21;
	_ =	sdelay $0x1  }
0x218: {  	v38 =	vmul.u32 $0x90, v37;
	[tilespmem:v36+s2+$0x0] =	vst.idx.add.f32.msk $0xffff, v28  }
0x219: {  	[tilespmem:v29+s2+$0x0] =	vst.idx.add.f32.msk $0xffff, v11  }
0x21a: {  	v39 =	vor.u32 v0, v38;
	v29 =	vld [tilespmem:$0x13940];
	_ =	sdelay $0x4  }
0x21b: {  	[tilespmem:v39+s2+$0x0] =	vst.idx.add.f32.msk $0xffff, v29  }
0x21c: {  	v40 =	vadd.s32 v3, v38;
	v29 =	vld [tilespmem:$0x13950];
	_ =	sdelay $0x4  }
0x21d: {  	[tilespmem:v40+s2+$0x0] =	vst.idx.add.f32.msk $0xffff, v29  }
0x21e: {  	v41 =	vadd.s32 v4, v38;
	v29 =	vld [tilespmem:$0x13960];
	_ =	sdelay $0x4  }
0x21f: {  	[tilespmem:v41+s2+$0x0] =	vst.idx.add.f32.msk $0xffff, v29  }
0x220: {  	v42 =	vadd.s32 v5, v38;
	v29 =	vld [tilespmem:$0x13970];
	_ =	sdelay $0x4  }
0x221: {  	[tilespmem:v42+s2+$0x0] =	vst.idx.add.f32.msk $0xffff, v29  }
0x222: {  	v43 =	vadd.s32 v6, v38;
	v29 =	vld [tilespmem:$0x13980];
	_ =	sdelay $0x4  }
0x223: {  	[tilespmem:v43+s2+$0x0] =	vst.idx.add.f32.msk $0xffff, v29  }
0x224: {  	v44 =	vadd.s32 v7, v38;
	v29 =	vld [tilespmem:$0x13990];
	_ =	sdelay $0x4  }
0x225: {  	[tilespmem:v44+s2+$0x0] =	vst.idx.add.f32.msk $0xffff, v29  }
0x226: {  	v45 =	vadd.s32 v8, v38;
	v29 =	vld [tilespmem:$0x139A0];
	_ =	sdelay $0x4  }
0x227: {  	[tilespmem:v45+s2+$0x0] =	vst.idx.add.f32.msk $0xffff, v29  }
0x228: {  	v46 =	vadd.s32 v9, v38;
	v29 =	vld [tilespmem:$0x139B0]  }
0x229: {  	v28 =	vadd.s32 v10, v38;
	_ =	sdelay $0x1  }
0x22a: {  	v47 =	vperm.xlane v27, v22;
	_ =	sdelay $0x1  }
0x22b: {  	v48 =	vmul.u32 $0x90, v47;
	[tilespmem:v46+s2+$0x0] =	vst.idx.add.f32.msk $0xffff, v29  }
0x22c: {  	[tilespmem:v28+s2+$0x0] =	vst.idx.add.f32.msk $0xffff, v11  }
0x22d: {  	v49 =	vor.u32 v0, v48;
	v28 =	vld [tilespmem:$0x139C0];
	_ =	sdelay $0x4  }
0x22e: {  	[tilespmem:v49+s2+$0x0] =	vst.idx.add.f32.msk $0xffff, v28  }
0x22f: {  	v50 =	vadd.s32 v3, v48;
	v28 =	vld [tilespmem:$0x139D0];
	_ =	sdelay $0x4  }
0x230: {  	[tilespmem:v50+s2+$0x0] =	vst.idx.add.f32.msk $0xffff, v28  }
0x231: {  	v51 =	vadd.s32 v4, v48;
	v28 =	vld [tilespmem:$0x139E0];
	_ =	sdelay $0x4  }
0x232: {  	[tilespmem:v51+s2+$0x0] =	vst.idx.add.f32.msk $0xffff, v28  }
0x233: {  	v52 =	vadd.s32 v5, v48;
	v28 =	vld [tilespmem:$0x139F0];
	_ =	sdelay $0x4  }
0x234: {  	[tilespmem:v52+s2+$0x0] =	vst.idx.add.f32.msk $0xffff, v28  }
0x235: {  	v53 =	vadd.s32 v6, v48;
	v28 =	vld [tilespmem:$0x13A00];
	_ =	sdelay $0x4  }
0x236: {  	[tilespmem:v53+s2+$0x0] =	vst.idx.add.f32.msk $0xffff, v28  }
0x237: {  	v54 =	vadd.s32 v7, v48;
	v28 =	vld [tilespmem:$0x13A10];
	_ =	sdelay $0x4  }
0x238: {  	[tilespmem:v54+s2+$0x0] =	vst.idx.add.f32.msk $0xffff, v28  }
0x239: {  	v55 =	vadd.s32 v8, v48;
	v28 =	vld [tilespmem:$0x13A20];
	_ =	sdelay $0x4  }
0x23a: {  	[tilespmem:v55+s2+$0x0] =	vst.idx.add.f32.msk $0xffff, v28  }
0x23b: {  	v56 =	vadd.s32 v9, v48;
	v28 =	vld [tilespmem:$0x13A30]  }
0x23c: {  	v29 =	vadd.s32 v10, v48;
	_ =	sdelay $0x1  }
0x23d: {  	v57 =	vperm.xlane v27, v23;
	_ =	sdelay $0x1  }
0x23e: {  	v58 =	vmul.u32 $0x90, v57;
	[tilespmem:v56+s2+$0x0] =	vst.idx.add.f32.msk $0xffff, v28  }
0x23f: {  	[tilespmem:v29+s2+$0x0] =	vst.idx.add.f32.msk $0xffff, v11  }
0x240: {  	v59 =	vor.u32 v0, v58;
	v29 =	vld [tilespmem:$0x13A40];
	_ =	sdelay $0x4  }
0x241: {  	[tilespmem:v59+s2+$0x0] =	vst.idx.add.f32.msk $0xffff, v29  }
0x242: {  	v60 =	vadd.s32 v3, v58;
	v29 =	vld [tilespmem:$0x13A50];
	_ =	sdelay $0x4  }
0x243: {  	[tilespmem:v60+s2+$0x0] =	vst.idx.add.f32.msk $0xffff, v29  }
0x244: {  	v61 =	vadd.s32 v4, v58;
	v29 =	vld [tilespmem:$0x13A60];
	_ =	sdelay $0x4  }
0x245: {  	[tilespmem:v61+s2+$0x0] =	vst.idx.add.f32.msk $0xffff, v29  }
0x246: {  	v62 =	vadd.s32 v5, v58;
	v29 =	vld [tilespmem:$0x13A70];
	_ =	sdelay $0x4  }
0x247: {  	[tilespmem:v62+s2+$0x0] =	vst.idx.add.f32.msk $0xffff, v29  }
0x248: {  	v63 =	vadd.s32 v6, v58;
	v29 =	vld [tilespmem:$0x13A80];
	_ =	sdelay $0x4  }
0x249: {  	[tilespmem:v63+s2+$0x0] =	vst.idx.add.f32.msk $0xffff, v29  }
0x24a: {  	v33 =	vadd.s32 v7, v58;
	v29 =	vld [tilespmem:$0x13A90];
	_ =	sdelay $0x4  }
0x24b: {  	[tilespmem:v33+s2+$0x0] =	vst.idx.add.f32.msk $0xffff, v29  }
0x24c: {  	v34 =	vadd.s32 v8, v58;
	v29 =	vld [tilespmem:$0x13AA0];
	_ =	sdelay $0x4  }
0x24d: {  	[tilespmem:v34+s2+$0x0] =	vst.idx.add.f32.msk $0xffff, v29  }
0x24e: {  	v35 =	vadd.s32 v9, v58;
	v29 =	vld [tilespmem:$0x13AB0]  }
0x24f: {  	v28 =	vadd.s32 v10, v58;
	_ =	sdelay $0x1  }
0x250: {  	v36 =	vperm.xlane v27, v24;
	_ =	sdelay $0x1  }
0x251: {  	v37 =	vmul.u32 $0x90, v36;
	[tilespmem:v35+s2+$0x0] =	vst.idx.add.f32.msk $0xffff, v29  }
0x252: {  	[tilespmem:v28+s2+$0x0] =	vst.idx.add.f32.msk $0xffff, v11  }
0x253: {  	v38 =	vor.u32 v0, v37;
	v28 =	vld [tilespmem:$0x13AC0];
	_ =	sdelay $0x4  }
0x254: {  	[tilespmem:v38+s2+$0x0] =	vst.idx.add.f32.msk $0xffff, v28  }
0x255: {  	v39 =	vadd.s32 v3, v37;
	v28 =	vld [tilespmem:$0x13AD0];
	_ =	sdelay $0x4  }
0x256: {  	[tilespmem:v39+s2+$0x0] =	vst.idx.add.f32.msk $0xffff, v28  }
0x257: {  	v40 =	vadd.s32 v4, v37;
	v28 =	vld [tilespmem:$0x13AE0];
	_ =	sdelay $0x4  }
0x258: {  	[tilespmem:v40+s2+$0x0] =	vst.idx.add.f32.msk $0xffff, v28  }
0x259: {  	v41 =	vadd.s32 v5, v37;
	v28 =	vld [tilespmem:$0x13AF0];
	_ =	sdelay $0x4  }
0x25a: {  	[tilespmem:v41+s2+$0x0] =	vst.idx.add.f32.msk $0xffff, v28  }
0x25b: {  	v42 =	vadd.s32 v6, v37;
	v28 =	vld [tilespmem:$0x13B00];
	_ =	sdelay $0x4  }
0x25c: {  	[tilespmem:v42+s2+$0x0] =	vst.idx.add.f32.msk $0xffff, v28  }
0x25d: {  	v43 =	vadd.s32 v7, v37;
	v28 =	vld [tilespmem:$0x13B10];
	_ =	sdelay $0x4  }
0x25e: {  	[tilespmem:v43+s2+$0x0] =	vst.idx.add.f32.msk $0xffff, v28  }
0x25f: {  	v44 =	vadd.s32 v8, v37;
	v28 =	vld [tilespmem:$0x13B20];
	_ =	sdelay $0x4  }
0x260: {  	[tilespmem:v44+s2+$0x0] =	vst.idx.add.f32.msk $0xffff, v28  }
0x261: {  	v45 =	vadd.s32 v9, v37;
	v28 =	vld [tilespmem:$0x13B30]  }
0x262: {  	v29 =	vadd.s32 v10, v37;
	_ =	sdelay $0x1  }
0x263: {  	v46 =	vperm.xlane v27, v25;
	_ =	sdelay $0x1  }
0x264: {  	v47 =	vmul.u32 $0x90, v46;
	[tilespmem:v45+s2+$0x0] =	vst.idx.add.f32.msk $0xffff, v28  }
0x265: {  	[tilespmem:v29+s2+$0x0] =	vst.idx.add.f32.msk $0xffff, v11  }
0x266: {  	v48 =	vor.u32 v0, v47;
	v29 =	vld [tilespmem:$0x13B40];
	_ =	sdelay $0x4  }
0x267: {  	[tilespmem:v48+s2+$0x0] =	vst.idx.add.f32.msk $0xffff, v29  }
0x268: {  	v49 =	vadd.s32 v3, v47;
	v29 =	vld [tilespmem:$0x13B50];
	_ =	sdelay $0x4  }
0x269: {  	[tilespmem:v49+s2+$0x0] =	vst.idx.add.f32.msk $0xffff, v29  }
0x26a: {  	v50 =	vadd.s32 v4, v47;
	v29 =	vld [tilespmem:$0x13B60];
	_ =	sdelay $0x4  }
0x26b: {  	[tilespmem:v50+s2+$0x0] =	vst.idx.add.f32.msk $0xffff, v29  }
0x26c: {  	v51 =	vadd.s32 v5, v47;
	v29 =	vld [tilespmem:$0x13B70];
	_ =	sdelay $0x4  }
0x26d: {  	[tilespmem:v51+s2+$0x0] =	vst.idx.add.f32.msk $0xffff, v29  }
0x26e: {  	v52 =	vadd.s32 v6, v47;
	v29 =	vld [tilespmem:$0x13B80];
	_ =	sdelay $0x4  }
0x26f: {  	[tilespmem:v52+s2+$0x0] =	vst.idx.add.f32.msk $0xffff, v29  }
0x270: {  	v53 =	vadd.s32 v7, v47;
	v29 =	vld [tilespmem:$0x13B90];
	_ =	sdelay $0x4  }
0x271: {  	[tilespmem:v53+s2+$0x0] =	vst.idx.add.f32.msk $0xffff, v29  }
0x272: {  	v54 =	vadd.s32 v8, v47;
	v29 =	vld [tilespmem:$0x13BA0];
	_ =	sdelay $0x4  }
0x273: {  	[tilespmem:v54+s2+$0x0] =	vst.idx.add.f32.msk $0xffff, v29  }
0x274: {  	v55 =	vadd.s32 v9, v47;
	v29 =	vld [tilespmem:$0x13BB0]  }
0x275: {  	v28 =	vadd.s32 v10, v47;
	_ =	sdelay $0x1  }
0x276: {  	v27 =	vperm.xlane v27, v26;
	_ =	sdelay $0x1  }
0x277: {  	v27 =	vmul.u32 $0x90, v27;
	[tilespmem:v55+s2+$0x0] =	vst.idx.add.f32.msk $0xffff, v29  }
0x278: {  	[tilespmem:v28+s2+$0x0] =	vst.idx.add.f32.msk $0xffff, v11  }
0x279: {  	v56 =	vor.u32 v0, v27;
	v28 =	vld [tilespmem:$0x13BC0];
	_ =	sdelay $0x4  }
0x27a: {  	[tilespmem:v56+s2+$0x0] =	vst.idx.add.f32.msk $0xffff, v28  }
0x27b: {  	v57 =	vadd.s32 v3, v27;
	v28 =	vld [tilespmem:$0x13BD0];
	_ =	sdelay $0x4  }
0x27c: {  	[tilespmem:v57+s2+$0x0] =	vst.idx.add.f32.msk $0xffff, v28  }
0x27d: {  	v58 =	vadd.s32 v4, v27;
	v28 =	vld [tilespmem:$0x13BE0];
	_ =	sdelay $0x4  }
0x27e: {  	[tilespmem:v58+s2+$0x0] =	vst.idx.add.f32.msk $0xffff, v28  }
0x27f: {  	v59 =	vadd.s32 v5, v27;
	v28 =	vld [tilespmem:$0x13BF0];
	_ =	sdelay $0x4  }
0x280: {  	[tilespmem:v59+s2+$0x0] =	vst.idx.add.f32.msk $0xffff, v28  }
0x281: {  	v60 =	vadd.s32 v6, v27;
	v28 =	vld [tilespmem:$0x13C00];
	_ =	sdelay $0x4  }
0x282: {  	[tilespmem:v60+s2+$0x0] =	vst.idx.add.f32.msk $0xffff, v28  }
0x283: {  	v61 =	vadd.s32 v7, v27;
	v28 =	vld [tilespmem:$0x13C10];
	_ =	sdelay $0x4  }
0x284: {  	[tilespmem:v61+s2+$0x0] =	vst.idx.add.f32.msk $0xffff, v28  }
0x285: {  	v62 =	vadd.s32 v8, v27;
	v28 =	vld [tilespmem:$0x13C20];
	_ =	sdelay $0x4  }
0x286: {  	[tilespmem:v62+s2+$0x0] =	vst.idx.add.f32.msk $0xffff, v28  }
0x287: {  	v63 =	vadd.s32 v9, v27;
	v28 =	vld [tilespmem:$0x13C30]  }
0x288: {  	p0 =	sne.s32 s15, $0x1;
	v27 =	vadd.s32 v10, v27  }
.Ltmp1:
0x289: {  	_ = 	snop;
	(pc) =	sbr.rel @p0 .LBB2_4-.Ltmp1, $3  }
0x28a: {  	_ =	sdelay $0x1  }
0x28b: {  	[tilespmem:v63+s2+$0x0] =	vst.idx.add.f32.msk $0xffff, v28  }
0x28c: {  	s14 =	sadd.s32 $0x200, s14;
	s15 =	sadd.s32 $0xFFFFFFFF, s15;
	s13 =	sadd.s32 $0x20, s13;
	[tilespmem:v27+s2+$0x0] =	vst.idx.add.f32.msk $0xffff, v11  }
0x28d: {  	s12 =	sadd.s32 $0x1, s12  }
0x28e: {  	p0 =	sne.s32 s12, s6  }
.Ltmp2:
0x28f: {  	_ = 	snop;
	(pc) =	sbr.rel @p0 .LBB2_1-.Ltmp2, $4  }
0x290: {  	[hbm4b:s5+s2] =	stream.linear.scatter [tilespmem:s2], [sflag:$0x2], $0x12000, $0x38;
	[tilespmem:$0x13C40] =	vst v63  }
0x291: {  	_ =	swait.ge [sflag:s9], $0x12000  }
0x292: {  	[sflag:s9] =	ssyncset.done $0x0  }
0x293: {  	[sflag:s9] =	ssyncadd.s32 $0xFFFEE000  }
0x294: {  	_ =	sfence.sel $0x180000  }
0x295: {  	[bflag:$0x0] =	sbarrier.arrive $0xFFFF  }
0x296: {  	p0 =	sne.s32 s0, $0x0;
	_ =	strace $0x90000047  }
0x297: {  	s0 =	sadd.s32 @!p0 $0x100000, s1;
	[bflag:$0x2] =	sbarrier.arrive $0xFFFF  }
0x298: {  	[sflag:s0] =	ssyncadd.tile.s32 @!p0 $0x1;
	_ =	shalt  }
.Lfunc_end2:
_tile_overlayer_lowered:
.L_overlay_start_2:
0x299: {  	(tag) =	ssettag $0x2  }
0x29a: {  	s0 =	rddreg [dreg:$0x0];
	s2 =	stileid.u32  }
0x29b: {  	s1 =	rddreg [dreg:$0x1];
	p0 =	sne.s32 s2, $0x0  }
0x29c: {  	s3 =	rddreg [dreg:$0x2];
	[bflag:$0x3] =	sbarrier.arrive $0xFFFF;
	s2 =	simm.s32 @!p0 $0x1C02  }
0x29d: {  	[timem:s3], [sflag:s2] =	dma.local @!p0 [hbm:s0], s1  }
0x29e: {  	s0 =	simm.s32 @!p0 $0x2  }
0x29f: {  	_ =	swait.ge @!p0 [sflag:s0], s1  }
0x2a0: {  	s1 =	ssub.s32 @!p0 $0x0, s1;
	[sflag:s0] =	ssyncset.done @!p0 $0x0  }
0x2a1: {  	[sflag:s0] =	ssyncadd.s32 @!p0 s1  }
0x2a2: {  	[bflag:$0x3] =	sbarrier.arrive $0xFFFF  }
0x2a3: {  	_ =	shalt  }

</sc_bundles>
